<compile_context>
chip_gen: v7x
topology: tpu7x:2x2x1
jax: 0.10.2.dev20260603
libtpu: 0.0.44.dev20260713+nightly
codegen_flags: <defaults>
</compile_context>

<pallas_src>
import functools
import math

import jax
import jax.numpy as jnp
from jax import lax
from jax.experimental import pallas as pl
from jax.experimental.pallas import tpu as pltpu
from jax.experimental.pallas import tpu_sc as plsc

_D = 128
_B = 4096
_S = 50
_SCALE = math.sqrt(float(_D))

_info = plsc.get_sparse_core_info()
_NC = _info.num_cores
_NS = _info.num_subcores
_NW = _NC * _NS
_ENT = _B // _NW
_G = 4
_NCH = _ENT // _G

_mesh = plsc.VectorSubcoreMesh(core_axis_name="c", subcore_axis_name="s")


@functools.partial(
    pl.kernel,
    mesh=_mesh,
    out_type=jax.ShapeDtypeStruct((_B, _S, _D), jnp.float32),
    scratch_types=[
        pltpu.VMEM((_ENT, _S), jnp.int32),
        pltpu.VMEM((_G, _S, _D), jnp.float32),
        pltpu.VMEM((_G, _S, _D), jnp.float32),
        pltpu.SemaphoreType.DMA,
        pltpu.SemaphoreType.DMA,
        pltpu.SemaphoreType.DMA,
        pltpu.SemaphoreType.DMA,
    ],
)
def _embed_sc(tok_hbm, table_hbm, out_hbm, idx_v, buf0, buf1, g0, g1, o0, o1):
    wid = lax.axis_index("s") * _NC + lax.axis_index("c")
    row0 = wid * _ENT

    pltpu.sync_copy(tok_hbm.at[pl.ds(row0, _ENT)], idx_v)

    bufs = (buf0, buf1)
    gsems = (g0, g1)
    osems = (o0, o1)

    def gather_start(j, b):
        for e in range(_G):
            pltpu.make_async_copy(
                table_hbm.at[idx_v.at[j * _G + e]], bufs[b].at[e],
                gsems[b]).start()

    def gather_wait(b):
        pltpu.make_async_copy(
            out_hbm.at[pl.ds(row0, _G)], bufs[b], gsems[b]).wait()

    def out_start(j, b):
        pltpu.make_async_copy(
            bufs[b], out_hbm.at[pl.ds(row0 + j * _G, _G)], osems[b]).start()

    def out_wait(b):
        pltpu.make_async_copy(
            bufs[b], out_hbm.at[pl.ds(row0, _G)], osems[b]).wait()

    def scale_buf(buf):
        for e in range(_G):
            @plsc.parallel_loop(0, _S, step=1, unroll=10)
            def _row(r):
                for k in range(_D // 16):
                    sl = pl.ds(k * 16, 16)
                    buf[e, r, sl] = buf[e, r, sl] * _SCALE

    gather_start(0, 0)

    def pair(t, carry):
        jo = t * 2
        for b in range(2):
            j = jo + b
            nb = 1 - b
            gather_wait(b)

            @pl.when(j >= 1)
            def _():
                out_wait(nb)

            @pl.when(j + 1 < _NCH)
            def _():
                gather_start(j + 1, nb)

            scale_buf(bufs[b])
            out_start(j, b)
        return carry

    lax.fori_loop(0, _NCH // 2, pair, 0)
    out_wait(1)


def kernel(text_tokens, table):
    return _embed_sc(text_tokens.astype(jnp.int32), table)

# --- scband reference (transcript-rebuilt; emitter-appended) ---
"""Pipeline reference for scband-text-embedder-2465311227957 (READ-ONLY COPY).

The authoritative reference and input builder live on the scoring server;
editing this copy changes nothing except your own understanding.
"""

import jax, jax.numpy as jnp
import numpy as np
import math

VOCAB = 100000
EMBED_DIM = 128
BATCH = 4096
SEQ = 50

def setup_inputs(seed: int = 0) -> dict:
    key = jax.random.key(seed)
    k_tok, k_tab = jax.random.split(key)
    text_tokens = jax.random.randint(k_tok, (BATCH, SEQ), 0, VOCAB, dtype=jnp.int64) if jax.config.jax_enable_x64 else jax.random.randint(k_tok, (BATCH, SEQ), 0, VOCAB, dtype=jnp.int32)
    table = jax.random.normal(k_tab, (VOCAB, EMBED_DIM), dtype=jnp.float32)
    return {"text_tokens": text_tokens, "table": table}

def reference(text_tokens, table):
    # nn.Embedding lookup followed by sqrt(embed_dim) scaling
    emb = jnp.take(table, text_tokens, axis=0)
    scale = math.sqrt(EMBED_DIM)
    return emb * scale

if __name__ == "__main__":
    import jax
    _d = setup_inputs()
    print(jax.jit(kernel)(*tuple(_d.values())))

</pallas_src>

<mosaic_0001>
#map = affine_map<(d0, d1) -> (0, 0)>
#map1 = affine_map<(d0, d1) -> (0, 0, 0)>
module attributes {stable_mosaic.version = 14 : i64} {
  func.func @_embed_sc(%arg0: i32, %arg1: i32, %arg2: memref<4096x50xi32, #tpu.memory_space<hbm>>, %arg3: memref<100000x128xf32, #tpu.memory_space<hbm>>, %arg4: memref<4096x50x128xf32, #tpu.memory_space<hbm>>, %arg5: memref<128x50xi32, #tpu.memory_space<vmem>>, %arg6: memref<4x50x128xf32, #tpu.memory_space<vmem>>, %arg7: memref<4x50x128xf32, #tpu.memory_space<vmem>>, %arg8: memref<!tpu.dma_semaphore, #tpu.memory_space<semaphore_mem>>, %arg9: memref<!tpu.dma_semaphore, #tpu.memory_space<semaphore_mem>>, %arg10: memref<!tpu.dma_semaphore, #tpu.memory_space<semaphore_mem>>, %arg11: memref<!tpu.dma_semaphore, #tpu.memory_space<semaphore_mem>>) attributes {dimension_semantics = [#tpu.dimension_semantics<core_parallel>, #tpu.dimension_semantics<subcore_parallel>], iteration_bounds = array<i64: 2, 16>, scalar_prefetch = 0 : i64, scratch_operands = 7 : i64, tpu.core_type = #tpu.core_type<sc_vector_subcore>, window_params = [{transform_indices = #map}, {transform_indices = #map}, {transform_indices = #map1}]} {
    %mul3A = arith.constant 2 : i32
    %mul3A_0 = arith.muli %arg1, %mul3A : i32
    %add3A = arith.addi %mul3A_0, %arg0 : i32
    %mul3A_1 = arith.constant 128 : i32
    %mul3A_2 = arith.muli %add3A, %mul3A_1 : i32
    "tpu.region"() ({
      %run_scoped3A = tpu.sem_alloc : memref<!tpu.dma_semaphore, #tpu.memory_space<semaphore_mem>>
      %dma_start3A_60 = arith.constant 0 : i32
      %dma_start3A_61 = tpu.memref_slice %arg2[%mul3A_2, %dma_start3A_60] : memref<4096x50xi32, #tpu.memory_space<hbm>> -> memref<128x50xi32, #tpu.memory_space<hbm>>
      %dma_start3A_62 = arith.constant 0 : i32
      %dma_start3A_63 = tpu.memref_slice %arg2[%mul3A_2, %dma_start3A_62] : memref<4096x50xi32, #tpu.memory_space<hbm>> -> memref<128x50xi32, #tpu.memory_space<hbm>>
      tpu.enqueue_dma source(%dma_start3A_63 : memref<128x50xi32, #tpu.memory_space<hbm>>) target(%arg5 : memref<128x50xi32, #tpu.memory_space<vmem>>) target_semaphore(%run_scoped3A : memref<!tpu.dma_semaphore, #tpu.memory_space<semaphore_mem>>)
      %dma_wait3A_64 = arith.constant 0 : i32
      %dma_wait3A_65 = tpu.memref_slice %arg2[%mul3A_2, %dma_wait3A_64] : memref<4096x50xi32, #tpu.memory_space<hbm>> -> memref<128x50xi32, #tpu.memory_space<hbm>>
      %dma_wait3A_66 = arith.constant 0 : i32
      %dma_wait3A_67 = tpu.memref_slice %arg2[%mul3A_2, %dma_wait3A_66] : memref<4096x50xi32, #tpu.memory_space<hbm>> -> memref<128x50xi32, #tpu.memory_space<hbm>>
      tpu.wait_dma2 semaphore(%run_scoped3A : memref<!tpu.dma_semaphore, #tpu.memory_space<semaphore_mem>>) src(%dma_wait3A_67 : memref<128x50xi32, #tpu.memory_space<hbm>>) dst(%arg5 : memref<128x50xi32, #tpu.memory_space<vmem>>)
      tpu.yield
    }) : () -> ()
    %dma_start3A = arith.constant 0 : i32
    %dma_start3A_3 = arith.constant 0 : i32
    %dma_start3A_4 = arith.constant 0 : i32
    %dma_start3A_5 = arith.constant 0 : i32
    %dma_start3A_6 = tpu.memref_slice %arg6[%dma_start3A_3, %dma_start3A_4, %dma_start3A_5] : memref<4x50x128xf32, #tpu.memory_space<vmem>> -> memref<1x50x128xf32, #tpu.memory_space<vmem>>
    %dma_start3A_7 = tpu.memref_squeeze %dma_start3A_6 : memref<1x50x128xf32, #tpu.memory_space<vmem>> -> memref<50x128xf32, #tpu.memory_space<vmem>>
    %dma_start3A_8 = arith.constant 0 : i32
    %dma_start3A_9 = tpu.memref_slice %arg5[%dma_start3A, %dma_start3A_8] : memref<128x50xi32, #tpu.memory_space<vmem>> -> memref<1x50xi32, #tpu.memory_space<vmem>>
    %dma_start3A_10 = tpu.memref_squeeze %dma_start3A_9 : memref<1x50xi32, #tpu.memory_space<vmem>> -> memref<50xi32, #tpu.memory_space<vmem>>
    %dma_start3A_11 = arith.constant 0 : i32
    %dma_start3A_12 = arith.constant 0 : i32
    %dma_start3A_13 = tpu.memref_slice %arg3[%dma_start3A_11, %dma_start3A_12] : memref<100000x128xf32, #tpu.memory_space<hbm>> -> memref<100000x128xf32, #tpu.memory_space<hbm>>
    tpu.enqueue_indirect_dma source(%dma_start3A_13 : memref<100000x128xf32, #tpu.memory_space<hbm>>) target(%dma_start3A_7 : memref<50x128xf32, #tpu.memory_space<vmem>>) offsets(%dma_start3A_10 : memref<50xi32, #tpu.memory_space<vmem>>) semaphore(%arg8 : memref<!tpu.dma_semaphore, #tpu.memory_space<semaphore_mem>>)
    %dma_start3A_14 = arith.constant 1 : i32
    %dma_start3A_15 = arith.constant 1 : i32
    %dma_start3A_16 = arith.constant 0 : i32
    %dma_start3A_17 = arith.constant 0 : i32
    %dma_start3A_18 = tpu.memref_slice %arg6[%dma_start3A_15, %dma_start3A_16, %dma_start3A_17] : memref<4x50x128xf32, #tpu.memory_space<vmem>> -> memref<1x50x128xf32, #tpu.memory_space<vmem>>
    %dma_start3A_19 = tpu.memref_squeeze %dma_start3A_18 : memref<1x50x128xf32, #tpu.memory_space<vmem>> -> memref<50x128xf32, #tpu.memory_space<vmem>>
    %dma_start3A_20 = arith.constant 0 : i32
    %dma_start3A_21 = tpu.memref_slice %arg5[%dma_start3A_14, %dma_start3A_20] : memref<128x50xi32, #tpu.memory_space<vmem>> -> memref<1x50xi32, #tpu.memory_space<vmem>>
    %dma_start3A_22 = tpu.memref_squeeze %dma_start3A_21 : memref<1x50xi32, #tpu.memory_space<vmem>> -> memref<50xi32, #tpu.memory_space<vmem>>
    %dma_start3A_23 = arith.constant 0 : i32
    %dma_start3A_24 = arith.constant 0 : i32
    %dma_start3A_25 = tpu.memref_slice %arg3[%dma_start3A_23, %dma_start3A_24] : memref<100000x128xf32, #tpu.memory_space<hbm>> -> memref<100000x128xf32, #tpu.memory_space<hbm>>
    tpu.enqueue_indirect_dma source(%dma_start3A_25 : memref<100000x128xf32, #tpu.memory_space<hbm>>) target(%dma_start3A_19 : memref<50x128xf32, #tpu.memory_space<vmem>>) offsets(%dma_start3A_22 : memref<50xi32, #tpu.memory_space<vmem>>) semaphore(%arg8 : memref<!tpu.dma_semaphore, #tpu.memory_space<semaphore_mem>>)
    %dma_start3A_26 = arith.constant 2 : i32
    %dma_start3A_27 = arith.constant 2 : i32
    %dma_start3A_28 = arith.constant 0 : i32
    %dma_start3A_29 = arith.constant 0 : i32
    %dma_start3A_30 = tpu.memref_slice %arg6[%dma_start3A_27, %dma_start3A_28, %dma_start3A_29] : memref<4x50x128xf32, #tpu.memory_space<vmem>> -> memref<1x50x128xf32, #tpu.memory_space<vmem>>
    %dma_start3A_31 = tpu.memref_squeeze %dma_start3A_30 : memref<1x50x128xf32, #tpu.memory_space<vmem>> -> memref<50x128xf32, #tpu.memory_space<vmem>>
    %dma_start3A_32 = arith.constant 0 : i32
    %dma_start3A_33 = tpu.memref_slice %arg5[%dma_start3A_26, %dma_start3A_32] : memref<128x50xi32, #tpu.memory_space<vmem>> -> memref<1x50xi32, #tpu.memory_space<vmem>>
    %dma_start3A_34 = tpu.memref_squeeze %dma_start3A_33 : memref<1x50xi32, #tpu.memory_space<vmem>> -> memref<50xi32, #tpu.memory_space<vmem>>
    %dma_start3A_35 = arith.constant 0 : i32
    %dma_start3A_36 = arith.constant 0 : i32
    %dma_start3A_37 = tpu.memref_slice %arg3[%dma_start3A_35, %dma_start3A_36] : memref<100000x128xf32, #tpu.memory_space<hbm>> -> memref<100000x128xf32, #tpu.memory_space<hbm>>
    tpu.enqueue_indirect_dma source(%dma_start3A_37 : memref<100000x128xf32, #tpu.memory_space<hbm>>) target(%dma_start3A_31 : memref<50x128xf32, #tpu.memory_space<vmem>>) offsets(%dma_start3A_34 : memref<50xi32, #tpu.memory_space<vmem>>) semaphore(%arg8 : memref<!tpu.dma_semaphore, #tpu.memory_space<semaphore_mem>>)
    %dma_start3A_38 = arith.constant 3 : i32
    %dma_start3A_39 = arith.constant 3 : i32
    %dma_start3A_40 = arith.constant 0 : i32
    %dma_start3A_41 = arith.constant 0 : i32
    %dma_start3A_42 = tpu.memref_slice %arg6[%dma_start3A_39, %dma_start3A_40, %dma_start3A_41] : memref<4x50x128xf32, #tpu.memory_space<vmem>> -> memref<1x50x128xf32, #tpu.memory_space<vmem>>
    %dma_start3A_43 = tpu.memref_squeeze %dma_start3A_42 : memref<1x50x128xf32, #tpu.memory_space<vmem>> -> memref<50x128xf32, #tpu.memory_space<vmem>>
    %dma_start3A_44 = arith.constant 0 : i32
    %dma_start3A_45 = tpu.memref_slice %arg5[%dma_start3A_38, %dma_start3A_44] : memref<128x50xi32, #tpu.memory_space<vmem>> -> memref<1x50xi32, #tpu.memory_space<vmem>>
    %dma_start3A_46 = tpu.memref_squeeze %dma_start3A_45 : memref<1x50xi32, #tpu.memory_space<vmem>> -> memref<50xi32, #tpu.memory_space<vmem>>
    %dma_start3A_47 = arith.constant 0 : i32
    %dma_start3A_48 = arith.constant 0 : i32
    %dma_start3A_49 = tpu.memref_slice %arg3[%dma_start3A_47, %dma_start3A_48] : memref<100000x128xf32, #tpu.memory_space<hbm>> -> memref<100000x128xf32, #tpu.memory_space<hbm>>
    tpu.enqueue_indirect_dma source(%dma_start3A_49 : memref<100000x128xf32, #tpu.memory_space<hbm>>) target(%dma_start3A_43 : memref<50x128xf32, #tpu.memory_space<vmem>>) offsets(%dma_start3A_46 : memref<50xi32, #tpu.memory_space<vmem>>) semaphore(%arg8 : memref<!tpu.dma_semaphore, #tpu.memory_space<semaphore_mem>>)
    %scan3A = arith.constant 0 : i32
    %scan3A_50 = arith.constant 0 : i32
    %scan3A_51 = arith.constant 16 : i32
    %scan3A_52 = arith.addi %scan3A_50, %scan3A_51 : i32
    %scan3A_53 = arith.constant 1 : i32
    scf.for %scan3A_60 = %scan3A_50 to %scan3A_52 step %scan3A_53  : i32 {
      %mul3A_61 = arith.constant 2 : i32
      %mul3A_62 = arith.muli %scan3A_60, %mul3A_61 : i32
      %add3A_63 = arith.constant 0 : i32
      %add3A_64 = arith.addi %mul3A_62, %add3A_63 : i32
      %dma_wait3A_65 = arith.constant 0 : i32
      %dma_wait3A_66 = arith.constant 0 : i32
      %dma_wait3A_67 = tpu.memref_slice %arg4[%mul3A_2, %dma_wait3A_65, %dma_wait3A_66] : memref<4096x50x128xf32, #tpu.memory_space<hbm>> -> memref<4x50x128xf32, #tpu.memory_space<hbm>>
      %dma_wait3A_68 = arith.constant 0 : i32
      %dma_wait3A_69 = arith.constant 0 : i32
      %dma_wait3A_70 = tpu.memref_slice %arg4[%mul3A_2, %dma_wait3A_68, %dma_wait3A_69] : memref<4096x50x128xf32, #tpu.memory_space<hbm>> -> memref<4x50x128xf32, #tpu.memory_space<hbm>>
      tpu.wait_dma2 semaphore(%arg8 : memref<!tpu.dma_semaphore, #tpu.memory_space<semaphore_mem>>) src(%dma_wait3A_70 : memref<4x50x128xf32, #tpu.memory_space<hbm>>) dst(%arg6 : memref<4x50x128xf32, #tpu.memory_space<vmem>>)
      %ge3A = arith.constant 1 : i32
      %ge3A_71 = arith.cmpi sge, %add3A_64, %ge3A : i32
      %convert_element_type3A = arith.extui %ge3A_71 : i1 to i32
      %cond3A = arith.constant 0 : i32
      %cond3A_72 = arith.cmpi ne, %convert_element_type3A, %cond3A : i32
      scf.if %cond3A_72 {
        %dma_wait3A_140 = arith.constant 0 : i32
        %dma_wait3A_141 = arith.constant 0 : i32
        %dma_wait3A_142 = tpu.memref_slice %arg4[%mul3A_2, %dma_wait3A_140, %dma_wait3A_141] : memref<4096x50x128xf32, #tpu.memory_space<hbm>> -> memref<4x50x128xf32, #tpu.memory_space<hbm>>
        %dma_wait3A_143 = arith.constant 0 : i32
        %dma_wait3A_144 = arith.constant 0 : i32
        %dma_wait3A_145 = tpu.memref_slice %arg4[%mul3A_2, %dma_wait3A_143, %dma_wait3A_144] : memref<4096x50x128xf32, #tpu.memory_space<hbm>> -> memref<4x50x128xf32, #tpu.memory_space<hbm>>
        tpu.wait_dma2 semaphore(%arg11 : memref<!tpu.dma_semaphore, #tpu.memory_space<semaphore_mem>>) src(%arg7 : memref<4x50x128xf32, #tpu.memory_space<vmem>>) dst(%dma_wait3A_145 : memref<4x50x128xf32, #tpu.memory_space<hbm>>)
      } else {
      }
      %add3A_73 = arith.constant 1 : i32
      %add3A_74 = arith.addi %add3A_64, %add3A_73 : i32
      %lt3A = arith.constant 32 : i32
      %lt3A_75 = arith.cmpi slt, %add3A_74, %lt3A : i32
      %convert_element_type3A_76 = arith.extui %lt3A_75 : i1 to i32
      %cond3A_77 = arith.constant 0 : i32
      %cond3A_78 = arith.cmpi ne, %convert_element_type3A_76, %cond3A_77 : i32
      scf.if %cond3A_78 {
        %add3A_140 = arith.constant 1 : i32
        %add3A_141 = arith.addi %add3A_64, %add3A_140 : i32
        %mul3A_142 = arith.constant 4 : i32
        %mul3A_143 = arith.muli %add3A_141, %mul3A_142 : i32
        %add3A_144 = arith.constant 0 : i32
        %add3A_145 = arith.addi %mul3A_143, %add3A_144 : i32
        %dma_start3A_146 = arith.constant 0 : i32
        %dma_start3A_147 = arith.constant 0 : i32
        %dma_start3A_148 = arith.constant 0 : i32
        %dma_start3A_149 = tpu.memref_slice %arg7[%dma_start3A_146, %dma_start3A_147, %dma_start3A_148] : memref<4x50x128xf32, #tpu.memory_space<vmem>> -> memref<1x50x128xf32, #tpu.memory_space<vmem>>
        %dma_start3A_150 = tpu.memref_squeeze %dma_start3A_149 : memref<1x50x128xf32, #tpu.memory_space<vmem>> -> memref<50x128xf32, #tpu.memory_space<vmem>>
        %dma_start3A_151 = arith.constant 0 : i32
        %dma_start3A_152 = tpu.memref_slice %arg5[%add3A_145, %dma_start3A_151] : memref<128x50xi32, #tpu.memory_space<vmem>> -> memref<1x50xi32, #tpu.memory_space<vmem>>
        %dma_start3A_153 = tpu.memref_squeeze %dma_start3A_152 : memref<1x50xi32, #tpu.memory_space<vmem>> -> memref<50xi32, #tpu.memory_space<vmem>>
        %dma_start3A_154 = arith.constant 0 : i32
        %dma_start3A_155 = arith.constant 0 : i32
        %dma_start3A_156 = tpu.memref_slice %arg3[%dma_start3A_154, %dma_start3A_155] : memref<100000x128xf32, #tpu.memory_space<hbm>> -> memref<100000x128xf32, #tpu.memory_space<hbm>>
        tpu.enqueue_indirect_dma source(%dma_start3A_156 : memref<100000x128xf32, #tpu.memory_space<hbm>>) target(%dma_start3A_150 : memref<50x128xf32, #tpu.memory_space<vmem>>) offsets(%dma_start3A_153 : memref<50xi32, #tpu.memory_space<vmem>>) semaphore(%arg9 : memref<!tpu.dma_semaphore, #tpu.memory_space<semaphore_mem>>)
        %mul3A_157 = arith.constant 4 : i32
        %mul3A_158 = arith.muli %add3A_141, %mul3A_157 : i32
        %add3A_159 = arith.constant 1 : i32
        %add3A_160 = arith.addi %mul3A_158, %add3A_159 : i32
        %dma_start3A_161 = arith.constant 1 : i32
        %dma_start3A_162 = arith.constant 0 : i32
        %dma_start3A_163 = arith.constant 0 : i32
        %dma_start3A_164 = tpu.memref_slice %arg7[%dma_start3A_161, %dma_start3A_162, %dma_start3A_163] : memref<4x50x128xf32, #tpu.memory_space<vmem>> -> memref<1x50x128xf32, #tpu.memory_space<vmem>>
        %dma_start3A_165 = tpu.memref_squeeze %dma_start3A_164 : memref<1x50x128xf32, #tpu.memory_space<vmem>> -> memref<50x128xf32, #tpu.memory_space<vmem>>
        %dma_start3A_166 = arith.constant 0 : i32
        %dma_start3A_167 = tpu.memref_slice %arg5[%add3A_160, %dma_start3A_166] : memref<128x50xi32, #tpu.memory_space<vmem>> -> memref<1x50xi32, #tpu.memory_space<vmem>>
        %dma_start3A_168 = tpu.memref_squeeze %dma_start3A_167 : memref<1x50xi32, #tpu.memory_space<vmem>> -> memref<50xi32, #tpu.memory_space<vmem>>
        %dma_start3A_169 = arith.constant 0 : i32
        %dma_start3A_170 = arith.constant 0 : i32
        %dma_start3A_171 = tpu.memref_slice %arg3[%dma_start3A_169, %dma_start3A_170] : memref<100000x128xf32, #tpu.memory_space<hbm>> -> memref<100000x128xf32, #tpu.memory_space<hbm>>
        tpu.enqueue_indirect_dma source(%dma_start3A_171 : memref<100000x128xf32, #tpu.memory_space<hbm>>) target(%dma_start3A_165 : memref<50x128xf32, #tpu.memory_space<vmem>>) offsets(%dma_start3A_168 : memref<50xi32, #tpu.memory_space<vmem>>) semaphore(%arg9 : memref<!tpu.dma_semaphore, #tpu.memory_space<semaphore_mem>>)
        %mul3A_172 = arith.constant 4 : i32
        %mul3A_173 = arith.muli %add3A_141, %mul3A_172 : i32
        %add3A_174 = arith.constant 2 : i32
        %add3A_175 = arith.addi %mul3A_173, %add3A_174 : i32
        %dma_start3A_176 = arith.constant 2 : i32
        %dma_start3A_177 = arith.constant 0 : i32
        %dma_start3A_178 = arith.constant 0 : i32
        %dma_start3A_179 = tpu.memref_slice %arg7[%dma_start3A_176, %dma_start3A_177, %dma_start3A_178] : memref<4x50x128xf32, #tpu.memory_space<vmem>> -> memref<1x50x128xf32, #tpu.memory_space<vmem>>
        %dma_start3A_180 = tpu.memref_squeeze %dma_start3A_179 : memref<1x50x128xf32, #tpu.memory_space<vmem>> -> memref<50x128xf32, #tpu.memory_space<vmem>>
        %dma_start3A_181 = arith.constant 0 : i32
        %dma_start3A_182 = tpu.memref_slice %arg5[%add3A_175, %dma_start3A_181] : memref<128x50xi32, #tpu.memory_space<vmem>> -> memref<1x50xi32, #tpu.memory_space<vmem>>
        %dma_start3A_183 = tpu.memref_squeeze %dma_start3A_182 : memref<1x50xi32, #tpu.memory_space<vmem>> -> memref<50xi32, #tpu.memory_space<vmem>>
        %dma_start3A_184 = arith.constant 0 : i32
        %dma_start3A_185 = arith.constant 0 : i32
        %dma_start3A_186 = tpu.memref_slice %arg3[%dma_start3A_184, %dma_start3A_185] : memref<100000x128xf32, #tpu.memory_space<hbm>> -> memref<100000x128xf32, #tpu.memory_space<hbm>>
        tpu.enqueue_indirect_dma source(%dma_start3A_186 : memref<100000x128xf32, #tpu.memory_space<hbm>>) target(%dma_start3A_180 : memref<50x128xf32, #tpu.memory_space<vmem>>) offsets(%dma_start3A_183 : memref<50xi32, #tpu.memory_space<vmem>>) semaphore(%arg9 : memref<!tpu.dma_semaphore, #tpu.memory_space<semaphore_mem>>)
        %mul3A_187 = arith.constant 4 : i32
        %mul3A_188 = arith.muli %add3A_141, %mul3A_187 : i32
        %add3A_189 = arith.constant 3 : i32
        %add3A_190 = arith.addi %mul3A_188, %add3A_189 : i32
        %dma_start3A_191 = arith.constant 3 : i32
        %dma_start3A_192 = arith.constant 0 : i32
        %dma_start3A_193 = arith.constant 0 : i32
        %dma_start3A_194 = tpu.memref_slice %arg7[%dma_start3A_191, %dma_start3A_192, %dma_start3A_193] : memref<4x50x128xf32, #tpu.memory_space<vmem>> -> memref<1x50x128xf32, #tpu.memory_space<vmem>>
        %dma_start3A_195 = tpu.memref_squeeze %dma_start3A_194 : memref<1x50x128xf32, #tpu.memory_space<vmem>> -> memref<50x128xf32, #tpu.memory_space<vmem>>
        %dma_start3A_196 = arith.constant 0 : i32
        %dma_start3A_197 = tpu.memref_slice %arg5[%add3A_190, %dma_start3A_196] : memref<128x50xi32, #tpu.memory_space<vmem>> -> memref<1x50xi32, #tpu.memory_space<vmem>>
        %dma_start3A_198 = tpu.memref_squeeze %dma_start3A_197 : memref<1x50xi32, #tpu.memory_space<vmem>> -> memref<50xi32, #tpu.memory_space<vmem>>
        %dma_start3A_199 = arith.constant 0 : i32
        %dma_start3A_200 = arith.constant 0 : i32
        %dma_start3A_201 = tpu.memref_slice %arg3[%dma_start3A_199, %dma_start3A_200] : memref<100000x128xf32, #tpu.memory_space<hbm>> -> memref<100000x128xf32, #tpu.memory_space<hbm>>
        tpu.enqueue_indirect_dma source(%dma_start3A_201 : memref<100000x128xf32, #tpu.memory_space<hbm>>) target(%dma_start3A_195 : memref<50x128xf32, #tpu.memory_space<vmem>>) offsets(%dma_start3A_198 : memref<50xi32, #tpu.memory_space<vmem>>) semaphore(%arg9 : memref<!tpu.dma_semaphore, #tpu.memory_space<semaphore_mem>>)
      } else {
      }
      %parallel_loop3A = arith.constant 0 : i32
      %parallel_loop3A_79 = arith.constant 50 : i32
      %parallel_loop3A_80 = arith.constant 1 : i32
      scf.for %parallel_loop3A_140 = %parallel_loop3A to %parallel_loop3A_79 step %parallel_loop3A_80  : i32 {
        %parallel_loop3A_141 = arith.constant 0 : i32
        %parallel_loop3A_142 = arith.index_cast %parallel_loop3A_141 : i32 to index
        %parallel_loop3A_143 = arith.index_cast %parallel_loop3A_140 : i32 to index
        %parallel_loop3A_144 = arith.constant 0 : index
        %parallel_loop3A_145 = tpu.vector_load %arg6[%parallel_loop3A_142, %parallel_loop3A_143, %parallel_loop3A_144] {strides = array<i32>} : memref<4x50x128xf32, #tpu.memory_space<vmem>>, vector<1x1x16xf32>,
        %parallel_loop3A_146 = vector.shape_cast %parallel_loop3A_145 : vector<1x1x16xf32> to vector<16xf32>
        %parallel_loop3A_147 = arith.constant 11.3137083 : f32
        %parallel_loop3A_148 = vector.broadcast %parallel_loop3A_147 : f32 to vector<16xf32>
        %parallel_loop3A_149 = arith.mulf %parallel_loop3A_146, %parallel_loop3A_148 : vector<16xf32>
        %parallel_loop3A_150 = arith.constant 0 : i32
        %parallel_loop3A_151 = arith.index_cast %parallel_loop3A_150 : i32 to index
        %parallel_loop3A_152 = arith.index_cast %parallel_loop3A_140 : i32 to index
        %parallel_loop3A_153 = arith.constant 0 : index
        %parallel_loop3A_154 = tpu.vector_load %arg6[%parallel_loop3A_151, %parallel_loop3A_152, %parallel_loop3A_153] {strides = array<i32>} : memref<4x50x128xf32, #tpu.memory_space<vmem>>, vector<1x1x16xf32>,
        %parallel_loop3A_155 = vector.shape_cast %parallel_loop3A_154 : vector<1x1x16xf32> to vector<16xf32>
        %parallel_loop3A_156 = vector.shape_cast %parallel_loop3A_149 : vector<16xf32> to vector<1x1x16xf32>
        tpu.vector_store %arg6[%parallel_loop3A_151, %parallel_loop3A_152, %parallel_loop3A_153], %parallel_loop3A_156 {strides = array<i32>} : memref<4x50x128xf32, #tpu.memory_space<vmem>>, vector<1x1x16xf32>,
        %parallel_loop3A_157 = arith.constant 0 : i32
        %parallel_loop3A_158 = arith.index_cast %parallel_loop3A_157 : i32 to index
        %parallel_loop3A_159 = arith.index_cast %parallel_loop3A_140 : i32 to index
        %parallel_loop3A_160 = arith.constant 16 : index
        %parallel_loop3A_161 = tpu.vector_load %arg6[%parallel_loop3A_158, %parallel_loop3A_159, %parallel_loop3A_160] {strides = array<i32>} : memref<4x50x128xf32, #tpu.memory_space<vmem>>, vector<1x1x16xf32>,
        %parallel_loop3A_162 = vector.shape_cast %parallel_loop3A_161 : vector<1x1x16xf32> to vector<16xf32>
        %parallel_loop3A_163 = arith.constant 11.3137083 : f32
        %parallel_loop3A_164 = vector.broadcast %parallel_loop3A_163 : f32 to vector<16xf32>
        %parallel_loop3A_165 = arith.mulf %parallel_loop3A_162, %parallel_loop3A_164 : vector<16xf32>
        %parallel_loop3A_166 = arith.constant 0 : i32
        %parallel_loop3A_167 = arith.index_cast %parallel_loop3A_166 : i32 to index
        %parallel_loop3A_168 = arith.index_cast %parallel_loop3A_140 : i32 to index
        %parallel_loop3A_169 = arith.constant 16 : index
        %parallel_loop3A_170 = tpu.vector_load %arg6[%parallel_loop3A_167, %parallel_loop3A_168, %parallel_loop3A_169] {strides = array<i32>} : memref<4x50x128xf32, #tpu.memory_space<vmem>>, vector<1x1x16xf32>,
        %parallel_loop3A_171 = vector.shape_cast %parallel_loop3A_170 : vector<1x1x16xf32> to vector<16xf32>
        %parallel_loop3A_172 = vector.shape_cast %parallel_loop3A_165 : vector<16xf32> to vector<1x1x16xf32>
        tpu.vector_store %arg6[%parallel_loop3A_167, %parallel_loop3A_168, %parallel_loop3A_169], %parallel_loop3A_172 {strides = array<i32>} : memref<4x50x128xf32, #tpu.memory_space<vmem>>, vector<1x1x16xf32>,
        %parallel_loop3A_173 = arith.constant 0 : i32
        %parallel_loop3A_174 = arith.index_cast %parallel_loop3A_173 : i32 to index
        %parallel_loop3A_175 = arith.index_cast %parallel_loop3A_140 : i32 to index
        %parallel_loop3A_176 = arith.constant 32 : index
        %parallel_loop3A_177 = tpu.vector_load %arg6[%parallel_loop3A_174, %parallel_loop3A_175, %parallel_loop3A_176] {strides = array<i32>} : memref<4x50x128xf32, #tpu.memory_space<vmem>>, vector<1x1x16xf32>,
        %parallel_loop3A_178 = vector.shape_cast %parallel_loop3A_177 : vector<1x1x16xf32> to vector<16xf32>
        %parallel_loop3A_179 = arith.constant 11.3137083 : f32
        %parallel_loop3A_180 = vector.broadcast %parallel_loop3A_179 : f32 to vector<16xf32>
        %parallel_loop3A_181 = arith.mulf %parallel_loop3A_178, %parallel_loop3A_180 : vector<16xf32>
        %parallel_loop3A_182 = arith.constant 0 : i32
        %parallel_loop3A_183 = arith.index_cast %parallel_loop3A_182 : i32 to index
        %parallel_loop3A_184 = arith.index_cast %parallel_loop3A_140 : i32 to index
        %parallel_loop3A_185 = arith.constant 32 : index
        %parallel_loop3A_186 = tpu.vector_load %arg6[%parallel_loop3A_183, %parallel_loop3A_184, %parallel_loop3A_185] {strides = array<i32>} : memref<4x50x128xf32, #tpu.memory_space<vmem>>, vector<1x1x16xf32>,
        %parallel_loop3A_187 = vector.shape_cast %parallel_loop3A_186 : vector<1x1x16xf32> to vector<16xf32>
        %parallel_loop3A_188 = vector.shape_cast %parallel_loop3A_181 : vector<16xf32> to vector<1x1x16xf32>
        tpu.vector_store %arg6[%parallel_loop3A_183, %parallel_loop3A_184, %parallel_loop3A_185], %parallel_loop3A_188 {strides = array<i32>} : memref<4x50x128xf32, #tpu.memory_space<vmem>>, vector<1x1x16xf32>,
        %parallel_loop3A_189 = arith.constant 0 : i32
        %parallel_loop3A_190 = arith.index_cast %parallel_loop3A_189 : i32 to index
        %parallel_loop3A_191 = arith.index_cast %parallel_loop3A_140 : i32 to index
        %parallel_loop3A_192 = arith.constant 48 : index
        %parallel_loop3A_193 = tpu.vector_load %arg6[%parallel_loop3A_190, %parallel_loop3A_191, %parallel_loop3A_192] {strides = array<i32>} : memref<4x50x128xf32, #tpu.memory_space<vmem>>, vector<1x1x16xf32>,
        %parallel_loop3A_194 = vector.shape_cast %parallel_loop3A_193 : vector<1x1x16xf32> to vector<16xf32>
        %parallel_loop3A_195 = arith.constant 11.3137083 : f32
        %parallel_loop3A_196 = vector.broadcast %parallel_loop3A_195 : f32 to vector<16xf32>
        %parallel_loop3A_197 = arith.mulf %parallel_loop3A_194, %parallel_loop3A_196 : vector<16xf32>
        %parallel_loop3A_198 = arith.constant 0 : i32
        %parallel_loop3A_199 = arith.index_cast %parallel_loop3A_198 : i32 to index
        %parallel_loop3A_200 = arith.index_cast %parallel_loop3A_140 : i32 to index
        %parallel_loop3A_201 = arith.constant 48 : index
        %parallel_loop3A_202 = tpu.vector_load %arg6[%parallel_loop3A_199, %parallel_loop3A_200, %parallel_loop3A_201] {strides = array<i32>} : memref<4x50x128xf32, #tpu.memory_space<vmem>>, vector<1x1x16xf32>,
        %parallel_loop3A_203 = vector.shape_cast %parallel_loop3A_202 : vector<1x1x16xf32> to vector<16xf32>
        %parallel_loop3A_204 = vector.shape_cast %parallel_loop3A_197 : vector<16xf32> to vector<1x1x16xf32>
        tpu.vector_store %arg6[%parallel_loop3A_199, %parallel_loop3A_200, %parallel_loop3A_201], %parallel_loop3A_204 {strides = array<i32>} : memref<4x50x128xf32, #tpu.memory_space<vmem>>, vector<1x1x16xf32>,
        %parallel_loop3A_205 = arith.constant 0 : i32
        %parallel_loop3A_206 = arith.index_cast %parallel_loop3A_205 : i32 to index
        %parallel_loop3A_207 = arith.index_cast %parallel_loop3A_140 : i32 to index
        %parallel_loop3A_208 = arith.constant 64 : index
        %parallel_loop3A_209 = tpu.vector_load %arg6[%parallel_loop3A_206, %parallel_loop3A_207, %parallel_loop3A_208] {strides = array<i32>} : memref<4x50x128xf32, #tpu.memory_space<vmem>>, vector<1x1x16xf32>,
        %parallel_loop3A_210 = vector.shape_cast %parallel_loop3A_209 : vector<1x1x16xf32> to vector<16xf32>
        %parallel_loop3A_211 = arith.constant 11.3137083 : f32
        %parallel_loop3A_212 = vector.broadcast %parallel_loop3A_211 : f32 to vector<16xf32>
        %parallel_loop3A_213 = arith.mulf %parallel_loop3A_210, %parallel_loop3A_212 : vector<16xf32>
        %parallel_loop3A_214 = arith.constant 0 : i32
        %parallel_loop3A_215 = arith.index_cast %parallel_loop3A_214 : i32 to index
        %parallel_loop3A_216 = arith.index_cast %parallel_loop3A_140 : i32 to index
        %parallel_loop3A_217 = arith.constant 64 : index
        %parallel_loop3A_218 = tpu.vector_load %arg6[%parallel_loop3A_215, %parallel_loop3A_216, %parallel_loop3A_217] {strides = array<i32>} : memref<4x50x128xf32, #tpu.memory_space<vmem>>, vector<1x1x16xf32>,
        %parallel_loop3A_219 = vector.shape_cast %parallel_loop3A_218 : vector<1x1x16xf32> to vector<16xf32>
        %parallel_loop3A_220 = vector.shape_cast %parallel_loop3A_213 : vector<16xf32> to vector<1x1x16xf32>
        tpu.vector_store %arg6[%parallel_loop3A_215, %parallel_loop3A_216, %parallel_loop3A_217], %parallel_loop3A_220 {strides = array<i32>} : memref<4x50x128xf32, #tpu.memory_space<vmem>>, vector<1x1x16xf32>,
        %parallel_loop3A_221 = arith.constant 0 : i32
        %parallel_loop3A_222 = arith.index_cast %parallel_loop3A_221 : i32 to index
        %parallel_loop3A_223 = arith.index_cast %parallel_loop3A_140 : i32 to index
        %parallel_loop3A_224 = arith.constant 80 : index
        %parallel_loop3A_225 = tpu.vector_load %arg6[%parallel_loop3A_222, %parallel_loop3A_223, %parallel_loop3A_224] {strides = array<i32>} : memref<4x50x128xf32, #tpu.memory_space<vmem>>, vector<1x1x16xf32>,
        %parallel_loop3A_226 = vector.shape_cast %parallel_loop3A_225 : vector<1x1x16xf32> to vector<16xf32>
        %parallel_loop3A_227 = arith.constant 11.3137083 : f32
        %parallel_loop3A_228 = vector.broadcast %parallel_loop3A_227 : f32 to vector<16xf32>
        %parallel_loop3A_229 = arith.mulf %parallel_loop3A_226, %parallel_loop3A_228 : vector<16xf32>
        %parallel_loop3A_230 = arith.constant 0 : i32
        %parallel_loop3A_231 = arith.index_cast %parallel_loop3A_230 : i32 to index
        %parallel_loop3A_232 = arith.index_cast %parallel_loop3A_140 : i32 to index
        %parallel_loop3A_233 = arith.constant 80 : index
        %parallel_loop3A_234 = tpu.vector_load %arg6[%parallel_loop3A_231, %parallel_loop3A_232, %parallel_loop3A_233] {strides = array<i32>} : memref<4x50x128xf32, #tpu.memory_space<vmem>>, vector<1x1x16xf32>,
        %parallel_loop3A_235 = vector.shape_cast %parallel_loop3A_234 : vector<1x1x16xf32> to vector<16xf32>
        %parallel_loop3A_236 = vector.shape_cast %parallel_loop3A_229 : vector<16xf32> to vector<1x1x16xf32>
        tpu.vector_store %arg6[%parallel_loop3A_231, %parallel_loop3A_232, %parallel_loop3A_233], %parallel_loop3A_236 {strides = array<i32>} : memref<4x50x128xf32, #tpu.memory_space<vmem>>, vector<1x1x16xf32>,
        %parallel_loop3A_237 = arith.constant 0 : i32
        %parallel_loop3A_238 = arith.index_cast %parallel_loop3A_237 : i32 to index
        %parallel_loop3A_239 = arith.index_cast %parallel_loop3A_140 : i32 to index
        %parallel_loop3A_240 = arith.constant 96 : index
        %parallel_loop3A_241 = tpu.vector_load %arg6[%parallel_loop3A_238, %parallel_loop3A_239, %parallel_loop3A_240] {strides = array<i32>} : memref<4x50x128xf32, #tpu.memory_space<vmem>>, vector<1x1x16xf32>,
        %parallel_loop3A_242 = vector.shape_cast %parallel_loop3A_241 : vector<1x1x16xf32> to vector<16xf32>
        %parallel_loop3A_243 = arith.constant 11.3137083 : f32
        %parallel_loop3A_244 = vector.broadcast %parallel_loop3A_243 : f32 to vector<16xf32>
        %parallel_loop3A_245 = arith.mulf %parallel_loop3A_242, %parallel_loop3A_244 : vector<16xf32>
        %parallel_loop3A_246 = arith.constant 0 : i32
        %parallel_loop3A_247 = arith.index_cast %parallel_loop3A_246 : i32 to index
        %parallel_loop3A_248 = arith.index_cast %parallel_loop3A_140 : i32 to index
        %parallel_loop3A_249 = arith.constant 96 : index
        %parallel_loop3A_250 = tpu.vector_load %arg6[%parallel_loop3A_247, %parallel_loop3A_248, %parallel_loop3A_249] {strides = array<i32>} : memref<4x50x128xf32, #tpu.memory_space<vmem>>, vector<1x1x16xf32>,
        %parallel_loop3A_251 = vector.shape_cast %parallel_loop3A_250 : vector<1x1x16xf32> to vector<16xf32>
        %parallel_loop3A_252 = vector.shape_cast %parallel_loop3A_245 : vector<16xf32> to vector<1x1x16xf32>
        tpu.vector_store %arg6[%parallel_loop3A_247, %parallel_loop3A_248, %parallel_loop3A_249], %parallel_loop3A_252 {strides = array<i32>} : memref<4x50x128xf32, #tpu.memory_space<vmem>>, vector<1x1x16xf32>,
        %parallel_loop3A_253 = arith.constant 0 : i32
        %parallel_loop3A_254 = arith.index_cast %parallel_loop3A_253 : i32 to index
        %parallel_loop3A_255 = arith.index_cast %parallel_loop3A_140 : i32 to index
        %parallel_loop3A_256 = arith.constant 112 : index
        %parallel_loop3A_257 = tpu.vector_load %arg6[%parallel_loop3A_254, %parallel_loop3A_255, %parallel_loop3A_256] {strides = array<i32>} : memref<4x50x128xf32, #tpu.memory_space<vmem>>, vector<1x1x16xf32>,
        %parallel_loop3A_258 = vector.shape_cast %parallel_loop3A_257 : vector<1x1x16xf32> to vector<16xf32>
        %parallel_loop3A_259 = arith.constant 11.3137083 : f32
        %parallel_loop3A_260 = vector.broadcast %parallel_loop3A_259 : f32 to vector<16xf32>
        %parallel_loop3A_261 = arith.mulf %parallel_loop3A_258, %parallel_loop3A_260 : vector<16xf32>
        %parallel_loop3A_262 = arith.constant 0 : i32
        %parallel_loop3A_263 = arith.index_cast %parallel_loop3A_262 : i32 to index
        %parallel_loop3A_264 = arith.index_cast %parallel_loop3A_140 : i32 to index
        %parallel_loop3A_265 = arith.constant 112 : index
        %parallel_loop3A_266 = tpu.vector_load %arg6[%parallel_loop3A_263, %parallel_loop3A_264, %parallel_loop3A_265] {strides = array<i32>} : memref<4x50x128xf32, #tpu.memory_space<vmem>>, vector<1x1x16xf32>,
        %parallel_loop3A_267 = vector.shape_cast %parallel_loop3A_266 : vector<1x1x16xf32> to vector<16xf32>
        %parallel_loop3A_268 = vector.shape_cast %parallel_loop3A_261 : vector<16xf32> to vector<1x1x16xf32>
        tpu.vector_store %arg6[%parallel_loop3A_263, %parallel_loop3A_264, %parallel_loop3A_265], %parallel_loop3A_268 {strides = array<i32>} : memref<4x50x128xf32, #tpu.memory_space<vmem>>, vector<1x1x16xf32>,
      } {sc.loop_unroll_factor = 10 : i64, sc.parallel_access}
      %parallel_loop3A_81 = arith.constant 0 : i32
      %parallel_loop3A_82 = arith.constant 50 : i32
      %parallel_loop3A_83 = arith.constant 1 : i32
      scf.for %parallel_loop3A_140 = %parallel_loop3A_81 to %parallel_loop3A_82 step %parallel_loop3A_83  : i32 {
        %parallel_loop3A_141 = arith.constant 1 : i32
        %parallel_loop3A_142 = arith.index_cast %parallel_loop3A_141 : i32 to index
        %parallel_loop3A_143 = arith.index_cast %parallel_loop3A_140 : i32 to index
        %parallel_loop3A_144 = arith.constant 0 : index
        %parallel_loop3A_145 = tpu.vector_load %arg6[%parallel_loop3A_142, %parallel_loop3A_143, %parallel_loop3A_144] {strides = array<i32>} : memref<4x50x128xf32, #tpu.memory_space<vmem>>, vector<1x1x16xf32>,
        %parallel_loop3A_146 = vector.shape_cast %parallel_loop3A_145 : vector<1x1x16xf32> to vector<16xf32>
        %parallel_loop3A_147 = arith.constant 11.3137083 : f32
        %parallel_loop3A_148 = vector.broadcast %parallel_loop3A_147 : f32 to vector<16xf32>
        %parallel_loop3A_149 = arith.mulf %parallel_loop3A_146, %parallel_loop3A_148 : vector<16xf32>
        %parallel_loop3A_150 = arith.constant 1 : i32
        %parallel_loop3A_151 = arith.index_cast %parallel_loop3A_150 : i32 to index
        %parallel_loop3A_152 = arith.index_cast %parallel_loop3A_140 : i32 to index
        %parallel_loop3A_153 = arith.constant 0 : index
        %parallel_loop3A_154 = tpu.vector_load %arg6[%parallel_loop3A_151, %parallel_loop3A_152, %parallel_loop3A_153] {strides = array<i32>} : memref<4x50x128xf32, #tpu.memory_space<vmem>>, vector<1x1x16xf32>,
        %parallel_loop3A_155 = vector.shape_cast %parallel_loop3A_154 : vector<1x1x16xf32> to vector<16xf32>
        %parallel_loop3A_156 = vector.shape_cast %parallel_loop3A_149 : vector<16xf32> to vector<1x1x16xf32>
        tpu.vector_store %arg6[%parallel_loop3A_151, %parallel_loop3A_152, %parallel_loop3A_153], %parallel_loop3A_156 {strides = array<i32>} : memref<4x50x128xf32, #tpu.memory_space<vmem>>, vector<1x1x16xf32>,
        %parallel_loop3A_157 = arith.constant 1 : i32
        %parallel_loop3A_158 = arith.index_cast %parallel_loop3A_157 : i32 to index
        %parallel_loop3A_159 = arith.index_cast %parallel_loop3A_140 : i32 to index
        %parallel_loop3A_160 = arith.constant 16 : index
        %parallel_loop3A_161 = tpu.vector_load %arg6[%parallel_loop3A_158, %parallel_loop3A_159, %parallel_loop3A_160] {strides = array<i32>} : memref<4x50x128xf32, #tpu.memory_space<vmem>>, vector<1x1x16xf32>,
        %parallel_loop3A_162 = vector.shape_cast %parallel_loop3A_161 : vector<1x1x16xf32> to vector<16xf32>
        %parallel_loop3A_163 = arith.constant 11.3137083 : f32
        %parallel_loop3A_164 = vector.broadcast %parallel_loop3A_163 : f32 to vector<16xf32>
        %parallel_loop3A_165 = arith.mulf %parallel_loop3A_162, %parallel_loop3A_164 : vector<16xf32>
        %parallel_loop3A_166 = arith.constant 1 : i32
        %parallel_loop3A_167 = arith.index_cast %parallel_loop3A_166 : i32 to index
        %parallel_loop3A_168 = arith.index_cast %parallel_loop3A_140 : i32 to index
        %parallel_loop3A_169 = arith.constant 16 : index
        %parallel_loop3A_170 = tpu.vector_load %arg6[%parallel_loop3A_167, %parallel_loop3A_168, %parallel_loop3A_169] {strides = array<i32>} : memref<4x50x128xf32, #tpu.memory_space<vmem>>, vector<1x1x16xf32>,
        %parallel_loop3A_171 = vector.shape_cast %parallel_loop3A_170 : vector<1x1x16xf32> to vector<16xf32>
        %parallel_loop3A_172 = vector.shape_cast %parallel_loop3A_165 : vector<16xf32> to vector<1x1x16xf32>
        tpu.vector_store %arg6[%parallel_loop3A_167, %parallel_loop3A_168, %parallel_loop3A_169], %parallel_loop3A_172 {strides = array<i32>} : memref<4x50x128xf32, #tpu.memory_space<vmem>>, vector<1x1x16xf32>,
        %parallel_loop3A_173 = arith.constant 1 : i32
        %parallel_loop3A_174 = arith.index_cast %parallel_loop3A_173 : i32 to index
        %parallel_loop3A_175 = arith.index_cast %parallel_loop3A_140 : i32 to index
        %parallel_loop3A_176 = arith.constant 32 : index
        %parallel_loop3A_177 = tpu.vector_load %arg6[%parallel_loop3A_174, %parallel_loop3A_175, %parallel_loop3A_176] {strides = array<i32>} : memref<4x50x128xf32, #tpu.memory_space<vmem>>, vector<1x1x16xf32>,
        %parallel_loop3A_178 = vector.shape_cast %parallel_loop3A_177 : vector<1x1x16xf32> to vector<16xf32>
        %parallel_loop3A_179 = arith.constant 11.3137083 : f32
        %parallel_loop3A_180 = vector.broadcast %parallel_loop3A_179 : f32 to vector<16xf32>
        %parallel_loop3A_181 = arith.mulf %parallel_loop3A_178, %parallel_loop3A_180 : vector<16xf32>
        %parallel_loop3A_182 = arith.constant 1 : i32
        %parallel_loop3A_183 = arith.index_cast %parallel_loop3A_182 : i32 to index
        %parallel_loop3A_184 = arith.index_cast %parallel_loop3A_140 : i32 to index
        %parallel_loop3A_185 = arith.constant 32 : index
        %parallel_loop3A_186 = tpu.vector_load %arg6[%parallel_loop3A_183, %parallel_loop3A_184, %parallel_loop3A_185] {strides = array<i32>} : memref<4x50x128xf32, #tpu.memory_space<vmem>>, vector<1x1x16xf32>,
        %parallel_loop3A_187 = vector.shape_cast %parallel_loop3A_186 : vector<1x1x16xf32> to vector<16xf32>
        %parallel_loop3A_188 = vector.shape_cast %parallel_loop3A_181 : vector<16xf32> to vector<1x1x16xf32>
        tpu.vector_store %arg6[%parallel_loop3A_183, %parallel_loop3A_184, %parallel_loop3A_185], %parallel_loop3A_188 {strides = array<i32>} : memref<4x50x128xf32, #tpu.memory_space<vmem>>, vector<1x1x16xf32>,
        %parallel_loop3A_189 = arith.constant 1 : i32
        %parallel_loop3A_190 = arith.index_cast %parallel_loop3A_189 : i32 to index
        %parallel_loop3A_191 = arith.index_cast %parallel_loop3A_140 : i32 to index
        %parallel_loop3A_192 = arith.constant 48 : index
        %parallel_loop3A_193 = tpu.vector_load %arg6[%parallel_loop3A_190, %parallel_loop3A_191, %parallel_loop3A_192] {strides = array<i32>} : memref<4x50x128xf32, #tpu.memory_space<vmem>>, vector<1x1x16xf32>,
        %parallel_loop3A_194 = vector.shape_cast %parallel_loop3A_193 : vector<1x1x16xf32> to vector<16xf32>
        %parallel_loop3A_195 = arith.constant 11.3137083 : f32
        %parallel_loop3A_196 = vector.broadcast %parallel_loop3A_195 : f32 to vector<16xf32>
        %parallel_loop3A_197 = arith.mulf %parallel_loop3A_194, %parallel_loop3A_196 : vector<16xf32>
        %parallel_loop3A_198 = arith.constant 1 : i32
        %parallel_loop3A_199 = arith.index_cast %parallel_loop3A_198 : i32 to index
        %parallel_loop3A_200 = arith.index_cast %parallel_loop3A_140 : i32 to index
        %parallel_loop3A_201 = arith.constant 48 : index
        %parallel_loop3A_202 = tpu.vector_load %arg6[%parallel_loop3A_199, %parallel_loop3A_200, %parallel_loop3A_201] {strides = array<i32>} : memref<4x50x128xf32, #tpu.memory_space<vmem>>, vector<1x1x16xf32>,
        %parallel_loop3A_203 = vector.shape_cast %parallel_loop3A_202 : vector<1x1x16xf32> to vector<16xf32>
        %parallel_loop3A_204 = vector.shape_cast %parallel_loop3A_197 : vector<16xf32> to vector<1x1x16xf32>
        tpu.vector_store %arg6[%parallel_loop3A_199, %parallel_loop3A_200, %parallel_loop3A_201], %parallel_loop3A_204 {strides = array<i32>} : memref<4x50x128xf32, #tpu.memory_space<vmem>>, vector<1x1x16xf32>,
        %parallel_loop3A_205 = arith.constant 1 : i32
        %parallel_loop3A_206 = arith.index_cast %parallel_loop3A_205 : i32 to index
        %parallel_loop3A_207 = arith.index_cast %parallel_loop3A_140 : i32 to index
        %parallel_loop3A_208 = arith.constant 64 : index
        %parallel_loop3A_209 = tpu.vector_load %arg6[%parallel_loop3A_206, %parallel_loop3A_207, %parallel_loop3A_208] {strides = array<i32>} : memref<4x50x128xf32, #tpu.memory_space<vmem>>, vector<1x1x16xf32>,
        %parallel_loop3A_210 = vector.shape_cast %parallel_loop3A_209 : vector<1x1x16xf32> to vector<16xf32>
        %parallel_loop3A_211 = arith.constant 11.3137083 : f32
        %parallel_loop3A_212 = vector.broadcast %parallel_loop3A_211 : f32 to vector<16xf32>
        %parallel_loop3A_213 = arith.mulf %parallel_loop3A_210, %parallel_loop3A_212 : vector<16xf32>
        %parallel_loop3A_214 = arith.constant 1 : i32
        %parallel_loop3A_215 = arith.index_cast %parallel_loop3A_214 : i32 to index
        %parallel_loop3A_216 = arith.index_cast %parallel_loop3A_140 : i32 to index
        %parallel_loop3A_217 = arith.constant 64 : index
        %parallel_loop3A_218 = tpu.vector_load %arg6[%parallel_loop3A_215, %parallel_loop3A_216, %parallel_loop3A_217] {strides = array<i32>} : memref<4x50x128xf32, #tpu.memory_space<vmem>>, vector<1x1x16xf32>,
        %parallel_loop3A_219 = vector.shape_cast %parallel_loop3A_218 : vector<1x1x16xf32> to vector<16xf32>
        %parallel_loop3A_220 = vector.shape_cast %parallel_loop3A_213 : vector<16xf32> to vector<1x1x16xf32>
        tpu.vector_store %arg6[%parallel_loop3A_215, %parallel_loop3A_216, %parallel_loop3A_217], %parallel_loop3A_220 {strides = array<i32>} : memref<4x50x128xf32, #tpu.memory_space<vmem>>, vector<1x1x16xf32>,
        %parallel_loop3A_221 = arith.constant 1 : i32
        %parallel_loop3A_222 = arith.index_cast %parallel_loop3A_221 : i32 to index
        %parallel_loop3A_223 = arith.index_cast %parallel_loop3A_140 : i32 to index
        %parallel_loop3A_224 = arith.constant 80 : index
        %parallel_loop3A_225 = tpu.vector_load %arg6[%parallel_loop3A_222, %parallel_loop3A_223, %parallel_loop3A_224] {strides = array<i32>} : memref<4x50x128xf32, #tpu.memory_space<vmem>>, vector<1x1x16xf32>,
        %parallel_loop3A_226 = vector.shape_cast %parallel_loop3A_225 : vector<1x1x16xf32> to vector<16xf32>
        %parallel_loop3A_227 = arith.constant 11.3137083 : f32
        %parallel_loop3A_228 = vector.broadcast %parallel_loop3A_227 : f32 to vector<16xf32>
        %parallel_loop3A_229 = arith.mulf %parallel_loop3A_226, %parallel_loop3A_228 : vector<16xf32>
        %parallel_loop3A_230 = arith.constant 1 : i32
        %parallel_loop3A_231 = arith.index_cast %parallel_loop3A_230 : i32 to index
        %parallel_loop3A_232 = arith.index_cast %parallel_loop3A_140 : i32 to index
        %parallel_loop3A_233 = arith.constant 80 : index
        %parallel_loop3A_234 = tpu.vector_load %arg6[%parallel_loop3A_231, %parallel_loop3A_232, %parallel_loop3A_233] {strides = array<i32>} : memref<4x50x128xf32, #tpu.memory_space<vmem>>, vector<1x1x16xf32>,
        %parallel_loop3A_235 = vector.shape_cast %parallel_loop3A_234 : vector<1x1x16xf32> to vector<16xf32>
        %parallel_loop3A_236 = vector.shape_cast %parallel_loop3A_229 : vector<16xf32> to vector<1x1x16xf32>
        tpu.vector_store %arg6[%parallel_loop3A_231, %parallel_loop3A_232, %parallel_loop3A_233], %parallel_loop3A_236 {strides = array<i32>} : memref<4x50x128xf32, #tpu.memory_space<vmem>>, vector<1x1x16xf32>,
        %parallel_loop3A_237 = arith.constant 1 : i32
        %parallel_loop3A_238 = arith.index_cast %parallel_loop3A_237 : i32 to index
        %parallel_loop3A_239 = arith.index_cast %parallel_loop3A_140 : i32 to index
        %parallel_loop3A_240 = arith.constant 96 : index
        %parallel_loop3A_241 = tpu.vector_load %arg6[%parallel_loop3A_238, %parallel_loop3A_239, %parallel_loop3A_240] {strides = array<i32>} : memref<4x50x128xf32, #tpu.memory_space<vmem>>, vector<1x1x16xf32>,
        %parallel_loop3A_242 = vector.shape_cast %parallel_loop3A_241 : vector<1x1x16xf32> to vector<16xf32>
        %parallel_loop3A_243 = arith.constant 11.3137083 : f32
        %parallel_loop3A_244 = vector.broadcast %parallel_loop3A_243 : f32 to vector<16xf32>
        %parallel_loop3A_245 = arith.mulf %parallel_loop3A_242, %parallel_loop3A_244 : vector<16xf32>
        %parallel_loop3A_246 = arith.constant 1 : i32
        %parallel_loop3A_247 = arith.index_cast %parallel_loop3A_246 : i32 to index
        %parallel_loop3A_248 = arith.index_cast %parallel_loop3A_140 : i32 to index
        %parallel_loop3A_249 = arith.constant 96 : index
        %parallel_loop3A_250 = tpu.vector_load %arg6[%parallel_loop3A_247, %parallel_loop3A_248, %parallel_loop3A_249] {strides = array<i32>} : memref<4x50x128xf32, #tpu.memory_space<vmem>>, vector<1x1x16xf32>,
        %parallel_loop3A_251 = vector.shape_cast %parallel_loop3A_250 : vector<1x1x16xf32> to vector<16xf32>
        %parallel_loop3A_252 = vector.shape_cast %parallel_loop3A_245 : vector<16xf32> to vector<1x1x16xf32>
        tpu.vector_store %arg6[%parallel_loop3A_247, %parallel_loop3A_248, %parallel_loop3A_249], %parallel_loop3A_252 {strides = array<i32>} : memref<4x50x128xf32, #tpu.memory_space<vmem>>, vector<1x1x16xf32>,
        %parallel_loop3A_253 = arith.constant 1 : i32
        %parallel_loop3A_254 = arith.index_cast %parallel_loop3A_253 : i32 to index
        %parallel_loop3A_255 = arith.index_cast %parallel_loop3A_140 : i32 to index
        %parallel_loop3A_256 = arith.constant 112 : index
        %parallel_loop3A_257 = tpu.vector_load %arg6[%parallel_loop3A_254, %parallel_loop3A_255, %parallel_loop3A_256] {strides = array<i32>} : memref<4x50x128xf32, #tpu.memory_space<vmem>>, vector<1x1x16xf32>,
        %parallel_loop3A_258 = vector.shape_cast %parallel_loop3A_257 : vector<1x1x16xf32> to vector<16xf32>
        %parallel_loop3A_259 = arith.constant 11.3137083 : f32
        %parallel_loop3A_260 = vector.broadcast %parallel_loop3A_259 : f32 to vector<16xf32>
        %parallel_loop3A_261 = arith.mulf %parallel_loop3A_258, %parallel_loop3A_260 : vector<16xf32>
        %parallel_loop3A_262 = arith.constant 1 : i32
        %parallel_loop3A_263 = arith.index_cast %parallel_loop3A_262 : i32 to index
        %parallel_loop3A_264 = arith.index_cast %parallel_loop3A_140 : i32 to index
        %parallel_loop3A_265 = arith.constant 112 : index
        %parallel_loop3A_266 = tpu.vector_load %arg6[%parallel_loop3A_263, %parallel_loop3A_264, %parallel_loop3A_265] {strides = array<i32>} : memref<4x50x128xf32, #tpu.memory_space<vmem>>, vector<1x1x16xf32>,
        %parallel_loop3A_267 = vector.shape_cast %parallel_loop3A_266 : vector<1x1x16xf32> to vector<16xf32>
        %parallel_loop3A_268 = vector.shape_cast %parallel_loop3A_261 : vector<16xf32> to vector<1x1x16xf32>
        tpu.vector_store %arg6[%parallel_loop3A_263, %parallel_loop3A_264, %parallel_loop3A_265], %parallel_loop3A_268 {strides = array<i32>} : memref<4x50x128xf32, #tpu.memory_space<vmem>>, vector<1x1x16xf32>,
      } {sc.loop_unroll_factor = 10 : i64, sc.parallel_access}
      %parallel_loop3A_84 = arith.constant 0 : i32
      %parallel_loop3A_85 = arith.constant 50 : i32
      %parallel_loop3A_86 = arith.constant 1 : i32
      scf.for %parallel_loop3A_140 = %parallel_loop3A_84 to %parallel_loop3A_85 step %parallel_loop3A_86  : i32 {
        %parallel_loop3A_141 = arith.constant 2 : i32
        %parallel_loop3A_142 = arith.index_cast %parallel_loop3A_141 : i32 to index
        %parallel_loop3A_143 = arith.index_cast %parallel_loop3A_140 : i32 to index
        %parallel_loop3A_144 = arith.constant 0 : index
        %parallel_loop3A_145 = tpu.vector_load %arg6[%parallel_loop3A_142, %parallel_loop3A_143, %parallel_loop3A_144] {strides = array<i32>} : memref<4x50x128xf32, #tpu.memory_space<vmem>>, vector<1x1x16xf32>,
        %parallel_loop3A_146 = vector.shape_cast %parallel_loop3A_145 : vector<1x1x16xf32> to vector<16xf32>
        %parallel_loop3A_147 = arith.constant 11.3137083 : f32
        %parallel_loop3A_148 = vector.broadcast %parallel_loop3A_147 : f32 to vector<16xf32>
        %parallel_loop3A_149 = arith.mulf %parallel_loop3A_146, %parallel_loop3A_148 : vector<16xf32>
        %parallel_loop3A_150 = arith.constant 2 : i32
        %parallel_loop3A_151 = arith.index_cast %parallel_loop3A_150 : i32 to index
        %parallel_loop3A_152 = arith.index_cast %parallel_loop3A_140 : i32 to index
        %parallel_loop3A_153 = arith.constant 0 : index
        %parallel_loop3A_154 = tpu.vector_load %arg6[%parallel_loop3A_151, %parallel_loop3A_152, %parallel_loop3A_153] {strides = array<i32>} : memref<4x50x128xf32, #tpu.memory_space<vmem>>, vector<1x1x16xf32>,
        %parallel_loop3A_155 = vector.shape_cast %parallel_loop3A_154 : vector<1x1x16xf32> to vector<16xf32>
        %parallel_loop3A_156 = vector.shape_cast %parallel_loop3A_149 : vector<16xf32> to vector<1x1x16xf32>
        tpu.vector_store %arg6[%parallel_loop3A_151, %parallel_loop3A_152, %parallel_loop3A_153], %parallel_loop3A_156 {strides = array<i32>} : memref<4x50x128xf32, #tpu.memory_space<vmem>>, vector<1x1x16xf32>,
        %parallel_loop3A_157 = arith.constant 2 : i32
        %parallel_loop3A_158 = arith.index_cast %parallel_loop3A_157 : i32 to index
        %parallel_loop3A_159 = arith.index_cast %parallel_loop3A_140 : i32 to index
        %parallel_loop3A_160 = arith.constant 16 : index
        %parallel_loop3A_161 = tpu.vector_load %arg6[%parallel_loop3A_158, %parallel_loop3A_159, %parallel_loop3A_160] {strides = array<i32>} : memref<4x50x128xf32, #tpu.memory_space<vmem>>, vector<1x1x16xf32>,
        %parallel_loop3A_162 = vector.shape_cast %parallel_loop3A_161 : vector<1x1x16xf32> to vector<16xf32>
        %parallel_loop3A_163 = arith.constant 11.3137083 : f32
        %parallel_loop3A_164 = vector.broadcast %parallel_loop3A_163 : f32 to vector<16xf32>
        %parallel_loop3A_165 = arith.mulf %parallel_loop3A_162, %parallel_loop3A_164 : vector<16xf32>
        %parallel_loop3A_166 = arith.constant 2 : i32
        %parallel_loop3A_167 = arith.index_cast %parallel_loop3A_166 : i32 to index
        %parallel_loop3A_168 = arith.index_cast %parallel_loop3A_140 : i32 to index
        %parallel_loop3A_169 = arith.constant 16 : index
        %parallel_loop3A_170 = tpu.vector_load %arg6[%parallel_loop3A_167, %parallel_loop3A_168, %parallel_loop3A_169] {strides = array<i32>} : memref<4x50x128xf32, #tpu.memory_space<vmem>>, vector<1x1x16xf32>,
        %parallel_loop3A_171 = vector.shape_cast %parallel_loop3A_170 : vector<1x1x16xf32> to vector<16xf32>
        %parallel_loop3A_172 = vector.shape_cast %parallel_loop3A_165 : vector<16xf32> to vector<1x1x16xf32>
        tpu.vector_store %arg6[%parallel_loop3A_167, %parallel_loop3A_168, %parallel_loop3A_169], %parallel_loop3A_172 {strides = array<i32>} : memref<4x50x128xf32, #tpu.memory_space<vmem>>, vector<1x1x16xf32>,
        %parallel_loop3A_173 = arith.constant 2 : i32
        %parallel_loop3A_174 = arith.index_cast %parallel_loop3A_173 : i32 to index
        %parallel_loop3A_175 = arith.index_cast %parallel_loop3A_140 : i32 to index
        %parallel_loop3A_176 = arith.constant 32 : index
        %parallel_loop3A_177 = tpu.vector_load %arg6[%parallel_loop3A_174, %parallel_loop3A_175, %parallel_loop3A_176] {strides = array<i32>} : memref<4x50x128xf32, #tpu.memory_space<vmem>>, vector<1x1x16xf32>,
        %parallel_loop3A_178 = vector.shape_cast %parallel_loop3A_177 : vector<1x1x16xf32> to vector<16xf32>
        %parallel_loop3A_179 = arith.constant 11.3137083 : f32
        %parallel_loop3A_180 = vector.broadcast %parallel_loop3A_179 : f32 to vector<16xf32>
        %parallel_loop3A_181 = arith.mulf %parallel_loop3A_178, %parallel_loop3A_180 : vector<16xf32>
        %parallel_loop3A_182 = arith.constant 2 : i32
        %parallel_loop3A_183 = arith.index_cast %parallel_loop3A_182 : i32 to index
        %parallel_loop3A_184 = arith.index_cast %parallel_loop3A_140 : i32 to index
        %parallel_loop3A_185 = arith.constant 32 : index
        %parallel_loop3A_186 = tpu.vector_load %arg6[%parallel_loop3A_183, %parallel_loop3A_184, %parallel_loop3A_185] {strides = array<i32>} : memref<4x50x128xf32, #tpu.memory_space<vmem>>, vector<1x1x16xf32>,
        %parallel_loop3A_187 = vector.shape_cast %parallel_loop3A_186 : vector<1x1x16xf32> to vector<16xf32>
        %parallel_loop3A_188 = vector.shape_cast %parallel_loop3A_181 : vector<16xf32> to vector<1x1x16xf32>
        tpu.vector_store %arg6[%parallel_loop3A_183, %parallel_loop3A_184, %parallel_loop3A_185], %parallel_loop3A_188 {strides = array<i32>} : memref<4x50x128xf32, #tpu.memory_space<vmem>>, vector<1x1x16xf32>,
        %parallel_loop3A_189 = arith.constant 2 : i32
        %parallel_loop3A_190 = arith.index_cast %parallel_loop3A_189 : i32 to index
        %parallel_loop3A_191 = arith.index_cast %parallel_loop3A_140 : i32 to index
        %parallel_loop3A_192 = arith.constant 48 : index
        %parallel_loop3A_193 = tpu.vector_load %arg6[%parallel_loop3A_190, %parallel_loop3A_191, %parallel_loop3A_192] {strides = array<i32>} : memref<4x50x128xf32, #tpu.memory_space<vmem>>, vector<1x1x16xf32>,
        %parallel_loop3A_194 = vector.shape_cast %parallel_loop3A_193 : vector<1x1x16xf32> to vector<16xf32>
        %parallel_loop3A_195 = arith.constant 11.3137083 : f32
        %parallel_loop3A_196 = vector.broadcast %parallel_loop3A_195 : f32 to vector<16xf32>
        %parallel_loop3A_197 = arith.mulf %parallel_loop3A_194, %parallel_loop3A_196 : vector<16xf32>
        %parallel_loop3A_198 = arith.constant 2 : i32
        %parallel_loop3A_199 = arith.index_cast %parallel_loop3A_198 : i32 to index
        %parallel_loop3A_200 = arith.index_cast %parallel_loop3A_140 : i32 to index
        %parallel_loop3A_201 = arith.constant 48 : index
        %parallel_loop3A_202 = tpu.vector_load %arg6[%parallel_loop3A_199, %parallel_loop3A_200, %parallel_loop3A_201] {strides = array<i32>} : memref<4x50x128xf32, #tpu.memory_space<vmem>>, vector<1x1x16xf32>,
        %parallel_loop3A_203 = vector.shape_cast %parallel_loop3A_202 : vector<1x1x16xf32> to vector<16xf32>
        %parallel_loop3A_204 = vector.shape_cast %parallel_loop3A_197 : vector<16xf32> to vector<1x1x16xf32>
        tpu.vector_store %arg6[%parallel_loop3A_199, %parallel_loop3A_200, %parallel_loop3A_201], %parallel_loop3A_204 {strides = array<i32>} : memref<4x50x128xf32, #tpu.memory_space<vmem>>, vector<1x1x16xf32>,
        %parallel_loop3A_205 = arith.constant 2 : i32
        %parallel_loop3A_206 = arith.index_cast %parallel_loop3A_205 : i32 to index
        %parallel_loop3A_207 = arith.index_cast %parallel_loop3A_140 : i32 to index
        %parallel_loop3A_208 = arith.constant 64 : index
        %parallel_loop3A_209 = tpu.vector_load %arg6[%parallel_loop3A_206, %parallel_loop3A_207, %parallel_loop3A_208] {strides = array<i32>} : memref<4x50x128xf32, #tpu.memory_space<vmem>>, vector<1x1x16xf32>,
        %parallel_loop3A_210 = vector.shape_cast %parallel_loop3A_209 : vector<1x1x16xf32> to vector<16xf32>
        %parallel_loop3A_211 = arith.constant 11.3137083 : f32
        %parallel_loop3A_212 = vector.broadcast %parallel_loop3A_211 : f32 to vector<16xf32>
        %parallel_loop3A_213 = arith.mulf %parallel_loop3A_210, %parallel_loop3A_212 : vector<16xf32>
        %parallel_loop3A_214 = arith.constant 2 : i32
        %parallel_loop3A_215 = arith.index_cast %parallel_loop3A_214 : i32 to index
        %parallel_loop3A_216 = arith.index_cast %parallel_loop3A_140 : i32 to index
        %parallel_loop3A_217 = arith.constant 64 : index
        %parallel_loop3A_218 = tpu.vector_load %arg6[%parallel_loop3A_215, %parallel_loop3A_216, %parallel_loop3A_217] {strides = array<i32>} : memref<4x50x128xf32, #tpu.memory_space<vmem>>, vector<1x1x16xf32>,
        %parallel_loop3A_219 = vector.shape_cast %parallel_loop3A_218 : vector<1x1x16xf32> to vector<16xf32>
        %parallel_loop3A_220 = vector.shape_cast %parallel_loop3A_213 : vector<16xf32> to vector<1x1x16xf32>
        tpu.vector_store %arg6[%parallel_loop3A_215, %parallel_loop3A_216, %parallel_loop3A_217], %parallel_loop3A_220 {strides = array<i32>} : memref<4x50x128xf32, #tpu.memory_space<vmem>>, vector<1x1x16xf32>,
        %parallel_loop3A_221 = arith.constant 2 : i32
        %parallel_loop3A_222 = arith.index_cast %parallel_loop3A_221 : i32 to index
        %parallel_loop3A_223 = arith.index_cast %parallel_loop3A_140 : i32 to index
        %parallel_loop3A_224 = arith.constant 80 : index
        %parallel_loop3A_225 = tpu.vector_load %arg6[%parallel_loop3A_222, %parallel_loop3A_223, %parallel_loop3A_224] {strides = array<i32>} : memref<4x50x128xf32, #tpu.memory_space<vmem>>, vector<1x1x16xf32>,
        %parallel_loop3A_226 = vector.shape_cast %parallel_loop3A_225 : vector<1x1x16xf32> to vector<16xf32>
        %parallel_loop3A_227 = arith.constant 11.3137083 : f32
        %parallel_loop3A_228 = vector.broadcast %parallel_loop3A_227 : f32 to vector<16xf32>
        %parallel_loop3A_229 = arith.mulf %parallel_loop3A_226, %parallel_loop3A_228 : vector<16xf32>
        %parallel_loop3A_230 = arith.constant 2 : i32
        %parallel_loop3A_231 = arith.index_cast %parallel_loop3A_230 : i32 to index
        %parallel_loop3A_232 = arith.index_cast %parallel_loop3A_140 : i32 to index
        %parallel_loop3A_233 = arith.constant 80 : index
        %parallel_loop3A_234 = tpu.vector_load %arg6[%parallel_loop3A_231, %parallel_loop3A_232, %parallel_loop3A_233] {strides = array<i32>} : memref<4x50x128xf32, #tpu.memory_space<vmem>>, vector<1x1x16xf32>,
        %parallel_loop3A_235 = vector.shape_cast %parallel_loop3A_234 : vector<1x1x16xf32> to vector<16xf32>
        %parallel_loop3A_236 = vector.shape_cast %parallel_loop3A_229 : vector<16xf32> to vector<1x1x16xf32>
        tpu.vector_store %arg6[%parallel_loop3A_231, %parallel_loop3A_232, %parallel_loop3A_233], %parallel_loop3A_236 {strides = array<i32>} : memref<4x50x128xf32, #tpu.memory_space<vmem>>, vector<1x1x16xf32>,
        %parallel_loop3A_237 = arith.constant 2 : i32
        %parallel_loop3A_238 = arith.index_cast %parallel_loop3A_237 : i32 to index
        %parallel_loop3A_239 = arith.index_cast %parallel_loop3A_140 : i32 to index
        %parallel_loop3A_240 = arith.constant 96 : index
        %parallel_loop3A_241 = tpu.vector_load %arg6[%parallel_loop3A_238, %parallel_loop3A_239, %parallel_loop3A_240] {strides = array<i32>} : memref<4x50x128xf32, #tpu.memory_space<vmem>>, vector<1x1x16xf32>,
        %parallel_loop3A_242 = vector.shape_cast %parallel_loop3A_241 : vector<1x1x16xf32> to vector<16xf32>
        %parallel_loop3A_243 = arith.constant 11.3137083 : f32
        %parallel_loop3A_244 = vector.broadcast %parallel_loop3A_243 : f32 to vector<16xf32>
        %parallel_loop3A_245 = arith.mulf %parallel_loop3A_242, %parallel_loop3A_244 : vector<16xf32>
        %parallel_loop3A_246 = arith.constant 2 : i32
        %parallel_loop3A_247 = arith.index_cast %parallel_loop3A_246 : i32 to index
        %parallel_loop3A_248 = arith.index_cast %parallel_loop3A_140 : i32 to index
        %parallel_loop3A_249 = arith.constant 96 : index
        %parallel_loop3A_250 = tpu.vector_load %arg6[%parallel_loop3A_247, %parallel_loop3A_248, %parallel_loop3A_249] {strides = array<i32>} : memref<4x50x128xf32, #tpu.memory_space<vmem>>, vector<1x1x16xf32>,
        %parallel_loop3A_251 = vector.shape_cast %parallel_loop3A_250 : vector<1x1x16xf32> to vector<16xf32>
        %parallel_loop3A_252 = vector.shape_cast %parallel_loop3A_245 : vector<16xf32> to vector<1x1x16xf32>
        tpu.vector_store %arg6[%parallel_loop3A_247, %parallel_loop3A_248, %parallel_loop3A_249], %parallel_loop3A_252 {strides = array<i32>} : memref<4x50x128xf32, #tpu.memory_space<vmem>>, vector<1x1x16xf32>,
        %parallel_loop3A_253 = arith.constant 2 : i32
        %parallel_loop3A_254 = arith.index_cast %parallel_loop3A_253 : i32 to index
        %parallel_loop3A_255 = arith.index_cast %parallel_loop3A_140 : i32 to index
        %parallel_loop3A_256 = arith.constant 112 : index
        %parallel_loop3A_257 = tpu.vector_load %arg6[%parallel_loop3A_254, %parallel_loop3A_255, %parallel_loop3A_256] {strides = array<i32>} : memref<4x50x128xf32, #tpu.memory_space<vmem>>, vector<1x1x16xf32>,
        %parallel_loop3A_258 = vector.shape_cast %parallel_loop3A_257 : vector<1x1x16xf32> to vector<16xf32>
        %parallel_loop3A_259 = arith.constant 11.3137083 : f32
        %parallel_loop3A_260 = vector.broadcast %parallel_loop3A_259 : f32 to vector<16xf32>
        %parallel_loop3A_261 = arith.mulf %parallel_loop3A_258, %parallel_loop3A_260 : vector<16xf32>
        %parallel_loop3A_262 = arith.constant 2 : i32
        %parallel_loop3A_263 = arith.index_cast %parallel_loop3A_262 : i32 to index
        %parallel_loop3A_264 = arith.index_cast %parallel_loop3A_140 : i32 to index
        %parallel_loop3A_265 = arith.constant 112 : index
        %parallel_loop3A_266 = tpu.vector_load %arg6[%parallel_loop3A_263, %parallel_loop3A_264, %parallel_loop3A_265] {strides = array<i32>} : memref<4x50x128xf32, #tpu.memory_space<vmem>>, vector<1x1x16xf32>,
        %parallel_loop3A_267 = vector.shape_cast %parallel_loop3A_266 : vector<1x1x16xf32> to vector<16xf32>
        %parallel_loop3A_268 = vector.shape_cast %parallel_loop3A_261 : vector<16xf32> to vector<1x1x16xf32>
        tpu.vector_store %arg6[%parallel_loop3A_263, %parallel_loop3A_264, %parallel_loop3A_265], %parallel_loop3A_268 {strides = array<i32>} : memref<4x50x128xf32, #tpu.memory_space<vmem>>, vector<1x1x16xf32>,
      } {sc.loop_unroll_factor = 10 : i64, sc.parallel_access}
      %parallel_loop3A_87 = arith.constant 0 : i32
      %parallel_loop3A_88 = arith.constant 50 : i32
      %parallel_loop3A_89 = arith.constant 1 : i32
      scf.for %parallel_loop3A_140 = %parallel_loop3A_87 to %parallel_loop3A_88 step %parallel_loop3A_89  : i32 {
        %parallel_loop3A_141 = arith.constant 3 : i32
        %parallel_loop3A_142 = arith.index_cast %parallel_loop3A_141 : i32 to index
        %parallel_loop3A_143 = arith.index_cast %parallel_loop3A_140 : i32 to index
        %parallel_loop3A_144 = arith.constant 0 : index
        %parallel_loop3A_145 = tpu.vector_load %arg6[%parallel_loop3A_142, %parallel_loop3A_143, %parallel_loop3A_144] {strides = array<i32>} : memref<4x50x128xf32, #tpu.memory_space<vmem>>, vector<1x1x16xf32>,
        %parallel_loop3A_146 = vector.shape_cast %parallel_loop3A_145 : vector<1x1x16xf32> to vector<16xf32>
        %parallel_loop3A_147 = arith.constant 11.3137083 : f32
        %parallel_loop3A_148 = vector.broadcast %parallel_loop3A_147 : f32 to vector<16xf32>
        %parallel_loop3A_149 = arith.mulf %parallel_loop3A_146, %parallel_loop3A_148 : vector<16xf32>
        %parallel_loop3A_150 = arith.constant 3 : i32
        %parallel_loop3A_151 = arith.index_cast %parallel_loop3A_150 : i32 to index
        %parallel_loop3A_152 = arith.index_cast %parallel_loop3A_140 : i32 to index
        %parallel_loop3A_153 = arith.constant 0 : index
        %parallel_loop3A_154 = tpu.vector_load %arg6[%parallel_loop3A_151, %parallel_loop3A_152, %parallel_loop3A_153] {strides = array<i32>} : memref<4x50x128xf32, #tpu.memory_space<vmem>>, vector<1x1x16xf32>,
        %parallel_loop3A_155 = vector.shape_cast %parallel_loop3A_154 : vector<1x1x16xf32> to vector<16xf32>
        %parallel_loop3A_156 = vector.shape_cast %parallel_loop3A_149 : vector<16xf32> to vector<1x1x16xf32>
        tpu.vector_store %arg6[%parallel_loop3A_151, %parallel_loop3A_152, %parallel_loop3A_153], %parallel_loop3A_156 {strides = array<i32>} : memref<4x50x128xf32, #tpu.memory_space<vmem>>, vector<1x1x16xf32>,
        %parallel_loop3A_157 = arith.constant 3 : i32
        %parallel_loop3A_158 = arith.index_cast %parallel_loop3A_157 : i32 to index
        %parallel_loop3A_159 = arith.index_cast %parallel_loop3A_140 : i32 to index
        %parallel_loop3A_160 = arith.constant 16 : index
        %parallel_loop3A_161 = tpu.vector_load %arg6[%parallel_loop3A_158, %parallel_loop3A_159, %parallel_loop3A_160] {strides = array<i32>} : memref<4x50x128xf32, #tpu.memory_space<vmem>>, vector<1x1x16xf32>,
        %parallel_loop3A_162 = vector.shape_cast %parallel_loop3A_161 : vector<1x1x16xf32> to vector<16xf32>
        %parallel_loop3A_163 = arith.constant 11.3137083 : f32
        %parallel_loop3A_164 = vector.broadcast %parallel_loop3A_163 : f32 to vector<16xf32>
        %parallel_loop3A_165 = arith.mulf %parallel_loop3A_162, %parallel_loop3A_164 : vector<16xf32>
        %parallel_loop3A_166 = arith.constant 3 : i32
        %parallel_loop3A_167 = arith.index_cast %parallel_loop3A_166 : i32 to index
        %parallel_loop3A_168 = arith.index_cast %parallel_loop3A_140 : i32 to index
        %parallel_loop3A_169 = arith.constant 16 : index
        %parallel_loop3A_170 = tpu.vector_load %arg6[%parallel_loop3A_167, %parallel_loop3A_168, %parallel_loop3A_169] {strides = array<i32>} : memref<4x50x128xf32, #tpu.memory_space<vmem>>, vector<1x1x16xf32>,
        %parallel_loop3A_171 = vector.shape_cast %parallel_loop3A_170 : vector<1x1x16xf32> to vector<16xf32>
        %parallel_loop3A_172 = vector.shape_cast %parallel_loop3A_165 : vector<16xf32> to vector<1x1x16xf32>
        tpu.vector_store %arg6[%parallel_loop3A_167, %parallel_loop3A_168, %parallel_loop3A_169], %parallel_loop3A_172 {strides = array<i32>} : memref<4x50x128xf32, #tpu.memory_space<vmem>>, vector<1x1x16xf32>,
        %parallel_loop3A_173 = arith.constant 3 : i32
        %parallel_loop3A_174 = arith.index_cast %parallel_loop3A_173 : i32 to index
        %parallel_loop3A_175 = arith.index_cast %parallel_loop3A_140 : i32 to index
        %parallel_loop3A_176 = arith.constant 32 : index
        %parallel_loop3A_177 = tpu.vector_load %arg6[%parallel_loop3A_174, %parallel_loop3A_175, %parallel_loop3A_176] {strides = array<i32>} : memref<4x50x128xf32, #tpu.memory_space<vmem>>, vector<1x1x16xf32>,
        %parallel_loop3A_178 = vector.shape_cast %parallel_loop3A_177 : vector<1x1x16xf32> to vector<16xf32>
        %parallel_loop3A_179 = arith.constant 11.3137083 : f32
        %parallel_loop3A_180 = vector.broadcast %parallel_loop3A_179 : f32 to vector<16xf32>
        %parallel_loop3A_181 = arith.mulf %parallel_loop3A_178, %parallel_loop3A_180 : vector<16xf32>
        %parallel_loop3A_182 = arith.constant 3 : i32
        %parallel_loop3A_183 = arith.index_cast %parallel_loop3A_182 : i32 to index
        %parallel_loop3A_184 = arith.index_cast %parallel_loop3A_140 : i32 to index
        %parallel_loop3A_185 = arith.constant 32 : index
        %parallel_loop3A_186 = tpu.vector_load %arg6[%parallel_loop3A_183, %parallel_loop3A_184, %parallel_loop3A_185] {strides = array<i32>} : memref<4x50x128xf32, #tpu.memory_space<vmem>>, vector<1x1x16xf32>,
        %parallel_loop3A_187 = vector.shape_cast %parallel_loop3A_186 : vector<1x1x16xf32> to vector<16xf32>
        %parallel_loop3A_188 = vector.shape_cast %parallel_loop3A_181 : vector<16xf32> to vector<1x1x16xf32>
        tpu.vector_store %arg6[%parallel_loop3A_183, %parallel_loop3A_184, %parallel_loop3A_185], %parallel_loop3A_188 {strides = array<i32>} : memref<4x50x128xf32, #tpu.memory_space<vmem>>, vector<1x1x16xf32>,
        %parallel_loop3A_189 = arith.constant 3 : i32
        %parallel_loop3A_190 = arith.index_cast %parallel_loop3A_189 : i32 to index
        %parallel_loop3A_191 = arith.index_cast %parallel_loop3A_140 : i32 to index
        %parallel_loop3A_192 = arith.constant 48 : index
        %parallel_loop3A_193 = tpu.vector_load %arg6[%parallel_loop3A_190, %parallel_loop3A_191, %parallel_loop3A_192] {strides = array<i32>} : memref<4x50x128xf32, #tpu.memory_space<vmem>>, vector<1x1x16xf32>,
        %parallel_loop3A_194 = vector.shape_cast %parallel_loop3A_193 : vector<1x1x16xf32> to vector<16xf32>
        %parallel_loop3A_195 = arith.constant 11.3137083 : f32
        %parallel_loop3A_196 = vector.broadcast %parallel_loop3A_195 : f32 to vector<16xf32>
        %parallel_loop3A_197 = arith.mulf %parallel_loop3A_194, %parallel_loop3A_196 : vector<16xf32>
        %parallel_loop3A_198 = arith.constant 3 : i32
        %parallel_loop3A_199 = arith.index_cast %parallel_loop3A_198 : i32 to index
        %parallel_loop3A_200 = arith.index_cast %parallel_loop3A_140 : i32 to index
        %parallel_loop3A_201 = arith.constant 48 : index
        %parallel_loop3A_202 = tpu.vector_load %arg6[%parallel_loop3A_199, %parallel_loop3A_200, %parallel_loop3A_201] {strides = array<i32>} : memref<4x50x128xf32, #tpu.memory_space<vmem>>, vector<1x1x16xf32>,
        %parallel_loop3A_203 = vector.shape_cast %parallel_loop3A_202 : vector<1x1x16xf32> to vector<16xf32>
        %parallel_loop3A_204 = vector.shape_cast %parallel_loop3A_197 : vector<16xf32> to vector<1x1x16xf32>
        tpu.vector_store %arg6[%parallel_loop3A_199, %parallel_loop3A_200, %parallel_loop3A_201], %parallel_loop3A_204 {strides = array<i32>} : memref<4x50x128xf32, #tpu.memory_space<vmem>>, vector<1x1x16xf32>,
        %parallel_loop3A_205 = arith.constant 3 : i32
        %parallel_loop3A_206 = arith.index_cast %parallel_loop3A_205 : i32 to index
        %parallel_loop3A_207 = arith.index_cast %parallel_loop3A_140 : i32 to index
        %parallel_loop3A_208 = arith.constant 64 : index
        %parallel_loop3A_209 = tpu.vector_load %arg6[%parallel_loop3A_206, %parallel_loop3A_207, %parallel_loop3A_208] {strides = array<i32>} : memref<4x50x128xf32, #tpu.memory_space<vmem>>, vector<1x1x16xf32>,
        %parallel_loop3A_210 = vector.shape_cast %parallel_loop3A_209 : vector<1x1x16xf32> to vector<16xf32>
        %parallel_loop3A_211 = arith.constant 11.3137083 : f32
        %parallel_loop3A_212 = vector.broadcast %parallel_loop3A_211 : f32 to vector<16xf32>
        %parallel_loop3A_213 = arith.mulf %parallel_loop3A_210, %parallel_loop3A_212 : vector<16xf32>
        %parallel_loop3A_214 = arith.constant 3 : i32
        %parallel_loop3A_215 = arith.index_cast %parallel_loop3A_214 : i32 to index
        %parallel_loop3A_216 = arith.index_cast %parallel_loop3A_140 : i32 to index
        %parallel_loop3A_217 = arith.constant 64 : index
        %parallel_loop3A_218 = tpu.vector_load %arg6[%parallel_loop3A_215, %parallel_loop3A_216, %parallel_loop3A_217] {strides = array<i32>} : memref<4x50x128xf32, #tpu.memory_space<vmem>>, vector<1x1x16xf32>,
        %parallel_loop3A_219 = vector.shape_cast %parallel_loop3A_218 : vector<1x1x16xf32> to vector<16xf32>
        %parallel_loop3A_220 = vector.shape_cast %parallel_loop3A_213 : vector<16xf32> to vector<1x1x16xf32>
        tpu.vector_store %arg6[%parallel_loop3A_215, %parallel_loop3A_216, %parallel_loop3A_217], %parallel_loop3A_220 {strides = array<i32>} : memref<4x50x128xf32, #tpu.memory_space<vmem>>, vector<1x1x16xf32>,
        %parallel_loop3A_221 = arith.constant 3 : i32
        %parallel_loop3A_222 = arith.index_cast %parallel_loop3A_221 : i32 to index
        %parallel_loop3A_223 = arith.index_cast %parallel_loop3A_140 : i32 to index
        %parallel_loop3A_224 = arith.constant 80 : index
        %parallel_loop3A_225 = tpu.vector_load %arg6[%parallel_loop3A_222, %parallel_loop3A_223, %parallel_loop3A_224] {strides = array<i32>} : memref<4x50x128xf32, #tpu.memory_space<vmem>>, vector<1x1x16xf32>,
        %parallel_loop3A_226 = vector.shape_cast %parallel_loop3A_225 : vector<1x1x16xf32> to vector<16xf32>
        %parallel_loop3A_227 = arith.constant 11.3137083 : f32
        %parallel_loop3A_228 = vector.broadcast %parallel_loop3A_227 : f32 to vector<16xf32>
        %parallel_loop3A_229 = arith.mulf %parallel_loop3A_226, %parallel_loop3A_228 : vector<16xf32>
        %parallel_loop3A_230 = arith.constant 3 : i32
        %parallel_loop3A_231 = arith.index_cast %parallel_loop3A_230 : i32 to index
        %parallel_loop3A_232 = arith.index_cast %parallel_loop3A_140 : i32 to index
        %parallel_loop3A_233 = arith.constant 80 : index
        %parallel_loop3A_234 = tpu.vector_load %arg6[%parallel_loop3A_231, %parallel_loop3A_232, %parallel_loop3A_233] {strides = array<i32>} : memref<4x50x128xf32, #tpu.memory_space<vmem>>, vector<1x1x16xf32>,
        %parallel_loop3A_235 = vector.shape_cast %parallel_loop3A_234 : vector<1x1x16xf32> to vector<16xf32>
        %parallel_loop3A_236 = vector.shape_cast %parallel_loop3A_229 : vector<16xf32> to vector<1x1x16xf32>
        tpu.vector_store %arg6[%parallel_loop3A_231, %parallel_loop3A_232, %parallel_loop3A_233], %parallel_loop3A_236 {strides = array<i32>} : memref<4x50x128xf32, #tpu.memory_space<vmem>>, vector<1x1x16xf32>,
        %parallel_loop3A_237 = arith.constant 3 : i32
        %parallel_loop3A_238 = arith.index_cast %parallel_loop3A_237 : i32 to index
        %parallel_loop3A_239 = arith.index_cast %parallel_loop3A_140 : i32 to index
        %parallel_loop3A_240 = arith.constant 96 : index
        %parallel_loop3A_241 = tpu.vector_load %arg6[%parallel_loop3A_238, %parallel_loop3A_239, %parallel_loop3A_240] {strides = array<i32>} : memref<4x50x128xf32, #tpu.memory_space<vmem>>, vector<1x1x16xf32>,
        %parallel_loop3A_242 = vector.shape_cast %parallel_loop3A_241 : vector<1x1x16xf32> to vector<16xf32>
        %parallel_loop3A_243 = arith.constant 11.3137083 : f32
        %parallel_loop3A_244 = vector.broadcast %parallel_loop3A_243 : f32 to vector<16xf32>
        %parallel_loop3A_245 = arith.mulf %parallel_loop3A_242, %parallel_loop3A_244 : vector<16xf32>
        %parallel_loop3A_246 = arith.constant 3 : i32
        %parallel_loop3A_247 = arith.index_cast %parallel_loop3A_246 : i32 to index
        %parallel_loop3A_248 = arith.index_cast %parallel_loop3A_140 : i32 to index
        %parallel_loop3A_249 = arith.constant 96 : index
        %parallel_loop3A_250 = tpu.vector_load %arg6[%parallel_loop3A_247, %parallel_loop3A_248, %parallel_loop3A_249] {strides = array<i32>} : memref<4x50x128xf32, #tpu.memory_space<vmem>>, vector<1x1x16xf32>,
        %parallel_loop3A_251 = vector.shape_cast %parallel_loop3A_250 : vector<1x1x16xf32> to vector<16xf32>
        %parallel_loop3A_252 = vector.shape_cast %parallel_loop3A_245 : vector<16xf32> to vector<1x1x16xf32>
        tpu.vector_store %arg6[%parallel_loop3A_247, %parallel_loop3A_248, %parallel_loop3A_249], %parallel_loop3A_252 {strides = array<i32>} : memref<4x50x128xf32, #tpu.memory_space<vmem>>, vector<1x1x16xf32>,
        %parallel_loop3A_253 = arith.constant 3 : i32
        %parallel_loop3A_254 = arith.index_cast %parallel_loop3A_253 : i32 to index
        %parallel_loop3A_255 = arith.index_cast %parallel_loop3A_140 : i32 to index
        %parallel_loop3A_256 = arith.constant 112 : index
        %parallel_loop3A_257 = tpu.vector_load %arg6[%parallel_loop3A_254, %parallel_loop3A_255, %parallel_loop3A_256] {strides = array<i32>} : memref<4x50x128xf32, #tpu.memory_space<vmem>>, vector<1x1x16xf32>,
        %parallel_loop3A_258 = vector.shape_cast %parallel_loop3A_257 : vector<1x1x16xf32> to vector<16xf32>
        %parallel_loop3A_259 = arith.constant 11.3137083 : f32
        %parallel_loop3A_260 = vector.broadcast %parallel_loop3A_259 : f32 to vector<16xf32>
        %parallel_loop3A_261 = arith.mulf %parallel_loop3A_258, %parallel_loop3A_260 : vector<16xf32>
        %parallel_loop3A_262 = arith.constant 3 : i32
        %parallel_loop3A_263 = arith.index_cast %parallel_loop3A_262 : i32 to index
        %parallel_loop3A_264 = arith.index_cast %parallel_loop3A_140 : i32 to index
        %parallel_loop3A_265 = arith.constant 112 : index
        %parallel_loop3A_266 = tpu.vector_load %arg6[%parallel_loop3A_263, %parallel_loop3A_264, %parallel_loop3A_265] {strides = array<i32>} : memref<4x50x128xf32, #tpu.memory_space<vmem>>, vector<1x1x16xf32>,
        %parallel_loop3A_267 = vector.shape_cast %parallel_loop3A_266 : vector<1x1x16xf32> to vector<16xf32>
        %parallel_loop3A_268 = vector.shape_cast %parallel_loop3A_261 : vector<16xf32> to vector<1x1x16xf32>
        tpu.vector_store %arg6[%parallel_loop3A_263, %parallel_loop3A_264, %parallel_loop3A_265], %parallel_loop3A_268 {strides = array<i32>} : memref<4x50x128xf32, #tpu.memory_space<vmem>>, vector<1x1x16xf32>,
      } {sc.loop_unroll_factor = 10 : i64, sc.parallel_access}
      %mul3A_90 = arith.constant 4 : i32
      %mul3A_91 = arith.muli %add3A_64, %mul3A_90 : i32
      %add3A_92 = arith.addi %mul3A_2, %mul3A_91 : i32
      %dma_start3A_93 = arith.constant 0 : i32
      %dma_start3A_94 = arith.constant 0 : i32
      %dma_start3A_95 = tpu.memref_slice %arg4[%add3A_92, %dma_start3A_93, %dma_start3A_94] : memref<4096x50x128xf32, #tpu.memory_space<hbm>> -> memref<4x50x128xf32, #tpu.memory_space<hbm>>
      %dma_start3A_96 = arith.constant 0 : i32
      %dma_start3A_97 = arith.constant 0 : i32
      %dma_start3A_98 = tpu.memref_slice %arg4[%add3A_92, %dma_start3A_96, %dma_start3A_97] : memref<4096x50x128xf32, #tpu.memory_space<hbm>> -> memref<4x50x128xf32, #tpu.memory_space<hbm>>
      tpu.enqueue_dma source(%arg6 : memref<4x50x128xf32, #tpu.memory_space<vmem>>) target(%dma_start3A_98 : memref<4x50x128xf32, #tpu.memory_space<hbm>>) target_semaphore(%arg10 : memref<!tpu.dma_semaphore, #tpu.memory_space<semaphore_mem>>)
      %add3A_99 = arith.constant 1 : i32
      %add3A_100 = arith.addi %mul3A_62, %add3A_99 : i32
      %dma_wait3A_101 = arith.constant 0 : i32
      %dma_wait3A_102 = arith.constant 0 : i32
      %dma_wait3A_103 = tpu.memref_slice %arg4[%mul3A_2, %dma_wait3A_101, %dma_wait3A_102] : memref<4096x50x128xf32, #tpu.memory_space<hbm>> -> memref<4x50x128xf32, #tpu.memory_space<hbm>>
      %dma_wait3A_104 = arith.constant 0 : i32
      %dma_wait3A_105 = arith.constant 0 : i32
      %dma_wait3A_106 = tpu.memref_slice %arg4[%mul3A_2, %dma_wait3A_104, %dma_wait3A_105] : memref<4096x50x128xf32, #tpu.memory_space<hbm>> -> memref<4x50x128xf32, #tpu.memory_space<hbm>>
      tpu.wait_dma2 semaphore(%arg9 : memref<!tpu.dma_semaphore, #tpu.memory_space<semaphore_mem>>) src(%dma_wait3A_106 : memref<4x50x128xf32, #tpu.memory_space<hbm>>) dst(%arg7 : memref<4x50x128xf32, #tpu.memory_space<vmem>>)
      %ge3A_107 = arith.constant 1 : i32
      %ge3A_108 = arith.cmpi sge, %add3A_100, %ge3A_107 : i32
      %convert_element_type3A_109 = arith.extui %ge3A_108 : i1 to i32
      %cond3A_110 = arith.constant 0 : i32
      %cond3A_111 = arith.cmpi ne, %convert_element_type3A_109, %cond3A_110 : i32
      scf.if %cond3A_111 {
        %dma_wait3A_140 = arith.constant 0 : i32
        %dma_wait3A_141 = arith.constant 0 : i32
        %dma_wait3A_142 = tpu.memref_slice %arg4[%mul3A_2, %dma_wait3A_140, %dma_wait3A_141] : memref<4096x50x128xf32, #tpu.memory_space<hbm>> -> memref<4x50x128xf32, #tpu.memory_space<hbm>>
        %dma_wait3A_143 = arith.constant 0 : i32
        %dma_wait3A_144 = arith.constant 0 : i32
        %dma_wait3A_145 = tpu.memref_slice %arg4[%mul3A_2, %dma_wait3A_143, %dma_wait3A_144] : memref<4096x50x128xf32, #tpu.memory_space<hbm>> -> memref<4x50x128xf32, #tpu.memory_space<hbm>>
        tpu.wait_dma2 semaphore(%arg10 : memref<!tpu.dma_semaphore, #tpu.memory_space<semaphore_mem>>) src(%arg6 : memref<4x50x128xf32, #tpu.memory_space<vmem>>) dst(%dma_wait3A_145 : memref<4x50x128xf32, #tpu.memory_space<hbm>>)
      } else {
      }
      %add3A_112 = arith.constant 1 : i32
      %add3A_113 = arith.addi %add3A_100, %add3A_112 : i32
      %lt3A_114 = arith.constant 32 : i32
      %lt3A_115 = arith.cmpi slt, %add3A_113, %lt3A_114 : i32
      %convert_element_type3A_116 = arith.extui %lt3A_115 : i1 to i32
      %cond3A_117 = arith.constant 0 : i32
      %cond3A_118 = arith.cmpi ne, %convert_element_type3A_116, %cond3A_117 : i32
      scf.if %cond3A_118 {
        %add3A_140 = arith.constant 1 : i32
        %add3A_141 = arith.addi %add3A_100, %add3A_140 : i32
        %mul3A_142 = arith.constant 4 : i32
        %mul3A_143 = arith.muli %add3A_141, %mul3A_142 : i32
        %add3A_144 = arith.constant 0 : i32
        %add3A_145 = arith.addi %mul3A_143, %add3A_144 : i32
        %dma_start3A_146 = arith.constant 0 : i32
        %dma_start3A_147 = arith.constant 0 : i32
        %dma_start3A_148 = arith.constant 0 : i32
        %dma_start3A_149 = tpu.memref_slice %arg6[%dma_start3A_146, %dma_start3A_147, %dma_start3A_148] : memref<4x50x128xf32, #tpu.memory_space<vmem>> -> memref<1x50x128xf32, #tpu.memory_space<vmem>>
        %dma_start3A_150 = tpu.memref_squeeze %dma_start3A_149 : memref<1x50x128xf32, #tpu.memory_space<vmem>> -> memref<50x128xf32, #tpu.memory_space<vmem>>
        %dma_start3A_151 = arith.constant 0 : i32
        %dma_start3A_152 = tpu.memref_slice %arg5[%add3A_145, %dma_start3A_151] : memref<128x50xi32, #tpu.memory_space<vmem>> -> memref<1x50xi32, #tpu.memory_space<vmem>>
        %dma_start3A_153 = tpu.memref_squeeze %dma_start3A_152 : memref<1x50xi32, #tpu.memory_space<vmem>> -> memref<50xi32, #tpu.memory_space<vmem>>
        %dma_start3A_154 = arith.constant 0 : i32
        %dma_start3A_155 = arith.constant 0 : i32
        %dma_start3A_156 = tpu.memref_slice %arg3[%dma_start3A_154, %dma_start3A_155] : memref<100000x128xf32, #tpu.memory_space<hbm>> -> memref<100000x128xf32, #tpu.memory_space<hbm>>
        tpu.enqueue_indirect_dma source(%dma_start3A_156 : memref<100000x128xf32, #tpu.memory_space<hbm>>) target(%dma_start3A_150 : memref<50x128xf32, #tpu.memory_space<vmem>>) offsets(%dma_start3A_153 : memref<50xi32, #tpu.memory_space<vmem>>) semaphore(%arg8 : memref<!tpu.dma_semaphore, #tpu.memory_space<semaphore_mem>>)
        %mul3A_157 = arith.constant 4 : i32
        %mul3A_158 = arith.muli %add3A_141, %mul3A_157 : i32
        %add3A_159 = arith.constant 1 : i32
        %add3A_160 = arith.addi %mul3A_158, %add3A_159 : i32
        %dma_start3A_161 = arith.constant 1 : i32
        %dma_start3A_162 = arith.constant 0 : i32
        %dma_start3A_163 = arith.constant 0 : i32
        %dma_start3A_164 = tpu.memref_slice %arg6[%dma_start3A_161, %dma_start3A_162, %dma_start3A_163] : memref<4x50x128xf32, #tpu.memory_space<vmem>> -> memref<1x50x128xf32, #tpu.memory_space<vmem>>
        %dma_start3A_165 = tpu.memref_squeeze %dma_start3A_164 : memref<1x50x128xf32, #tpu.memory_space<vmem>> -> memref<50x128xf32, #tpu.memory_space<vmem>>
        %dma_start3A_166 = arith.constant 0 : i32
        %dma_start3A_167 = tpu.memref_slice %arg5[%add3A_160, %dma_start3A_166] : memref<128x50xi32, #tpu.memory_space<vmem>> -> memref<1x50xi32, #tpu.memory_space<vmem>>
        %dma_start3A_168 = tpu.memref_squeeze %dma_start3A_167 : memref<1x50xi32, #tpu.memory_space<vmem>> -> memref<50xi32, #tpu.memory_space<vmem>>
        %dma_start3A_169 = arith.constant 0 : i32
        %dma_start3A_170 = arith.constant 0 : i32
        %dma_start3A_171 = tpu.memref_slice %arg3[%dma_start3A_169, %dma_start3A_170] : memref<100000x128xf32, #tpu.memory_space<hbm>> -> memref<100000x128xf32, #tpu.memory_space<hbm>>
        tpu.enqueue_indirect_dma source(%dma_start3A_171 : memref<100000x128xf32, #tpu.memory_space<hbm>>) target(%dma_start3A_165 : memref<50x128xf32, #tpu.memory_space<vmem>>) offsets(%dma_start3A_168 : memref<50xi32, #tpu.memory_space<vmem>>) semaphore(%arg8 : memref<!tpu.dma_semaphore, #tpu.memory_space<semaphore_mem>>)
        %mul3A_172 = arith.constant 4 : i32
        %mul3A_173 = arith.muli %add3A_141, %mul3A_172 : i32
        %add3A_174 = arith.constant 2 : i32
        %add3A_175 = arith.addi %mul3A_173, %add3A_174 : i32
        %dma_start3A_176 = arith.constant 2 : i32
        %dma_start3A_177 = arith.constant 0 : i32
        %dma_start3A_178 = arith.constant 0 : i32
        %dma_start3A_179 = tpu.memref_slice %arg6[%dma_start3A_176, %dma_start3A_177, %dma_start3A_178] : memref<4x50x128xf32, #tpu.memory_space<vmem>> -> memref<1x50x128xf32, #tpu.memory_space<vmem>>
        %dma_start3A_180 = tpu.memref_squeeze %dma_start3A_179 : memref<1x50x128xf32, #tpu.memory_space<vmem>> -> memref<50x128xf32, #tpu.memory_space<vmem>>
        %dma_start3A_181 = arith.constant 0 : i32
        %dma_start3A_182 = tpu.memref_slice %arg5[%add3A_175, %dma_start3A_181] : memref<128x50xi32, #tpu.memory_space<vmem>> -> memref<1x50xi32, #tpu.memory_space<vmem>>
        %dma_start3A_183 = tpu.memref_squeeze %dma_start3A_182 : memref<1x50xi32, #tpu.memory_space<vmem>> -> memref<50xi32, #tpu.memory_space<vmem>>
        %dma_start3A_184 = arith.constant 0 : i32
        %dma_start3A_185 = arith.constant 0 : i32
        %dma_start3A_186 = tpu.memref_slice %arg3[%dma_start3A_184, %dma_start3A_185] : memref<100000x128xf32, #tpu.memory_space<hbm>> -> memref<100000x128xf32, #tpu.memory_space<hbm>>
        tpu.enqueue_indirect_dma source(%dma_start3A_186 : memref<100000x128xf32, #tpu.memory_space<hbm>>) target(%dma_start3A_180 : memref<50x128xf32, #tpu.memory_space<vmem>>) offsets(%dma_start3A_183 : memref<50xi32, #tpu.memory_space<vmem>>) semaphore(%arg8 : memref<!tpu.dma_semaphore, #tpu.memory_space<semaphore_mem>>)
        %mul3A_187 = arith.constant 4 : i32
        %mul3A_188 = arith.muli %add3A_141, %mul3A_187 : i32
        %add3A_189 = arith.constant 3 : i32
        %add3A_190 = arith.addi %mul3A_188, %add3A_189 : i32
        %dma_start3A_191 = arith.constant 3 : i32
        %dma_start3A_192 = arith.constant 0 : i32
        %dma_start3A_193 = arith.constant 0 : i32
        %dma_start3A_194 = tpu.memref_slice %arg6[%dma_start3A_191, %dma_start3A_192, %dma_start3A_193] : memref<4x50x128xf32, #tpu.memory_space<vmem>> -> memref<1x50x128xf32, #tpu.memory_space<vmem>>
        %dma_start3A_195 = tpu.memref_squeeze %dma_start3A_194 : memref<1x50x128xf32, #tpu.memory_space<vmem>> -> memref<50x128xf32, #tpu.memory_space<vmem>>
        %dma_start3A_196 = arith.constant 0 : i32
        %dma_start3A_197 = tpu.memref_slice %arg5[%add3A_190, %dma_start3A_196] : memref<128x50xi32, #tpu.memory_space<vmem>> -> memref<1x50xi32, #tpu.memory_space<vmem>>
        %dma_start3A_198 = tpu.memref_squeeze %dma_start3A_197 : memref<1x50xi32, #tpu.memory_space<vmem>> -> memref<50xi32, #tpu.memory_space<vmem>>
        %dma_start3A_199 = arith.constant 0 : i32
        %dma_start3A_200 = arith.constant 0 : i32
        %dma_start3A_201 = tpu.memref_slice %arg3[%dma_start3A_199, %dma_start3A_200] : memref<100000x128xf32, #tpu.memory_space<hbm>> -> memref<100000x128xf32, #tpu.memory_space<hbm>>
        tpu.enqueue_indirect_dma source(%dma_start3A_201 : memref<100000x128xf32, #tpu.memory_space<hbm>>) target(%dma_start3A_195 : memref<50x128xf32, #tpu.memory_space<vmem>>) offsets(%dma_start3A_198 : memref<50xi32, #tpu.memory_space<vmem>>) semaphore(%arg8 : memref<!tpu.dma_semaphore, #tpu.memory_space<semaphore_mem>>)
      } else {
      }
      %parallel_loop3A_119 = arith.constant 0 : i32
      %parallel_loop3A_120 = arith.constant 50 : i32
      %parallel_loop3A_121 = arith.constant 1 : i32
      scf.for %parallel_loop3A_140 = %parallel_loop3A_119 to %parallel_loop3A_120 step %parallel_loop3A_121  : i32 {
        %parallel_loop3A_141 = arith.constant 0 : i32
        %parallel_loop3A_142 = arith.index_cast %parallel_loop3A_141 : i32 to index
        %parallel_loop3A_143 = arith.index_cast %parallel_loop3A_140 : i32 to index
        %parallel_loop3A_144 = arith.constant 0 : index
        %parallel_loop3A_145 = tpu.vector_load %arg7[%parallel_loop3A_142, %parallel_loop3A_143, %parallel_loop3A_144] {strides = array<i32>} : memref<4x50x128xf32, #tpu.memory_space<vmem>>, vector<1x1x16xf32>,
        %parallel_loop3A_146 = vector.shape_cast %parallel_loop3A_145 : vector<1x1x16xf32> to vector<16xf32>
        %parallel_loop3A_147 = arith.constant 11.3137083 : f32
        %parallel_loop3A_148 = vector.broadcast %parallel_loop3A_147 : f32 to vector<16xf32>
        %parallel_loop3A_149 = arith.mulf %parallel_loop3A_146, %parallel_loop3A_148 : vector<16xf32>
        %parallel_loop3A_150 = arith.constant 0 : i32
        %parallel_loop3A_151 = arith.index_cast %parallel_loop3A_150 : i32 to index
        %parallel_loop3A_152 = arith.index_cast %parallel_loop3A_140 : i32 to index
        %parallel_loop3A_153 = arith.constant 0 : index
        %parallel_loop3A_154 = tpu.vector_load %arg7[%parallel_loop3A_151, %parallel_loop3A_152, %parallel_loop3A_153] {strides = array<i32>} : memref<4x50x128xf32, #tpu.memory_space<vmem>>, vector<1x1x16xf32>,
        %parallel_loop3A_155 = vector.shape_cast %parallel_loop3A_154 : vector<1x1x16xf32> to vector<16xf32>
        %parallel_loop3A_156 = vector.shape_cast %parallel_loop3A_149 : vector<16xf32> to vector<1x1x16xf32>
        tpu.vector_store %arg7[%parallel_loop3A_151, %parallel_loop3A_152, %parallel_loop3A_153], %parallel_loop3A_156 {strides = array<i32>} : memref<4x50x128xf32, #tpu.memory_space<vmem>>, vector<1x1x16xf32>,
        %parallel_loop3A_157 = arith.constant 0 : i32
        %parallel_loop3A_158 = arith.index_cast %parallel_loop3A_157 : i32 to index
        %parallel_loop3A_159 = arith.index_cast %parallel_loop3A_140 : i32 to index
        %parallel_loop3A_160 = arith.constant 16 : index
        %parallel_loop3A_161 = tpu.vector_load %arg7[%parallel_loop3A_158, %parallel_loop3A_159, %parallel_loop3A_160] {strides = array<i32>} : memref<4x50x128xf32, #tpu.memory_space<vmem>>, vector<1x1x16xf32>,
        %parallel_loop3A_162 = vector.shape_cast %parallel_loop3A_161 : vector<1x1x16xf32> to vector<16xf32>
        %parallel_loop3A_163 = arith.constant 11.3137083 : f32
        %parallel_loop3A_164 = vector.broadcast %parallel_loop3A_163 : f32 to vector<16xf32>
        %parallel_loop3A_165 = arith.mulf %parallel_loop3A_162, %parallel_loop3A_164 : vector<16xf32>
        %parallel_loop3A_166 = arith.constant 0 : i32
        %parallel_loop3A_167 = arith.index_cast %parallel_loop3A_166 : i32 to index
        %parallel_loop3A_168 = arith.index_cast %parallel_loop3A_140 : i32 to index
        %parallel_loop3A_169 = arith.constant 16 : index
        %parallel_loop3A_170 = tpu.vector_load %arg7[%parallel_loop3A_167, %parallel_loop3A_168, %parallel_loop3A_169] {strides = array<i32>} : memref<4x50x128xf32, #tpu.memory_space<vmem>>, vector<1x1x16xf32>,
        %parallel_loop3A_171 = vector.shape_cast %parallel_loop3A_170 : vector<1x1x16xf32> to vector<16xf32>
        %parallel_loop3A_172 = vector.shape_cast %parallel_loop3A_165 : vector<16xf32> to vector<1x1x16xf32>
        tpu.vector_store %arg7[%parallel_loop3A_167, %parallel_loop3A_168, %parallel_loop3A_169], %parallel_loop3A_172 {strides = array<i32>} : memref<4x50x128xf32, #tpu.memory_space<vmem>>, vector<1x1x16xf32>,
        %parallel_loop3A_173 = arith.constant 0 : i32
        %parallel_loop3A_174 = arith.index_cast %parallel_loop3A_173 : i32 to index
        %parallel_loop3A_175 = arith.index_cast %parallel_loop3A_140 : i32 to index
        %parallel_loop3A_176 = arith.constant 32 : index
        %parallel_loop3A_177 = tpu.vector_load %arg7[%parallel_loop3A_174, %parallel_loop3A_175, %parallel_loop3A_176] {strides = array<i32>} : memref<4x50x128xf32, #tpu.memory_space<vmem>>, vector<1x1x16xf32>,
        %parallel_loop3A_178 = vector.shape_cast %parallel_loop3A_177 : vector<1x1x16xf32> to vector<16xf32>
        %parallel_loop3A_179 = arith.constant 11.3137083 : f32
        %parallel_loop3A_180 = vector.broadcast %parallel_loop3A_179 : f32 to vector<16xf32>
        %parallel_loop3A_181 = arith.mulf %parallel_loop3A_178, %parallel_loop3A_180 : vector<16xf32>
        %parallel_loop3A_182 = arith.constant 0 : i32
        %parallel_loop3A_183 = arith.index_cast %parallel_loop3A_182 : i32 to index
        %parallel_loop3A_184 = arith.index_cast %parallel_loop3A_140 : i32 to index
        %parallel_loop3A_185 = arith.constant 32 : index
        %parallel_loop3A_186 = tpu.vector_load %arg7[%parallel_loop3A_183, %parallel_loop3A_184, %parallel_loop3A_185] {strides = array<i32>} : memref<4x50x128xf32, #tpu.memory_space<vmem>>, vector<1x1x16xf32>,
        %parallel_loop3A_187 = vector.shape_cast %parallel_loop3A_186 : vector<1x1x16xf32> to vector<16xf32>
        %parallel_loop3A_188 = vector.shape_cast %parallel_loop3A_181 : vector<16xf32> to vector<1x1x16xf32>
        tpu.vector_store %arg7[%parallel_loop3A_183, %parallel_loop3A_184, %parallel_loop3A_185], %parallel_loop3A_188 {strides = array<i32>} : memref<4x50x128xf32, #tpu.memory_space<vmem>>, vector<1x1x16xf32>,
        %parallel_loop3A_189 = arith.constant 0 : i32
        %parallel_loop3A_190 = arith.index_cast %parallel_loop3A_189 : i32 to index
        %parallel_loop3A_191 = arith.index_cast %parallel_loop3A_140 : i32 to index
        %parallel_loop3A_192 = arith.constant 48 : index
        %parallel_loop3A_193 = tpu.vector_load %arg7[%parallel_loop3A_190, %parallel_loop3A_191, %parallel_loop3A_192] {strides = array<i32>} : memref<4x50x128xf32, #tpu.memory_space<vmem>>, vector<1x1x16xf32>,
        %parallel_loop3A_194 = vector.shape_cast %parallel_loop3A_193 : vector<1x1x16xf32> to vector<16xf32>
        %parallel_loop3A_195 = arith.constant 11.3137083 : f32
        %parallel_loop3A_196 = vector.broadcast %parallel_loop3A_195 : f32 to vector<16xf32>
        %parallel_loop3A_197 = arith.mulf %parallel_loop3A_194, %parallel_loop3A_196 : vector<16xf32>
        %parallel_loop3A_198 = arith.constant 0 : i32
        %parallel_loop3A_199 = arith.index_cast %parallel_loop3A_198 : i32 to index
        %parallel_loop3A_200 = arith.index_cast %parallel_loop3A_140 : i32 to index
        %parallel_loop3A_201 = arith.constant 48 : index
        %parallel_loop3A_202 = tpu.vector_load %arg7[%parallel_loop3A_199, %parallel_loop3A_200, %parallel_loop3A_201] {strides = array<i32>} : memref<4x50x128xf32, #tpu.memory_space<vmem>>, vector<1x1x16xf32>,
        %parallel_loop3A_203 = vector.shape_cast %parallel_loop3A_202 : vector<1x1x16xf32> to vector<16xf32>
        %parallel_loop3A_204 = vector.shape_cast %parallel_loop3A_197 : vector<16xf32> to vector<1x1x16xf32>
        tpu.vector_store %arg7[%parallel_loop3A_199, %parallel_loop3A_200, %parallel_loop3A_201], %parallel_loop3A_204 {strides = array<i32>} : memref<4x50x128xf32, #tpu.memory_space<vmem>>, vector<1x1x16xf32>,
        %parallel_loop3A_205 = arith.constant 0 : i32
        %parallel_loop3A_206 = arith.index_cast %parallel_loop3A_205 : i32 to index
        %parallel_loop3A_207 = arith.index_cast %parallel_loop3A_140 : i32 to index
        %parallel_loop3A_208 = arith.constant 64 : index
        %parallel_loop3A_209 = tpu.vector_load %arg7[%parallel_loop3A_206, %parallel_loop3A_207, %parallel_loop3A_208] {strides = array<i32>} : memref<4x50x128xf32, #tpu.memory_space<vmem>>, vector<1x1x16xf32>,
        %parallel_loop3A_210 = vector.shape_cast %parallel_loop3A_209 : vector<1x1x16xf32> to vector<16xf32>
        %parallel_loop3A_211 = arith.constant 11.3137083 : f32
        %parallel_loop3A_212 = vector.broadcast %parallel_loop3A_211 : f32 to vector<16xf32>
        %parallel_loop3A_213 = arith.mulf %parallel_loop3A_210, %parallel_loop3A_212 : vector<16xf32>
        %parallel_loop3A_214 = arith.constant 0 : i32
        %parallel_loop3A_215 = arith.index_cast %parallel_loop3A_214 : i32 to index
        %parallel_loop3A_216 = arith.index_cast %parallel_loop3A_140 : i32 to index
        %parallel_loop3A_217 = arith.constant 64 : index
        %parallel_loop3A_218 = tpu.vector_load %arg7[%parallel_loop3A_215, %parallel_loop3A_216, %parallel_loop3A_217] {strides = array<i32>} : memref<4x50x128xf32, #tpu.memory_space<vmem>>, vector<1x1x16xf32>,
        %parallel_loop3A_219 = vector.shape_cast %parallel_loop3A_218 : vector<1x1x16xf32> to vector<16xf32>
        %parallel_loop3A_220 = vector.shape_cast %parallel_loop3A_213 : vector<16xf32> to vector<1x1x16xf32>
        tpu.vector_store %arg7[%parallel_loop3A_215, %parallel_loop3A_216, %parallel_loop3A_217], %parallel_loop3A_220 {strides = array<i32>} : memref<4x50x128xf32, #tpu.memory_space<vmem>>, vector<1x1x16xf32>,
        %parallel_loop3A_221 = arith.constant 0 : i32
        %parallel_loop3A_222 = arith.index_cast %parallel_loop3A_221 : i32 to index
        %parallel_loop3A_223 = arith.index_cast %parallel_loop3A_140 : i32 to index
        %parallel_loop3A_224 = arith.constant 80 : index
        %parallel_loop3A_225 = tpu.vector_load %arg7[%parallel_loop3A_222, %parallel_loop3A_223, %parallel_loop3A_224] {strides = array<i32>} : memref<4x50x128xf32, #tpu.memory_space<vmem>>, vector<1x1x16xf32>,
        %parallel_loop3A_226 = vector.shape_cast %parallel_loop3A_225 : vector<1x1x16xf32> to vector<16xf32>
        %parallel_loop3A_227 = arith.constant 11.3137083 : f32
        %parallel_loop3A_228 = vector.broadcast %parallel_loop3A_227 : f32 to vector<16xf32>
        %parallel_loop3A_229 = arith.mulf %parallel_loop3A_226, %parallel_loop3A_228 : vector<16xf32>
        %parallel_loop3A_230 = arith.constant 0 : i32
        %parallel_loop3A_231 = arith.index_cast %parallel_loop3A_230 : i32 to index
        %parallel_loop3A_232 = arith.index_cast %parallel_loop3A_140 : i32 to index
        %parallel_loop3A_233 = arith.constant 80 : index
        %parallel_loop3A_234 = tpu.vector_load %arg7[%parallel_loop3A_231, %parallel_loop3A_232, %parallel_loop3A_233] {strides = array<i32>} : memref<4x50x128xf32, #tpu.memory_space<vmem>>, vector<1x1x16xf32>,
        %parallel_loop3A_235 = vector.shape_cast %parallel_loop3A_234 : vector<1x1x16xf32> to vector<16xf32>
        %parallel_loop3A_236 = vector.shape_cast %parallel_loop3A_229 : vector<16xf32> to vector<1x1x16xf32>
        tpu.vector_store %arg7[%parallel_loop3A_231, %parallel_loop3A_232, %parallel_loop3A_233], %parallel_loop3A_236 {strides = array<i32>} : memref<4x50x128xf32, #tpu.memory_space<vmem>>, vector<1x1x16xf32>,
        %parallel_loop3A_237 = arith.constant 0 : i32
        %parallel_loop3A_238 = arith.index_cast %parallel_loop3A_237 : i32 to index
        %parallel_loop3A_239 = arith.index_cast %parallel_loop3A_140 : i32 to index
        %parallel_loop3A_240 = arith.constant 96 : index
        %parallel_loop3A_241 = tpu.vector_load %arg7[%parallel_loop3A_238, %parallel_loop3A_239, %parallel_loop3A_240] {strides = array<i32>} : memref<4x50x128xf32, #tpu.memory_space<vmem>>, vector<1x1x16xf32>,
        %parallel_loop3A_242 = vector.shape_cast %parallel_loop3A_241 : vector<1x1x16xf32> to vector<16xf32>
        %parallel_loop3A_243 = arith.constant 11.3137083 : f32
        %parallel_loop3A_244 = vector.broadcast %parallel_loop3A_243 : f32 to vector<16xf32>
        %parallel_loop3A_245 = arith.mulf %parallel_loop3A_242, %parallel_loop3A_244 : vector<16xf32>
        %parallel_loop3A_246 = arith.constant 0 : i32
        %parallel_loop3A_247 = arith.index_cast %parallel_loop3A_246 : i32 to index
        %parallel_loop3A_248 = arith.index_cast %parallel_loop3A_140 : i32 to index
        %parallel_loop3A_249 = arith.constant 96 : index
        %parallel_loop3A_250 = tpu.vector_load %arg7[%parallel_loop3A_247, %parallel_loop3A_248, %parallel_loop3A_249] {strides = array<i32>} : memref<4x50x128xf32, #tpu.memory_space<vmem>>, vector<1x1x16xf32>,
        %parallel_loop3A_251 = vector.shape_cast %parallel_loop3A_250 : vector<1x1x16xf32> to vector<16xf32>
        %parallel_loop3A_252 = vector.shape_cast %parallel_loop3A_245 : vector<16xf32> to vector<1x1x16xf32>
        tpu.vector_store %arg7[%parallel_loop3A_247, %parallel_loop3A_248, %parallel_loop3A_249], %parallel_loop3A_252 {strides = array<i32>} : memref<4x50x128xf32, #tpu.memory_space<vmem>>, vector<1x1x16xf32>,
        %parallel_loop3A_253 = arith.constant 0 : i32
        %parallel_loop3A_254 = arith.index_cast %parallel_loop3A_253 : i32 to index
        %parallel_loop3A_255 = arith.index_cast %parallel_loop3A_140 : i32 to index
        %parallel_loop3A_256 = arith.constant 112 : index
        %parallel_loop3A_257 = tpu.vector_load %arg7[%parallel_loop3A_254, %parallel_loop3A_255, %parallel_loop3A_256] {strides = array<i32>} : memref<4x50x128xf32, #tpu.memory_space<vmem>>, vector<1x1x16xf32>,
        %parallel_loop3A_258 = vector.shape_cast %parallel_loop3A_257 : vector<1x1x16xf32> to vector<16xf32>
        %parallel_loop3A_259 = arith.constant 11.3137083 : f32
        %parallel_loop3A_260 = vector.broadcast %parallel_loop3A_259 : f32 to vector<16xf32>
        %parallel_loop3A_261 = arith.mulf %parallel_loop3A_258, %parallel_loop3A_260 : vector<16xf32>
        %parallel_loop3A_262 = arith.constant 0 : i32
        %parallel_loop3A_263 = arith.index_cast %parallel_loop3A_262 : i32 to index
        %parallel_loop3A_264 = arith.index_cast %parallel_loop3A_140 : i32 to index
        %parallel_loop3A_265 = arith.constant 112 : index
        %parallel_loop3A_266 = tpu.vector_load %arg7[%parallel_loop3A_263, %parallel_loop3A_264, %parallel_loop3A_265] {strides = array<i32>} : memref<4x50x128xf32, #tpu.memory_space<vmem>>, vector<1x1x16xf32>,
        %parallel_loop3A_267 = vector.shape_cast %parallel_loop3A_266 : vector<1x1x16xf32> to vector<16xf32>
        %parallel_loop3A_268 = vector.shape_cast %parallel_loop3A_261 : vector<16xf32> to vector<1x1x16xf32>
        tpu.vector_store %arg7[%parallel_loop3A_263, %parallel_loop3A_264, %parallel_loop3A_265], %parallel_loop3A_268 {strides = array<i32>} : memref<4x50x128xf32, #tpu.memory_space<vmem>>, vector<1x1x16xf32>,
      } {sc.loop_unroll_factor = 10 : i64, sc.parallel_access}
      %parallel_loop3A_122 = arith.constant 0 : i32
      %parallel_loop3A_123 = arith.constant 50 : i32
      %parallel_loop3A_124 = arith.constant 1 : i32
      scf.for %parallel_loop3A_140 = %parallel_loop3A_122 to %parallel_loop3A_123 step %parallel_loop3A_124  : i32 {
        %parallel_loop3A_141 = arith.constant 1 : i32
        %parallel_loop3A_142 = arith.index_cast %parallel_loop3A_141 : i32 to index
        %parallel_loop3A_143 = arith.index_cast %parallel_loop3A_140 : i32 to index
        %parallel_loop3A_144 = arith.constant 0 : index
        %parallel_loop3A_145 = tpu.vector_load %arg7[%parallel_loop3A_142, %parallel_loop3A_143, %parallel_loop3A_144] {strides = array<i32>} : memref<4x50x128xf32, #tpu.memory_space<vmem>>, vector<1x1x16xf32>,
        %parallel_loop3A_146 = vector.shape_cast %parallel_loop3A_145 : vector<1x1x16xf32> to vector<16xf32>
        %parallel_loop3A_147 = arith.constant 11.3137083 : f32
        %parallel_loop3A_148 = vector.broadcast %parallel_loop3A_147 : f32 to vector<16xf32>
        %parallel_loop3A_149 = arith.mulf %parallel_loop3A_146, %parallel_loop3A_148 : vector<16xf32>
        %parallel_loop3A_150 = arith.constant 1 : i32
        %parallel_loop3A_151 = arith.index_cast %parallel_loop3A_150 : i32 to index
        %parallel_loop3A_152 = arith.index_cast %parallel_loop3A_140 : i32 to index
        %parallel_loop3A_153 = arith.constant 0 : index
        %parallel_loop3A_154 = tpu.vector_load %arg7[%parallel_loop3A_151, %parallel_loop3A_152, %parallel_loop3A_153] {strides = array<i32>} : memref<4x50x128xf32, #tpu.memory_space<vmem>>, vector<1x1x16xf32>,
        %parallel_loop3A_155 = vector.shape_cast %parallel_loop3A_154 : vector<1x1x16xf32> to vector<16xf32>
        %parallel_loop3A_156 = vector.shape_cast %parallel_loop3A_149 : vector<16xf32> to vector<1x1x16xf32>
        tpu.vector_store %arg7[%parallel_loop3A_151, %parallel_loop3A_152, %parallel_loop3A_153], %parallel_loop3A_156 {strides = array<i32>} : memref<4x50x128xf32, #tpu.memory_space<vmem>>, vector<1x1x16xf32>,
        %parallel_loop3A_157 = arith.constant 1 : i32
        %parallel_loop3A_158 = arith.index_cast %parallel_loop3A_157 : i32 to index
        %parallel_loop3A_159 = arith.index_cast %parallel_loop3A_140 : i32 to index
        %parallel_loop3A_160 = arith.constant 16 : index
        %parallel_loop3A_161 = tpu.vector_load %arg7[%parallel_loop3A_158, %parallel_loop3A_159, %parallel_loop3A_160] {strides = array<i32>} : memref<4x50x128xf32, #tpu.memory_space<vmem>>, vector<1x1x16xf32>,
        %parallel_loop3A_162 = vector.shape_cast %parallel_loop3A_161 : vector<1x1x16xf32> to vector<16xf32>
        %parallel_loop3A_163 = arith.constant 11.3137083 : f32
        %parallel_loop3A_164 = vector.broadcast %parallel_loop3A_163 : f32 to vector<16xf32>
        %parallel_loop3A_165 = arith.mulf %parallel_loop3A_162, %parallel_loop3A_164 : vector<16xf32>
        %parallel_loop3A_166 = arith.constant 1 : i32
        %parallel_loop3A_167 = arith.index_cast %parallel_loop3A_166 : i32 to index
        %parallel_loop3A_168 = arith.index_cast %parallel_loop3A_140 : i32 to index
        %parallel_loop3A_169 = arith.constant 16 : index
        %parallel_loop3A_170 = tpu.vector_load %arg7[%parallel_loop3A_167, %parallel_loop3A_168, %parallel_loop3A_169] {strides = array<i32>} : memref<4x50x128xf32, #tpu.memory_space<vmem>>, vector<1x1x16xf32>,
        %parallel_loop3A_171 = vector.shape_cast %parallel_loop3A_170 : vector<1x1x16xf32> to vector<16xf32>
        %parallel_loop3A_172 = vector.shape_cast %parallel_loop3A_165 : vector<16xf32> to vector<1x1x16xf32>
        tpu.vector_store %arg7[%parallel_loop3A_167, %parallel_loop3A_168, %parallel_loop3A_169], %parallel_loop3A_172 {strides = array<i32>} : memref<4x50x128xf32, #tpu.memory_space<vmem>>, vector<1x1x16xf32>,
        %parallel_loop3A_173 = arith.constant 1 : i32
        %parallel_loop3A_174 = arith.index_cast %parallel_loop3A_173 : i32 to index
        %parallel_loop3A_175 = arith.index_cast %parallel_loop3A_140 : i32 to index
        %parallel_loop3A_176 = arith.constant 32 : index
        %parallel_loop3A_177 = tpu.vector_load %arg7[%parallel_loop3A_174, %parallel_loop3A_175, %parallel_loop3A_176] {strides = array<i32>} : memref<4x50x128xf32, #tpu.memory_space<vmem>>, vector<1x1x16xf32>,
        %parallel_loop3A_178 = vector.shape_cast %parallel_loop3A_177 : vector<1x1x16xf32> to vector<16xf32>
        %parallel_loop3A_179 = arith.constant 11.3137083 : f32
        %parallel_loop3A_180 = vector.broadcast %parallel_loop3A_179 : f32 to vector<16xf32>
        %parallel_loop3A_181 = arith.mulf %parallel_loop3A_178, %parallel_loop3A_180 : vector<16xf32>
        %parallel_loop3A_182 = arith.constant 1 : i32
        %parallel_loop3A_183 = arith.index_cast %parallel_loop3A_182 : i32 to index
        %parallel_loop3A_184 = arith.index_cast %parallel_loop3A_140 : i32 to index
        %parallel_loop3A_185 = arith.constant 32 : index
        %parallel_loop3A_186 = tpu.vector_load %arg7[%parallel_loop3A_183, %parallel_loop3A_184, %parallel_loop3A_185] {strides = array<i32>} : memref<4x50x128xf32, #tpu.memory_space<vmem>>, vector<1x1x16xf32>,
        %parallel_loop3A_187 = vector.shape_cast %parallel_loop3A_186 : vector<1x1x16xf32> to vector<16xf32>
        %parallel_loop3A_188 = vector.shape_cast %parallel_loop3A_181 : vector<16xf32> to vector<1x1x16xf32>
        tpu.vector_store %arg7[%parallel_loop3A_183, %parallel_loop3A_184, %parallel_loop3A_185], %parallel_loop3A_188 {strides = array<i32>} : memref<4x50x128xf32, #tpu.memory_space<vmem>>, vector<1x1x16xf32>,
        %parallel_loop3A_189 = arith.constant 1 : i32
        %parallel_loop3A_190 = arith.index_cast %parallel_loop3A_189 : i32 to index
        %parallel_loop3A_191 = arith.index_cast %parallel_loop3A_140 : i32 to index
        %parallel_loop3A_192 = arith.constant 48 : index
        %parallel_loop3A_193 = tpu.vector_load %arg7[%parallel_loop3A_190, %parallel_loop3A_191, %parallel_loop3A_192] {strides = array<i32>} : memref<4x50x128xf32, #tpu.memory_space<vmem>>, vector<1x1x16xf32>,
        %parallel_loop3A_194 = vector.shape_cast %parallel_loop3A_193 : vector<1x1x16xf32> to vector<16xf32>
        %parallel_loop3A_195 = arith.constant 11.3137083 : f32
        %parallel_loop3A_196 = vector.broadcast %parallel_loop3A_195 : f32 to vector<16xf32>
        %parallel_loop3A_197 = arith.mulf %parallel_loop3A_194, %parallel_loop3A_196 : vector<16xf32>
        %parallel_loop3A_198 = arith.constant 1 : i32
        %parallel_loop3A_199 = arith.index_cast %parallel_loop3A_198 : i32 to index
        %parallel_loop3A_200 = arith.index_cast %parallel_loop3A_140 : i32 to index
        %parallel_loop3A_201 = arith.constant 48 : index
        %parallel_loop3A_202 = tpu.vector_load %arg7[%parallel_loop3A_199, %parallel_loop3A_200, %parallel_loop3A_201] {strides = array<i32>} : memref<4x50x128xf32, #tpu.memory_space<vmem>>, vector<1x1x16xf32>,
        %parallel_loop3A_203 = vector.shape_cast %parallel_loop3A_202 : vector<1x1x16xf32> to vector<16xf32>
        %parallel_loop3A_204 = vector.shape_cast %parallel_loop3A_197 : vector<16xf32> to vector<1x1x16xf32>
        tpu.vector_store %arg7[%parallel_loop3A_199, %parallel_loop3A_200, %parallel_loop3A_201], %parallel_loop3A_204 {strides = array<i32>} : memref<4x50x128xf32, #tpu.memory_space<vmem>>, vector<1x1x16xf32>,
        %parallel_loop3A_205 = arith.constant 1 : i32
        %parallel_loop3A_206 = arith.index_cast %parallel_loop3A_205 : i32 to index
        %parallel_loop3A_207 = arith.index_cast %parallel_loop3A_140 : i32 to index
        %parallel_loop3A_208 = arith.constant 64 : index
        %parallel_loop3A_209 = tpu.vector_load %arg7[%parallel_loop3A_206, %parallel_loop3A_207, %parallel_loop3A_208] {strides = array<i32>} : memref<4x50x128xf32, #tpu.memory_space<vmem>>, vector<1x1x16xf32>,
        %parallel_loop3A_210 = vector.shape_cast %parallel_loop3A_209 : vector<1x1x16xf32> to vector<16xf32>
        %parallel_loop3A_211 = arith.constant 11.3137083 : f32
        %parallel_loop3A_212 = vector.broadcast %parallel_loop3A_211 : f32 to vector<16xf32>
        %parallel_loop3A_213 = arith.mulf %parallel_loop3A_210, %parallel_loop3A_212 : vector<16xf32>
        %parallel_loop3A_214 = arith.constant 1 : i32
        %parallel_loop3A_215 = arith.index_cast %parallel_loop3A_214 : i32 to index
        %parallel_loop3A_216 = arith.index_cast %parallel_loop3A_140 : i32 to index
        %parallel_loop3A_217 = arith.constant 64 : index
        %parallel_loop3A_218 = tpu.vector_load %arg7[%parallel_loop3A_215, %parallel_loop3A_216, %parallel_loop3A_217] {strides = array<i32>} : memref<4x50x128xf32, #tpu.memory_space<vmem>>, vector<1x1x16xf32>,
        %parallel_loop3A_219 = vector.shape_cast %parallel_loop3A_218 : vector<1x1x16xf32> to vector<16xf32>
        %parallel_loop3A_220 = vector.shape_cast %parallel_loop3A_213 : vector<16xf32> to vector<1x1x16xf32>
        tpu.vector_store %arg7[%parallel_loop3A_215, %parallel_loop3A_216, %parallel_loop3A_217], %parallel_loop3A_220 {strides = array<i32>} : memref<4x50x128xf32, #tpu.memory_space<vmem>>, vector<1x1x16xf32>,
        %parallel_loop3A_221 = arith.constant 1 : i32
        %parallel_loop3A_222 = arith.index_cast %parallel_loop3A_221 : i32 to index
        %parallel_loop3A_223 = arith.index_cast %parallel_loop3A_140 : i32 to index
        %parallel_loop3A_224 = arith.constant 80 : index
        %parallel_loop3A_225 = tpu.vector_load %arg7[%parallel_loop3A_222, %parallel_loop3A_223, %parallel_loop3A_224] {strides = array<i32>} : memref<4x50x128xf32, #tpu.memory_space<vmem>>, vector<1x1x16xf32>,
        %parallel_loop3A_226 = vector.shape_cast %parallel_loop3A_225 : vector<1x1x16xf32> to vector<16xf32>
        %parallel_loop3A_227 = arith.constant 11.3137083 : f32
        %parallel_loop3A_228 = vector.broadcast %parallel_loop3A_227 : f32 to vector<16xf32>
        %parallel_loop3A_229 = arith.mulf %parallel_loop3A_226, %parallel_loop3A_228 : vector<16xf32>
        %parallel_loop3A_230 = arith.constant 1 : i32
        %parallel_loop3A_231 = arith.index_cast %parallel_loop3A_230 : i32 to index
        %parallel_loop3A_232 = arith.index_cast %parallel_loop3A_140 : i32 to index
        %parallel_loop3A_233 = arith.constant 80 : index
        %parallel_loop3A_234 = tpu.vector_load %arg7[%parallel_loop3A_231, %parallel_loop3A_232, %parallel_loop3A_233] {strides = array<i32>} : memref<4x50x128xf32, #tpu.memory_space<vmem>>, vector<1x1x16xf32>,
        %parallel_loop3A_235 = vector.shape_cast %parallel_loop3A_234 : vector<1x1x16xf32> to vector<16xf32>
        %parallel_loop3A_236 = vector.shape_cast %parallel_loop3A_229 : vector<16xf32> to vector<1x1x16xf32>
        tpu.vector_store %arg7[%parallel_loop3A_231, %parallel_loop3A_232, %parallel_loop3A_233], %parallel_loop3A_236 {strides = array<i32>} : memref<4x50x128xf32, #tpu.memory_space<vmem>>, vector<1x1x16xf32>,
        %parallel_loop3A_237 = arith.constant 1 : i32
        %parallel_loop3A_238 = arith.index_cast %parallel_loop3A_237 : i32 to index
        %parallel_loop3A_239 = arith.index_cast %parallel_loop3A_140 : i32 to index
        %parallel_loop3A_240 = arith.constant 96 : index
        %parallel_loop3A_241 = tpu.vector_load %arg7[%parallel_loop3A_238, %parallel_loop3A_239, %parallel_loop3A_240] {strides = array<i32>} : memref<4x50x128xf32, #tpu.memory_space<vmem>>, vector<1x1x16xf32>,
        %parallel_loop3A_242 = vector.shape_cast %parallel_loop3A_241 : vector<1x1x16xf32> to vector<16xf32>
        %parallel_loop3A_243 = arith.constant 11.3137083 : f32
        %parallel_loop3A_244 = vector.broadcast %parallel_loop3A_243 : f32 to vector<16xf32>
        %parallel_loop3A_245 = arith.mulf %parallel_loop3A_242, %parallel_loop3A_244 : vector<16xf32>
        %parallel_loop3A_246 = arith.constant 1 : i32
        %parallel_loop3A_247 = arith.index_cast %parallel_loop3A_246 : i32 to index
        %parallel_loop3A_248 = arith.index_cast %parallel_loop3A_140 : i32 to index
        %parallel_loop3A_249 = arith.constant 96 : index
        %parallel_loop3A_250 = tpu.vector_load %arg7[%parallel_loop3A_247, %parallel_loop3A_248, %parallel_loop3A_249] {strides = array<i32>} : memref<4x50x128xf32, #tpu.memory_space<vmem>>, vector<1x1x16xf32>,
        %parallel_loop3A_251 = vector.shape_cast %parallel_loop3A_250 : vector<1x1x16xf32> to vector<16xf32>
        %parallel_loop3A_252 = vector.shape_cast %parallel_loop3A_245 : vector<16xf32> to vector<1x1x16xf32>
        tpu.vector_store %arg7[%parallel_loop3A_247, %parallel_loop3A_248, %parallel_loop3A_249], %parallel_loop3A_252 {strides = array<i32>} : memref<4x50x128xf32, #tpu.memory_space<vmem>>, vector<1x1x16xf32>,
        %parallel_loop3A_253 = arith.constant 1 : i32
        %parallel_loop3A_254 = arith.index_cast %parallel_loop3A_253 : i32 to index
        %parallel_loop3A_255 = arith.index_cast %parallel_loop3A_140 : i32 to index
        %parallel_loop3A_256 = arith.constant 112 : index
        %parallel_loop3A_257 = tpu.vector_load %arg7[%parallel_loop3A_254, %parallel_loop3A_255, %parallel_loop3A_256] {strides = array<i32>} : memref<4x50x128xf32, #tpu.memory_space<vmem>>, vector<1x1x16xf32>,
        %parallel_loop3A_258 = vector.shape_cast %parallel_loop3A_257 : vector<1x1x16xf32> to vector<16xf32>
        %parallel_loop3A_259 = arith.constant 11.3137083 : f32
        %parallel_loop3A_260 = vector.broadcast %parallel_loop3A_259 : f32 to vector<16xf32>
        %parallel_loop3A_261 = arith.mulf %parallel_loop3A_258, %parallel_loop3A_260 : vector<16xf32>
        %parallel_loop3A_262 = arith.constant 1 : i32
        %parallel_loop3A_263 = arith.index_cast %parallel_loop3A_262 : i32 to index
        %parallel_loop3A_264 = arith.index_cast %parallel_loop3A_140 : i32 to index
        %parallel_loop3A_265 = arith.constant 112 : index
        %parallel_loop3A_266 = tpu.vector_load %arg7[%parallel_loop3A_263, %parallel_loop3A_264, %parallel_loop3A_265] {strides = array<i32>} : memref<4x50x128xf32, #tpu.memory_space<vmem>>, vector<1x1x16xf32>,
        %parallel_loop3A_267 = vector.shape_cast %parallel_loop3A_266 : vector<1x1x16xf32> to vector<16xf32>
        %parallel_loop3A_268 = vector.shape_cast %parallel_loop3A_261 : vector<16xf32> to vector<1x1x16xf32>
        tpu.vector_store %arg7[%parallel_loop3A_263, %parallel_loop3A_264, %parallel_loop3A_265], %parallel_loop3A_268 {strides = array<i32>} : memref<4x50x128xf32, #tpu.memory_space<vmem>>, vector<1x1x16xf32>,
      } {sc.loop_unroll_factor = 10 : i64, sc.parallel_access}
      %parallel_loop3A_125 = arith.constant 0 : i32
      %parallel_loop3A_126 = arith.constant 50 : i32
      %parallel_loop3A_127 = arith.constant 1 : i32
      scf.for %parallel_loop3A_140 = %parallel_loop3A_125 to %parallel_loop3A_126 step %parallel_loop3A_127  : i32 {
        %parallel_loop3A_141 = arith.constant 2 : i32
        %parallel_loop3A_142 = arith.index_cast %parallel_loop3A_141 : i32 to index
        %parallel_loop3A_143 = arith.index_cast %parallel_loop3A_140 : i32 to index
        %parallel_loop3A_144 = arith.constant 0 : index
        %parallel_loop3A_145 = tpu.vector_load %arg7[%parallel_loop3A_142, %parallel_loop3A_143, %parallel_loop3A_144] {strides = array<i32>} : memref<4x50x128xf32, #tpu.memory_space<vmem>>, vector<1x1x16xf32>,
        %parallel_loop3A_146 = vector.shape_cast %parallel_loop3A_145 : vector<1x1x16xf32> to vector<16xf32>
        %parallel_loop3A_147 = arith.constant 11.3137083 : f32
        %parallel_loop3A_148 = vector.broadcast %parallel_loop3A_147 : f32 to vector<16xf32>
        %parallel_loop3A_149 = arith.mulf %parallel_loop3A_146, %parallel_loop3A_148 : vector<16xf32>
        %parallel_loop3A_150 = arith.constant 2 : i32
        %parallel_loop3A_151 = arith.index_cast %parallel_loop3A_150 : i32 to index
        %parallel_loop3A_152 = arith.index_cast %parallel_loop3A_140 : i32 to index
        %parallel_loop3A_153 = arith.constant 0 : index
        %parallel_loop3A_154 = tpu.vector_load %arg7[%parallel_loop3A_151, %parallel_loop3A_152, %parallel_loop3A_153] {strides = array<i32>} : memref<4x50x128xf32, #tpu.memory_space<vmem>>, vector<1x1x16xf32>,
        %parallel_loop3A_155 = vector.shape_cast %parallel_loop3A_154 : vector<1x1x16xf32> to vector<16xf32>
        %parallel_loop3A_156 = vector.shape_cast %parallel_loop3A_149 : vector<16xf32> to vector<1x1x16xf32>
        tpu.vector_store %arg7[%parallel_loop3A_151, %parallel_loop3A_152, %parallel_loop3A_153], %parallel_loop3A_156 {strides = array<i32>} : memref<4x50x128xf32, #tpu.memory_space<vmem>>, vector<1x1x16xf32>,
        %parallel_loop3A_157 = arith.constant 2 : i32
        %parallel_loop3A_158 = arith.index_cast %parallel_loop3A_157 : i32 to index
        %parallel_loop3A_159 = arith.index_cast %parallel_loop3A_140 : i32 to index
        %parallel_loop3A_160 = arith.constant 16 : index
        %parallel_loop3A_161 = tpu.vector_load %arg7[%parallel_loop3A_158, %parallel_loop3A_159, %parallel_loop3A_160] {strides = array<i32>} : memref<4x50x128xf32, #tpu.memory_space<vmem>>, vector<1x1x16xf32>,
        %parallel_loop3A_162 = vector.shape_cast %parallel_loop3A_161 : vector<1x1x16xf32> to vector<16xf32>
        %parallel_loop3A_163 = arith.constant 11.3137083 : f32
        %parallel_loop3A_164 = vector.broadcast %parallel_loop3A_163 : f32 to vector<16xf32>
        %parallel_loop3A_165 = arith.mulf %parallel_loop3A_162, %parallel_loop3A_164 : vector<16xf32>
        %parallel_loop3A_166 = arith.constant 2 : i32
        %parallel_loop3A_167 = arith.index_cast %parallel_loop3A_166 : i32 to index
        %parallel_loop3A_168 = arith.index_cast %parallel_loop3A_140 : i32 to index
        %parallel_loop3A_169 = arith.constant 16 : index
        %parallel_loop3A_170 = tpu.vector_load %arg7[%parallel_loop3A_167, %parallel_loop3A_168, %parallel_loop3A_169] {strides = array<i32>} : memref<4x50x128xf32, #tpu.memory_space<vmem>>, vector<1x1x16xf32>,
        %parallel_loop3A_171 = vector.shape_cast %parallel_loop3A_170 : vector<1x1x16xf32> to vector<16xf32>
        %parallel_loop3A_172 = vector.shape_cast %parallel_loop3A_165 : vector<16xf32> to vector<1x1x16xf32>
        tpu.vector_store %arg7[%parallel_loop3A_167, %parallel_loop3A_168, %parallel_loop3A_169], %parallel_loop3A_172 {strides = array<i32>} : memref<4x50x128xf32, #tpu.memory_space<vmem>>, vector<1x1x16xf32>,
        %parallel_loop3A_173 = arith.constant 2 : i32
        %parallel_loop3A_174 = arith.index_cast %parallel_loop3A_173 : i32 to index
        %parallel_loop3A_175 = arith.index_cast %parallel_loop3A_140 : i32 to index
        %parallel_loop3A_176 = arith.constant 32 : index
        %parallel_loop3A_177 = tpu.vector_load %arg7[%parallel_loop3A_174, %parallel_loop3A_175, %parallel_loop3A_176] {strides = array<i32>} : memref<4x50x128xf32, #tpu.memory_space<vmem>>, vector<1x1x16xf32>,
        %parallel_loop3A_178 = vector.shape_cast %parallel_loop3A_177 : vector<1x1x16xf32> to vector<16xf32>
        %parallel_loop3A_179 = arith.constant 11.3137083 : f32
        %parallel_loop3A_180 = vector.broadcast %parallel_loop3A_179 : f32 to vector<16xf32>
        %parallel_loop3A_181 = arith.mulf %parallel_loop3A_178, %parallel_loop3A_180 : vector<16xf32>
        %parallel_loop3A_182 = arith.constant 2 : i32
        %parallel_loop3A_183 = arith.index_cast %parallel_loop3A_182 : i32 to index
        %parallel_loop3A_184 = arith.index_cast %parallel_loop3A_140 : i32 to index
        %parallel_loop3A_185 = arith.constant 32 : index
        %parallel_loop3A_186 = tpu.vector_load %arg7[%parallel_loop3A_183, %parallel_loop3A_184, %parallel_loop3A_185] {strides = array<i32>} : memref<4x50x128xf32, #tpu.memory_space<vmem>>, vector<1x1x16xf32>,
        %parallel_loop3A_187 = vector.shape_cast %parallel_loop3A_186 : vector<1x1x16xf32> to vector<16xf32>
        %parallel_loop3A_188 = vector.shape_cast %parallel_loop3A_181 : vector<16xf32> to vector<1x1x16xf32>
        tpu.vector_store %arg7[%parallel_loop3A_183, %parallel_loop3A_184, %parallel_loop3A_185], %parallel_loop3A_188 {strides = array<i32>} : memref<4x50x128xf32, #tpu.memory_space<vmem>>, vector<1x1x16xf32>,
        %parallel_loop3A_189 = arith.constant 2 : i32
        %parallel_loop3A_190 = arith.index_cast %parallel_loop3A_189 : i32 to index
        %parallel_loop3A_191 = arith.index_cast %parallel_loop3A_140 : i32 to index
        %parallel_loop3A_192 = arith.constant 48 : index
        %parallel_loop3A_193 = tpu.vector_load %arg7[%parallel_loop3A_190, %parallel_loop3A_191, %parallel_loop3A_192] {strides = array<i32>} : memref<4x50x128xf32, #tpu.memory_space<vmem>>, vector<1x1x16xf32>,
        %parallel_loop3A_194 = vector.shape_cast %parallel_loop3A_193 : vector<1x1x16xf32> to vector<16xf32>
        %parallel_loop3A_195 = arith.constant 11.3137083 : f32
        %parallel_loop3A_196 = vector.broadcast %parallel_loop3A_195 : f32 to vector<16xf32>
        %parallel_loop3A_197 = arith.mulf %parallel_loop3A_194, %parallel_loop3A_196 : vector<16xf32>
        %parallel_loop3A_198 = arith.constant 2 : i32
        %parallel_loop3A_199 = arith.index_cast %parallel_loop3A_198 : i32 to index
        %parallel_loop3A_200 = arith.index_cast %parallel_loop3A_140 : i32 to index
        %parallel_loop3A_201 = arith.constant 48 : index
        %parallel_loop3A_202 = tpu.vector_load %arg7[%parallel_loop3A_199, %parallel_loop3A_200, %parallel_loop3A_201] {strides = array<i32>} : memref<4x50x128xf32, #tpu.memory_space<vmem>>, vector<1x1x16xf32>,
        %parallel_loop3A_203 = vector.shape_cast %parallel_loop3A_202 : vector<1x1x16xf32> to vector<16xf32>
        %parallel_loop3A_204 = vector.shape_cast %parallel_loop3A_197 : vector<16xf32> to vector<1x1x16xf32>
        tpu.vector_store %arg7[%parallel_loop3A_199, %parallel_loop3A_200, %parallel_loop3A_201], %parallel_loop3A_204 {strides = array<i32>} : memref<4x50x128xf32, #tpu.memory_space<vmem>>, vector<1x1x16xf32>,
        %parallel_loop3A_205 = arith.constant 2 : i32
        %parallel_loop3A_206 = arith.index_cast %parallel_loop3A_205 : i32 to index
        %parallel_loop3A_207 = arith.index_cast %parallel_loop3A_140 : i32 to index
        %parallel_loop3A_208 = arith.constant 64 : index
        %parallel_loop3A_209 = tpu.vector_load %arg7[%parallel_loop3A_206, %parallel_loop3A_207, %parallel_loop3A_208] {strides = array<i32>} : memref<4x50x128xf32, #tpu.memory_space<vmem>>, vector<1x1x16xf32>,
        %parallel_loop3A_210 = vector.shape_cast %parallel_loop3A_209 : vector<1x1x16xf32> to vector<16xf32>
        %parallel_loop3A_211 = arith.constant 11.3137083 : f32
        %parallel_loop3A_212 = vector.broadcast %parallel_loop3A_211 : f32 to vector<16xf32>
        %parallel_loop3A_213 = arith.mulf %parallel_loop3A_210, %parallel_loop3A_212 : vector<16xf32>
        %parallel_loop3A_214 = arith.constant 2 : i32
        %parallel_loop3A_215 = arith.index_cast %parallel_loop3A_214 : i32 to index
        %parallel_loop3A_216 = arith.index_cast %parallel_loop3A_140 : i32 to index
        %parallel_loop3A_217 = arith.constant 64 : index
        %parallel_loop3A_218 = tpu.vector_load %arg7[%parallel_loop3A_215, %parallel_loop3A_216, %parallel_loop3A_217] {strides = array<i32>} : memref<4x50x128xf32, #tpu.memory_space<vmem>>, vector<1x1x16xf32>,
        %parallel_loop3A_219 = vector.shape_cast %parallel_loop3A_218 : vector<1x1x16xf32> to vector<16xf32>
        %parallel_loop3A_220 = vector.shape_cast %parallel_loop3A_213 : vector<16xf32> to vector<1x1x16xf32>
        tpu.vector_store %arg7[%parallel_loop3A_215, %parallel_loop3A_216, %parallel_loop3A_217], %parallel_loop3A_220 {strides = array<i32>} : memref<4x50x128xf32, #tpu.memory_space<vmem>>, vector<1x1x16xf32>,
        %parallel_loop3A_221 = arith.constant 2 : i32
        %parallel_loop3A_222 = arith.index_cast %parallel_loop3A_221 : i32 to index
        %parallel_loop3A_223 = arith.index_cast %parallel_loop3A_140 : i32 to index
        %parallel_loop3A_224 = arith.constant 80 : index
        %parallel_loop3A_225 = tpu.vector_load %arg7[%parallel_loop3A_222, %parallel_loop3A_223, %parallel_loop3A_224] {strides = array<i32>} : memref<4x50x128xf32, #tpu.memory_space<vmem>>, vector<1x1x16xf32>,
        %parallel_loop3A_226 = vector.shape_cast %parallel_loop3A_225 : vector<1x1x16xf32> to vector<16xf32>
        %parallel_loop3A_227 = arith.constant 11.3137083 : f32
        %parallel_loop3A_228 = vector.broadcast %parallel_loop3A_227 : f32 to vector<16xf32>
        %parallel_loop3A_229 = arith.mulf %parallel_loop3A_226, %parallel_loop3A_228 : vector<16xf32>
        %parallel_loop3A_230 = arith.constant 2 : i32
        %parallel_loop3A_231 = arith.index_cast %parallel_loop3A_230 : i32 to index
        %parallel_loop3A_232 = arith.index_cast %parallel_loop3A_140 : i32 to index
        %parallel_loop3A_233 = arith.constant 80 : index
        %parallel_loop3A_234 = tpu.vector_load %arg7[%parallel_loop3A_231, %parallel_loop3A_232, %parallel_loop3A_233] {strides = array<i32>} : memref<4x50x128xf32, #tpu.memory_space<vmem>>, vector<1x1x16xf32>,
        %parallel_loop3A_235 = vector.shape_cast %parallel_loop3A_234 : vector<1x1x16xf32> to vector<16xf32>
        %parallel_loop3A_236 = vector.shape_cast %parallel_loop3A_229 : vector<16xf32> to vector<1x1x16xf32>
        tpu.vector_store %arg7[%parallel_loop3A_231, %parallel_loop3A_232, %parallel_loop3A_233], %parallel_loop3A_236 {strides = array<i32>} : memref<4x50x128xf32, #tpu.memory_space<vmem>>, vector<1x1x16xf32>,
        %parallel_loop3A_237 = arith.constant 2 : i32
        %parallel_loop3A_238 = arith.index_cast %parallel_loop3A_237 : i32 to index
        %parallel_loop3A_239 = arith.index_cast %parallel_loop3A_140 : i32 to index
        %parallel_loop3A_240 = arith.constant 96 : index
        %parallel_loop3A_241 = tpu.vector_load %arg7[%parallel_loop3A_238, %parallel_loop3A_239, %parallel_loop3A_240] {strides = array<i32>} : memref<4x50x128xf32, #tpu.memory_space<vmem>>, vector<1x1x16xf32>,
        %parallel_loop3A_242 = vector.shape_cast %parallel_loop3A_241 : vector<1x1x16xf32> to vector<16xf32>
        %parallel_loop3A_243 = arith.constant 11.3137083 : f32
        %parallel_loop3A_244 = vector.broadcast %parallel_loop3A_243 : f32 to vector<16xf32>
        %parallel_loop3A_245 = arith.mulf %parallel_loop3A_242, %parallel_loop3A_244 : vector<16xf32>
        %parallel_loop3A_246 = arith.constant 2 : i32
        %parallel_loop3A_247 = arith.index_cast %parallel_loop3A_246 : i32 to index
        %parallel_loop3A_248 = arith.index_cast %parallel_loop3A_140 : i32 to index
        %parallel_loop3A_249 = arith.constant 96 : index
        %parallel_loop3A_250 = tpu.vector_load %arg7[%parallel_loop3A_247, %parallel_loop3A_248, %parallel_loop3A_249] {strides = array<i32>} : memref<4x50x128xf32, #tpu.memory_space<vmem>>, vector<1x1x16xf32>,
        %parallel_loop3A_251 = vector.shape_cast %parallel_loop3A_250 : vector<1x1x16xf32> to vector<16xf32>
        %parallel_loop3A_252 = vector.shape_cast %parallel_loop3A_245 : vector<16xf32> to vector<1x1x16xf32>
        tpu.vector_store %arg7[%parallel_loop3A_247, %parallel_loop3A_248, %parallel_loop3A_249], %parallel_loop3A_252 {strides = array<i32>} : memref<4x50x128xf32, #tpu.memory_space<vmem>>, vector<1x1x16xf32>,
        %parallel_loop3A_253 = arith.constant 2 : i32
        %parallel_loop3A_254 = arith.index_cast %parallel_loop3A_253 : i32 to index
        %parallel_loop3A_255 = arith.index_cast %parallel_loop3A_140 : i32 to index
        %parallel_loop3A_256 = arith.constant 112 : index
        %parallel_loop3A_257 = tpu.vector_load %arg7[%parallel_loop3A_254, %parallel_loop3A_255, %parallel_loop3A_256] {strides = array<i32>} : memref<4x50x128xf32, #tpu.memory_space<vmem>>, vector<1x1x16xf32>,
        %parallel_loop3A_258 = vector.shape_cast %parallel_loop3A_257 : vector<1x1x16xf32> to vector<16xf32>
        %parallel_loop3A_259 = arith.constant 11.3137083 : f32
        %parallel_loop3A_260 = vector.broadcast %parallel_loop3A_259 : f32 to vector<16xf32>
        %parallel_loop3A_261 = arith.mulf %parallel_loop3A_258, %parallel_loop3A_260 : vector<16xf32>
        %parallel_loop3A_262 = arith.constant 2 : i32
        %parallel_loop3A_263 = arith.index_cast %parallel_loop3A_262 : i32 to index
        %parallel_loop3A_264 = arith.index_cast %parallel_loop3A_140 : i32 to index
        %parallel_loop3A_265 = arith.constant 112 : index
        %parallel_loop3A_266 = tpu.vector_load %arg7[%parallel_loop3A_263, %parallel_loop3A_264, %parallel_loop3A_265] {strides = array<i32>} : memref<4x50x128xf32, #tpu.memory_space<vmem>>, vector<1x1x16xf32>,
        %parallel_loop3A_267 = vector.shape_cast %parallel_loop3A_266 : vector<1x1x16xf32> to vector<16xf32>
        %parallel_loop3A_268 = vector.shape_cast %parallel_loop3A_261 : vector<16xf32> to vector<1x1x16xf32>
        tpu.vector_store %arg7[%parallel_loop3A_263, %parallel_loop3A_264, %parallel_loop3A_265], %parallel_loop3A_268 {strides = array<i32>} : memref<4x50x128xf32, #tpu.memory_space<vmem>>, vector<1x1x16xf32>,
      } {sc.loop_unroll_factor = 10 : i64, sc.parallel_access}
      %parallel_loop3A_128 = arith.constant 0 : i32
      %parallel_loop3A_129 = arith.constant 50 : i32
      %parallel_loop3A_130 = arith.constant 1 : i32
      scf.for %parallel_loop3A_140 = %parallel_loop3A_128 to %parallel_loop3A_129 step %parallel_loop3A_130  : i32 {
        %parallel_loop3A_141 = arith.constant 3 : i32
        %parallel_loop3A_142 = arith.index_cast %parallel_loop3A_141 : i32 to index
        %parallel_loop3A_143 = arith.index_cast %parallel_loop3A_140 : i32 to index
        %parallel_loop3A_144 = arith.constant 0 : index
        %parallel_loop3A_145 = tpu.vector_load %arg7[%parallel_loop3A_142, %parallel_loop3A_143, %parallel_loop3A_144] {strides = array<i32>} : memref<4x50x128xf32, #tpu.memory_space<vmem>>, vector<1x1x16xf32>,
        %parallel_loop3A_146 = vector.shape_cast %parallel_loop3A_145 : vector<1x1x16xf32> to vector<16xf32>
        %parallel_loop3A_147 = arith.constant 11.3137083 : f32
        %parallel_loop3A_148 = vector.broadcast %parallel_loop3A_147 : f32 to vector<16xf32>
        %parallel_loop3A_149 = arith.mulf %parallel_loop3A_146, %parallel_loop3A_148 : vector<16xf32>
        %parallel_loop3A_150 = arith.constant 3 : i32
        %parallel_loop3A_151 = arith.index_cast %parallel_loop3A_150 : i32 to index
        %parallel_loop3A_152 = arith.index_cast %parallel_loop3A_140 : i32 to index
        %parallel_loop3A_153 = arith.constant 0 : index
        %parallel_loop3A_154 = tpu.vector_load %arg7[%parallel_loop3A_151, %parallel_loop3A_152, %parallel_loop3A_153] {strides = array<i32>} : memref<4x50x128xf32, #tpu.memory_space<vmem>>, vector<1x1x16xf32>,
        %parallel_loop3A_155 = vector.shape_cast %parallel_loop3A_154 : vector<1x1x16xf32> to vector<16xf32>
        %parallel_loop3A_156 = vector.shape_cast %parallel_loop3A_149 : vector<16xf32> to vector<1x1x16xf32>
        tpu.vector_store %arg7[%parallel_loop3A_151, %parallel_loop3A_152, %parallel_loop3A_153], %parallel_loop3A_156 {strides = array<i32>} : memref<4x50x128xf32, #tpu.memory_space<vmem>>, vector<1x1x16xf32>,
        %parallel_loop3A_157 = arith.constant 3 : i32
        %parallel_loop3A_158 = arith.index_cast %parallel_loop3A_157 : i32 to index
        %parallel_loop3A_159 = arith.index_cast %parallel_loop3A_140 : i32 to index
        %parallel_loop3A_160 = arith.constant 16 : index
        %parallel_loop3A_161 = tpu.vector_load %arg7[%parallel_loop3A_158, %parallel_loop3A_159, %parallel_loop3A_160] {strides = array<i32>} : memref<4x50x128xf32, #tpu.memory_space<vmem>>, vector<1x1x16xf32>,
        %parallel_loop3A_162 = vector.shape_cast %parallel_loop3A_161 : vector<1x1x16xf32> to vector<16xf32>
        %parallel_loop3A_163 = arith.constant 11.3137083 : f32
        %parallel_loop3A_164 = vector.broadcast %parallel_loop3A_163 : f32 to vector<16xf32>
        %parallel_loop3A_165 = arith.mulf %parallel_loop3A_162, %parallel_loop3A_164 : vector<16xf32>
        %parallel_loop3A_166 = arith.constant 3 : i32
        %parallel_loop3A_167 = arith.index_cast %parallel_loop3A_166 : i32 to index
        %parallel_loop3A_168 = arith.index_cast %parallel_loop3A_140 : i32 to index
        %parallel_loop3A_169 = arith.constant 16 : index
        %parallel_loop3A_170 = tpu.vector_load %arg7[%parallel_loop3A_167, %parallel_loop3A_168, %parallel_loop3A_169] {strides = array<i32>} : memref<4x50x128xf32, #tpu.memory_space<vmem>>, vector<1x1x16xf32>,
        %parallel_loop3A_171 = vector.shape_cast %parallel_loop3A_170 : vector<1x1x16xf32> to vector<16xf32>
        %parallel_loop3A_172 = vector.shape_cast %parallel_loop3A_165 : vector<16xf32> to vector<1x1x16xf32>
        tpu.vector_store %arg7[%parallel_loop3A_167, %parallel_loop3A_168, %parallel_loop3A_169], %parallel_loop3A_172 {strides = array<i32>} : memref<4x50x128xf32, #tpu.memory_space<vmem>>, vector<1x1x16xf32>,
        %parallel_loop3A_173 = arith.constant 3 : i32
        %parallel_loop3A_174 = arith.index_cast %parallel_loop3A_173 : i32 to index
        %parallel_loop3A_175 = arith.index_cast %parallel_loop3A_140 : i32 to index
        %parallel_loop3A_176 = arith.constant 32 : index
        %parallel_loop3A_177 = tpu.vector_load %arg7[%parallel_loop3A_174, %parallel_loop3A_175, %parallel_loop3A_176] {strides = array<i32>} : memref<4x50x128xf32, #tpu.memory_space<vmem>>, vector<1x1x16xf32>,
        %parallel_loop3A_178 = vector.shape_cast %parallel_loop3A_177 : vector<1x1x16xf32> to vector<16xf32>
        %parallel_loop3A_179 = arith.constant 11.3137083 : f32
        %parallel_loop3A_180 = vector.broadcast %parallel_loop3A_179 : f32 to vector<16xf32>
        %parallel_loop3A_181 = arith.mulf %parallel_loop3A_178, %parallel_loop3A_180 : vector<16xf32>
        %parallel_loop3A_182 = arith.constant 3 : i32
        %parallel_loop3A_183 = arith.index_cast %parallel_loop3A_182 : i32 to index
        %parallel_loop3A_184 = arith.index_cast %parallel_loop3A_140 : i32 to index
        %parallel_loop3A_185 = arith.constant 32 : index
        %parallel_loop3A_186 = tpu.vector_load %arg7[%parallel_loop3A_183, %parallel_loop3A_184, %parallel_loop3A_185] {strides = array<i32>} : memref<4x50x128xf32, #tpu.memory_space<vmem>>, vector<1x1x16xf32>,
        %parallel_loop3A_187 = vector.shape_cast %parallel_loop3A_186 : vector<1x1x16xf32> to vector<16xf32>
        %parallel_loop3A_188 = vector.shape_cast %parallel_loop3A_181 : vector<16xf32> to vector<1x1x16xf32>
        tpu.vector_store %arg7[%parallel_loop3A_183, %parallel_loop3A_184, %parallel_loop3A_185], %parallel_loop3A_188 {strides = array<i32>} : memref<4x50x128xf32, #tpu.memory_space<vmem>>, vector<1x1x16xf32>,
        %parallel_loop3A_189 = arith.constant 3 : i32
        %parallel_loop3A_190 = arith.index_cast %parallel_loop3A_189 : i32 to index
        %parallel_loop3A_191 = arith.index_cast %parallel_loop3A_140 : i32 to index
        %parallel_loop3A_192 = arith.constant 48 : index
        %parallel_loop3A_193 = tpu.vector_load %arg7[%parallel_loop3A_190, %parallel_loop3A_191, %parallel_loop3A_192] {strides = array<i32>} : memref<4x50x128xf32, #tpu.memory_space<vmem>>, vector<1x1x16xf32>,
        %parallel_loop3A_194 = vector.shape_cast %parallel_loop3A_193 : vector<1x1x16xf32> to vector<16xf32>
        %parallel_loop3A_195 = arith.constant 11.3137083 : f32
        %parallel_loop3A_196 = vector.broadcast %parallel_loop3A_195 : f32 to vector<16xf32>
        %parallel_loop3A_197 = arith.mulf %parallel_loop3A_194, %parallel_loop3A_196 : vector<16xf32>
        %parallel_loop3A_198 = arith.constant 3 : i32
        %parallel_loop3A_199 = arith.index_cast %parallel_loop3A_198 : i32 to index
        %parallel_loop3A_200 = arith.index_cast %parallel_loop3A_140 : i32 to index
        %parallel_loop3A_201 = arith.constant 48 : index
        %parallel_loop3A_202 = tpu.vector_load %arg7[%parallel_loop3A_199, %parallel_loop3A_200, %parallel_loop3A_201] {strides = array<i32>} : memref<4x50x128xf32, #tpu.memory_space<vmem>>, vector<1x1x16xf32>,
        %parallel_loop3A_203 = vector.shape_cast %parallel_loop3A_202 : vector<1x1x16xf32> to vector<16xf32>
        %parallel_loop3A_204 = vector.shape_cast %parallel_loop3A_197 : vector<16xf32> to vector<1x1x16xf32>
        tpu.vector_store %arg7[%parallel_loop3A_199, %parallel_loop3A_200, %parallel_loop3A_201], %parallel_loop3A_204 {strides = array<i32>} : memref<4x50x128xf32, #tpu.memory_space<vmem>>, vector<1x1x16xf32>,
        %parallel_loop3A_205 = arith.constant 3 : i32
        %parallel_loop3A_206 = arith.index_cast %parallel_loop3A_205 : i32 to index
        %parallel_loop3A_207 = arith.index_cast %parallel_loop3A_140 : i32 to index
        %parallel_loop3A_208 = arith.constant 64 : index
        %parallel_loop3A_209 = tpu.vector_load %arg7[%parallel_loop3A_206, %parallel_loop3A_207, %parallel_loop3A_208] {strides = array<i32>} : memref<4x50x128xf32, #tpu.memory_space<vmem>>, vector<1x1x16xf32>,
        %parallel_loop3A_210 = vector.shape_cast %parallel_loop3A_209 : vector<1x1x16xf32> to vector<16xf32>
        %parallel_loop3A_211 = arith.constant 11.3137083 : f32
        %parallel_loop3A_212 = vector.broadcast %parallel_loop3A_211 : f32 to vector<16xf32>
        %parallel_loop3A_213 = arith.mulf %parallel_loop3A_210, %parallel_loop3A_212 : vector<16xf32>
        %parallel_loop3A_214 = arith.constant 3 : i32
        %parallel_loop3A_215 = arith.index_cast %parallel_loop3A_214 : i32 to index
        %parallel_loop3A_216 = arith.index_cast %parallel_loop3A_140 : i32 to index
        %parallel_loop3A_217 = arith.constant 64 : index
        %parallel_loop3A_218 = tpu.vector_load %arg7[%parallel_loop3A_215, %parallel_loop3A_216, %parallel_loop3A_217] {strides = array<i32>} : memref<4x50x128xf32, #tpu.memory_space<vmem>>, vector<1x1x16xf32>,
        %parallel_loop3A_219 = vector.shape_cast %parallel_loop3A_218 : vector<1x1x16xf32> to vector<16xf32>
        %parallel_loop3A_220 = vector.shape_cast %parallel_loop3A_213 : vector<16xf32> to vector<1x1x16xf32>
        tpu.vector_store %arg7[%parallel_loop3A_215, %parallel_loop3A_216, %parallel_loop3A_217], %parallel_loop3A_220 {strides = array<i32>} : memref<4x50x128xf32, #tpu.memory_space<vmem>>, vector<1x1x16xf32>,
        %parallel_loop3A_221 = arith.constant 3 : i32
        %parallel_loop3A_222 = arith.index_cast %parallel_loop3A_221 : i32 to index
        %parallel_loop3A_223 = arith.index_cast %parallel_loop3A_140 : i32 to index
        %parallel_loop3A_224 = arith.constant 80 : index
        %parallel_loop3A_225 = tpu.vector_load %arg7[%parallel_loop3A_222, %parallel_loop3A_223, %parallel_loop3A_224] {strides = array<i32>} : memref<4x50x128xf32, #tpu.memory_space<vmem>>, vector<1x1x16xf32>,
        %parallel_loop3A_226 = vector.shape_cast %parallel_loop3A_225 : vector<1x1x16xf32> to vector<16xf32>
        %parallel_loop3A_227 = arith.constant 11.3137083 : f32
        %parallel_loop3A_228 = vector.broadcast %parallel_loop3A_227 : f32 to vector<16xf32>
        %parallel_loop3A_229 = arith.mulf %parallel_loop3A_226, %parallel_loop3A_228 : vector<16xf32>
        %parallel_loop3A_230 = arith.constant 3 : i32
        %parallel_loop3A_231 = arith.index_cast %parallel_loop3A_230 : i32 to index
        %parallel_loop3A_232 = arith.index_cast %parallel_loop3A_140 : i32 to index
        %parallel_loop3A_233 = arith.constant 80 : index
        %parallel_loop3A_234 = tpu.vector_load %arg7[%parallel_loop3A_231, %parallel_loop3A_232, %parallel_loop3A_233] {strides = array<i32>} : memref<4x50x128xf32, #tpu.memory_space<vmem>>, vector<1x1x16xf32>,
        %parallel_loop3A_235 = vector.shape_cast %parallel_loop3A_234 : vector<1x1x16xf32> to vector<16xf32>
        %parallel_loop3A_236 = vector.shape_cast %parallel_loop3A_229 : vector<16xf32> to vector<1x1x16xf32>
        tpu.vector_store %arg7[%parallel_loop3A_231, %parallel_loop3A_232, %parallel_loop3A_233], %parallel_loop3A_236 {strides = array<i32>} : memref<4x50x128xf32, #tpu.memory_space<vmem>>, vector<1x1x16xf32>,
        %parallel_loop3A_237 = arith.constant 3 : i32
        %parallel_loop3A_238 = arith.index_cast %parallel_loop3A_237 : i32 to index
        %parallel_loop3A_239 = arith.index_cast %parallel_loop3A_140 : i32 to index
        %parallel_loop3A_240 = arith.constant 96 : index
        %parallel_loop3A_241 = tpu.vector_load %arg7[%parallel_loop3A_238, %parallel_loop3A_239, %parallel_loop3A_240] {strides = array<i32>} : memref<4x50x128xf32, #tpu.memory_space<vmem>>, vector<1x1x16xf32>,
        %parallel_loop3A_242 = vector.shape_cast %parallel_loop3A_241 : vector<1x1x16xf32> to vector<16xf32>
        %parallel_loop3A_243 = arith.constant 11.3137083 : f32
        %parallel_loop3A_244 = vector.broadcast %parallel_loop3A_243 : f32 to vector<16xf32>
        %parallel_loop3A_245 = arith.mulf %parallel_loop3A_242, %parallel_loop3A_244 : vector<16xf32>
        %parallel_loop3A_246 = arith.constant 3 : i32
        %parallel_loop3A_247 = arith.index_cast %parallel_loop3A_246 : i32 to index
        %parallel_loop3A_248 = arith.index_cast %parallel_loop3A_140 : i32 to index
        %parallel_loop3A_249 = arith.constant 96 : index
        %parallel_loop3A_250 = tpu.vector_load %arg7[%parallel_loop3A_247, %parallel_loop3A_248, %parallel_loop3A_249] {strides = array<i32>} : memref<4x50x128xf32, #tpu.memory_space<vmem>>, vector<1x1x16xf32>,
        %parallel_loop3A_251 = vector.shape_cast %parallel_loop3A_250 : vector<1x1x16xf32> to vector<16xf32>
        %parallel_loop3A_252 = vector.shape_cast %parallel_loop3A_245 : vector<16xf32> to vector<1x1x16xf32>
        tpu.vector_store %arg7[%parallel_loop3A_247, %parallel_loop3A_248, %parallel_loop3A_249], %parallel_loop3A_252 {strides = array<i32>} : memref<4x50x128xf32, #tpu.memory_space<vmem>>, vector<1x1x16xf32>,
        %parallel_loop3A_253 = arith.constant 3 : i32
        %parallel_loop3A_254 = arith.index_cast %parallel_loop3A_253 : i32 to index
        %parallel_loop3A_255 = arith.index_cast %parallel_loop3A_140 : i32 to index
        %parallel_loop3A_256 = arith.constant 112 : index
        %parallel_loop3A_257 = tpu.vector_load %arg7[%parallel_loop3A_254, %parallel_loop3A_255, %parallel_loop3A_256] {strides = array<i32>} : memref<4x50x128xf32, #tpu.memory_space<vmem>>, vector<1x1x16xf32>,
        %parallel_loop3A_258 = vector.shape_cast %parallel_loop3A_257 : vector<1x1x16xf32> to vector<16xf32>
        %parallel_loop3A_259 = arith.constant 11.3137083 : f32
        %parallel_loop3A_260 = vector.broadcast %parallel_loop3A_259 : f32 to vector<16xf32>
        %parallel_loop3A_261 = arith.mulf %parallel_loop3A_258, %parallel_loop3A_260 : vector<16xf32>
        %parallel_loop3A_262 = arith.constant 3 : i32
        %parallel_loop3A_263 = arith.index_cast %parallel_loop3A_262 : i32 to index
        %parallel_loop3A_264 = arith.index_cast %parallel_loop3A_140 : i32 to index
        %parallel_loop3A_265 = arith.constant 112 : index
        %parallel_loop3A_266 = tpu.vector_load %arg7[%parallel_loop3A_263, %parallel_loop3A_264, %parallel_loop3A_265] {strides = array<i32>} : memref<4x50x128xf32, #tpu.memory_space<vmem>>, vector<1x1x16xf32>,
        %parallel_loop3A_267 = vector.shape_cast %parallel_loop3A_266 : vector<1x1x16xf32> to vector<16xf32>
        %parallel_loop3A_268 = vector.shape_cast %parallel_loop3A_261 : vector<16xf32> to vector<1x1x16xf32>
        tpu.vector_store %arg7[%parallel_loop3A_263, %parallel_loop3A_264, %parallel_loop3A_265], %parallel_loop3A_268 {strides = array<i32>} : memref<4x50x128xf32, #tpu.memory_space<vmem>>, vector<1x1x16xf32>,
      } {sc.loop_unroll_factor = 10 : i64, sc.parallel_access}
      %mul3A_131 = arith.constant 4 : i32
      %mul3A_132 = arith.muli %add3A_100, %mul3A_131 : i32
      %add3A_133 = arith.addi %mul3A_2, %mul3A_132 : i32
      %dma_start3A_134 = arith.constant 0 : i32
      %dma_start3A_135 = arith.constant 0 : i32
      %dma_start3A_136 = tpu.memref_slice %arg4[%add3A_133, %dma_start3A_134, %dma_start3A_135] : memref<4096x50x128xf32, #tpu.memory_space<hbm>> -> memref<4x50x128xf32, #tpu.memory_space<hbm>>
      %dma_start3A_137 = arith.constant 0 : i32
      %dma_start3A_138 = arith.constant 0 : i32
      %dma_start3A_139 = tpu.memref_slice %arg4[%add3A_133, %dma_start3A_137, %dma_start3A_138] : memref<4096x50x128xf32, #tpu.memory_space<hbm>> -> memref<4x50x128xf32, #tpu.memory_space<hbm>>
      tpu.enqueue_dma source(%arg7 : memref<4x50x128xf32, #tpu.memory_space<vmem>>) target(%dma_start3A_139 : memref<4x50x128xf32, #tpu.memory_space<hbm>>) target_semaphore(%arg11 : memref<!tpu.dma_semaphore, #tpu.memory_space<semaphore_mem>>)
    }
    %scan3A_54 = arith.constant 16 : i32
    %dma_wait3A = arith.constant 0 : i32
    %dma_wait3A_55 = arith.constant 0 : i32
    %dma_wait3A_56 = tpu.memref_slice %arg4[%mul3A_2, %dma_wait3A, %dma_wait3A_55] : memref<4096x50x128xf32, #tpu.memory_space<hbm>> -> memref<4x50x128xf32, #tpu.memory_space<hbm>>
    %dma_wait3A_57 = arith.constant 0 : i32
    %dma_wait3A_58 = arith.constant 0 : i32
    %dma_wait3A_59 = tpu.memref_slice %arg4[%mul3A_2, %dma_wait3A_57, %dma_wait3A_58] : memref<4096x50x128xf32, #tpu.memory_space<hbm>> -> memref<4x50x128xf32, #tpu.memory_space<hbm>>
    tpu.wait_dma2 semaphore(%arg11 : memref<!tpu.dma_semaphore, #tpu.memory_space<semaphore_mem>>) src(%arg7 : memref<4x50x128xf32, #tpu.memory_space<vmem>>) dst(%dma_wait3A_59 : memref<4x50x128xf32, #tpu.memory_space<hbm>>)
    return
  }
}

</mosaic_0001>

<sc_bundles>
// kernel: kernel.3.cloned.1.call-start
scs
__scs_entry_jumppad:
0x0: {  	(pc) =	sbr.rel $0x88, $3  }
0x1: {  	(tag) =	ssettag $0x0;
	lr =	simm.s32 $0x1  }
0x2: {  	[smem:$0x3F9F] =	sst lr;
	_ =	strace $0xD0000000  }
0x3: {  	_ = 	snop  }
0x4: {  	_ = 	snop  }
0x5: {  	_ = 	snop  }
0x6: {  	_ = 	snop  }
0x7: {  	_ = 	snop  }
__scs_overlays_trampoline_lowered:
0x8: {  	[smem:$0x3FAE] =	sst s0  }
0x9: {  	[smem:$0x3FAF] =	sst s1  }
0xa: {  	[smem:$0x3FB0] =	sst s2  }
0xb: {  	[smem:$0x3FB1] =	sst s3  }
0xc: {  	[smem:$0x3FB2] =	sst s4  }
0xd: {  	[smem:$0x3FB3] =	sst s5  }
0xe: {  	[smem:$0x3FB4] =	sst s6  }
0xf: {  	[smem:$0x3FB5] =	sst s7  }
0x10: {  	[smem:$0x3FB6] =	sst s8  }
0x11: {  	[smem:$0x3FB7] =	sst s9;
	s0 =	simm.s32 @!p0 $0x0  }
0x12: {  	s1 =	sld [smem:$0x3F9D];
	s0 =	simm.s32 @p0 $0x1  }
0x13: {  	[smem:$0x3FB8] =	sst s0;
	s0 =	simm.s32 @!p1 $0x0  }
0x14: {  	s2 =	sld [smem:$0x3F9C];
	s0 =	simm.s32 @p1 $0x1  }
0x15: {  	[smem:$0x3FB9] =	sst s0;
	s0 =	simm.s32 @!p2 $0x0  }
0x16: {  	s3 =	sld [smem:$0x3FDB];
	s0 =	simm.s32 @p2 $0x1  }
0x17: {  	s4 =	simm.s32 $0x1BF5;
	[smem:$0x3FBB] =	sst s0  }
0x18: {  	s0 =	sld [smem:$0x3F9E];
	_ =	swait.ge [sflag:s4], $0x0  }
0x19: {  	s7 =	sld [smem:$0x3F9F]  }
0x1a: {  	s8 =	sadd.s32 $0xFFFFE003, lr  }
0x1b: {  	s9 =	sadd.s32 $0xFFFFFEF7, lr;
	s5 =	simm.s32 $0xFFFFFFFF;
	p2 =	slt.u32 s8, $0xFFFFF086  }
0x1c: {  	p1 =	slt.u32 s9, $0xF7A;
	s5 =	simm.s32 @!p2 $0x0  }
0x1d: {  	s5 =	simm.s32 @p1 $0x1;
	p0 =	seq.s32 s7, s2  }
0x1e: {  	s7 =	smul.u32 @!p0 $0xF7A, s2;
	p2 =	seq.s32 @!p0 s5, $0x0  }
0x1f: {  	s9 =	smul.u32 $0xF7A, s1;
	s8 =	simm.s32 @!p0 $0x1BF5;
	p2 =	por !p2, p0  }
0x20: {  	[sflag:s8] =	ssyncset.s32 @!p0 $0xFFFFF086;
	s6 =	sadd.s32 @!p0 s3, s7;
	s7 =	simm.s32 @!p0 $0x108  }
0x21: {  	s3 =	sadd.s32 s3, s9;
	s6 =	sadd.s32 @!p0 $0x88, s6;
	s7 =	simm.s32 @p2 $0x1082  }
0x22: {  	[simem:s7], [sflag:s8] =	dma.local @!p0 [hbm:s6], $0xF7A  }
0x23: {  	s9 =	sor.u32 $0xD0000000, s2;
	s6 =	simm.s32 $0x108;
	_ =	swait.ge @!p0 [sflag:s8], $0x0  }
0x24: {  	s3 =	sadd.s32 $0x88, s3;
	s6 =	simm.s32 @!p1 $0x1082;
	[sflag:s4] =	ssyncset.s32 $0xFFFFF086  }
0x25: {  	[simem:s6], [sflag:s4] =	dma.local [hbm:s3], $0xF7A  }
0x26: {  	[smem:$0x3F9F] =	sst s1;
	(tag) =	ssettag s2;
	_ =	strace s9  }
0x27: {  	s1 =	sld [smem:$0x3FAF]  }
0x28: {  	s2 =	sld [smem:$0x3FB0]  }
0x29: {  	s4 =	sld [smem:$0x3FB2]  }
0x2a: {  	p0 =	seq.s32 s5, $0x0;
	s5 =	sld [smem:$0x3FB3]  }
0x2b: {  	s6 =	sld [smem:$0x3FB4]  }
0x2c: {  	s7 =	sld [smem:$0x3FB5]  }
0x2d: {  	s3 =	simm.s32 $0x108;
	s8 =	sld [smem:$0x3FB6]  }
0x2e: {  	s3 =	simm.s32 @!p0 $0x1082;
	s9 =	sld [smem:$0x3FB7]  }
0x2f: {  	lr =	sadd.s32 s0, s3;
	s0 =	sld [smem:$0x3FAE]  }
0x30: {  	s3 =	sld [smem:$0x3FB1]  }
0x31: {  	[smem:$0x3FBA] =	sst s10  }
0x32: {  	s10 =	sld [smem:$0x3FB8];
	_ =	sdelay $0x3  }
0x33: {  	p0 =	seq.s32 s10, $0x1;
	s10 =	sld [smem:$0x3FBA];
	_ =	sdelay $0x3  }
0x34: {  	[smem:$0x3FBA] =	sst s10  }
0x35: {  	s10 =	sld [smem:$0x3FB9];
	_ =	sdelay $0x3  }
0x36: {  	p1 =	seq.s32 s10, $0x1;
	s10 =	sld [smem:$0x3FBA];
	_ =	sdelay $0x3  }
0x37: {  	[smem:$0x3FBA] =	sst s10  }
0x38: {  	s10 =	sld [smem:$0x3FBB]  }
0x39: {  	_ = 	snop;
	(pc) =	sbr.ind lr, $3  }
0x3a: {  	_ = 	snop  }
0x3b: {  	_ = 	snop  }
0x3c: {  	p2 =	seq.s32 s10, $0x1;
	s10 =	sld [smem:$0x3FBA]  }
0x3d: {  	_ =	shalt  }
0x3e: {  	_ =	shalt  }
0x3f: {  	_ =	shalt  }
0x40: {  	_ =	shalt  }
0x41: {  	_ =	shalt  }
0x42: {  	_ =	shalt  }
0x43: {  	_ =	shalt  }
0x44: {  	_ =	shalt  }
0x45: {  	_ =	shalt  }
0x46: {  	_ =	shalt  }
0x47: {  	_ =	shalt  }
0x48: {  	_ =	shalt  }
0x49: {  	_ =	shalt  }
0x4a: {  	_ =	shalt  }
0x4b: {  	_ =	shalt  }
0x4c: {  	_ =	shalt  }
0x4d: {  	_ =	shalt  }
0x4e: {  	_ =	shalt  }
0x4f: {  	_ =	shalt  }
0x50: {  	_ =	shalt  }
0x51: {  	_ =	shalt  }
0x52: {  	_ =	shalt  }
0x53: {  	_ =	shalt  }
0x54: {  	_ =	shalt  }
0x55: {  	_ =	shalt  }
0x56: {  	_ =	shalt  }
0x57: {  	_ =	shalt  }
0x58: {  	_ =	shalt  }
0x59: {  	_ =	shalt  }
0x5a: {  	_ =	shalt  }
0x5b: {  	_ =	shalt  }
0x5c: {  	_ =	shalt  }
0x5d: {  	_ =	shalt  }
0x5e: {  	_ =	shalt  }
0x5f: {  	_ =	shalt  }
0x60: {  	_ =	shalt  }
0x61: {  	_ =	shalt  }
0x62: {  	_ =	shalt  }
0x63: {  	_ =	shalt  }
0x64: {  	_ =	shalt  }
0x65: {  	_ =	shalt  }
0x66: {  	_ =	shalt  }
0x67: {  	_ =	shalt  }
0x68: {  	_ =	shalt  }
0x69: {  	_ =	shalt  }
0x6a: {  	_ =	shalt  }
0x6b: {  	_ =	shalt  }
0x6c: {  	_ =	shalt  }
0x6d: {  	_ =	shalt  }
0x6e: {  	_ =	shalt  }
0x6f: {  	_ =	shalt  }
0x70: {  	_ =	shalt  }
0x71: {  	_ =	shalt  }
0x72: {  	_ =	shalt  }
0x73: {  	_ =	shalt  }
0x74: {  	_ =	shalt  }
0x75: {  	_ =	shalt  }
0x76: {  	_ =	shalt  }
0x77: {  	_ =	shalt  }
0x78: {  	_ =	shalt  }
0x79: {  	_ =	shalt  }
0x7a: {  	_ =	shalt  }
0x7b: {  	_ =	shalt  }
0x7c: {  	_ =	shalt  }
0x7d: {  	_ =	shalt  }
0x7e: {  	_ =	shalt  }
0x7f: {  	_ =	shalt  }
0x80: {  	_ =	shalt  }
0x81: {  	_ =	shalt  }
0x82: {  	_ =	shalt  }
0x83: {  	_ =	shalt  }
0x84: {  	_ =	shalt  }
0x85: {  	_ =	shalt  }
0x86: {  	_ =	shalt  }
0x87: {  	_ =	shalt  }
.Lfunc_end0:
.L_simem_size_0:
called_computation_lowered:
.L_overlay_start_0:
0x88: {  	s2 =	sld [smem:$0x3FD9]  }
0x89: {  	s3 =	sld [smem:$0x3FFE];
	_ =	sdelay $0x1  }
0x8a: {  	s1 =	srdreg.scid  }
0x8b: {  	s0 =	sand.u32 $0x1, s1  }
0x8c: {  	s17 =	sshll.u32 s0, $0xA;
	s2 =	sadd.s32 s3, s2  }
0x8d: {  	s2 =	sadd.s32 s2, s17  }
0x8e: {  	[smem:$0x3FC6] =	sst s2  }
0x8f: {  	_ = 	snop  }
0x90: {  	s2 =	sld [smem:$0x3FC8]  }
0x91: {  	s18 =	sld [smem:$0x3FD0];
	(tm) =	ssettm $0x1  }
0x92: {  	s4 =	sld [smem:$0x3FFB];
	_ =	sdelay $0x3  }
0x93: {  	_ =	strace s4  }
0x94: {  	s4 =	sld [smem:$0x3FFC];
	_ =	sdelay $0x3  }
0x95: {  	_ =	strace s4  }
0x96: {  	s4 =	sld [smem:$0x3FFD];
	_ =	sdelay $0x3  }
0x97: {  	_ =	strace s4  }
0x98: {  	_ =	strace $0x8FFFFFFF  }
0x99: {  	s19 =	sld [smem:$0x3FDB];
	_ =	sdelay $0x1  }
0x9a: {  	s5 =	simm.s32 $_scs_section_size  }
0x9b: {  	s6 =	simm.s32 $_size__tile_overlayer_lowered;
	s7 =	simm.s32 $_tile_overlayer_lowered  }
0x9c: {  	s22 =	simm.s32 $0x1BFF;
	s21 =	sshll.u32 s7, $0x1;
	s4 =	sadd.s32 s5, s19  }
0x9d: {  	s8 =	simm.s32 $0x0;
	s20 =	sshll.u32 s6, $0x1;
	s6 =	sadd.s32 s21, s4  }
0x9e: {  	[timem:s8], [sflag:s22] =	dma.local [hbm:s6], s20  }
0x9f: {  	_ =	swait.ge [sflag:s22], s20  }
0xa0: {  	s5 =	ssub.s32 $0x0, s20;
	[sflag:s22] =	ssyncset.done $0x0  }
0xa1: {  	[sflag:s22] =	ssyncadd.s32 s5;
	_ =	sdelay $0x1  }
0xa2: {  	s23 =	simm.s32 $0x1B8B  }
0xa3: {  	_ =	swait.ge [sflag:s23], $0x1  }
0xa4: {  	[sflag:s23] =	ssyncset.done $0x0  }
0xa5: {  	s25 =	simm.s32 $0x1B8E;
	s24 =	sld [smem:$0x3FFE];
	[sflag:s23] =	ssyncadd.s32 $0xFFFFFFFF  }
0xa6: {  	s26 =	simm.s32 $execute0_lowered;
	[smem:$0x3FD2] =	sst s25  }
0xa7: {  	s6 =	sshll.u32 s26, $0x1;
	_ =	strace $0x80000046;
	[dreg:$0x1] =	wrdreg $0xFFFFFFFF  }
0xa8: {  	s28 =	simm.s32 $_size_execute0_lowered;
	s4 =	sadd.s32 s4, s6;
	[dreg:$0x0] =	wrdreg $0x0  }
0xa9: {  	s6 =	sshll.u32 s28, $0x1;
	[dreg:$0x2] =	wrdreg s4  }
0xaa: {  	[dreg:$0x3] =	wrdreg s6  }
0xab: {  	[dreg:$0x4] =	wrdreg $0xC0  }
0xac: {  	_ =	task [dreg:s8], $0x5FFFF  }
0xad: {  	[dreg:$0x1] =	wrdreg $0xFFFFFFFF  }
0xae: {  	[dreg:$0x0] =	wrdreg $0x60  }
0xaf: {  	[dreg:$0x2] =	wrdreg s18  }
0xb0: {  	[dreg:$0x3] =	wrdreg s2  }
0xb1: {  	[dreg:$0x4] =	wrdreg s24  }
0xb2: {  	[dreg:$0x5] =	wrdreg $0x9  }
0xb3: {  	_ =	task.clear_ibuf [dreg:s8], $0x6FFFF;
	_ =	strace $0x90000046  }
0xb4: {  	s29 =	simm.s32 $0x9;
	_ =	strace $0x80000048  }
0xb5: {  	_ =	swait.ge [sflag:s29], $0x1  }
0xb6: {  	[sflag:s29] =	ssyncadd.s32 $0xFFFFFFFF  }
0xb7: {  	_ =	strace $0x90000048  }
0xb8: {  	_ =	sfence  }
0xb9: {  	s30 =	sld [smem:$0x0];
	_ =	sdelay $0x2  }
0xba: {  	s31 =	sshll.u32 s1, $0xD;
	s1 =	sshrl.u32 s1, $0x2  }
0xbb: {  	s3 =	sand.u32 $0x4000, s31;
	s1 =	sadd.s32 s1, s30  }
0xbc: {  	s0 =	sor.u32 s3, s0;
	s1 =	sshll.u32 s1, $0x11  }
0xbd: {  	s0 =	sor.u32 s1, s0  }
0xbe: {  	s0 =	sadd.s32 $0x8F2B, s0  }
0xbf: {  	[sflag:s0] =	ssyncadd.remote.s32 $0x1  }
0xc0: {  	_ =	sfence.sel $0xFFFF  }
0xc1: {  	[dreg:$0x0] =	wrdreg $0xFFFFFFFF;
	(pc) =	sbr.abs _section_cstart, $3  }
0xc2: {  	[dreg:$0x1] =	wrdreg $0xFFFFFFFF  }
0xc3: {  	_ =	task.clear_ibuf [dreg:s8], $0x2FFFF;
	_ =	strace $0x9FFFFFFF  }
0xc4: {  	(tm) =	ssettm $0x7FFFFFFF  }
0xc5: {  	_ =	shalt  }
tec
execute0_lowered:
.L_overlay_start_1:
0x0: {  	(tag) =	ssettag $0x1  }
0x1: {  	s0 =	rddreg [dreg:$0x0]  }
0x2: {  	s1 =	rddreg [dreg:$0x1]  }
0x3: {  	s5 =	rddreg [dreg:$0x2];
	s4 =	srdreg.scid  }
0x4: {  	s3 =	simm.s32 $0x0;
	s2 =	stileid.u32;
	s9 =	simm.s32 $0x32  }
0x5: {  	s10 =	simm.s32 $0x4000;
	s11 =	simm.s32 $0x80;
	s12 =	simm.s32 $0x5C00  }
0x6: {  	s13 =	simm.s32 $0x100;
	s14 =	simm.s32 $0x7800;
	s15 =	simm.s32 $0x180  }
0x7: {  	s16 =	simm.s32 $0x9400;
	s17 =	simm.s32 $0x1;
	s18 =	simm.s32 $0xB000  }
0x8: {  	s19 =	simm.s32 $0xCC00;
	s20 =	simm.s32 $0xE800;
	s21 =	simm.s32 $0x10400  }
0x9: {  	s22 =	simm.s32 $0x2;
	s23 =	simm.s32 $0x3;
	s24 =	simm.s32 $0x4  }
0xa: {  	s25 =	simm.s32 $0x0;
	s4 =	sand.u32 $0x1, s4;
	s7 =	sshll.u32 s2, $0x8  }
0xb: {  	[smem:$0x7FF] =	sst s3;
	s6 =	ssub.s32 $0x2, s4;
	s4 =	sshll.u32 s4, $0x7  }
0xc: {  	s5 =	sadd.s32 $0x400, s5;
	s8 =	sshrl.u32 s6, $0x1;
	s4 =	sor.u32 s4, s7  }
0xd: {  	_ =	strace $0x80000047;
	s30 =	ssub.s32 s6, s8;
	s31 =	sshll.u32 s4, $0x4  }
0xe: {  	s8 =	simm.s32 $0x5;
	s6 =	sadd.s32 s0, s31;
	s7 =	smax.u32 s30, $0x1  }
.LBB2_1:
0xf: {  	[tilespmem:s3], [sflag:$0x5] =	stream.linear.gather [hbm4b:s6+s3], $0x4000, $0x38;
	[tilespmem:$0x12000] =	vst v63  }
0x10: {  	_ =	swait.ge [sflag:s8], $0x4000  }
0x11: {  	[sflag:s8] =	ssyncset.done $0x0  }
0x12: {  	[sflag:s8] =	ssyncadd.s32 $0xFFFFC000  }
0x13: {  	[tilespmem:s10], [sflag:$0x1] =	stream.indirect.gather [hbm4b:s1+s9], $0x80, s3, s9, $0xb8;
	[tilespmem:$0x12000] =	vst v63  }
0x14: {  	_ = 	snop  }
0x15: {  	[tilespmem:s12], [sflag:$0x1] =	stream.indirect.gather [hbm4b:s1+s9], $0x80, s11, s9, $0xb8;
	[tilespmem:$0x12000] =	vst v63  }
0x16: {  	_ = 	snop  }
0x17: {  	[tilespmem:s14], [sflag:$0x1] =	stream.indirect.gather [hbm4b:s1+s9], $0x80, s13, s9, $0xb8;
	[tilespmem:$0x12000] =	vst v63  }
0x18: {  	s26 =	simm.s32 $0x0  }
0x19: {  	[tilespmem:s16], [sflag:$0x1] =	stream.indirect.gather [hbm4b:s1+s9], $0x80, s15, s9, $0xb8;
	[tilespmem:$0x12000] =	vst v63  }
.LBB2_2:
0x1a: {  	_ =	swait.ge [sflag:s17], $0x6400  }
0x1b: {  	p0 =	seq.s32 s26, $0x0;
	[sflag:s17] =	ssyncset.done $0x0  }
0x1c: {  	s0 =	sshll.u32 s26, $0x1;
	s29 =	simm.s32 @!p0 $0x4;
	[sflag:s17] =	ssyncadd.s32 $0xFFFF9C00  }
0x1d: {  	s28 =	sor.u32 $0x1, s0;
	_ =	swait.ge @!p0 [sflag:s29], $0x6400  }
0x1e: {  	s0 =	sshll.u32 s28, $0x9;
	[sflag:s29] =	ssyncset.done @!p0 $0x0  }
0x1f: {  	s0 =	sand.u32 $0x3FFFFE00, s0;
	[sflag:s29] =	ssyncadd.s32 @!p0 $0xFFFF9C00  }
0x20: {  	[tilespmem:s18], [sflag:$0x2] =	stream.indirect.gather [hbm4b:s1+s9], $0x80, s0, s9, $0xb8;
	[tilespmem:$0x12000] =	vst v63  }
0x21: {  	s29 =	sor.u32 $0x80, s0  }
0x22: {  	[tilespmem:s19], [sflag:$0x2] =	stream.indirect.gather [hbm4b:s1+s9], $0x80, s29, s9, $0xb8;
	[tilespmem:$0x12000] =	vst v63  }
0x23: {  	s29 =	sor.u32 $0x100, s0  }
0x24: {  	[tilespmem:s20], [sflag:$0x2] =	stream.indirect.gather [hbm4b:s1+s9], $0x80, s29, s9, $0xb8;
	[tilespmem:$0x12000] =	vst v63  }
0x25: {  	s30 =	simm.s32 $0x4280;
	s0 =	sor.u32 $0x180, s0  }
0x26: {  	[tilespmem:s21], [sflag:$0x2] =	stream.indirect.gather [hbm4b:s1+s9], $0x80, s0, s9, $0xb8;
	[tilespmem:$0x12000] =	vst v63  }
0x27: {  	v0 =	vld [tilespmem:s30+$0x270]  }
0x28: {  	v1 =	vld [tilespmem:s30+$0xFFFFFD90]  }
0x29: {  	v2 =	vld [tilespmem:s30+$0xFFFFFDA0]  }
0x2a: {  	v3 =	vld [tilespmem:s30+$0xFFFFFDB0]  }
0x2b: {  	v4 =	vld [tilespmem:s30+$0xFFFFFDC0]  }
0x2c: {  	v9 =	vld [tilespmem:s30+$0xFFFFFE10]  }
0x2d: {  	v5 =	vld [tilespmem:s30+$0xFFFFFDD0];
	v0 =	vmul.f32 $1.131370830e+01, v0  }
0x2e: {  	v10 =	vld [tilespmem:s30+$0xFFFFFE20];
	v1 =	vmul.f32 $1.131370830e+01, v1  }
0x2f: {  	v7 =	vld [tilespmem:s30+$0xFFFFFDF0];
	v2 =	vmul.f32 $1.131370830e+01, v2;
	[tilespmem:s30+$0x270] =	vst v0  }
0x30: {  	v6 =	vld [tilespmem:s30+$0xFFFFFDE0];
	[tilespmem:s30+$0xFFFFFD90] =	vst v1;
	v1 =	vmul.f32 $1.131370830e+01, v3  }
0x31: {  	v9 =	vmul.f32 $1.131370830e+01, v9;
	[tilespmem:s30+$0xFFFFFDA0] =	vst v2;
	v2 =	vmul.f32 $1.131370830e+01, v4;
	v4 =	vld [tilespmem:s30+$0xFFFFFE80]  }
0x32: {  	v11 =	vld [tilespmem:s30+$0xFFFFFE30];
	[tilespmem:s30+$0xFFFFFDB0] =	vst v1;
	v1 =	vmul.f32 $1.131370830e+01, v5  }
0x33: {  	v8 =	vld [tilespmem:s30+$0xFFFFFE00];
	v10 =	vmul.f32 $1.131370830e+01, v10;
	[tilespmem:s30+$0xFFFFFE10] =	vst v9  }
0x34: {  	v12 =	vld [tilespmem:s30+$0xFFFFFE40];
	[tilespmem:s30+$0xFFFFFDD0] =	vst v1;
	v1 =	vmul.f32 $1.131370830e+01, v7  }
0x35: {  	v56 =	vld [tilespmem:s30+$0xFFFFFF00];
	[tilespmem:s30+$0xFFFFFE20] =	vst v10  }
0x36: {  	v0 =	vld [tilespmem:s30+$0xFFFFFE50];
	[tilespmem:s30+$0xFFFFFDF0] =	vst v1;
	v1 =	vmul.f32 $1.131370830e+01, v4  }
0x37: {  	v53 =	vmul.f32 $1.131370830e+01, v11;
	v3 =	vld [tilespmem:s30+$0xFFFFFE60];
	[tilespmem:s30+$0xFFFFFDC0] =	vst v2  }
0x38: {  	v2 =	vmul.f32 $1.131370830e+01, v6;
	[tilespmem:s30+$0xFFFFFE80] =	vst v1;
	v1 =	vld [tilespmem:s30+$0xFFFFFE70]  }
0x39: {  	v55 =	vmul.f32 $1.131370830e+01, v12;
	[tilespmem:s30+$0xFFFFFE30] =	vst v53;
	v5 =	vld [tilespmem:s30+$0xFFFFFE90]  }
0x3a: {  	v6 =	vld [tilespmem:s30+$0xFFFFFEA0];
	[tilespmem:s30+$0xFFFFFDE0] =	vst v2;
	v2 =	vmul.f32 $1.131370830e+01, v8  }
0x3b: {  	[tilespmem:s30+$0xFFFFFE40] =	vst v55;
	v7 =	vld [tilespmem:s30+$0xFFFFFEB0];
	v0 =	vmul.f32 $1.131370830e+01, v0  }
0x3c: {  	v8 =	vld [tilespmem:s30+$0xFFFFFEC0];
	v3 =	vmul.f32 $1.131370830e+01, v3;
	[tilespmem:s30+$0xFFFFFE00] =	vst v2  }
0x3d: {  	v2 =	vld [tilespmem:s30+$0xFFFFFEE0];
	[tilespmem:s30+$0xFFFFFE50] =	vst v0;
	v0 =	vmul.f32 $1.131370830e+01, v1  }
0x3e: {  	v4 =	vld [tilespmem:s30+$0xFFFFFED0];
	[tilespmem:s30+$0xFFFFFE60] =	vst v3;
	v3 =	vmul.f32 $1.131370830e+01, v5  }
0x3f: {  	v57 =	vld [tilespmem:s30+$0xFFFFFF10];
	[tilespmem:s30+$0xFFFFFE70] =	vst v0;
	v0 =	vmul.f32 $1.131370830e+01, v56  }
0x40: {  	v6 =	vmul.f32 $1.131370830e+01, v6;
	[tilespmem:s30+$0xFFFFFE90] =	vst v3;
	v1 =	vld [tilespmem:s30+$0xFFFFFF30]  }
0x41: {  	v54 =	vld [tilespmem:s30+$0xFFFFFEF0];
	[tilespmem:s30+$0xFFFFFF00] =	vst v0;
	v0 =	vmul.f32 $1.131370830e+01, v7  }
0x42: {  	v59 =	vld [tilespmem:s30+$0xFFFFFF50];
	[tilespmem:s30+$0xFFFFFEA0] =	vst v6;
	v2 =	vmul.f32 $1.131370830e+01, v2  }
0x43: {  	v6 =	vmul.f32 $1.131370830e+01, v8;
	[tilespmem:s30+$0xFFFFFEB0] =	vst v0;
	v0 =	vmul.f32 $1.131370830e+01, v4;
	v4 =	vld [tilespmem:s30+$0xFFFFFF80]  }
0x44: {  	v58 =	vld [tilespmem:s30+$0xFFFFFF20];
	[tilespmem:s30+$0xFFFFFEE0] =	vst v2;
	v2 =	vmul.f32 $1.131370830e+01, v57  }
0x45: {  	v5 =	vld [tilespmem:s30+$0xFFFFFF40];
	[tilespmem:s30+$0xFFFFFEC0] =	vst v6;
	v1 =	vmul.f32 $1.131370830e+01, v1  }
0x46: {  	v61 =	vld [tilespmem:s30+$0xFFFFFFC0];
	[tilespmem:s30+$0xFFFFFF10] =	vst v2  }
0x47: {  	v3 =	vld [tilespmem:s30+$0xFFFFFF60];
	[tilespmem:s30+$0xFFFFFF30] =	vst v1;
	v1 =	vmul.f32 $1.131370830e+01, v59  }
0x48: {  	v7 =	vld [tilespmem:s30+$0xFFFFFF70];
	[tilespmem:s30+$0xFFFFFED0] =	vst v0;
	v2 =	vmul.f32 $1.131370830e+01, v4  }
0x49: {  	v60 =	vld [tilespmem:s30+$0xFFFFFFB0];
	v0 =	vmul.f32 $1.131370830e+01, v54;
	[tilespmem:s30+$0xFFFFFF50] =	vst v1  }
0x4a: {  	v8 =	vld [tilespmem:s30+$0xFFFFFFA0];
	[tilespmem:s30+$0xFFFFFF80] =	vst v2;
	v2 =	vmul.f32 $1.131370830e+01, v5  }
0x4b: {  	v6 =	vld [tilespmem:s30+$0xFFFFFF90];
	[tilespmem:s30+$0xFFFFFEF0] =	vst v0;
	v0 =	vmul.f32 $1.131370830e+01, v58  }
0x4c: {  	v10 =	vmul.f32 $1.131370830e+01, v61;
	[tilespmem:s30+$0xFFFFFF40] =	vst v2;
	v2 =	vmul.f32 $1.131370830e+01, v3;
	v3 =	vld [tilespmem:s30+$0x0]  }
0x4d: {  	v1 =	vmul.f32 $1.131370830e+01, v7;
	[tilespmem:s30+$0xFFFFFF20] =	vst v0;
	v0 =	vld [tilespmem:s30+$0xFFFFFFE0]  }
0x4e: {  	[tilespmem:s30+$0xFFFFFFC0] =	vst v10;
	v4 =	vld [tilespmem:s30+$0xFFFFFFD0]  }
0x4f: {  	v7 =	vld [tilespmem:s30+$0x10];
	[tilespmem:s30+$0xFFFFFF70] =	vst v1;
	v1 =	vmul.f32 $1.131370830e+01, v8  }
0x50: {  	v5 =	vld [tilespmem:s30+$0xFFFFFFF0];
	[tilespmem:s30+$0xFFFFFF60] =	vst v2;
	v2 =	vmul.f32 $1.131370830e+01, v6  }
0x51: {  	v8 =	vld [tilespmem:s30+$0x30];
	[tilespmem:s30+$0xFFFFFFA0] =	vst v1;
	v1 =	vmul.f32 $1.131370830e+01, v3  }
0x52: {  	v0 =	vmul.f32 $1.131370830e+01, v0;
	[tilespmem:s30+$0xFFFFFF90] =	vst v2  }
0x53: {  	v3 =	vld [tilespmem:s30+$0x50];
	[tilespmem:s30+$0x0] =	vst v1;
	v1 =	vmul.f32 $1.131370830e+01, v4  }
0x54: {  	v6 =	vld [tilespmem:s30+$0x20];
	[tilespmem:s30+$0xFFFFFFE0] =	vst v0;
	v0 =	vmul.f32 $1.131370830e+01, v7  }
0x55: {  	v2 =	vmul.f32 $1.131370830e+01, v60;
	[tilespmem:s30+$0xFFFFFFD0] =	vst v1;
	v1 =	vmul.f32 $1.131370830e+01, v5;
	v5 =	vld [tilespmem:s30+$0x80]  }
0x56: {  	v62 =	vld [tilespmem:s30+$0x40];
	[tilespmem:s30+$0x10] =	vst v0;
	v0 =	vmul.f32 $1.131370830e+01, v8  }
0x57: {  	[tilespmem:s30+$0xFFFFFFB0] =	vst v2;
	v2 =	vld [tilespmem:s30+$0x60]  }
0x58: {  	v4 =	vld [tilespmem:s30+$0x70];
	[tilespmem:s30+$0x30] =	vst v0;
	v3 =	vmul.f32 $1.131370830e+01, v3  }
0x59: {  	v7 =	vld [tilespmem:s30+$0x90];
	[tilespmem:s30+$0xFFFFFFF0] =	vst v1;
	v1 =	vmul.f32 $1.131370830e+01, v6  }
0x5a: {  	v6 =	vld [tilespmem:s30+$0xA0];
	[tilespmem:s30+$0x50] =	vst v3;
	v0 =	vmul.f32 $1.131370830e+01, v5  }
0x5b: {  	v8 =	vld [tilespmem:s30+$0xB0];
	[tilespmem:s30+$0x20] =	vst v1;
	v1 =	vmul.f32 $1.131370830e+01, v62  }
0x5c: {  	v63 =	vld [tilespmem:s30+$0xC0];
	[tilespmem:s30+$0x80] =	vst v0;
	v0 =	vmul.f32 $1.131370830e+01, v2  }
0x5d: {  	[tilespmem:s30+$0x40] =	vst v1;
	v1 =	vld [tilespmem:s30+$0xE0];
	v2 =	vmul.f32 $1.131370830e+01, v4  }
0x5e: {  	v5 =	vld [tilespmem:s30+$0xD0];
	[tilespmem:s30+$0x60] =	vst v0;
	v0 =	vmul.f32 $1.131370830e+01, v7  }
0x5f: {  	v4 =	vld [tilespmem:s30+$0x100];
	[tilespmem:s30+$0x70] =	vst v2;
	v2 =	vmul.f32 $1.131370830e+01, v6  }
0x60: {  	v6 =	vld [tilespmem:s30+$0x110];
	[tilespmem:s30+$0x90] =	vst v0;
	v0 =	vmul.f32 $1.131370830e+01, v8  }
0x61: {  	v3 =	vld [tilespmem:s30+$0xF0];
	[tilespmem:s30+$0xA0] =	vst v2;
	v2 =	vmul.f32 $1.131370830e+01, v63  }
0x62: {  	v8 =	vld [tilespmem:s30+$0x130];
	v1 =	vmul.f32 $1.131370830e+01, v1;
	[tilespmem:s30+$0xB0] =	vst v0  }
0x63: {  	v7 =	vld [tilespmem:s30+$0x120];
	v0 =	vmul.f32 $1.131370830e+01, v5;
	[tilespmem:s30+$0xC0] =	vst v2  }
0x64: {  	v2 =	vmul.f32 $1.131370830e+01, v4;
	v4 =	vld [tilespmem:s30+$0x150];
	[tilespmem:s30+$0xE0] =	vst v1  }
0x65: {  	v5 =	vld [tilespmem:s30+$0x140];
	v1 =	vmul.f32 $1.131370830e+01, v6;
	[tilespmem:s30+$0xD0] =	vst v0  }
0x66: {  	v0 =	vld [tilespmem:s30+$0x160];
	[tilespmem:s30+$0x100] =	vst v2;
	v2 =	vmul.f32 $1.131370830e+01, v3  }
0x67: {  	v6 =	vld [tilespmem:s30+$0x180];
	[tilespmem:s30+$0x110] =	vst v1;
	v1 =	vmul.f32 $1.131370830e+01, v8  }
0x68: {  	v3 =	vld [tilespmem:s30+$0x170];
	[tilespmem:s30+$0xF0] =	vst v2;
	v2 =	vmul.f32 $1.131370830e+01, v7  }
0x69: {  	v7 =	vld [tilespmem:s30+$0x190];
	[tilespmem:s30+$0x130] =	vst v1;
	v1 =	vmul.f32 $1.131370830e+01, v4  }
0x6a: {  	[tilespmem:s30+$0x120] =	vst v2;
	v2 =	vmul.f32 $1.131370830e+01, v5;
	v5 =	vld [tilespmem:s30+$0x1A0]  }
0x6b: {  	v4 =	vld [tilespmem:s30+$0x1B0];
	v0 =	vmul.f32 $1.131370830e+01, v0;
	[tilespmem:s30+$0x150] =	vst v1  }
0x6c: {  	v1 =	vmul.f32 $1.131370830e+01, v6;
	[tilespmem:s30+$0x140] =	vst v2;
	v2 =	vld [tilespmem:s30+$0x1C0]  }
0x6d: {  	v6 =	vld [tilespmem:s30+$0x1D0];
	v3 =	vmul.f32 $1.131370830e+01, v3;
	[tilespmem:s30+$0x160] =	vst v0  }
0x6e: {  	v0 =	vld [tilespmem:s30+$0x1E0];
	v7 =	vmul.f32 $1.131370830e+01, v7;
	[tilespmem:s30+$0x180] =	vst v1  }
0x6f: {  	[tilespmem:s30+$0x170] =	vst v3;
	v3 =	vld [tilespmem:s30+$0x1F0];
	v1 =	vmul.f32 $1.131370830e+01, v5  }
0x70: {  	v4 =	vmul.f32 $1.131370830e+01, v4;
	[tilespmem:s30+$0x190] =	vst v7;
	v5 =	vld [tilespmem:s30+$0x200]  }
0x71: {  	v7 =	vld [tilespmem:s30+$0x210];
	[tilespmem:s30+$0x1A0] =	vst v1;
	v1 =	vmul.f32 $1.131370830e+01, v2  }
0x72: {  	[tilespmem:s30+$0x1B0] =	vst v4;
	v2 =	vmul.f32 $1.131370830e+01, v6;
	v6 =	vld [tilespmem:s30+$0x220]  }
0x73: {  	v4 =	vmul.f32 $1.131370830e+01, v0;
	v0 =	vld [tilespmem:s30+$0x230];
	[tilespmem:s30+$0x1C0] =	vst v1  }
0x74: {  	v3 =	vmul.f32 $1.131370830e+01, v3;
	[tilespmem:s30+$0x1D0] =	vst v2;
	v1 =	vld [tilespmem:s30+$0x240]  }
0x75: {  	v2 =	vld [tilespmem:s30+$0x250];
	[tilespmem:s30+$0x1E0] =	vst v4;
	v8 =	vmul.f32 $1.131370830e+01, v5  }
0x76: {  	[tilespmem:s30+$0x1F0] =	vst v3;
	v3 =	vld [tilespmem:s30+$0x260];
	v5 =	vmul.f32 $1.131370830e+01, v7  }
0x77: {  	s31 =	simm.s32 $0x0;
	s29 =	simm.s32 $0x60F0;
	s0 =	simm.s32 $0x4780;
	v4 =	vld [tilespmem:s30+$0xFFFFFD80];
	[tilespmem:s30+$0x200] =	vst v8;
	v6 =	vmul.f32 $1.131370830e+01, v6  }
.LBB2_3:
0x78: {  	v7 =	vld [tilespmem:s0+$0x270];
	s31 =	sadd.s32 $0xA, s31;
	[tilespmem:s30+$0x210] =	vst v5;
	v0 =	vmul.f32 $1.131370830e+01, v0  }
0x79: {  	v5 =	vld [tilespmem:s0+$0xFFFFFD90];
	p0 =	slt.u32 s31, $0x28;
	[tilespmem:s30+$0x220] =	vst v6;
	v1 =	vmul.f32 $1.131370830e+01, v1  }
0x7a: {  	v6 =	vld [tilespmem:s0+$0xFFFFFDA0];
	[tilespmem:s30+$0x230] =	vst v0;
	v0 =	vmul.f32 $1.131370830e+01, v2  }
0x7b: {  	v2 =	vld [tilespmem:s0+$0xFFFFFDB0];
	[tilespmem:s30+$0x240] =	vst v1;
	v1 =	vmul.f32 $1.131370830e+01, v3  }
0x7c: {  	v3 =	vld [tilespmem:s0+$0xFFFFFDC0];
	v4 =	vmul.f32 $1.131370830e+01, v4;
	[tilespmem:s30+$0x250] =	vst v0  }
0x7d: {  	v0 =	vld [tilespmem:s0+$0xFFFFFDD0];
	v7 =	vmul.f32 $1.131370830e+01, v7;
	[tilespmem:s30+$0x260] =	vst v1  }
0x7e: {  	v1 =	vmul.f32 $1.131370830e+01, v5;
	v5 =	vld [tilespmem:s0+$0xFFFFFDE0];
	[tilespmem:s30+$0xFFFFFD80] =	vst v4;
	s30 =	smov.u32 s0  }
0x7f: {  	v4 =	vmul.f32 $1.131370830e+01, v6;
	v6 =	vld [tilespmem:s0+$0xFFFFFDF0];
	[tilespmem:s0+$0x270] =	vst v7  }
0x80: {  	[tilespmem:s0+$0xFFFFFD90] =	vst v1;
	v1 =	vmul.f32 $1.131370830e+01, v2;
	v2 =	vld [tilespmem:s0+$0xFFFFFE00]  }
0x81: {  	[tilespmem:s0+$0xFFFFFDA0] =	vst v4;
	v3 =	vmul.f32 $1.131370830e+01, v3;
	v4 =	vld [tilespmem:s0+$0xFFFFFE10]  }
0x82: {  	[tilespmem:s0+$0xFFFFFDB0] =	vst v1;
	v0 =	vmul.f32 $1.131370830e+01, v0;
	v1 =	vld [tilespmem:s0+$0xFFFFFE20]  }
0x83: {  	[tilespmem:s0+$0xFFFFFDC0] =	vst v3;
	v3 =	vmul.f32 $1.131370830e+01, v5;
	v5 =	vld [tilespmem:s0+$0xFFFFFE30]  }
0x84: {  	[tilespmem:s0+$0xFFFFFDD0] =	vst v0;
	v0 =	vmul.f32 $1.131370830e+01, v6;
	v6 =	vld [tilespmem:s0+$0xFFFFFE40]  }
0x85: {  	[tilespmem:s0+$0xFFFFFDE0] =	vst v3;
	v2 =	vmul.f32 $1.131370830e+01, v2;
	v3 =	vld [tilespmem:s0+$0xFFFFFE50]  }
0x86: {  	[tilespmem:s0+$0xFFFFFDF0] =	vst v0;
	v0 =	vmul.f32 $1.131370830e+01, v4;
	v4 =	vld [tilespmem:s0+$0xFFFFFE60]  }
0x87: {  	[tilespmem:s0+$0xFFFFFE00] =	vst v2;
	v1 =	vmul.f32 $1.131370830e+01, v1;
	v2 =	vld [tilespmem:s0+$0xFFFFFE70]  }
0x88: {  	[tilespmem:s0+$0xFFFFFE10] =	vst v0;
	v0 =	vmul.f32 $1.131370830e+01, v5;
	v5 =	vld [tilespmem:s0+$0xFFFFFE80]  }
0x89: {  	[tilespmem:s0+$0xFFFFFE20] =	vst v1;
	v1 =	vmul.f32 $1.131370830e+01, v6;
	v6 =	vld [tilespmem:s0+$0xFFFFFE90]  }
0x8a: {  	[tilespmem:s0+$0xFFFFFE30] =	vst v0;
	v0 =	vmul.f32 $1.131370830e+01, v3;
	v3 =	vld [tilespmem:s0+$0xFFFFFEA0]  }
0x8b: {  	[tilespmem:s0+$0xFFFFFE40] =	vst v1;
	v1 =	vmul.f32 $1.131370830e+01, v4;
	v4 =	vld [tilespmem:s0+$0xFFFFFEB0]  }
0x8c: {  	[tilespmem:s0+$0xFFFFFE50] =	vst v0;
	v0 =	vmul.f32 $1.131370830e+01, v2;
	v2 =	vld [tilespmem:s0+$0xFFFFFEC0]  }
0x8d: {  	[tilespmem:s0+$0xFFFFFE60] =	vst v1;
	v1 =	vmul.f32 $1.131370830e+01, v5;
	v5 =	vld [tilespmem:s0+$0xFFFFFED0]  }
0x8e: {  	[tilespmem:s0+$0xFFFFFE70] =	vst v0;
	v0 =	vmul.f32 $1.131370830e+01, v6;
	v6 =	vld [tilespmem:s0+$0xFFFFFEE0]  }
0x8f: {  	[tilespmem:s0+$0xFFFFFE80] =	vst v1;
	v1 =	vmul.f32 $1.131370830e+01, v3;
	v3 =	vld [tilespmem:s0+$0xFFFFFEF0]  }
0x90: {  	[tilespmem:s0+$0xFFFFFE90] =	vst v0;
	v0 =	vmul.f32 $1.131370830e+01, v4;
	v4 =	vld [tilespmem:s0+$0xFFFFFF00]  }
0x91: {  	[tilespmem:s0+$0xFFFFFEA0] =	vst v1;
	v1 =	vmul.f32 $1.131370830e+01, v2;
	v2 =	vld [tilespmem:s0+$0xFFFFFF10]  }
0x92: {  	[tilespmem:s0+$0xFFFFFEB0] =	vst v0;
	v0 =	vmul.f32 $1.131370830e+01, v5;
	v5 =	vld [tilespmem:s0+$0xFFFFFF20]  }
0x93: {  	[tilespmem:s0+$0xFFFFFEC0] =	vst v1;
	v1 =	vmul.f32 $1.131370830e+01, v6;
	v6 =	vld [tilespmem:s0+$0xFFFFFF30]  }
0x94: {  	[tilespmem:s0+$0xFFFFFED0] =	vst v0;
	v0 =	vmul.f32 $1.131370830e+01, v3;
	v3 =	vld [tilespmem:s0+$0xFFFFFF40]  }
0x95: {  	[tilespmem:s0+$0xFFFFFEE0] =	vst v1;
	v1 =	vmul.f32 $1.131370830e+01, v4;
	v4 =	vld [tilespmem:s0+$0xFFFFFF50]  }
0x96: {  	[tilespmem:s0+$0xFFFFFEF0] =	vst v0;
	v0 =	vmul.f32 $1.131370830e+01, v2;
	v2 =	vld [tilespmem:s0+$0xFFFFFF60]  }
0x97: {  	[tilespmem:s0+$0xFFFFFF00] =	vst v1;
	v1 =	vmul.f32 $1.131370830e+01, v5;
	v5 =	vld [tilespmem:s0+$0xFFFFFF70]  }
0x98: {  	[tilespmem:s0+$0xFFFFFF10] =	vst v0;
	v0 =	vmul.f32 $1.131370830e+01, v6;
	v6 =	vld [tilespmem:s0+$0xFFFFFF80]  }
0x99: {  	[tilespmem:s0+$0xFFFFFF20] =	vst v1;
	v1 =	vmul.f32 $1.131370830e+01, v3;
	v3 =	vld [tilespmem:s0+$0xFFFFFF90]  }
0x9a: {  	[tilespmem:s0+$0xFFFFFF30] =	vst v0;
	v0 =	vmul.f32 $1.131370830e+01, v4;
	v4 =	vld [tilespmem:s0+$0xFFFFFFA0]  }
0x9b: {  	[tilespmem:s0+$0xFFFFFF40] =	vst v1;
	v1 =	vmul.f32 $1.131370830e+01, v2;
	v2 =	vld [tilespmem:s0+$0xFFFFFFB0]  }
0x9c: {  	[tilespmem:s0+$0xFFFFFF50] =	vst v0;
	v0 =	vmul.f32 $1.131370830e+01, v5;
	v5 =	vld [tilespmem:s0+$0xFFFFFFC0]  }
0x9d: {  	[tilespmem:s0+$0xFFFFFF60] =	vst v1;
	v1 =	vmul.f32 $1.131370830e+01, v6;
	v6 =	vld [tilespmem:s0+$0xFFFFFFD0]  }
0x9e: {  	[tilespmem:s0+$0xFFFFFF70] =	vst v0;
	v0 =	vmul.f32 $1.131370830e+01, v3;
	v3 =	vld [tilespmem:s0+$0xFFFFFFE0]  }
0x9f: {  	[tilespmem:s0+$0xFFFFFF80] =	vst v1;
	v1 =	vmul.f32 $1.131370830e+01, v4;
	v4 =	vld [tilespmem:s0+$0xFFFFFFF0]  }
0xa0: {  	[tilespmem:s0+$0xFFFFFF90] =	vst v0;
	v0 =	vmul.f32 $1.131370830e+01, v2;
	v2 =	vld [tilespmem:s0+$0x0]  }
0xa1: {  	[tilespmem:s0+$0xFFFFFFA0] =	vst v1;
	v1 =	vmul.f32 $1.131370830e+01, v5;
	v5 =	vld [tilespmem:s0+$0x10]  }
0xa2: {  	[tilespmem:s0+$0xFFFFFFB0] =	vst v0;
	v0 =	vmul.f32 $1.131370830e+01, v6;
	v6 =	vld [tilespmem:s0+$0x20]  }
0xa3: {  	[tilespmem:s0+$0xFFFFFFC0] =	vst v1;
	v1 =	vmul.f32 $1.131370830e+01, v3;
	v3 =	vld [tilespmem:s0+$0x30]  }
0xa4: {  	[tilespmem:s0+$0xFFFFFFD0] =	vst v0;
	v0 =	vmul.f32 $1.131370830e+01, v4;
	v4 =	vld [tilespmem:s0+$0x40]  }
0xa5: {  	[tilespmem:s0+$0xFFFFFFE0] =	vst v1;
	v1 =	vmul.f32 $1.131370830e+01, v2;
	v2 =	vld [tilespmem:s0+$0x50]  }
0xa6: {  	[tilespmem:s0+$0xFFFFFFF0] =	vst v0;
	v0 =	vmul.f32 $1.131370830e+01, v5;
	v5 =	vld [tilespmem:s0+$0x60]  }
0xa7: {  	[tilespmem:s0+$0x0] =	vst v1;
	v1 =	vmul.f32 $1.131370830e+01, v6;
	v6 =	vld [tilespmem:s0+$0x70]  }
0xa8: {  	[tilespmem:s0+$0x10] =	vst v0;
	v0 =	vmul.f32 $1.131370830e+01, v3;
	v3 =	vld [tilespmem:s0+$0x80]  }
0xa9: {  	[tilespmem:s0+$0x20] =	vst v1;
	v1 =	vmul.f32 $1.131370830e+01, v4;
	v4 =	vld [tilespmem:s0+$0x90]  }
0xaa: {  	[tilespmem:s0+$0x30] =	vst v0;
	v0 =	vmul.f32 $1.131370830e+01, v2;
	v2 =	vld [tilespmem:s0+$0xA0]  }
0xab: {  	[tilespmem:s0+$0x40] =	vst v1;
	v1 =	vmul.f32 $1.131370830e+01, v5;
	v5 =	vld [tilespmem:s0+$0xB0]  }
0xac: {  	[tilespmem:s0+$0x50] =	vst v0;
	v0 =	vmul.f32 $1.131370830e+01, v6;
	v6 =	vld [tilespmem:s0+$0xC0]  }
0xad: {  	[tilespmem:s0+$0x60] =	vst v1;
	v1 =	vmul.f32 $1.131370830e+01, v3;
	v3 =	vld [tilespmem:s0+$0xD0]  }
0xae: {  	[tilespmem:s0+$0x70] =	vst v0;
	v0 =	vmul.f32 $1.131370830e+01, v4;
	v4 =	vld [tilespmem:s0+$0xE0]  }
0xaf: {  	[tilespmem:s0+$0x80] =	vst v1;
	v1 =	vmul.f32 $1.131370830e+01, v2;
	v2 =	vld [tilespmem:s0+$0xF0]  }
0xb0: {  	[tilespmem:s0+$0x90] =	vst v0;
	v0 =	vmul.f32 $1.131370830e+01, v5;
	v5 =	vld [tilespmem:s0+$0x100]  }
0xb1: {  	[tilespmem:s0+$0xA0] =	vst v1;
	v1 =	vmul.f32 $1.131370830e+01, v6;
	v6 =	vld [tilespmem:s0+$0x110]  }
0xb2: {  	[tilespmem:s0+$0xB0] =	vst v0;
	v0 =	vmul.f32 $1.131370830e+01, v3;
	v3 =	vld [tilespmem:s0+$0x120]  }
0xb3: {  	[tilespmem:s0+$0xC0] =	vst v1;
	v1 =	vmul.f32 $1.131370830e+01, v4;
	v4 =	vld [tilespmem:s0+$0x130]  }
0xb4: {  	[tilespmem:s0+$0xD0] =	vst v0;
	v0 =	vmul.f32 $1.131370830e+01, v2;
	v2 =	vld [tilespmem:s0+$0x140]  }
0xb5: {  	[tilespmem:s0+$0xE0] =	vst v1;
	v1 =	vmul.f32 $1.131370830e+01, v5;
	v5 =	vld [tilespmem:s0+$0x150]  }
0xb6: {  	[tilespmem:s0+$0xF0] =	vst v0;
	v0 =	vmul.f32 $1.131370830e+01, v6;
	v6 =	vld [tilespmem:s0+$0x160]  }
0xb7: {  	[tilespmem:s0+$0x100] =	vst v1;
	v1 =	vmul.f32 $1.131370830e+01, v3;
	v3 =	vld [tilespmem:s0+$0x170]  }
0xb8: {  	[tilespmem:s0+$0x110] =	vst v0;
	v0 =	vmul.f32 $1.131370830e+01, v4;
	v4 =	vld [tilespmem:s0+$0x180]  }
0xb9: {  	[tilespmem:s0+$0x120] =	vst v1;
	v1 =	vmul.f32 $1.131370830e+01, v2;
	v2 =	vld [tilespmem:s0+$0x190]  }
0xba: {  	[tilespmem:s0+$0x130] =	vst v0;
	v0 =	vmul.f32 $1.131370830e+01, v5;
	v5 =	vld [tilespmem:s0+$0x1A0]  }
0xbb: {  	[tilespmem:s0+$0x140] =	vst v1;
	v1 =	vmul.f32 $1.131370830e+01, v6;
	v6 =	vld [tilespmem:s0+$0x1B0]  }
0xbc: {  	[tilespmem:s0+$0x150] =	vst v0;
	v0 =	vmul.f32 $1.131370830e+01, v3;
	v3 =	vld [tilespmem:s0+$0x1C0]  }
0xbd: {  	[tilespmem:s0+$0x160] =	vst v1;
	v1 =	vmul.f32 $1.131370830e+01, v4;
	v4 =	vld [tilespmem:s0+$0x1D0]  }
0xbe: {  	[tilespmem:s0+$0x170] =	vst v0;
	v0 =	vmul.f32 $1.131370830e+01, v2;
	v2 =	vld [tilespmem:s0+$0x1E0]  }
0xbf: {  	[tilespmem:s0+$0x180] =	vst v1;
	v1 =	vmul.f32 $1.131370830e+01, v5;
	v5 =	vld [tilespmem:s0+$0x1F0]  }
0xc0: {  	[tilespmem:s0+$0x190] =	vst v0;
	v0 =	vmul.f32 $1.131370830e+01, v6;
	v6 =	vld [tilespmem:s0+$0x200]  }
0xc1: {  	[tilespmem:s0+$0x1A0] =	vst v1;
	v1 =	vmul.f32 $1.131370830e+01, v3;
	v3 =	vld [tilespmem:s0+$0x210]  }
0xc2: {  	[tilespmem:s0+$0x1B0] =	vst v0;
	v4 =	vmul.f32 $1.131370830e+01, v4;
	v7 =	vld [tilespmem:s0+$0x220]  }
.Ltmp0:
0xc3: {  	[tilespmem:s0+$0x1C0] =	vst v1;
	v2 =	vmul.f32 $1.131370830e+01, v2;
	v0 =	vld [tilespmem:s0+$0x230];
	(pc) =	sbr.rel @p0 .LBB2_3-.Ltmp0, $4  }
0xc4: {  	[tilespmem:s0+$0x1D0] =	vst v4;
	v4 =	vmul.f32 $1.131370830e+01, v5;
	v1 =	vld [tilespmem:s0+$0x240]  }
0xc5: {  	[tilespmem:s0+$0x1E0] =	vst v2;
	v6 =	vmul.f32 $1.131370830e+01, v6;
	v2 =	vld [tilespmem:s0+$0x250]  }
0xc6: {  	[tilespmem:s0+$0x1F0] =	vst v4;
	v5 =	vmul.f32 $1.131370830e+01, v3;
	v3 =	vld [tilespmem:s0+$0x260]  }
0xc7: {  	s0 =	sadd.s32 $0x500, s0;
	v4 =	vld [tilespmem:s30+$0xFFFFFD80];
	[tilespmem:s30+$0x200] =	vst v6;
	v6 =	vmul.f32 $1.131370830e+01, v7  }
0xc8: {  	[tilespmem:s30+$0x210] =	vst v5;
	v0 =	vmul.f32 $1.131370830e+01, v0  }
0xc9: {  	[tilespmem:s30+$0x220] =	vst v6;
	v1 =	vmul.f32 $1.131370830e+01, v1  }
0xca: {  	[tilespmem:s30+$0x230] =	vst v0;
	v0 =	vmul.f32 $1.131370830e+01, v2  }
0xcb: {  	[tilespmem:s30+$0x240] =	vst v1;
	v1 =	vmul.f32 $1.131370830e+01, v3  }
0xcc: {  	v2 =	vmul.f32 $1.131370830e+01, v4;
	[tilespmem:s30+$0x250] =	vst v0  }
0xcd: {  	[tilespmem:s30+$0x260] =	vst v1  }
0xce: {  	[tilespmem:s30+$0xFFFFFD80] =	vst v2  }
0xcf: {  	v0 =	vld [tilespmem:s29+$0x0]  }
0xd0: {  	v1 =	vld [tilespmem:s29+$0xFFFFFB20]  }
0xd1: {  	v2 =	vld [tilespmem:s29+$0xFFFFFB30]  }
0xd2: {  	v3 =	vld [tilespmem:s29+$0xFFFFFB40]  }
0xd3: {  	v4 =	vld [tilespmem:s29+$0xFFFFFB50]  }
0xd4: {  	v9 =	vld [tilespmem:s29+$0xFFFFFBA0]  }
0xd5: {  	v5 =	vld [tilespmem:s29+$0xFFFFFB60];
	v0 =	vmul.f32 $1.131370830e+01, v0  }
0xd6: {  	v10 =	vld [tilespmem:s29+$0xFFFFFBB0];
	v1 =	vmul.f32 $1.131370830e+01, v1  }
0xd7: {  	v7 =	vld [tilespmem:s29+$0xFFFFFB80];
	v2 =	vmul.f32 $1.131370830e+01, v2;
	[tilespmem:s29+$0x0] =	vst v0  }
0xd8: {  	v6 =	vld [tilespmem:s29+$0xFFFFFB70];
	[tilespmem:s29+$0xFFFFFB20] =	vst v1;
	v1 =	vmul.f32 $1.131370830e+01, v3  }
0xd9: {  	v9 =	vmul.f32 $1.131370830e+01, v9;
	[tilespmem:s29+$0xFFFFFB30] =	vst v2;
	v2 =	vmul.f32 $1.131370830e+01, v4;
	v4 =	vld [tilespmem:s29+$0xFFFFFC10]  }
0xda: {  	v11 =	vld [tilespmem:s29+$0xFFFFFBC0];
	[tilespmem:s29+$0xFFFFFB40] =	vst v1;
	v1 =	vmul.f32 $1.131370830e+01, v5  }
0xdb: {  	v8 =	vld [tilespmem:s29+$0xFFFFFB90];
	v10 =	vmul.f32 $1.131370830e+01, v10;
	[tilespmem:s29+$0xFFFFFBA0] =	vst v9  }
0xdc: {  	v12 =	vld [tilespmem:s29+$0xFFFFFBD0];
	[tilespmem:s29+$0xFFFFFB60] =	vst v1;
	v1 =	vmul.f32 $1.131370830e+01, v7  }
0xdd: {  	v56 =	vld [tilespmem:s29+$0xFFFFFC90];
	[tilespmem:s29+$0xFFFFFBB0] =	vst v10  }
0xde: {  	v0 =	vld [tilespmem:s29+$0xFFFFFBE0];
	[tilespmem:s29+$0xFFFFFB80] =	vst v1;
	v1 =	vmul.f32 $1.131370830e+01, v4  }
0xdf: {  	v53 =	vmul.f32 $1.131370830e+01, v11;
	v3 =	vld [tilespmem:s29+$0xFFFFFBF0];
	[tilespmem:s29+$0xFFFFFB50] =	vst v2  }
0xe0: {  	v2 =	vmul.f32 $1.131370830e+01, v6;
	[tilespmem:s29+$0xFFFFFC10] =	vst v1;
	v1 =	vld [tilespmem:s29+$0xFFFFFC00]  }
0xe1: {  	v55 =	vmul.f32 $1.131370830e+01, v12;
	[tilespmem:s29+$0xFFFFFBC0] =	vst v53;
	v5 =	vld [tilespmem:s29+$0xFFFFFC20]  }
0xe2: {  	v6 =	vld [tilespmem:s29+$0xFFFFFC30];
	[tilespmem:s29+$0xFFFFFB70] =	vst v2;
	v2 =	vmul.f32 $1.131370830e+01, v8  }
0xe3: {  	[tilespmem:s29+$0xFFFFFBD0] =	vst v55;
	v7 =	vld [tilespmem:s29+$0xFFFFFC40];
	v0 =	vmul.f32 $1.131370830e+01, v0  }
0xe4: {  	v8 =	vld [tilespmem:s29+$0xFFFFFC50];
	v3 =	vmul.f32 $1.131370830e+01, v3;
	[tilespmem:s29+$0xFFFFFB90] =	vst v2  }
0xe5: {  	v2 =	vld [tilespmem:s29+$0xFFFFFC70];
	[tilespmem:s29+$0xFFFFFBE0] =	vst v0;
	v0 =	vmul.f32 $1.131370830e+01, v1  }
0xe6: {  	v4 =	vld [tilespmem:s29+$0xFFFFFC60];
	[tilespmem:s29+$0xFFFFFBF0] =	vst v3;
	v3 =	vmul.f32 $1.131370830e+01, v5  }
0xe7: {  	v57 =	vld [tilespmem:s29+$0xFFFFFCA0];
	[tilespmem:s29+$0xFFFFFC00] =	vst v0;
	v0 =	vmul.f32 $1.131370830e+01, v56  }
0xe8: {  	v6 =	vmul.f32 $1.131370830e+01, v6;
	[tilespmem:s29+$0xFFFFFC20] =	vst v3;
	v1 =	vld [tilespmem:s29+$0xFFFFFCC0]  }
0xe9: {  	v54 =	vld [tilespmem:s29+$0xFFFFFC80];
	[tilespmem:s29+$0xFFFFFC90] =	vst v0;
	v0 =	vmul.f32 $1.131370830e+01, v7  }
0xea: {  	v59 =	vld [tilespmem:s29+$0xFFFFFCE0];
	[tilespmem:s29+$0xFFFFFC30] =	vst v6;
	v2 =	vmul.f32 $1.131370830e+01, v2  }
0xeb: {  	v6 =	vmul.f32 $1.131370830e+01, v8;
	[tilespmem:s29+$0xFFFFFC40] =	vst v0;
	v0 =	vmul.f32 $1.131370830e+01, v4;
	v4 =	vld [tilespmem:s29+$0xFFFFFD10]  }
0xec: {  	v58 =	vld [tilespmem:s29+$0xFFFFFCB0];
	[tilespmem:s29+$0xFFFFFC70] =	vst v2;
	v2 =	vmul.f32 $1.131370830e+01, v57  }
0xed: {  	v5 =	vld [tilespmem:s29+$0xFFFFFCD0];
	[tilespmem:s29+$0xFFFFFC50] =	vst v6;
	v1 =	vmul.f32 $1.131370830e+01, v1  }
0xee: {  	v61 =	vld [tilespmem:s29+$0xFFFFFD50];
	[tilespmem:s29+$0xFFFFFCA0] =	vst v2  }
0xef: {  	v3 =	vld [tilespmem:s29+$0xFFFFFCF0];
	[tilespmem:s29+$0xFFFFFCC0] =	vst v1;
	v1 =	vmul.f32 $1.131370830e+01, v59  }
0xf0: {  	v7 =	vld [tilespmem:s29+$0xFFFFFD00];
	[tilespmem:s29+$0xFFFFFC60] =	vst v0;
	v2 =	vmul.f32 $1.131370830e+01, v4  }
0xf1: {  	v60 =	vld [tilespmem:s29+$0xFFFFFD40];
	v0 =	vmul.f32 $1.131370830e+01, v54;
	[tilespmem:s29+$0xFFFFFCE0] =	vst v1  }
0xf2: {  	v8 =	vld [tilespmem:s29+$0xFFFFFD30];
	[tilespmem:s29+$0xFFFFFD10] =	vst v2;
	v2 =	vmul.f32 $1.131370830e+01, v5  }
0xf3: {  	v6 =	vld [tilespmem:s29+$0xFFFFFD20];
	[tilespmem:s29+$0xFFFFFC80] =	vst v0;
	v0 =	vmul.f32 $1.131370830e+01, v58  }
0xf4: {  	v10 =	vmul.f32 $1.131370830e+01, v61;
	[tilespmem:s29+$0xFFFFFCD0] =	vst v2;
	v2 =	vmul.f32 $1.131370830e+01, v3;
	v3 =	vld [tilespmem:s29+$0xFFFFFD90]  }
0xf5: {  	v1 =	vmul.f32 $1.131370830e+01, v7;
	[tilespmem:s29+$0xFFFFFCB0] =	vst v0;
	v0 =	vld [tilespmem:s29+$0xFFFFFD70]  }
0xf6: {  	[tilespmem:s29+$0xFFFFFD50] =	vst v10;
	v4 =	vld [tilespmem:s29+$0xFFFFFD60]  }
0xf7: {  	v7 =	vld [tilespmem:s29+$0xFFFFFDA0];
	[tilespmem:s29+$0xFFFFFD00] =	vst v1;
	v1 =	vmul.f32 $1.131370830e+01, v8  }
0xf8: {  	v5 =	vld [tilespmem:s29+$0xFFFFFD80];
	[tilespmem:s29+$0xFFFFFCF0] =	vst v2;
	v2 =	vmul.f32 $1.131370830e+01, v6  }
0xf9: {  	v8 =	vld [tilespmem:s29+$0xFFFFFDC0];
	[tilespmem:s29+$0xFFFFFD30] =	vst v1;
	v1 =	vmul.f32 $1.131370830e+01, v3  }
0xfa: {  	v0 =	vmul.f32 $1.131370830e+01, v0;
	[tilespmem:s29+$0xFFFFFD20] =	vst v2  }
0xfb: {  	v3 =	vld [tilespmem:s29+$0xFFFFFDE0];
	[tilespmem:s29+$0xFFFFFD90] =	vst v1;
	v1 =	vmul.f32 $1.131370830e+01, v4  }
0xfc: {  	v6 =	vld [tilespmem:s29+$0xFFFFFDB0];
	[tilespmem:s29+$0xFFFFFD70] =	vst v0;
	v0 =	vmul.f32 $1.131370830e+01, v7  }
0xfd: {  	v2 =	vmul.f32 $1.131370830e+01, v60;
	[tilespmem:s29+$0xFFFFFD60] =	vst v1;
	v1 =	vmul.f32 $1.131370830e+01, v5;
	v5 =	vld [tilespmem:s29+$0xFFFFFE10]  }
0xfe: {  	v62 =	vld [tilespmem:s29+$0xFFFFFDD0];
	[tilespmem:s29+$0xFFFFFDA0] =	vst v0;
	v0 =	vmul.f32 $1.131370830e+01, v8  }
0xff: {  	[tilespmem:s29+$0xFFFFFD40] =	vst v2;
	v2 =	vld [tilespmem:s29+$0xFFFFFDF0]  }
0x100: {  	v4 =	vld [tilespmem:s29+$0xFFFFFE00];
	[tilespmem:s29+$0xFFFFFDC0] =	vst v0;
	v3 =	vmul.f32 $1.131370830e+01, v3  }
0x101: {  	v7 =	vld [tilespmem:s29+$0xFFFFFE20];
	[tilespmem:s29+$0xFFFFFD80] =	vst v1;
	v1 =	vmul.f32 $1.131370830e+01, v6  }
0x102: {  	v6 =	vld [tilespmem:s29+$0xFFFFFE30];
	[tilespmem:s29+$0xFFFFFDE0] =	vst v3;
	v0 =	vmul.f32 $1.131370830e+01, v5  }
0x103: {  	v8 =	vld [tilespmem:s29+$0xFFFFFE40];
	[tilespmem:s29+$0xFFFFFDB0] =	vst v1;
	v1 =	vmul.f32 $1.131370830e+01, v62  }
0x104: {  	v63 =	vld [tilespmem:s29+$0xFFFFFE50];
	[tilespmem:s29+$0xFFFFFE10] =	vst v0;
	v0 =	vmul.f32 $1.131370830e+01, v2  }
0x105: {  	[tilespmem:s29+$0xFFFFFDD0] =	vst v1;
	v1 =	vld [tilespmem:s29+$0xFFFFFE70];
	v2 =	vmul.f32 $1.131370830e+01, v4  }
0x106: {  	v5 =	vld [tilespmem:s29+$0xFFFFFE60];
	[tilespmem:s29+$0xFFFFFDF0] =	vst v0;
	v0 =	vmul.f32 $1.131370830e+01, v7  }
0x107: {  	v4 =	vld [tilespmem:s29+$0xFFFFFE90];
	[tilespmem:s29+$0xFFFFFE00] =	vst v2;
	v2 =	vmul.f32 $1.131370830e+01, v6  }
0x108: {  	v6 =	vld [tilespmem:s29+$0xFFFFFEA0];
	[tilespmem:s29+$0xFFFFFE20] =	vst v0;
	v0 =	vmul.f32 $1.131370830e+01, v8  }
0x109: {  	v3 =	vld [tilespmem:s29+$0xFFFFFE80];
	[tilespmem:s29+$0xFFFFFE30] =	vst v2;
	v2 =	vmul.f32 $1.131370830e+01, v63  }
0x10a: {  	v8 =	vld [tilespmem:s29+$0xFFFFFEC0];
	v1 =	vmul.f32 $1.131370830e+01, v1;
	[tilespmem:s29+$0xFFFFFE40] =	vst v0  }
0x10b: {  	v7 =	vld [tilespmem:s29+$0xFFFFFEB0];
	v0 =	vmul.f32 $1.131370830e+01, v5;
	[tilespmem:s29+$0xFFFFFE50] =	vst v2  }
0x10c: {  	v2 =	vmul.f32 $1.131370830e+01, v4;
	v4 =	vld [tilespmem:s29+$0xFFFFFEE0];
	[tilespmem:s29+$0xFFFFFE70] =	vst v1  }
0x10d: {  	v5 =	vld [tilespmem:s29+$0xFFFFFED0];
	v1 =	vmul.f32 $1.131370830e+01, v6;
	[tilespmem:s29+$0xFFFFFE60] =	vst v0  }
0x10e: {  	v0 =	vld [tilespmem:s29+$0xFFFFFEF0];
	[tilespmem:s29+$0xFFFFFE90] =	vst v2;
	v2 =	vmul.f32 $1.131370830e+01, v3  }
0x10f: {  	v6 =	vld [tilespmem:s29+$0xFFFFFF10];
	[tilespmem:s29+$0xFFFFFEA0] =	vst v1;
	v1 =	vmul.f32 $1.131370830e+01, v8  }
0x110: {  	v3 =	vld [tilespmem:s29+$0xFFFFFF00];
	[tilespmem:s29+$0xFFFFFE80] =	vst v2;
	v2 =	vmul.f32 $1.131370830e+01, v7  }
0x111: {  	v7 =	vld [tilespmem:s29+$0xFFFFFF20];
	[tilespmem:s29+$0xFFFFFEC0] =	vst v1;
	v1 =	vmul.f32 $1.131370830e+01, v4  }
0x112: {  	[tilespmem:s29+$0xFFFFFEB0] =	vst v2;
	v2 =	vmul.f32 $1.131370830e+01, v5;
	v5 =	vld [tilespmem:s29+$0xFFFFFF30]  }
0x113: {  	v4 =	vld [tilespmem:s29+$0xFFFFFF40];
	v0 =	vmul.f32 $1.131370830e+01, v0;
	[tilespmem:s29+$0xFFFFFEE0] =	vst v1  }
0x114: {  	v1 =	vmul.f32 $1.131370830e+01, v6;
	[tilespmem:s29+$0xFFFFFED0] =	vst v2;
	v2 =	vld [tilespmem:s29+$0xFFFFFF50]  }
0x115: {  	v6 =	vld [tilespmem:s29+$0xFFFFFF60];
	v3 =	vmul.f32 $1.131370830e+01, v3;
	[tilespmem:s29+$0xFFFFFEF0] =	vst v0  }
0x116: {  	v0 =	vld [tilespmem:s29+$0xFFFFFF70];
	v7 =	vmul.f32 $1.131370830e+01, v7;
	[tilespmem:s29+$0xFFFFFF10] =	vst v1  }
0x117: {  	[tilespmem:s29+$0xFFFFFF00] =	vst v3;
	v3 =	vld [tilespmem:s29+$0xFFFFFF80];
	v1 =	vmul.f32 $1.131370830e+01, v5  }
0x118: {  	v4 =	vmul.f32 $1.131370830e+01, v4;
	[tilespmem:s29+$0xFFFFFF20] =	vst v7;
	v5 =	vld [tilespmem:s29+$0xFFFFFF90]  }
0x119: {  	v7 =	vld [tilespmem:s29+$0xFFFFFFA0];
	[tilespmem:s29+$0xFFFFFF30] =	vst v1;
	v1 =	vmul.f32 $1.131370830e+01, v2  }
0x11a: {  	[tilespmem:s29+$0xFFFFFF40] =	vst v4;
	v2 =	vmul.f32 $1.131370830e+01, v6;
	v6 =	vld [tilespmem:s29+$0xFFFFFFB0]  }
0x11b: {  	v4 =	vmul.f32 $1.131370830e+01, v0;
	v0 =	vld [tilespmem:s29+$0xFFFFFFC0];
	[tilespmem:s29+$0xFFFFFF50] =	vst v1  }
0x11c: {  	v3 =	vmul.f32 $1.131370830e+01, v3;
	[tilespmem:s29+$0xFFFFFF60] =	vst v2;
	v1 =	vld [tilespmem:s29+$0xFFFFFFD0]  }
0x11d: {  	v2 =	vld [tilespmem:s29+$0xFFFFFFE0];
	[tilespmem:s29+$0xFFFFFF70] =	vst v4;
	v8 =	vmul.f32 $1.131370830e+01, v5  }
0x11e: {  	[tilespmem:s29+$0xFFFFFF80] =	vst v3;
	v3 =	vld [tilespmem:s29+$0xFFFFFFF0];
	v5 =	vmul.f32 $1.131370830e+01, v7  }
0x11f: {  	s31 =	simm.s32 $0x0;
	s0 =	simm.s32 $0x65F0;
	s30 =	simm.s32 $0x7CF0;
	v4 =	vld [tilespmem:s29+$0xFFFFFB10];
	[tilespmem:s29+$0xFFFFFF90] =	vst v8;
	v6 =	vmul.f32 $1.131370830e+01, v6  }
.LBB2_5:
0x120: {  	v7 =	vld [tilespmem:s0+$0x0];
	s31 =	sadd.s32 $0xA, s31;
	[tilespmem:s29+$0xFFFFFFA0] =	vst v5;
	v0 =	vmul.f32 $1.131370830e+01, v0  }
0x121: {  	v5 =	vld [tilespmem:s0+$0xFFFFFB20];
	p0 =	slt.u32 s31, $0x28;
	[tilespmem:s29+$0xFFFFFFB0] =	vst v6;
	v1 =	vmul.f32 $1.131370830e+01, v1  }
0x122: {  	v6 =	vld [tilespmem:s0+$0xFFFFFB30];
	[tilespmem:s29+$0xFFFFFFC0] =	vst v0;
	v0 =	vmul.f32 $1.131370830e+01, v2  }
0x123: {  	v2 =	vld [tilespmem:s0+$0xFFFFFB40];
	[tilespmem:s29+$0xFFFFFFD0] =	vst v1;
	v1 =	vmul.f32 $1.131370830e+01, v3  }
0x124: {  	v3 =	vld [tilespmem:s0+$0xFFFFFB50];
	v4 =	vmul.f32 $1.131370830e+01, v4;
	[tilespmem:s29+$0xFFFFFFE0] =	vst v0  }
0x125: {  	v0 =	vld [tilespmem:s0+$0xFFFFFB60];
	v7 =	vmul.f32 $1.131370830e+01, v7;
	[tilespmem:s29+$0xFFFFFFF0] =	vst v1  }
0x126: {  	v1 =	vmul.f32 $1.131370830e+01, v5;
	v5 =	vld [tilespmem:s0+$0xFFFFFB70];
	[tilespmem:s29+$0xFFFFFB10] =	vst v4;
	s29 =	smov.u32 s0  }
0x127: {  	v4 =	vmul.f32 $1.131370830e+01, v6;
	v6 =	vld [tilespmem:s0+$0xFFFFFB80];
	[tilespmem:s0+$0x0] =	vst v7  }
0x128: {  	[tilespmem:s0+$0xFFFFFB20] =	vst v1;
	v1 =	vmul.f32 $1.131370830e+01, v2;
	v2 =	vld [tilespmem:s0+$0xFFFFFB90]  }
0x129: {  	[tilespmem:s0+$0xFFFFFB30] =	vst v4;
	v3 =	vmul.f32 $1.131370830e+01, v3;
	v4 =	vld [tilespmem:s0+$0xFFFFFBA0]  }
0x12a: {  	[tilespmem:s0+$0xFFFFFB40] =	vst v1;
	v0 =	vmul.f32 $1.131370830e+01, v0;
	v1 =	vld [tilespmem:s0+$0xFFFFFBB0]  }
0x12b: {  	[tilespmem:s0+$0xFFFFFB50] =	vst v3;
	v3 =	vmul.f32 $1.131370830e+01, v5;
	v5 =	vld [tilespmem:s0+$0xFFFFFBC0]  }
0x12c: {  	[tilespmem:s0+$0xFFFFFB60] =	vst v0;
	v0 =	vmul.f32 $1.131370830e+01, v6;
	v6 =	vld [tilespmem:s0+$0xFFFFFBD0]  }
0x12d: {  	[tilespmem:s0+$0xFFFFFB70] =	vst v3;
	v2 =	vmul.f32 $1.131370830e+01, v2;
	v3 =	vld [tilespmem:s0+$0xFFFFFBE0]  }
0x12e: {  	[tilespmem:s0+$0xFFFFFB80] =	vst v0;
	v0 =	vmul.f32 $1.131370830e+01, v4;
	v4 =	vld [tilespmem:s0+$0xFFFFFBF0]  }
0x12f: {  	[tilespmem:s0+$0xFFFFFB90] =	vst v2;
	v1 =	vmul.f32 $1.131370830e+01, v1;
	v2 =	vld [tilespmem:s0+$0xFFFFFC00]  }
0x130: {  	[tilespmem:s0+$0xFFFFFBA0] =	vst v0;
	v0 =	vmul.f32 $1.131370830e+01, v5;
	v5 =	vld [tilespmem:s0+$0xFFFFFC10]  }
0x131: {  	[tilespmem:s0+$0xFFFFFBB0] =	vst v1;
	v1 =	vmul.f32 $1.131370830e+01, v6;
	v6 =	vld [tilespmem:s0+$0xFFFFFC20]  }
0x132: {  	[tilespmem:s0+$0xFFFFFBC0] =	vst v0;
	v0 =	vmul.f32 $1.131370830e+01, v3;
	v3 =	vld [tilespmem:s0+$0xFFFFFC30]  }
0x133: {  	[tilespmem:s0+$0xFFFFFBD0] =	vst v1;
	v1 =	vmul.f32 $1.131370830e+01, v4;
	v4 =	vld [tilespmem:s0+$0xFFFFFC40]  }
0x134: {  	[tilespmem:s0+$0xFFFFFBE0] =	vst v0;
	v0 =	vmul.f32 $1.131370830e+01, v2;
	v2 =	vld [tilespmem:s0+$0xFFFFFC50]  }
0x135: {  	[tilespmem:s0+$0xFFFFFBF0] =	vst v1;
	v1 =	vmul.f32 $1.131370830e+01, v5;
	v5 =	vld [tilespmem:s0+$0xFFFFFC60]  }
0x136: {  	[tilespmem:s0+$0xFFFFFC00] =	vst v0;
	v0 =	vmul.f32 $1.131370830e+01, v6;
	v6 =	vld [tilespmem:s0+$0xFFFFFC70]  }
0x137: {  	[tilespmem:s0+$0xFFFFFC10] =	vst v1;
	v1 =	vmul.f32 $1.131370830e+01, v3;
	v3 =	vld [tilespmem:s0+$0xFFFFFC80]  }
0x138: {  	[tilespmem:s0+$0xFFFFFC20] =	vst v0;
	v0 =	vmul.f32 $1.131370830e+01, v4;
	v4 =	vld [tilespmem:s0+$0xFFFFFC90]  }
0x139: {  	[tilespmem:s0+$0xFFFFFC30] =	vst v1;
	v1 =	vmul.f32 $1.131370830e+01, v2;
	v2 =	vld [tilespmem:s0+$0xFFFFFCA0]  }
0x13a: {  	[tilespmem:s0+$0xFFFFFC40] =	vst v0;
	v0 =	vmul.f32 $1.131370830e+01, v5;
	v5 =	vld [tilespmem:s0+$0xFFFFFCB0]  }
0x13b: {  	[tilespmem:s0+$0xFFFFFC50] =	vst v1;
	v1 =	vmul.f32 $1.131370830e+01, v6;
	v6 =	vld [tilespmem:s0+$0xFFFFFCC0]  }
0x13c: {  	[tilespmem:s0+$0xFFFFFC60] =	vst v0;
	v0 =	vmul.f32 $1.131370830e+01, v3;
	v3 =	vld [tilespmem:s0+$0xFFFFFCD0]  }
0x13d: {  	[tilespmem:s0+$0xFFFFFC70] =	vst v1;
	v1 =	vmul.f32 $1.131370830e+01, v4;
	v4 =	vld [tilespmem:s0+$0xFFFFFCE0]  }
0x13e: {  	[tilespmem:s0+$0xFFFFFC80] =	vst v0;
	v0 =	vmul.f32 $1.131370830e+01, v2;
	v2 =	vld [tilespmem:s0+$0xFFFFFCF0]  }
0x13f: {  	[tilespmem:s0+$0xFFFFFC90] =	vst v1;
	v1 =	vmul.f32 $1.131370830e+01, v5;
	v5 =	vld [tilespmem:s0+$0xFFFFFD00]  }
0x140: {  	[tilespmem:s0+$0xFFFFFCA0] =	vst v0;
	v0 =	vmul.f32 $1.131370830e+01, v6;
	v6 =	vld [tilespmem:s0+$0xFFFFFD10]  }
0x141: {  	[tilespmem:s0+$0xFFFFFCB0] =	vst v1;
	v1 =	vmul.f32 $1.131370830e+01, v3;
	v3 =	vld [tilespmem:s0+$0xFFFFFD20]  }
0x142: {  	[tilespmem:s0+$0xFFFFFCC0] =	vst v0;
	v0 =	vmul.f32 $1.131370830e+01, v4;
	v4 =	vld [tilespmem:s0+$0xFFFFFD30]  }
0x143: {  	[tilespmem:s0+$0xFFFFFCD0] =	vst v1;
	v1 =	vmul.f32 $1.131370830e+01, v2;
	v2 =	vld [tilespmem:s0+$0xFFFFFD40]  }
0x144: {  	[tilespmem:s0+$0xFFFFFCE0] =	vst v0;
	v0 =	vmul.f32 $1.131370830e+01, v5;
	v5 =	vld [tilespmem:s0+$0xFFFFFD50]  }
0x145: {  	[tilespmem:s0+$0xFFFFFCF0] =	vst v1;
	v1 =	vmul.f32 $1.131370830e+01, v6;
	v6 =	vld [tilespmem:s0+$0xFFFFFD60]  }
0x146: {  	[tilespmem:s0+$0xFFFFFD00] =	vst v0;
	v0 =	vmul.f32 $1.131370830e+01, v3;
	v3 =	vld [tilespmem:s0+$0xFFFFFD70]  }
0x147: {  	[tilespmem:s0+$0xFFFFFD10] =	vst v1;
	v1 =	vmul.f32 $1.131370830e+01, v4;
	v4 =	vld [tilespmem:s0+$0xFFFFFD80]  }
0x148: {  	[tilespmem:s0+$0xFFFFFD20] =	vst v0;
	v0 =	vmul.f32 $1.131370830e+01, v2;
	v2 =	vld [tilespmem:s0+$0xFFFFFD90]  }
0x149: {  	[tilespmem:s0+$0xFFFFFD30] =	vst v1;
	v1 =	vmul.f32 $1.131370830e+01, v5;
	v5 =	vld [tilespmem:s0+$0xFFFFFDA0]  }
0x14a: {  	[tilespmem:s0+$0xFFFFFD40] =	vst v0;
	v0 =	vmul.f32 $1.131370830e+01, v6;
	v6 =	vld [tilespmem:s0+$0xFFFFFDB0]  }
0x14b: {  	[tilespmem:s0+$0xFFFFFD50] =	vst v1;
	v1 =	vmul.f32 $1.131370830e+01, v3;
	v3 =	vld [tilespmem:s0+$0xFFFFFDC0]  }
0x14c: {  	[tilespmem:s0+$0xFFFFFD60] =	vst v0;
	v0 =	vmul.f32 $1.131370830e+01, v4;
	v4 =	vld [tilespmem:s0+$0xFFFFFDD0]  }
0x14d: {  	[tilespmem:s0+$0xFFFFFD70] =	vst v1;
	v1 =	vmul.f32 $1.131370830e+01, v2;
	v2 =	vld [tilespmem:s0+$0xFFFFFDE0]  }
0x14e: {  	[tilespmem:s0+$0xFFFFFD80] =	vst v0;
	v0 =	vmul.f32 $1.131370830e+01, v5;
	v5 =	vld [tilespmem:s0+$0xFFFFFDF0]  }
0x14f: {  	[tilespmem:s0+$0xFFFFFD90] =	vst v1;
	v1 =	vmul.f32 $1.131370830e+01, v6;
	v6 =	vld [tilespmem:s0+$0xFFFFFE00]  }
0x150: {  	[tilespmem:s0+$0xFFFFFDA0] =	vst v0;
	v0 =	vmul.f32 $1.131370830e+01, v3;
	v3 =	vld [tilespmem:s0+$0xFFFFFE10]  }
0x151: {  	[tilespmem:s0+$0xFFFFFDB0] =	vst v1;
	v1 =	vmul.f32 $1.131370830e+01, v4;
	v4 =	vld [tilespmem:s0+$0xFFFFFE20]  }
0x152: {  	[tilespmem:s0+$0xFFFFFDC0] =	vst v0;
	v0 =	vmul.f32 $1.131370830e+01, v2;
	v2 =	vld [tilespmem:s0+$0xFFFFFE30]  }
0x153: {  	[tilespmem:s0+$0xFFFFFDD0] =	vst v1;
	v1 =	vmul.f32 $1.131370830e+01, v5;
	v5 =	vld [tilespmem:s0+$0xFFFFFE40]  }
0x154: {  	[tilespmem:s0+$0xFFFFFDE0] =	vst v0;
	v0 =	vmul.f32 $1.131370830e+01, v6;
	v6 =	vld [tilespmem:s0+$0xFFFFFE50]  }
0x155: {  	[tilespmem:s0+$0xFFFFFDF0] =	vst v1;
	v1 =	vmul.f32 $1.131370830e+01, v3;
	v3 =	vld [tilespmem:s0+$0xFFFFFE60]  }
0x156: {  	[tilespmem:s0+$0xFFFFFE00] =	vst v0;
	v0 =	vmul.f32 $1.131370830e+01, v4;
	v4 =	vld [tilespmem:s0+$0xFFFFFE70]  }
0x157: {  	[tilespmem:s0+$0xFFFFFE10] =	vst v1;
	v1 =	vmul.f32 $1.131370830e+01, v2;
	v2 =	vld [tilespmem:s0+$0xFFFFFE80]  }
0x158: {  	[tilespmem:s0+$0xFFFFFE20] =	vst v0;
	v0 =	vmul.f32 $1.131370830e+01, v5;
	v5 =	vld [tilespmem:s0+$0xFFFFFE90]  }
0x159: {  	[tilespmem:s0+$0xFFFFFE30] =	vst v1;
	v1 =	vmul.f32 $1.131370830e+01, v6;
	v6 =	vld [tilespmem:s0+$0xFFFFFEA0]  }
0x15a: {  	[tilespmem:s0+$0xFFFFFE40] =	vst v0;
	v0 =	vmul.f32 $1.131370830e+01, v3;
	v3 =	vld [tilespmem:s0+$0xFFFFFEB0]  }
0x15b: {  	[tilespmem:s0+$0xFFFFFE50] =	vst v1;
	v1 =	vmul.f32 $1.131370830e+01, v4;
	v4 =	vld [tilespmem:s0+$0xFFFFFEC0]  }
0x15c: {  	[tilespmem:s0+$0xFFFFFE60] =	vst v0;
	v0 =	vmul.f32 $1.131370830e+01, v2;
	v2 =	vld [tilespmem:s0+$0xFFFFFED0]  }
0x15d: {  	[tilespmem:s0+$0xFFFFFE70] =	vst v1;
	v1 =	vmul.f32 $1.131370830e+01, v5;
	v5 =	vld [tilespmem:s0+$0xFFFFFEE0]  }
0x15e: {  	[tilespmem:s0+$0xFFFFFE80] =	vst v0;
	v0 =	vmul.f32 $1.131370830e+01, v6;
	v6 =	vld [tilespmem:s0+$0xFFFFFEF0]  }
0x15f: {  	[tilespmem:s0+$0xFFFFFE90] =	vst v1;
	v1 =	vmul.f32 $1.131370830e+01, v3;
	v3 =	vld [tilespmem:s0+$0xFFFFFF00]  }
0x160: {  	[tilespmem:s0+$0xFFFFFEA0] =	vst v0;
	v0 =	vmul.f32 $1.131370830e+01, v4;
	v4 =	vld [tilespmem:s0+$0xFFFFFF10]  }
0x161: {  	[tilespmem:s0+$0xFFFFFEB0] =	vst v1;
	v1 =	vmul.f32 $1.131370830e+01, v2;
	v2 =	vld [tilespmem:s0+$0xFFFFFF20]  }
0x162: {  	[tilespmem:s0+$0xFFFFFEC0] =	vst v0;
	v0 =	vmul.f32 $1.131370830e+01, v5;
	v5 =	vld [tilespmem:s0+$0xFFFFFF30]  }
0x163: {  	[tilespmem:s0+$0xFFFFFED0] =	vst v1;
	v1 =	vmul.f32 $1.131370830e+01, v6;
	v6 =	vld [tilespmem:s0+$0xFFFFFF40]  }
0x164: {  	[tilespmem:s0+$0xFFFFFEE0] =	vst v0;
	v0 =	vmul.f32 $1.131370830e+01, v3;
	v3 =	vld [tilespmem:s0+$0xFFFFFF50]  }
0x165: {  	[tilespmem:s0+$0xFFFFFEF0] =	vst v1;
	v1 =	vmul.f32 $1.131370830e+01, v4;
	v4 =	vld [tilespmem:s0+$0xFFFFFF60]  }
0x166: {  	[tilespmem:s0+$0xFFFFFF00] =	vst v0;
	v0 =	vmul.f32 $1.131370830e+01, v2;
	v2 =	vld [tilespmem:s0+$0xFFFFFF70]  }
0x167: {  	[tilespmem:s0+$0xFFFFFF10] =	vst v1;
	v1 =	vmul.f32 $1.131370830e+01, v5;
	v5 =	vld [tilespmem:s0+$0xFFFFFF80]  }
0x168: {  	[tilespmem:s0+$0xFFFFFF20] =	vst v0;
	v0 =	vmul.f32 $1.131370830e+01, v6;
	v6 =	vld [tilespmem:s0+$0xFFFFFF90]  }
0x169: {  	[tilespmem:s0+$0xFFFFFF30] =	vst v1;
	v1 =	vmul.f32 $1.131370830e+01, v3;
	v3 =	vld [tilespmem:s0+$0xFFFFFFA0]  }
0x16a: {  	[tilespmem:s0+$0xFFFFFF40] =	vst v0;
	v4 =	vmul.f32 $1.131370830e+01, v4;
	v7 =	vld [tilespmem:s0+$0xFFFFFFB0]  }
.Ltmp1:
0x16b: {  	[tilespmem:s0+$0xFFFFFF50] =	vst v1;
	v2 =	vmul.f32 $1.131370830e+01, v2;
	v0 =	vld [tilespmem:s0+$0xFFFFFFC0];
	(pc) =	sbr.rel @p0 .LBB2_5-.Ltmp1, $4  }
0x16c: {  	[tilespmem:s0+$0xFFFFFF60] =	vst v4;
	v4 =	vmul.f32 $1.131370830e+01, v5;
	v1 =	vld [tilespmem:s0+$0xFFFFFFD0]  }
0x16d: {  	[tilespmem:s0+$0xFFFFFF70] =	vst v2;
	v6 =	vmul.f32 $1.131370830e+01, v6;
	v2 =	vld [tilespmem:s0+$0xFFFFFFE0]  }
0x16e: {  	[tilespmem:s0+$0xFFFFFF80] =	vst v4;
	v5 =	vmul.f32 $1.131370830e+01, v3;
	v3 =	vld [tilespmem:s0+$0xFFFFFFF0]  }
0x16f: {  	s0 =	sadd.s32 $0x500, s0;
	v4 =	vld [tilespmem:s29+$0xFFFFFB10];
	[tilespmem:s29+$0xFFFFFF90] =	vst v6;
	v6 =	vmul.f32 $1.131370830e+01, v7  }
0x170: {  	[tilespmem:s29+$0xFFFFFFA0] =	vst v5;
	v0 =	vmul.f32 $1.131370830e+01, v0  }
0x171: {  	[tilespmem:s29+$0xFFFFFFB0] =	vst v6;
	v1 =	vmul.f32 $1.131370830e+01, v1  }
0x172: {  	[tilespmem:s29+$0xFFFFFFC0] =	vst v0;
	v0 =	vmul.f32 $1.131370830e+01, v2  }
0x173: {  	[tilespmem:s29+$0xFFFFFFD0] =	vst v1;
	v1 =	vmul.f32 $1.131370830e+01, v3  }
0x174: {  	v2 =	vmul.f32 $1.131370830e+01, v4;
	[tilespmem:s29+$0xFFFFFFE0] =	vst v0  }
0x175: {  	[tilespmem:s29+$0xFFFFFFF0] =	vst v1  }
0x176: {  	[tilespmem:s29+$0xFFFFFB10] =	vst v2  }
0x177: {  	v0 =	vld [tilespmem:s30+$0x0]  }
0x178: {  	v1 =	vld [tilespmem:s30+$0xFFFFFB20]  }
0x179: {  	v2 =	vld [tilespmem:s30+$0xFFFFFB30]  }
0x17a: {  	v3 =	vld [tilespmem:s30+$0xFFFFFB40]  }
0x17b: {  	v4 =	vld [tilespmem:s30+$0xFFFFFB50]  }
0x17c: {  	v9 =	vld [tilespmem:s30+$0xFFFFFBA0]  }
0x17d: {  	v5 =	vld [tilespmem:s30+$0xFFFFFB60];
	v0 =	vmul.f32 $1.131370830e+01, v0  }
0x17e: {  	v10 =	vld [tilespmem:s30+$0xFFFFFBB0];
	v1 =	vmul.f32 $1.131370830e+01, v1  }
0x17f: {  	v7 =	vld [tilespmem:s30+$0xFFFFFB80];
	v2 =	vmul.f32 $1.131370830e+01, v2;
	[tilespmem:s30+$0x0] =	vst v0  }
0x180: {  	v6 =	vld [tilespmem:s30+$0xFFFFFB70];
	[tilespmem:s30+$0xFFFFFB20] =	vst v1;
	v1 =	vmul.f32 $1.131370830e+01, v3  }
0x181: {  	v9 =	vmul.f32 $1.131370830e+01, v9;
	[tilespmem:s30+$0xFFFFFB30] =	vst v2;
	v2 =	vmul.f32 $1.131370830e+01, v4;
	v4 =	vld [tilespmem:s30+$0xFFFFFC10]  }
0x182: {  	v11 =	vld [tilespmem:s30+$0xFFFFFBC0];
	[tilespmem:s30+$0xFFFFFB40] =	vst v1;
	v1 =	vmul.f32 $1.131370830e+01, v5  }
0x183: {  	v8 =	vld [tilespmem:s30+$0xFFFFFB90];
	v10 =	vmul.f32 $1.131370830e+01, v10;
	[tilespmem:s30+$0xFFFFFBA0] =	vst v9  }
0x184: {  	v12 =	vld [tilespmem:s30+$0xFFFFFBD0];
	[tilespmem:s30+$0xFFFFFB60] =	vst v1;
	v1 =	vmul.f32 $1.131370830e+01, v7  }
0x185: {  	v56 =	vld [tilespmem:s30+$0xFFFFFC90];
	[tilespmem:s30+$0xFFFFFBB0] =	vst v10  }
0x186: {  	v0 =	vld [tilespmem:s30+$0xFFFFFBE0];
	[tilespmem:s30+$0xFFFFFB80] =	vst v1;
	v1 =	vmul.f32 $1.131370830e+01, v4  }
0x187: {  	v53 =	vmul.f32 $1.131370830e+01, v11;
	v3 =	vld [tilespmem:s30+$0xFFFFFBF0];
	[tilespmem:s30+$0xFFFFFB50] =	vst v2  }
0x188: {  	v2 =	vmul.f32 $1.131370830e+01, v6;
	[tilespmem:s30+$0xFFFFFC10] =	vst v1;
	v1 =	vld [tilespmem:s30+$0xFFFFFC00]  }
0x189: {  	v55 =	vmul.f32 $1.131370830e+01, v12;
	[tilespmem:s30+$0xFFFFFBC0] =	vst v53;
	v5 =	vld [tilespmem:s30+$0xFFFFFC20]  }
0x18a: {  	v6 =	vld [tilespmem:s30+$0xFFFFFC30];
	[tilespmem:s30+$0xFFFFFB70] =	vst v2;
	v2 =	vmul.f32 $1.131370830e+01, v8  }
0x18b: {  	[tilespmem:s30+$0xFFFFFBD0] =	vst v55;
	v7 =	vld [tilespmem:s30+$0xFFFFFC40];
	v0 =	vmul.f32 $1.131370830e+01, v0  }
0x18c: {  	v8 =	vld [tilespmem:s30+$0xFFFFFC50];
	v3 =	vmul.f32 $1.131370830e+01, v3;
	[tilespmem:s30+$0xFFFFFB90] =	vst v2  }
0x18d: {  	v2 =	vld [tilespmem:s30+$0xFFFFFC70];
	[tilespmem:s30+$0xFFFFFBE0] =	vst v0;
	v0 =	vmul.f32 $1.131370830e+01, v1  }
0x18e: {  	v4 =	vld [tilespmem:s30+$0xFFFFFC60];
	[tilespmem:s30+$0xFFFFFBF0] =	vst v3;
	v3 =	vmul.f32 $1.131370830e+01, v5  }
0x18f: {  	v57 =	vld [tilespmem:s30+$0xFFFFFCA0];
	[tilespmem:s30+$0xFFFFFC00] =	vst v0;
	v0 =	vmul.f32 $1.131370830e+01, v56  }
0x190: {  	v6 =	vmul.f32 $1.131370830e+01, v6;
	[tilespmem:s30+$0xFFFFFC20] =	vst v3;
	v1 =	vld [tilespmem:s30+$0xFFFFFCC0]  }
0x191: {  	v54 =	vld [tilespmem:s30+$0xFFFFFC80];
	[tilespmem:s30+$0xFFFFFC90] =	vst v0;
	v0 =	vmul.f32 $1.131370830e+01, v7  }
0x192: {  	v59 =	vld [tilespmem:s30+$0xFFFFFCE0];
	[tilespmem:s30+$0xFFFFFC30] =	vst v6;
	v2 =	vmul.f32 $1.131370830e+01, v2  }
0x193: {  	v6 =	vmul.f32 $1.131370830e+01, v8;
	[tilespmem:s30+$0xFFFFFC40] =	vst v0;
	v0 =	vmul.f32 $1.131370830e+01, v4;
	v4 =	vld [tilespmem:s30+$0xFFFFFD10]  }
0x194: {  	v58 =	vld [tilespmem:s30+$0xFFFFFCB0];
	[tilespmem:s30+$0xFFFFFC70] =	vst v2;
	v2 =	vmul.f32 $1.131370830e+01, v57  }
0x195: {  	v5 =	vld [tilespmem:s30+$0xFFFFFCD0];
	[tilespmem:s30+$0xFFFFFC50] =	vst v6;
	v1 =	vmul.f32 $1.131370830e+01, v1  }
0x196: {  	v61 =	vld [tilespmem:s30+$0xFFFFFD50];
	[tilespmem:s30+$0xFFFFFCA0] =	vst v2  }
0x197: {  	v3 =	vld [tilespmem:s30+$0xFFFFFCF0];
	[tilespmem:s30+$0xFFFFFCC0] =	vst v1;
	v1 =	vmul.f32 $1.131370830e+01, v59  }
0x198: {  	v7 =	vld [tilespmem:s30+$0xFFFFFD00];
	[tilespmem:s30+$0xFFFFFC60] =	vst v0;
	v2 =	vmul.f32 $1.131370830e+01, v4  }
0x199: {  	v60 =	vld [tilespmem:s30+$0xFFFFFD40];
	v0 =	vmul.f32 $1.131370830e+01, v54;
	[tilespmem:s30+$0xFFFFFCE0] =	vst v1  }
0x19a: {  	v8 =	vld [tilespmem:s30+$0xFFFFFD30];
	[tilespmem:s30+$0xFFFFFD10] =	vst v2;
	v2 =	vmul.f32 $1.131370830e+01, v5  }
0x19b: {  	v6 =	vld [tilespmem:s30+$0xFFFFFD20];
	[tilespmem:s30+$0xFFFFFC80] =	vst v0;
	v0 =	vmul.f32 $1.131370830e+01, v58  }
0x19c: {  	v10 =	vmul.f32 $1.131370830e+01, v61;
	[tilespmem:s30+$0xFFFFFCD0] =	vst v2;
	v2 =	vmul.f32 $1.131370830e+01, v3;
	v3 =	vld [tilespmem:s30+$0xFFFFFD90]  }
0x19d: {  	v1 =	vmul.f32 $1.131370830e+01, v7;
	[tilespmem:s30+$0xFFFFFCB0] =	vst v0;
	v0 =	vld [tilespmem:s30+$0xFFFFFD70]  }
0x19e: {  	[tilespmem:s30+$0xFFFFFD50] =	vst v10;
	v4 =	vld [tilespmem:s30+$0xFFFFFD60]  }
0x19f: {  	v7 =	vld [tilespmem:s30+$0xFFFFFDA0];
	[tilespmem:s30+$0xFFFFFD00] =	vst v1;
	v1 =	vmul.f32 $1.131370830e+01, v8  }
0x1a0: {  	v5 =	vld [tilespmem:s30+$0xFFFFFD80];
	[tilespmem:s30+$0xFFFFFCF0] =	vst v2;
	v2 =	vmul.f32 $1.131370830e+01, v6  }
0x1a1: {  	v8 =	vld [tilespmem:s30+$0xFFFFFDC0];
	[tilespmem:s30+$0xFFFFFD30] =	vst v1;
	v1 =	vmul.f32 $1.131370830e+01, v3  }
0x1a2: {  	v0 =	vmul.f32 $1.131370830e+01, v0;
	[tilespmem:s30+$0xFFFFFD20] =	vst v2  }
0x1a3: {  	v3 =	vld [tilespmem:s30+$0xFFFFFDE0];
	[tilespmem:s30+$0xFFFFFD90] =	vst v1;
	v1 =	vmul.f32 $1.131370830e+01, v4  }
0x1a4: {  	v6 =	vld [tilespmem:s30+$0xFFFFFDB0];
	[tilespmem:s30+$0xFFFFFD70] =	vst v0;
	v0 =	vmul.f32 $1.131370830e+01, v7  }
0x1a5: {  	v2 =	vmul.f32 $1.131370830e+01, v60;
	[tilespmem:s30+$0xFFFFFD60] =	vst v1;
	v1 =	vmul.f32 $1.131370830e+01, v5;
	v5 =	vld [tilespmem:s30+$0xFFFFFE10]  }
0x1a6: {  	v62 =	vld [tilespmem:s30+$0xFFFFFDD0];
	[tilespmem:s30+$0xFFFFFDA0] =	vst v0;
	v0 =	vmul.f32 $1.131370830e+01, v8  }
0x1a7: {  	[tilespmem:s30+$0xFFFFFD40] =	vst v2;
	v2 =	vld [tilespmem:s30+$0xFFFFFDF0]  }
0x1a8: {  	v4 =	vld [tilespmem:s30+$0xFFFFFE00];
	[tilespmem:s30+$0xFFFFFDC0] =	vst v0;
	v3 =	vmul.f32 $1.131370830e+01, v3  }
0x1a9: {  	v7 =	vld [tilespmem:s30+$0xFFFFFE20];
	[tilespmem:s30+$0xFFFFFD80] =	vst v1;
	v1 =	vmul.f32 $1.131370830e+01, v6  }
0x1aa: {  	v6 =	vld [tilespmem:s30+$0xFFFFFE30];
	[tilespmem:s30+$0xFFFFFDE0] =	vst v3;
	v0 =	vmul.f32 $1.131370830e+01, v5  }
0x1ab: {  	v8 =	vld [tilespmem:s30+$0xFFFFFE40];
	[tilespmem:s30+$0xFFFFFDB0] =	vst v1;
	v1 =	vmul.f32 $1.131370830e+01, v62  }
0x1ac: {  	v63 =	vld [tilespmem:s30+$0xFFFFFE50];
	[tilespmem:s30+$0xFFFFFE10] =	vst v0;
	v0 =	vmul.f32 $1.131370830e+01, v2  }
0x1ad: {  	[tilespmem:s30+$0xFFFFFDD0] =	vst v1;
	v1 =	vld [tilespmem:s30+$0xFFFFFE70];
	v2 =	vmul.f32 $1.131370830e+01, v4  }
0x1ae: {  	v5 =	vld [tilespmem:s30+$0xFFFFFE60];
	[tilespmem:s30+$0xFFFFFDF0] =	vst v0;
	v0 =	vmul.f32 $1.131370830e+01, v7  }
0x1af: {  	v4 =	vld [tilespmem:s30+$0xFFFFFE90];
	[tilespmem:s30+$0xFFFFFE00] =	vst v2;
	v2 =	vmul.f32 $1.131370830e+01, v6  }
0x1b0: {  	v6 =	vld [tilespmem:s30+$0xFFFFFEA0];
	[tilespmem:s30+$0xFFFFFE20] =	vst v0;
	v0 =	vmul.f32 $1.131370830e+01, v8  }
0x1b1: {  	v3 =	vld [tilespmem:s30+$0xFFFFFE80];
	[tilespmem:s30+$0xFFFFFE30] =	vst v2;
	v2 =	vmul.f32 $1.131370830e+01, v63  }
0x1b2: {  	v8 =	vld [tilespmem:s30+$0xFFFFFEC0];
	v1 =	vmul.f32 $1.131370830e+01, v1;
	[tilespmem:s30+$0xFFFFFE40] =	vst v0  }
0x1b3: {  	v7 =	vld [tilespmem:s30+$0xFFFFFEB0];
	v0 =	vmul.f32 $1.131370830e+01, v5;
	[tilespmem:s30+$0xFFFFFE50] =	vst v2  }
0x1b4: {  	v2 =	vmul.f32 $1.131370830e+01, v4;
	v4 =	vld [tilespmem:s30+$0xFFFFFEE0];
	[tilespmem:s30+$0xFFFFFE70] =	vst v1  }
0x1b5: {  	v5 =	vld [tilespmem:s30+$0xFFFFFED0];
	v1 =	vmul.f32 $1.131370830e+01, v6;
	[tilespmem:s30+$0xFFFFFE60] =	vst v0  }
0x1b6: {  	v0 =	vld [tilespmem:s30+$0xFFFFFEF0];
	[tilespmem:s30+$0xFFFFFE90] =	vst v2;
	v2 =	vmul.f32 $1.131370830e+01, v3  }
0x1b7: {  	v6 =	vld [tilespmem:s30+$0xFFFFFF10];
	[tilespmem:s30+$0xFFFFFEA0] =	vst v1;
	v1 =	vmul.f32 $1.131370830e+01, v8  }
0x1b8: {  	v3 =	vld [tilespmem:s30+$0xFFFFFF00];
	[tilespmem:s30+$0xFFFFFE80] =	vst v2;
	v2 =	vmul.f32 $1.131370830e+01, v7  }
0x1b9: {  	v7 =	vld [tilespmem:s30+$0xFFFFFF20];
	[tilespmem:s30+$0xFFFFFEC0] =	vst v1;
	v1 =	vmul.f32 $1.131370830e+01, v4  }
0x1ba: {  	[tilespmem:s30+$0xFFFFFEB0] =	vst v2;
	v2 =	vmul.f32 $1.131370830e+01, v5;
	v5 =	vld [tilespmem:s30+$0xFFFFFF30]  }
0x1bb: {  	v4 =	vld [tilespmem:s30+$0xFFFFFF40];
	v0 =	vmul.f32 $1.131370830e+01, v0;
	[tilespmem:s30+$0xFFFFFEE0] =	vst v1  }
0x1bc: {  	v1 =	vmul.f32 $1.131370830e+01, v6;
	[tilespmem:s30+$0xFFFFFED0] =	vst v2;
	v2 =	vld [tilespmem:s30+$0xFFFFFF50]  }
0x1bd: {  	v6 =	vld [tilespmem:s30+$0xFFFFFF60];
	v3 =	vmul.f32 $1.131370830e+01, v3;
	[tilespmem:s30+$0xFFFFFEF0] =	vst v0  }
0x1be: {  	v0 =	vld [tilespmem:s30+$0xFFFFFF70];
	v7 =	vmul.f32 $1.131370830e+01, v7;
	[tilespmem:s30+$0xFFFFFF10] =	vst v1  }
0x1bf: {  	[tilespmem:s30+$0xFFFFFF00] =	vst v3;
	v3 =	vld [tilespmem:s30+$0xFFFFFF80];
	v1 =	vmul.f32 $1.131370830e+01, v5  }
0x1c0: {  	v4 =	vmul.f32 $1.131370830e+01, v4;
	[tilespmem:s30+$0xFFFFFF20] =	vst v7;
	v5 =	vld [tilespmem:s30+$0xFFFFFF90]  }
0x1c1: {  	v7 =	vld [tilespmem:s30+$0xFFFFFFA0];
	[tilespmem:s30+$0xFFFFFF30] =	vst v1;
	v1 =	vmul.f32 $1.131370830e+01, v2  }
0x1c2: {  	[tilespmem:s30+$0xFFFFFF40] =	vst v4;
	v2 =	vmul.f32 $1.131370830e+01, v6;
	v6 =	vld [tilespmem:s30+$0xFFFFFFB0]  }
0x1c3: {  	v4 =	vmul.f32 $1.131370830e+01, v0;
	v0 =	vld [tilespmem:s30+$0xFFFFFFC0];
	[tilespmem:s30+$0xFFFFFF50] =	vst v1  }
0x1c4: {  	v3 =	vmul.f32 $1.131370830e+01, v3;
	[tilespmem:s30+$0xFFFFFF60] =	vst v2;
	v1 =	vld [tilespmem:s30+$0xFFFFFFD0]  }
0x1c5: {  	v2 =	vld [tilespmem:s30+$0xFFFFFFE0];
	[tilespmem:s30+$0xFFFFFF70] =	vst v4;
	v8 =	vmul.f32 $1.131370830e+01, v5  }
0x1c6: {  	[tilespmem:s30+$0xFFFFFF80] =	vst v3;
	v3 =	vld [tilespmem:s30+$0xFFFFFFF0];
	v5 =	vmul.f32 $1.131370830e+01, v7  }
0x1c7: {  	s31 =	simm.s32 $0x0;
	s0 =	simm.s32 $0x81F0;
	v4 =	vld [tilespmem:s30+$0xFFFFFB10];
	[tilespmem:s30+$0xFFFFFF90] =	vst v8;
	v6 =	vmul.f32 $1.131370830e+01, v6  }
.LBB2_7:
0x1c8: {  	v7 =	vld [tilespmem:s0+$0x0];
	s31 =	sadd.s32 $0xA, s31;
	[tilespmem:s30+$0xFFFFFFA0] =	vst v5;
	v0 =	vmul.f32 $1.131370830e+01, v0  }
0x1c9: {  	v5 =	vld [tilespmem:s0+$0xFFFFFB20];
	p0 =	slt.u32 s31, $0x28;
	[tilespmem:s30+$0xFFFFFFB0] =	vst v6;
	v1 =	vmul.f32 $1.131370830e+01, v1  }
0x1ca: {  	v6 =	vld [tilespmem:s0+$0xFFFFFB30];
	[tilespmem:s30+$0xFFFFFFC0] =	vst v0;
	v0 =	vmul.f32 $1.131370830e+01, v2  }
0x1cb: {  	v2 =	vld [tilespmem:s0+$0xFFFFFB40];
	[tilespmem:s30+$0xFFFFFFD0] =	vst v1;
	v1 =	vmul.f32 $1.131370830e+01, v3  }
0x1cc: {  	v3 =	vld [tilespmem:s0+$0xFFFFFB50];
	v4 =	vmul.f32 $1.131370830e+01, v4;
	[tilespmem:s30+$0xFFFFFFE0] =	vst v0  }
0x1cd: {  	v0 =	vld [tilespmem:s0+$0xFFFFFB60];
	v7 =	vmul.f32 $1.131370830e+01, v7;
	[tilespmem:s30+$0xFFFFFFF0] =	vst v1  }
0x1ce: {  	v1 =	vmul.f32 $1.131370830e+01, v5;
	v5 =	vld [tilespmem:s0+$0xFFFFFB70];
	[tilespmem:s30+$0xFFFFFB10] =	vst v4;
	s30 =	smov.u32 s0  }
0x1cf: {  	s29 =	simm.s32 $0x9400;
	v4 =	vmul.f32 $1.131370830e+01, v6;
	v6 =	vld [tilespmem:s0+$0xFFFFFB80];
	[tilespmem:s0+$0x0] =	vst v7  }
0x1d0: {  	[tilespmem:s0+$0xFFFFFB20] =	vst v1;
	v1 =	vmul.f32 $1.131370830e+01, v2;
	v2 =	vld [tilespmem:s0+$0xFFFFFB90]  }
0x1d1: {  	[tilespmem:s0+$0xFFFFFB30] =	vst v4;
	v3 =	vmul.f32 $1.131370830e+01, v3;
	v4 =	vld [tilespmem:s0+$0xFFFFFBA0]  }
0x1d2: {  	[tilespmem:s0+$0xFFFFFB40] =	vst v1;
	v0 =	vmul.f32 $1.131370830e+01, v0;
	v1 =	vld [tilespmem:s0+$0xFFFFFBB0]  }
0x1d3: {  	[tilespmem:s0+$0xFFFFFB50] =	vst v3;
	v3 =	vmul.f32 $1.131370830e+01, v5;
	v5 =	vld [tilespmem:s0+$0xFFFFFBC0]  }
0x1d4: {  	[tilespmem:s0+$0xFFFFFB60] =	vst v0;
	v0 =	vmul.f32 $1.131370830e+01, v6;
	v6 =	vld [tilespmem:s0+$0xFFFFFBD0]  }
0x1d5: {  	[tilespmem:s0+$0xFFFFFB70] =	vst v3;
	v2 =	vmul.f32 $1.131370830e+01, v2;
	v3 =	vld [tilespmem:s0+$0xFFFFFBE0]  }
0x1d6: {  	[tilespmem:s0+$0xFFFFFB80] =	vst v0;
	v0 =	vmul.f32 $1.131370830e+01, v4;
	v4 =	vld [tilespmem:s0+$0xFFFFFBF0]  }
0x1d7: {  	[tilespmem:s0+$0xFFFFFB90] =	vst v2;
	v1 =	vmul.f32 $1.131370830e+01, v1;
	v2 =	vld [tilespmem:s0+$0xFFFFFC00]  }
0x1d8: {  	[tilespmem:s0+$0xFFFFFBA0] =	vst v0;
	v0 =	vmul.f32 $1.131370830e+01, v5;
	v5 =	vld [tilespmem:s0+$0xFFFFFC10]  }
0x1d9: {  	[tilespmem:s0+$0xFFFFFBB0] =	vst v1;
	v1 =	vmul.f32 $1.131370830e+01, v6;
	v6 =	vld [tilespmem:s0+$0xFFFFFC20]  }
0x1da: {  	[tilespmem:s0+$0xFFFFFBC0] =	vst v0;
	v0 =	vmul.f32 $1.131370830e+01, v3;
	v3 =	vld [tilespmem:s0+$0xFFFFFC30]  }
0x1db: {  	[tilespmem:s0+$0xFFFFFBD0] =	vst v1;
	v1 =	vmul.f32 $1.131370830e+01, v4;
	v4 =	vld [tilespmem:s0+$0xFFFFFC40]  }
0x1dc: {  	[tilespmem:s0+$0xFFFFFBE0] =	vst v0;
	v0 =	vmul.f32 $1.131370830e+01, v2;
	v2 =	vld [tilespmem:s0+$0xFFFFFC50]  }
0x1dd: {  	[tilespmem:s0+$0xFFFFFBF0] =	vst v1;
	v1 =	vmul.f32 $1.131370830e+01, v5;
	v5 =	vld [tilespmem:s0+$0xFFFFFC60]  }
0x1de: {  	[tilespmem:s0+$0xFFFFFC00] =	vst v0;
	v0 =	vmul.f32 $1.131370830e+01, v6;
	v6 =	vld [tilespmem:s0+$0xFFFFFC70]  }
0x1df: {  	[tilespmem:s0+$0xFFFFFC10] =	vst v1;
	v1 =	vmul.f32 $1.131370830e+01, v3;
	v3 =	vld [tilespmem:s0+$0xFFFFFC80]  }
0x1e0: {  	[tilespmem:s0+$0xFFFFFC20] =	vst v0;
	v0 =	vmul.f32 $1.131370830e+01, v4;
	v4 =	vld [tilespmem:s0+$0xFFFFFC90]  }
0x1e1: {  	[tilespmem:s0+$0xFFFFFC30] =	vst v1;
	v1 =	vmul.f32 $1.131370830e+01, v2;
	v2 =	vld [tilespmem:s0+$0xFFFFFCA0]  }
0x1e2: {  	[tilespmem:s0+$0xFFFFFC40] =	vst v0;
	v0 =	vmul.f32 $1.131370830e+01, v5;
	v5 =	vld [tilespmem:s0+$0xFFFFFCB0]  }
0x1e3: {  	[tilespmem:s0+$0xFFFFFC50] =	vst v1;
	v1 =	vmul.f32 $1.131370830e+01, v6;
	v6 =	vld [tilespmem:s0+$0xFFFFFCC0]  }
0x1e4: {  	[tilespmem:s0+$0xFFFFFC60] =	vst v0;
	v0 =	vmul.f32 $1.131370830e+01, v3;
	v3 =	vld [tilespmem:s0+$0xFFFFFCD0]  }
0x1e5: {  	[tilespmem:s0+$0xFFFFFC70] =	vst v1;
	v1 =	vmul.f32 $1.131370830e+01, v4;
	v4 =	vld [tilespmem:s0+$0xFFFFFCE0]  }
0x1e6: {  	[tilespmem:s0+$0xFFFFFC80] =	vst v0;
	v0 =	vmul.f32 $1.131370830e+01, v2;
	v2 =	vld [tilespmem:s0+$0xFFFFFCF0]  }
0x1e7: {  	[tilespmem:s0+$0xFFFFFC90] =	vst v1;
	v1 =	vmul.f32 $1.131370830e+01, v5;
	v5 =	vld [tilespmem:s0+$0xFFFFFD00]  }
0x1e8: {  	[tilespmem:s0+$0xFFFFFCA0] =	vst v0;
	v0 =	vmul.f32 $1.131370830e+01, v6;
	v6 =	vld [tilespmem:s0+$0xFFFFFD10]  }
0x1e9: {  	[tilespmem:s0+$0xFFFFFCB0] =	vst v1;
	v1 =	vmul.f32 $1.131370830e+01, v3;
	v3 =	vld [tilespmem:s0+$0xFFFFFD20]  }
0x1ea: {  	[tilespmem:s0+$0xFFFFFCC0] =	vst v0;
	v0 =	vmul.f32 $1.131370830e+01, v4;
	v4 =	vld [tilespmem:s0+$0xFFFFFD30]  }
0x1eb: {  	[tilespmem:s0+$0xFFFFFCD0] =	vst v1;
	v1 =	vmul.f32 $1.131370830e+01, v2;
	v2 =	vld [tilespmem:s0+$0xFFFFFD40]  }
0x1ec: {  	[tilespmem:s0+$0xFFFFFCE0] =	vst v0;
	v0 =	vmul.f32 $1.131370830e+01, v5;
	v5 =	vld [tilespmem:s0+$0xFFFFFD50]  }
0x1ed: {  	[tilespmem:s0+$0xFFFFFCF0] =	vst v1;
	v1 =	vmul.f32 $1.131370830e+01, v6;
	v6 =	vld [tilespmem:s0+$0xFFFFFD60]  }
0x1ee: {  	[tilespmem:s0+$0xFFFFFD00] =	vst v0;
	v0 =	vmul.f32 $1.131370830e+01, v3;
	v3 =	vld [tilespmem:s0+$0xFFFFFD70]  }
0x1ef: {  	[tilespmem:s0+$0xFFFFFD10] =	vst v1;
	v1 =	vmul.f32 $1.131370830e+01, v4;
	v4 =	vld [tilespmem:s0+$0xFFFFFD80]  }
0x1f0: {  	[tilespmem:s0+$0xFFFFFD20] =	vst v0;
	v0 =	vmul.f32 $1.131370830e+01, v2;
	v2 =	vld [tilespmem:s0+$0xFFFFFD90]  }
0x1f1: {  	[tilespmem:s0+$0xFFFFFD30] =	vst v1;
	v1 =	vmul.f32 $1.131370830e+01, v5;
	v5 =	vld [tilespmem:s0+$0xFFFFFDA0]  }
0x1f2: {  	[tilespmem:s0+$0xFFFFFD40] =	vst v0;
	v0 =	vmul.f32 $1.131370830e+01, v6;
	v6 =	vld [tilespmem:s0+$0xFFFFFDB0]  }
0x1f3: {  	[tilespmem:s0+$0xFFFFFD50] =	vst v1;
	v1 =	vmul.f32 $1.131370830e+01, v3;
	v3 =	vld [tilespmem:s0+$0xFFFFFDC0]  }
0x1f4: {  	[tilespmem:s0+$0xFFFFFD60] =	vst v0;
	v0 =	vmul.f32 $1.131370830e+01, v4;
	v4 =	vld [tilespmem:s0+$0xFFFFFDD0]  }
0x1f5: {  	[tilespmem:s0+$0xFFFFFD70] =	vst v1;
	v1 =	vmul.f32 $1.131370830e+01, v2;
	v2 =	vld [tilespmem:s0+$0xFFFFFDE0]  }
0x1f6: {  	[tilespmem:s0+$0xFFFFFD80] =	vst v0;
	v0 =	vmul.f32 $1.131370830e+01, v5;
	v5 =	vld [tilespmem:s0+$0xFFFFFDF0]  }
0x1f7: {  	[tilespmem:s0+$0xFFFFFD90] =	vst v1;
	v1 =	vmul.f32 $1.131370830e+01, v6;
	v6 =	vld [tilespmem:s0+$0xFFFFFE00]  }
0x1f8: {  	[tilespmem:s0+$0xFFFFFDA0] =	vst v0;
	v0 =	vmul.f32 $1.131370830e+01, v3;
	v3 =	vld [tilespmem:s0+$0xFFFFFE10]  }
0x1f9: {  	[tilespmem:s0+$0xFFFFFDB0] =	vst v1;
	v1 =	vmul.f32 $1.131370830e+01, v4;
	v4 =	vld [tilespmem:s0+$0xFFFFFE20]  }
0x1fa: {  	[tilespmem:s0+$0xFFFFFDC0] =	vst v0;
	v0 =	vmul.f32 $1.131370830e+01, v2;
	v2 =	vld [tilespmem:s0+$0xFFFFFE30]  }
0x1fb: {  	[tilespmem:s0+$0xFFFFFDD0] =	vst v1;
	v1 =	vmul.f32 $1.131370830e+01, v5;
	v5 =	vld [tilespmem:s0+$0xFFFFFE40]  }
0x1fc: {  	[tilespmem:s0+$0xFFFFFDE0] =	vst v0;
	v0 =	vmul.f32 $1.131370830e+01, v6;
	v6 =	vld [tilespmem:s0+$0xFFFFFE50]  }
0x1fd: {  	[tilespmem:s0+$0xFFFFFDF0] =	vst v1;
	v1 =	vmul.f32 $1.131370830e+01, v3;
	v3 =	vld [tilespmem:s0+$0xFFFFFE60]  }
0x1fe: {  	[tilespmem:s0+$0xFFFFFE00] =	vst v0;
	v0 =	vmul.f32 $1.131370830e+01, v4;
	v4 =	vld [tilespmem:s0+$0xFFFFFE70]  }
0x1ff: {  	[tilespmem:s0+$0xFFFFFE10] =	vst v1;
	v1 =	vmul.f32 $1.131370830e+01, v2;
	v2 =	vld [tilespmem:s0+$0xFFFFFE80]  }
0x200: {  	[tilespmem:s0+$0xFFFFFE20] =	vst v0;
	v0 =	vmul.f32 $1.131370830e+01, v5;
	v5 =	vld [tilespmem:s0+$0xFFFFFE90]  }
0x201: {  	[tilespmem:s0+$0xFFFFFE30] =	vst v1;
	v1 =	vmul.f32 $1.131370830e+01, v6;
	v6 =	vld [tilespmem:s0+$0xFFFFFEA0]  }
0x202: {  	[tilespmem:s0+$0xFFFFFE40] =	vst v0;
	v0 =	vmul.f32 $1.131370830e+01, v3;
	v3 =	vld [tilespmem:s0+$0xFFFFFEB0]  }
0x203: {  	[tilespmem:s0+$0xFFFFFE50] =	vst v1;
	v1 =	vmul.f32 $1.131370830e+01, v4;
	v4 =	vld [tilespmem:s0+$0xFFFFFEC0]  }
0x204: {  	[tilespmem:s0+$0xFFFFFE60] =	vst v0;
	v0 =	vmul.f32 $1.131370830e+01, v2;
	v2 =	vld [tilespmem:s0+$0xFFFFFED0]  }
0x205: {  	[tilespmem:s0+$0xFFFFFE70] =	vst v1;
	v1 =	vmul.f32 $1.131370830e+01, v5;
	v5 =	vld [tilespmem:s0+$0xFFFFFEE0]  }
0x206: {  	[tilespmem:s0+$0xFFFFFE80] =	vst v0;
	v0 =	vmul.f32 $1.131370830e+01, v6;
	v6 =	vld [tilespmem:s0+$0xFFFFFEF0]  }
0x207: {  	[tilespmem:s0+$0xFFFFFE90] =	vst v1;
	v1 =	vmul.f32 $1.131370830e+01, v3;
	v3 =	vld [tilespmem:s0+$0xFFFFFF00]  }
0x208: {  	[tilespmem:s0+$0xFFFFFEA0] =	vst v0;
	v0 =	vmul.f32 $1.131370830e+01, v4;
	v4 =	vld [tilespmem:s0+$0xFFFFFF10]  }
0x209: {  	[tilespmem:s0+$0xFFFFFEB0] =	vst v1;
	v1 =	vmul.f32 $1.131370830e+01, v2;
	v2 =	vld [tilespmem:s0+$0xFFFFFF20]  }
0x20a: {  	[tilespmem:s0+$0xFFFFFEC0] =	vst v0;
	v0 =	vmul.f32 $1.131370830e+01, v5;
	v5 =	vld [tilespmem:s0+$0xFFFFFF30]  }
0x20b: {  	[tilespmem:s0+$0xFFFFFED0] =	vst v1;
	v1 =	vmul.f32 $1.131370830e+01, v6;
	v6 =	vld [tilespmem:s0+$0xFFFFFF40]  }
0x20c: {  	[tilespmem:s0+$0xFFFFFEE0] =	vst v0;
	v0 =	vmul.f32 $1.131370830e+01, v3;
	v3 =	vld [tilespmem:s0+$0xFFFFFF50]  }
0x20d: {  	[tilespmem:s0+$0xFFFFFEF0] =	vst v1;
	v1 =	vmul.f32 $1.131370830e+01, v4;
	v4 =	vld [tilespmem:s0+$0xFFFFFF60]  }
0x20e: {  	[tilespmem:s0+$0xFFFFFF00] =	vst v0;
	v0 =	vmul.f32 $1.131370830e+01, v2;
	v2 =	vld [tilespmem:s0+$0xFFFFFF70]  }
0x20f: {  	[tilespmem:s0+$0xFFFFFF10] =	vst v1;
	v1 =	vmul.f32 $1.131370830e+01, v5;
	v5 =	vld [tilespmem:s0+$0xFFFFFF80]  }
0x210: {  	[tilespmem:s0+$0xFFFFFF20] =	vst v0;
	v0 =	vmul.f32 $1.131370830e+01, v6;
	v6 =	vld [tilespmem:s0+$0xFFFFFF90]  }
0x211: {  	[tilespmem:s0+$0xFFFFFF30] =	vst v1;
	v1 =	vmul.f32 $1.131370830e+01, v3;
	v3 =	vld [tilespmem:s0+$0xFFFFFFA0]  }
0x212: {  	[tilespmem:s0+$0xFFFFFF40] =	vst v0;
	v4 =	vmul.f32 $1.131370830e+01, v4;
	v7 =	vld [tilespmem:s0+$0xFFFFFFB0]  }
.Ltmp2:
0x213: {  	[tilespmem:s0+$0xFFFFFF50] =	vst v1;
	v2 =	vmul.f32 $1.131370830e+01, v2;
	v0 =	vld [tilespmem:s0+$0xFFFFFFC0];
	(pc) =	sbr.rel @p0 .LBB2_7-.Ltmp2, $4  }
0x214: {  	[tilespmem:s0+$0xFFFFFF60] =	vst v4;
	v4 =	vmul.f32 $1.131370830e+01, v5;
	v1 =	vld [tilespmem:s0+$0xFFFFFFD0]  }
0x215: {  	[tilespmem:s0+$0xFFFFFF70] =	vst v2;
	v6 =	vmul.f32 $1.131370830e+01, v6;
	v2 =	vld [tilespmem:s0+$0xFFFFFFE0]  }
0x216: {  	[tilespmem:s0+$0xFFFFFF80] =	vst v4;
	v5 =	vmul.f32 $1.131370830e+01, v3;
	v3 =	vld [tilespmem:s0+$0xFFFFFFF0]  }
0x217: {  	s0 =	sadd.s32 $0x500, s0;
	v4 =	vld [tilespmem:s30+$0xFFFFFB10];
	[tilespmem:s30+$0xFFFFFF90] =	vst v6;
	v6 =	vmul.f32 $1.131370830e+01, v7  }
0x218: {  	[tilespmem:s30+$0xFFFFFFA0] =	vst v5;
	v0 =	vmul.f32 $1.131370830e+01, v0  }
0x219: {  	[tilespmem:s30+$0xFFFFFFB0] =	vst v6;
	v1 =	vmul.f32 $1.131370830e+01, v1  }
0x21a: {  	[tilespmem:s30+$0xFFFFFFC0] =	vst v0;
	v0 =	vmul.f32 $1.131370830e+01, v2  }
0x21b: {  	[tilespmem:s30+$0xFFFFFFD0] =	vst v1;
	v1 =	vmul.f32 $1.131370830e+01, v3  }
0x21c: {  	v2 =	vmul.f32 $1.131370830e+01, v4;
	[tilespmem:s30+$0xFFFFFFE0] =	vst v0  }
0x21d: {  	[tilespmem:s30+$0xFFFFFFF0] =	vst v1  }
0x21e: {  	[tilespmem:s30+$0xFFFFFB10] =	vst v2  }
0x21f: {  	v0 =	vld [tilespmem:s29+$0x4F0]  }
0x220: {  	v1 =	vld [tilespmem:s29+$0x10]  }
0x221: {  	v2 =	vld [tilespmem:s29+$0x20]  }
0x222: {  	v3 =	vld [tilespmem:s29+$0x30]  }
0x223: {  	v4 =	vld [tilespmem:s29+$0x40]  }
0x224: {  	v9 =	vld [tilespmem:s29+$0x90]  }
0x225: {  	v5 =	vld [tilespmem:s29+$0x50];
	v0 =	vmul.f32 $1.131370830e+01, v0  }
0x226: {  	v10 =	vld [tilespmem:s29+$0xA0];
	v1 =	vmul.f32 $1.131370830e+01, v1  }
0x227: {  	v7 =	vld [tilespmem:s29+$0x70];
	v2 =	vmul.f32 $1.131370830e+01, v2;
	[tilespmem:s29+$0x4F0] =	vst v0  }
0x228: {  	v6 =	vld [tilespmem:s29+$0x60];
	[tilespmem:s29+$0x10] =	vst v1;
	v1 =	vmul.f32 $1.131370830e+01, v3  }
0x229: {  	v9 =	vmul.f32 $1.131370830e+01, v9;
	[tilespmem:s29+$0x20] =	vst v2;
	v2 =	vmul.f32 $1.131370830e+01, v4;
	v4 =	vld [tilespmem:s29+$0x100]  }
0x22a: {  	v11 =	vld [tilespmem:s29+$0xB0];
	[tilespmem:s29+$0x30] =	vst v1;
	v1 =	vmul.f32 $1.131370830e+01, v5  }
0x22b: {  	v8 =	vld [tilespmem:s29+$0x80];
	v10 =	vmul.f32 $1.131370830e+01, v10;
	[tilespmem:s29+$0x90] =	vst v9  }
0x22c: {  	v12 =	vld [tilespmem:s29+$0xC0];
	[tilespmem:s29+$0x50] =	vst v1;
	v1 =	vmul.f32 $1.131370830e+01, v7  }
0x22d: {  	v56 =	vld [tilespmem:s29+$0x180];
	[tilespmem:s29+$0xA0] =	vst v10  }
0x22e: {  	v0 =	vld [tilespmem:s29+$0xD0];
	[tilespmem:s29+$0x70] =	vst v1;
	v1 =	vmul.f32 $1.131370830e+01, v4  }
0x22f: {  	v53 =	vmul.f32 $1.131370830e+01, v11;
	v3 =	vld [tilespmem:s29+$0xE0];
	[tilespmem:s29+$0x40] =	vst v2  }
0x230: {  	v2 =	vmul.f32 $1.131370830e+01, v6;
	[tilespmem:s29+$0x100] =	vst v1;
	v1 =	vld [tilespmem:s29+$0xF0]  }
0x231: {  	v55 =	vmul.f32 $1.131370830e+01, v12;
	[tilespmem:s29+$0xB0] =	vst v53;
	v5 =	vld [tilespmem:s29+$0x110]  }
0x232: {  	v6 =	vld [tilespmem:s29+$0x120];
	[tilespmem:s29+$0x60] =	vst v2;
	v2 =	vmul.f32 $1.131370830e+01, v8  }
0x233: {  	[tilespmem:s29+$0xC0] =	vst v55;
	v7 =	vld [tilespmem:s29+$0x130];
	v0 =	vmul.f32 $1.131370830e+01, v0  }
0x234: {  	v8 =	vld [tilespmem:s29+$0x140];
	v3 =	vmul.f32 $1.131370830e+01, v3;
	[tilespmem:s29+$0x80] =	vst v2  }
0x235: {  	v2 =	vld [tilespmem:s29+$0x160];
	[tilespmem:s29+$0xD0] =	vst v0;
	v0 =	vmul.f32 $1.131370830e+01, v1  }
0x236: {  	v4 =	vld [tilespmem:s29+$0x150];
	[tilespmem:s29+$0xE0] =	vst v3;
	v3 =	vmul.f32 $1.131370830e+01, v5  }
0x237: {  	v57 =	vld [tilespmem:s29+$0x190];
	[tilespmem:s29+$0xF0] =	vst v0;
	v0 =	vmul.f32 $1.131370830e+01, v56  }
0x238: {  	v6 =	vmul.f32 $1.131370830e+01, v6;
	[tilespmem:s29+$0x110] =	vst v3;
	v1 =	vld [tilespmem:s29+$0x1B0]  }
0x239: {  	v54 =	vld [tilespmem:s29+$0x170];
	[tilespmem:s29+$0x180] =	vst v0;
	v0 =	vmul.f32 $1.131370830e+01, v7  }
0x23a: {  	v59 =	vld [tilespmem:s29+$0x1D0];
	[tilespmem:s29+$0x120] =	vst v6;
	v2 =	vmul.f32 $1.131370830e+01, v2  }
0x23b: {  	v6 =	vmul.f32 $1.131370830e+01, v8;
	[tilespmem:s29+$0x130] =	vst v0;
	v0 =	vmul.f32 $1.131370830e+01, v4;
	v4 =	vld [tilespmem:s29+$0x200]  }
0x23c: {  	v58 =	vld [tilespmem:s29+$0x1A0];
	[tilespmem:s29+$0x160] =	vst v2;
	v2 =	vmul.f32 $1.131370830e+01, v57  }
0x23d: {  	v5 =	vld [tilespmem:s29+$0x1C0];
	[tilespmem:s29+$0x140] =	vst v6;
	v1 =	vmul.f32 $1.131370830e+01, v1  }
0x23e: {  	v61 =	vld [tilespmem:s29+$0x240];
	[tilespmem:s29+$0x190] =	vst v2  }
0x23f: {  	v3 =	vld [tilespmem:s29+$0x1E0];
	[tilespmem:s29+$0x1B0] =	vst v1;
	v1 =	vmul.f32 $1.131370830e+01, v59  }
0x240: {  	v7 =	vld [tilespmem:s29+$0x1F0];
	[tilespmem:s29+$0x150] =	vst v0;
	v2 =	vmul.f32 $1.131370830e+01, v4  }
0x241: {  	v60 =	vld [tilespmem:s29+$0x230];
	v0 =	vmul.f32 $1.131370830e+01, v54;
	[tilespmem:s29+$0x1D0] =	vst v1  }
0x242: {  	v8 =	vld [tilespmem:s29+$0x220];
	[tilespmem:s29+$0x200] =	vst v2;
	v2 =	vmul.f32 $1.131370830e+01, v5  }
0x243: {  	v6 =	vld [tilespmem:s29+$0x210];
	[tilespmem:s29+$0x170] =	vst v0;
	v0 =	vmul.f32 $1.131370830e+01, v58  }
0x244: {  	v10 =	vmul.f32 $1.131370830e+01, v61;
	[tilespmem:s29+$0x1C0] =	vst v2;
	v2 =	vmul.f32 $1.131370830e+01, v3;
	v3 =	vld [tilespmem:s29+$0x280]  }
0x245: {  	v1 =	vmul.f32 $1.131370830e+01, v7;
	[tilespmem:s29+$0x1A0] =	vst v0;
	v0 =	vld [tilespmem:s29+$0x260]  }
0x246: {  	[tilespmem:s29+$0x240] =	vst v10;
	v4 =	vld [tilespmem:s29+$0x250]  }
0x247: {  	v7 =	vld [tilespmem:s29+$0x290];
	[tilespmem:s29+$0x1F0] =	vst v1;
	v1 =	vmul.f32 $1.131370830e+01, v8  }
0x248: {  	v5 =	vld [tilespmem:s29+$0x270];
	[tilespmem:s29+$0x1E0] =	vst v2;
	v2 =	vmul.f32 $1.131370830e+01, v6  }
0x249: {  	v8 =	vld [tilespmem:s29+$0x2B0];
	[tilespmem:s29+$0x220] =	vst v1;
	v1 =	vmul.f32 $1.131370830e+01, v3  }
0x24a: {  	v0 =	vmul.f32 $1.131370830e+01, v0;
	[tilespmem:s29+$0x210] =	vst v2  }
0x24b: {  	v3 =	vld [tilespmem:s29+$0x2D0];
	[tilespmem:s29+$0x280] =	vst v1;
	v1 =	vmul.f32 $1.131370830e+01, v4  }
0x24c: {  	v6 =	vld [tilespmem:s29+$0x2A0];
	[tilespmem:s29+$0x260] =	vst v0;
	v0 =	vmul.f32 $1.131370830e+01, v7  }
0x24d: {  	v2 =	vmul.f32 $1.131370830e+01, v60;
	[tilespmem:s29+$0x250] =	vst v1;
	v1 =	vmul.f32 $1.131370830e+01, v5;
	v5 =	vld [tilespmem:s29+$0x300]  }
0x24e: {  	v62 =	vld [tilespmem:s29+$0x2C0];
	[tilespmem:s29+$0x290] =	vst v0;
	v0 =	vmul.f32 $1.131370830e+01, v8  }
0x24f: {  	[tilespmem:s29+$0x230] =	vst v2;
	v2 =	vld [tilespmem:s29+$0x2E0]  }
0x250: {  	v4 =	vld [tilespmem:s29+$0x2F0];
	[tilespmem:s29+$0x2B0] =	vst v0;
	v3 =	vmul.f32 $1.131370830e+01, v3  }
0x251: {  	v7 =	vld [tilespmem:s29+$0x310];
	[tilespmem:s29+$0x270] =	vst v1;
	v1 =	vmul.f32 $1.131370830e+01, v6  }
0x252: {  	v6 =	vld [tilespmem:s29+$0x320];
	[tilespmem:s29+$0x2D0] =	vst v3;
	v0 =	vmul.f32 $1.131370830e+01, v5  }
0x253: {  	v8 =	vld [tilespmem:s29+$0x330];
	[tilespmem:s29+$0x2A0] =	vst v1;
	v1 =	vmul.f32 $1.131370830e+01, v62  }
0x254: {  	v63 =	vld [tilespmem:s29+$0x340];
	[tilespmem:s29+$0x300] =	vst v0;
	v0 =	vmul.f32 $1.131370830e+01, v2  }
0x255: {  	[tilespmem:s29+$0x2C0] =	vst v1;
	v1 =	vld [tilespmem:s29+$0x360];
	v2 =	vmul.f32 $1.131370830e+01, v4  }
0x256: {  	v5 =	vld [tilespmem:s29+$0x350];
	[tilespmem:s29+$0x2E0] =	vst v0;
	v0 =	vmul.f32 $1.131370830e+01, v7  }
0x257: {  	v4 =	vld [tilespmem:s29+$0x380];
	[tilespmem:s29+$0x2F0] =	vst v2;
	v2 =	vmul.f32 $1.131370830e+01, v6  }
0x258: {  	v6 =	vld [tilespmem:s29+$0x390];
	[tilespmem:s29+$0x310] =	vst v0;
	v0 =	vmul.f32 $1.131370830e+01, v8  }
0x259: {  	v3 =	vld [tilespmem:s29+$0x370];
	[tilespmem:s29+$0x320] =	vst v2;
	v2 =	vmul.f32 $1.131370830e+01, v63  }
0x25a: {  	v8 =	vld [tilespmem:s29+$0x3B0];
	v1 =	vmul.f32 $1.131370830e+01, v1;
	[tilespmem:s29+$0x330] =	vst v0  }
0x25b: {  	v7 =	vld [tilespmem:s29+$0x3A0];
	v0 =	vmul.f32 $1.131370830e+01, v5;
	[tilespmem:s29+$0x340] =	vst v2  }
0x25c: {  	v2 =	vmul.f32 $1.131370830e+01, v4;
	v4 =	vld [tilespmem:s29+$0x3D0];
	[tilespmem:s29+$0x360] =	vst v1  }
0x25d: {  	v5 =	vld [tilespmem:s29+$0x3C0];
	v1 =	vmul.f32 $1.131370830e+01, v6;
	[tilespmem:s29+$0x350] =	vst v0  }
0x25e: {  	v0 =	vld [tilespmem:s29+$0x3E0];
	[tilespmem:s29+$0x380] =	vst v2;
	v2 =	vmul.f32 $1.131370830e+01, v3  }
0x25f: {  	v6 =	vld [tilespmem:s29+$0x400];
	[tilespmem:s29+$0x390] =	vst v1;
	v1 =	vmul.f32 $1.131370830e+01, v8  }
0x260: {  	v3 =	vld [tilespmem:s29+$0x3F0];
	[tilespmem:s29+$0x370] =	vst v2;
	v2 =	vmul.f32 $1.131370830e+01, v7  }
0x261: {  	v7 =	vld [tilespmem:s29+$0x410];
	[tilespmem:s29+$0x3B0] =	vst v1;
	v1 =	vmul.f32 $1.131370830e+01, v4  }
0x262: {  	[tilespmem:s29+$0x3A0] =	vst v2;
	v2 =	vmul.f32 $1.131370830e+01, v5;
	v5 =	vld [tilespmem:s29+$0x420]  }
0x263: {  	v4 =	vld [tilespmem:s29+$0x430];
	v0 =	vmul.f32 $1.131370830e+01, v0;
	[tilespmem:s29+$0x3D0] =	vst v1  }
0x264: {  	v1 =	vmul.f32 $1.131370830e+01, v6;
	[tilespmem:s29+$0x3C0] =	vst v2;
	v2 =	vld [tilespmem:s29+$0x440]  }
0x265: {  	v6 =	vld [tilespmem:s29+$0x450];
	v3 =	vmul.f32 $1.131370830e+01, v3;
	[tilespmem:s29+$0x3E0] =	vst v0  }
0x266: {  	v0 =	vld [tilespmem:s29+$0x460];
	v7 =	vmul.f32 $1.131370830e+01, v7;
	[tilespmem:s29+$0x400] =	vst v1  }
0x267: {  	[tilespmem:s29+$0x3F0] =	vst v3;
	v3 =	vld [tilespmem:s29+$0x470];
	v1 =	vmul.f32 $1.131370830e+01, v5  }
0x268: {  	v4 =	vmul.f32 $1.131370830e+01, v4;
	[tilespmem:s29+$0x410] =	vst v7;
	v5 =	vld [tilespmem:s29+$0x480]  }
0x269: {  	v7 =	vld [tilespmem:s29+$0x490];
	[tilespmem:s29+$0x420] =	vst v1;
	v1 =	vmul.f32 $1.131370830e+01, v2  }
0x26a: {  	[tilespmem:s29+$0x430] =	vst v4;
	v2 =	vmul.f32 $1.131370830e+01, v6;
	v6 =	vld [tilespmem:s29+$0x4A0]  }
0x26b: {  	v4 =	vmul.f32 $1.131370830e+01, v0;
	v0 =	vld [tilespmem:s29+$0x4B0];
	[tilespmem:s29+$0x440] =	vst v1  }
0x26c: {  	[tilespmem:s29+$0x450] =	vst v2;
	v2 =	vmul.f32 $1.131370830e+01, v3;
	v1 =	vld [tilespmem:s29+$0x4C0]  }
0x26d: {  	[tilespmem:s29+$0x460] =	vst v4;
	v8 =	vmul.f32 $1.131370830e+01, v5;
	v4 =	vld [tilespmem:s29+$0x4D0]  }
0x26e: {  	v5 =	vmul.f32 $1.131370830e+01, v7;
	[tilespmem:s29+$0x470] =	vst v2;
	v2 =	vld [tilespmem:s29+$0x4E0]  }
0x26f: {  	s0 =	simm.s32 $0x9900;
	s30 =	simm.s32 $0x0;
	v3 =	vld [tilespmem:s29+$0x0];
	[tilespmem:s29+$0x480] =	vst v8;
	v6 =	vmul.f32 $1.131370830e+01, v6  }
.LBB2_9:
0x270: {  	v7 =	vld [tilespmem:s0+$0x4F0];
	s30 =	sadd.s32 $0xA, s30;
	[tilespmem:s29+$0x490] =	vst v5;
	v0 =	vmul.f32 $1.131370830e+01, v0  }
0x271: {  	v5 =	vld [tilespmem:s0+$0x10];
	p0 =	slt.u32 s30, $0x28;
	[tilespmem:s29+$0x4A0] =	vst v6;
	v1 =	vmul.f32 $1.131370830e+01, v1  }
0x272: {  	v6 =	vld [tilespmem:s0+$0x20];
	[tilespmem:s29+$0x4B0] =	vst v0;
	v0 =	vmul.f32 $1.131370830e+01, v4  }
0x273: {  	v4 =	vld [tilespmem:s0+$0x30];
	[tilespmem:s29+$0x4C0] =	vst v1;
	v1 =	vmul.f32 $1.131370830e+01, v2  }
0x274: {  	v2 =	vld [tilespmem:s0+$0x40];
	v3 =	vmul.f32 $1.131370830e+01, v3;
	[tilespmem:s29+$0x4D0] =	vst v0  }
0x275: {  	v0 =	vld [tilespmem:s0+$0x50];
	v7 =	vmul.f32 $1.131370830e+01, v7;
	[tilespmem:s29+$0x4E0] =	vst v1  }
0x276: {  	v1 =	vmul.f32 $1.131370830e+01, v5;
	v5 =	vld [tilespmem:s0+$0x60];
	[tilespmem:s29+$0x0] =	vst v3;
	s29 =	smov.u32 s0  }
0x277: {  	v3 =	vmul.f32 $1.131370830e+01, v6;
	v6 =	vld [tilespmem:s0+$0x70];
	[tilespmem:s0+$0x4F0] =	vst v7  }
0x278: {  	[tilespmem:s0+$0x10] =	vst v1;
	v1 =	vmul.f32 $1.131370830e+01, v4;
	v4 =	vld [tilespmem:s0+$0x80]  }
0x279: {  	[tilespmem:s0+$0x20] =	vst v3;
	v2 =	vmul.f32 $1.131370830e+01, v2;
	v3 =	vld [tilespmem:s0+$0x90]  }
0x27a: {  	[tilespmem:s0+$0x30] =	vst v1;
	v0 =	vmul.f32 $1.131370830e+01, v0;
	v1 =	vld [tilespmem:s0+$0xA0]  }
0x27b: {  	[tilespmem:s0+$0x40] =	vst v2;
	v2 =	vmul.f32 $1.131370830e+01, v5;
	v5 =	vld [tilespmem:s0+$0xB0]  }
0x27c: {  	[tilespmem:s0+$0x50] =	vst v0;
	v0 =	vmul.f32 $1.131370830e+01, v6;
	v6 =	vld [tilespmem:s0+$0xC0]  }
0x27d: {  	[tilespmem:s0+$0x60] =	vst v2;
	v2 =	vmul.f32 $1.131370830e+01, v4;
	v4 =	vld [tilespmem:s0+$0xD0]  }
0x27e: {  	[tilespmem:s0+$0x70] =	vst v0;
	v0 =	vmul.f32 $1.131370830e+01, v3;
	v3 =	vld [tilespmem:s0+$0xE0]  }
0x27f: {  	[tilespmem:s0+$0x80] =	vst v2;
	v1 =	vmul.f32 $1.131370830e+01, v1;
	v2 =	vld [tilespmem:s0+$0xF0]  }
0x280: {  	[tilespmem:s0+$0x90] =	vst v0;
	v0 =	vmul.f32 $1.131370830e+01, v5;
	v5 =	vld [tilespmem:s0+$0x100]  }
0x281: {  	[tilespmem:s0+$0xA0] =	vst v1;
	v1 =	vmul.f32 $1.131370830e+01, v6;
	v6 =	vld [tilespmem:s0+$0x110]  }
0x282: {  	[tilespmem:s0+$0xB0] =	vst v0;
	v0 =	vmul.f32 $1.131370830e+01, v4;
	v4 =	vld [tilespmem:s0+$0x120]  }
0x283: {  	[tilespmem:s0+$0xC0] =	vst v1;
	v1 =	vmul.f32 $1.131370830e+01, v3;
	v3 =	vld [tilespmem:s0+$0x130]  }
0x284: {  	[tilespmem:s0+$0xD0] =	vst v0;
	v0 =	vmul.f32 $1.131370830e+01, v2;
	v2 =	vld [tilespmem:s0+$0x140]  }
0x285: {  	[tilespmem:s0+$0xE0] =	vst v1;
	v1 =	vmul.f32 $1.131370830e+01, v5;
	v5 =	vld [tilespmem:s0+$0x150]  }
0x286: {  	[tilespmem:s0+$0xF0] =	vst v0;
	v0 =	vmul.f32 $1.131370830e+01, v6;
	v6 =	vld [tilespmem:s0+$0x160]  }
0x287: {  	[tilespmem:s0+$0x100] =	vst v1;
	v1 =	vmul.f32 $1.131370830e+01, v4;
	v4 =	vld [tilespmem:s0+$0x170]  }
0x288: {  	[tilespmem:s0+$0x110] =	vst v0;
	v0 =	vmul.f32 $1.131370830e+01, v3;
	v3 =	vld [tilespmem:s0+$0x180]  }
0x289: {  	[tilespmem:s0+$0x120] =	vst v1;
	v1 =	vmul.f32 $1.131370830e+01, v2;
	v2 =	vld [tilespmem:s0+$0x190]  }
0x28a: {  	[tilespmem:s0+$0x130] =	vst v0;
	v0 =	vmul.f32 $1.131370830e+01, v5;
	v5 =	vld [tilespmem:s0+$0x1A0]  }
0x28b: {  	[tilespmem:s0+$0x140] =	vst v1;
	v1 =	vmul.f32 $1.131370830e+01, v6;
	v6 =	vld [tilespmem:s0+$0x1B0]  }
0x28c: {  	[tilespmem:s0+$0x150] =	vst v0;
	v0 =	vmul.f32 $1.131370830e+01, v4;
	v4 =	vld [tilespmem:s0+$0x1C0]  }
0x28d: {  	[tilespmem:s0+$0x160] =	vst v1;
	v1 =	vmul.f32 $1.131370830e+01, v3;
	v3 =	vld [tilespmem:s0+$0x1D0]  }
0x28e: {  	[tilespmem:s0+$0x170] =	vst v0;
	v0 =	vmul.f32 $1.131370830e+01, v2;
	v2 =	vld [tilespmem:s0+$0x1E0]  }
0x28f: {  	[tilespmem:s0+$0x180] =	vst v1;
	v1 =	vmul.f32 $1.131370830e+01, v5;
	v5 =	vld [tilespmem:s0+$0x1F0]  }
0x290: {  	[tilespmem:s0+$0x190] =	vst v0;
	v0 =	vmul.f32 $1.131370830e+01, v6;
	v6 =	vld [tilespmem:s0+$0x200]  }
0x291: {  	[tilespmem:s0+$0x1A0] =	vst v1;
	v1 =	vmul.f32 $1.131370830e+01, v4;
	v4 =	vld [tilespmem:s0+$0x210]  }
0x292: {  	[tilespmem:s0+$0x1B0] =	vst v0;
	v0 =	vmul.f32 $1.131370830e+01, v3;
	v3 =	vld [tilespmem:s0+$0x220]  }
0x293: {  	[tilespmem:s0+$0x1C0] =	vst v1;
	v1 =	vmul.f32 $1.131370830e+01, v2;
	v2 =	vld [tilespmem:s0+$0x230]  }
0x294: {  	[tilespmem:s0+$0x1D0] =	vst v0;
	v0 =	vmul.f32 $1.131370830e+01, v5;
	v5 =	vld [tilespmem:s0+$0x240]  }
0x295: {  	[tilespmem:s0+$0x1E0] =	vst v1;
	v1 =	vmul.f32 $1.131370830e+01, v6;
	v6 =	vld [tilespmem:s0+$0x250]  }
0x296: {  	[tilespmem:s0+$0x1F0] =	vst v0;
	v0 =	vmul.f32 $1.131370830e+01, v4;
	v4 =	vld [tilespmem:s0+$0x260]  }
0x297: {  	[tilespmem:s0+$0x200] =	vst v1;
	v1 =	vmul.f32 $1.131370830e+01, v3;
	v3 =	vld [tilespmem:s0+$0x270]  }
0x298: {  	[tilespmem:s0+$0x210] =	vst v0;
	v0 =	vmul.f32 $1.131370830e+01, v2;
	v2 =	vld [tilespmem:s0+$0x280]  }
0x299: {  	[tilespmem:s0+$0x220] =	vst v1;
	v1 =	vmul.f32 $1.131370830e+01, v5;
	v5 =	vld [tilespmem:s0+$0x290]  }
0x29a: {  	[tilespmem:s0+$0x230] =	vst v0;
	v0 =	vmul.f32 $1.131370830e+01, v6;
	v6 =	vld [tilespmem:s0+$0x2A0]  }
0x29b: {  	[tilespmem:s0+$0x240] =	vst v1;
	v1 =	vmul.f32 $1.131370830e+01, v4;
	v4 =	vld [tilespmem:s0+$0x2B0]  }
0x29c: {  	[tilespmem:s0+$0x250] =	vst v0;
	v0 =	vmul.f32 $1.131370830e+01, v3;
	v3 =	vld [tilespmem:s0+$0x2C0]  }
0x29d: {  	[tilespmem:s0+$0x260] =	vst v1;
	v1 =	vmul.f32 $1.131370830e+01, v2;
	v2 =	vld [tilespmem:s0+$0x2D0]  }
0x29e: {  	[tilespmem:s0+$0x270] =	vst v0;
	v0 =	vmul.f32 $1.131370830e+01, v5;
	v5 =	vld [tilespmem:s0+$0x2E0]  }
0x29f: {  	[tilespmem:s0+$0x280] =	vst v1;
	v1 =	vmul.f32 $1.131370830e+01, v6;
	v6 =	vld [tilespmem:s0+$0x2F0]  }
0x2a0: {  	[tilespmem:s0+$0x290] =	vst v0;
	v0 =	vmul.f32 $1.131370830e+01, v4;
	v4 =	vld [tilespmem:s0+$0x300]  }
0x2a1: {  	[tilespmem:s0+$0x2A0] =	vst v1;
	v1 =	vmul.f32 $1.131370830e+01, v3;
	v3 =	vld [tilespmem:s0+$0x310]  }
0x2a2: {  	[tilespmem:s0+$0x2B0] =	vst v0;
	v0 =	vmul.f32 $1.131370830e+01, v2;
	v2 =	vld [tilespmem:s0+$0x320]  }
0x2a3: {  	[tilespmem:s0+$0x2C0] =	vst v1;
	v1 =	vmul.f32 $1.131370830e+01, v5;
	v5 =	vld [tilespmem:s0+$0x330]  }
0x2a4: {  	[tilespmem:s0+$0x2D0] =	vst v0;
	v0 =	vmul.f32 $1.131370830e+01, v6;
	v6 =	vld [tilespmem:s0+$0x340]  }
0x2a5: {  	[tilespmem:s0+$0x2E0] =	vst v1;
	v1 =	vmul.f32 $1.131370830e+01, v4;
	v4 =	vld [tilespmem:s0+$0x350]  }
0x2a6: {  	[tilespmem:s0+$0x2F0] =	vst v0;
	v0 =	vmul.f32 $1.131370830e+01, v3;
	v3 =	vld [tilespmem:s0+$0x360]  }
0x2a7: {  	[tilespmem:s0+$0x300] =	vst v1;
	v1 =	vmul.f32 $1.131370830e+01, v2;
	v2 =	vld [tilespmem:s0+$0x370]  }
0x2a8: {  	[tilespmem:s0+$0x310] =	vst v0;
	v0 =	vmul.f32 $1.131370830e+01, v5;
	v5 =	vld [tilespmem:s0+$0x380]  }
0x2a9: {  	[tilespmem:s0+$0x320] =	vst v1;
	v1 =	vmul.f32 $1.131370830e+01, v6;
	v6 =	vld [tilespmem:s0+$0x390]  }
0x2aa: {  	[tilespmem:s0+$0x330] =	vst v0;
	v0 =	vmul.f32 $1.131370830e+01, v4;
	v4 =	vld [tilespmem:s0+$0x3A0]  }
0x2ab: {  	[tilespmem:s0+$0x340] =	vst v1;
	v1 =	vmul.f32 $1.131370830e+01, v3;
	v3 =	vld [tilespmem:s0+$0x3B0]  }
0x2ac: {  	[tilespmem:s0+$0x350] =	vst v0;
	v0 =	vmul.f32 $1.131370830e+01, v2;
	v2 =	vld [tilespmem:s0+$0x3C0]  }
0x2ad: {  	[tilespmem:s0+$0x360] =	vst v1;
	v1 =	vmul.f32 $1.131370830e+01, v5;
	v5 =	vld [tilespmem:s0+$0x3D0]  }
0x2ae: {  	[tilespmem:s0+$0x370] =	vst v0;
	v0 =	vmul.f32 $1.131370830e+01, v6;
	v6 =	vld [tilespmem:s0+$0x3E0]  }
0x2af: {  	[tilespmem:s0+$0x380] =	vst v1;
	v1 =	vmul.f32 $1.131370830e+01, v4;
	v4 =	vld [tilespmem:s0+$0x3F0]  }
0x2b0: {  	[tilespmem:s0+$0x390] =	vst v0;
	v0 =	vmul.f32 $1.131370830e+01, v3;
	v3 =	vld [tilespmem:s0+$0x400]  }
0x2b1: {  	[tilespmem:s0+$0x3A0] =	vst v1;
	v1 =	vmul.f32 $1.131370830e+01, v2;
	v2 =	vld [tilespmem:s0+$0x410]  }
0x2b2: {  	[tilespmem:s0+$0x3B0] =	vst v0;
	v0 =	vmul.f32 $1.131370830e+01, v5;
	v5 =	vld [tilespmem:s0+$0x420]  }
0x2b3: {  	[tilespmem:s0+$0x3C0] =	vst v1;
	v1 =	vmul.f32 $1.131370830e+01, v6;
	v6 =	vld [tilespmem:s0+$0x430]  }
0x2b4: {  	[tilespmem:s0+$0x3D0] =	vst v0;
	v0 =	vmul.f32 $1.131370830e+01, v4;
	v4 =	vld [tilespmem:s0+$0x440]  }
0x2b5: {  	[tilespmem:s0+$0x3E0] =	vst v1;
	v1 =	vmul.f32 $1.131370830e+01, v3;
	v3 =	vld [tilespmem:s0+$0x450]  }
0x2b6: {  	[tilespmem:s0+$0x3F0] =	vst v0;
	v0 =	vmul.f32 $1.131370830e+01, v2;
	v2 =	vld [tilespmem:s0+$0x460]  }
0x2b7: {  	[tilespmem:s0+$0x400] =	vst v1;
	v1 =	vmul.f32 $1.131370830e+01, v5;
	v5 =	vld [tilespmem:s0+$0x470]  }
0x2b8: {  	[tilespmem:s0+$0x410] =	vst v0;
	v0 =	vmul.f32 $1.131370830e+01, v6;
	v6 =	vld [tilespmem:s0+$0x480]  }
0x2b9: {  	[tilespmem:s0+$0x420] =	vst v1;
	v1 =	vmul.f32 $1.131370830e+01, v4;
	v7 =	vld [tilespmem:s0+$0x490]  }
0x2ba: {  	[tilespmem:s0+$0x430] =	vst v0;
	v3 =	vmul.f32 $1.131370830e+01, v3;
	v8 =	vld [tilespmem:s0+$0x4A0]  }
.Ltmp3:
0x2bb: {  	[tilespmem:s0+$0x440] =	vst v1;
	v2 =	vmul.f32 $1.131370830e+01, v2;
	v0 =	vld [tilespmem:s0+$0x4B0];
	(pc) =	sbr.rel @p0 .LBB2_9-.Ltmp3, $4  }
0x2bc: {  	[tilespmem:s0+$0x450] =	vst v3;
	v3 =	vmul.f32 $1.131370830e+01, v5;
	v1 =	vld [tilespmem:s0+$0x4C0]  }
0x2bd: {  	[tilespmem:s0+$0x460] =	vst v2;
	v6 =	vmul.f32 $1.131370830e+01, v6;
	v4 =	vld [tilespmem:s0+$0x4D0]  }
0x2be: {  	[tilespmem:s0+$0x470] =	vst v3;
	v5 =	vmul.f32 $1.131370830e+01, v7;
	v2 =	vld [tilespmem:s0+$0x4E0]  }
0x2bf: {  	s0 =	sadd.s32 $0x500, s0;
	v3 =	vld [tilespmem:s29+$0x0];
	[tilespmem:s29+$0x480] =	vst v6;
	v6 =	vmul.f32 $1.131370830e+01, v8  }
0x2c0: {  	[tilespmem:s29+$0x490] =	vst v5;
	v0 =	vmul.f32 $1.131370830e+01, v0  }
0x2c1: {  	[tilespmem:s29+$0x4A0] =	vst v6;
	v1 =	vmul.f32 $1.131370830e+01, v1  }
0x2c2: {  	s0 =	sshll.u32 s26, $0x3;
	[tilespmem:s29+$0x4B0] =	vst v0;
	v0 =	vmul.f32 $1.131370830e+01, v4  }
0x2c3: {  	s0 =	sadd.s32 s4, s0;
	[tilespmem:s29+$0x4C0] =	vst v1;
	v1 =	vmul.f32 $1.131370830e+01, v2  }
0x2c4: {  	s0 =	smul.u32 $0x380, s0;
	v2 =	vmul.f32 $1.131370830e+01, v3;
	[tilespmem:s29+$0x4D0] =	vst v0  }
0x2c5: {  	[tilespmem:s29+$0x4E0] =	vst v1  }
0x2c6: {  	s0 =	sadd.s32 s5, s0;
	[tilespmem:s29+$0x0] =	vst v2  }
0x2c7: {  	[hbm4b:s0+s3] =	stream.linear.scatter [tilespmem:s10], [sflag:$0x3], $0x1900, $0x38;
	[tilespmem:$0x12000] =	vst v63  }
0x2c8: {  	s29 =	sadd.s32 $0x380, s0  }
0x2c9: {  	[hbm4b:s29+s3] =	stream.linear.scatter [tilespmem:s12], [sflag:$0x3], $0x1900, $0x38;
	[tilespmem:$0x12000] =	vst v63  }
0x2ca: {  	s29 =	sadd.s32 $0x700, s0  }
0x2cb: {  	[hbm4b:s29+s3] =	stream.linear.scatter [tilespmem:s14], [sflag:$0x3], $0x1900, $0x38;
	[tilespmem:$0x12000] =	vst v63  }
0x2cc: {  	s0 =	sadd.s32 $0xA80, s0  }
0x2cd: {  	[hbm4b:s0+s3] =	stream.linear.scatter [tilespmem:s16], [sflag:$0x3], $0x1900, $0x38;
	[tilespmem:$0x12000] =	vst v63  }
0x2ce: {  	_ =	swait.ge [sflag:s22], $0x6400  }
0x2cf: {  	[sflag:s22] =	ssyncset.done $0x0  }
0x2d0: {  	p0 =	seq.s32 s26, $0xF;
	[sflag:s22] =	ssyncadd.s32 $0xFFFF9C00  }
0x2d1: {  	s0 =	sshll.u32 @!p0 s26, $0xA;
	_ =	swait.ge [sflag:s23], $0x6400  }
0x2d2: {  	s30 =	simm.s32 @!p0 $0x32;
	s0 =	sand.u32 @!p0 $0x3FFFFC00, s0;
	[sflag:s23] =	ssyncset.done $0x0  }
0x2d3: {  	s31 =	simm.s32 @!p0 $0x4000;
	s29 =	sadd.s32 @!p0 $0x400, s0;
	[sflag:s23] =	ssyncadd.s32 $0xFFFF9C00  }
0x2d4: {  	[tilespmem:s31], [sflag:$0x1] =	stream.indirect.gather @!p0 [hbm4b:s1+s30], $0x80, s29, s30, $0xb8;
	[tilespmem:$0x12000] =	vst v63  }
0x2d5: {  	s29 =	sadd.s32 @!p0 $0x480, s0;
	s31 =	simm.s32 @!p0 $0x5C00  }
0x2d6: {  	[tilespmem:s31], [sflag:$0x1] =	stream.indirect.gather @!p0 [hbm4b:s1+s30], $0x80, s29, s30, $0xb8;
	[tilespmem:$0x12000] =	vst v63  }
0x2d7: {  	s29 =	sadd.s32 @!p0 $0x500, s0;
	s31 =	simm.s32 @!p0 $0x7800  }
0x2d8: {  	[tilespmem:s31], [sflag:$0x1] =	stream.indirect.gather @!p0 [hbm4b:s1+s30], $0x80, s29, s30, $0xb8;
	[tilespmem:$0x12000] =	vst v63  }
0x2d9: {  	s0 =	sadd.s32 @!p0 $0x580, s0;
	s29 =	simm.s32 @!p0 $0x9400  }
0x2da: {  	[tilespmem:s29], [sflag:$0x1] =	stream.indirect.gather @!p0 [hbm4b:s1+s30], $0x80, s0, s30, $0xb8;
	[tilespmem:$0x12000] =	vst v63  }
0x2db: {  	s30 =	simm.s32 $0xB280  }
0x2dc: {  	v0 =	vld [tilespmem:s30+$0x270]  }
0x2dd: {  	v1 =	vld [tilespmem:s30+$0xFFFFFD90]  }
0x2de: {  	v2 =	vld [tilespmem:s30+$0xFFFFFDA0]  }
0x2df: {  	v3 =	vld [tilespmem:s30+$0xFFFFFDB0]  }
0x2e0: {  	v4 =	vld [tilespmem:s30+$0xFFFFFDC0]  }
0x2e1: {  	v9 =	vld [tilespmem:s30+$0xFFFFFE10]  }
0x2e2: {  	v5 =	vld [tilespmem:s30+$0xFFFFFDD0];
	v0 =	vmul.f32 $1.131370830e+01, v0  }
0x2e3: {  	v10 =	vld [tilespmem:s30+$0xFFFFFE20];
	v1 =	vmul.f32 $1.131370830e+01, v1  }
0x2e4: {  	v7 =	vld [tilespmem:s30+$0xFFFFFDF0];
	v2 =	vmul.f32 $1.131370830e+01, v2;
	[tilespmem:s30+$0x270] =	vst v0  }
0x2e5: {  	v6 =	vld [tilespmem:s30+$0xFFFFFDE0];
	[tilespmem:s30+$0xFFFFFD90] =	vst v1;
	v1 =	vmul.f32 $1.131370830e+01, v3  }
0x2e6: {  	v9 =	vmul.f32 $1.131370830e+01, v9;
	[tilespmem:s30+$0xFFFFFDA0] =	vst v2;
	v2 =	vmul.f32 $1.131370830e+01, v4;
	v4 =	vld [tilespmem:s30+$0xFFFFFE80]  }
0x2e7: {  	v11 =	vld [tilespmem:s30+$0xFFFFFE30];
	[tilespmem:s30+$0xFFFFFDB0] =	vst v1;
	v1 =	vmul.f32 $1.131370830e+01, v5  }
0x2e8: {  	v8 =	vld [tilespmem:s30+$0xFFFFFE00];
	v10 =	vmul.f32 $1.131370830e+01, v10;
	[tilespmem:s30+$0xFFFFFE10] =	vst v9  }
0x2e9: {  	v12 =	vld [tilespmem:s30+$0xFFFFFE40];
	[tilespmem:s30+$0xFFFFFDD0] =	vst v1;
	v1 =	vmul.f32 $1.131370830e+01, v7  }
0x2ea: {  	v56 =	vld [tilespmem:s30+$0xFFFFFF00];
	[tilespmem:s30+$0xFFFFFE20] =	vst v10  }
0x2eb: {  	v0 =	vld [tilespmem:s30+$0xFFFFFE50];
	[tilespmem:s30+$0xFFFFFDF0] =	vst v1;
	v1 =	vmul.f32 $1.131370830e+01, v4  }
0x2ec: {  	v53 =	vmul.f32 $1.131370830e+01, v11;
	v3 =	vld [tilespmem:s30+$0xFFFFFE60];
	[tilespmem:s30+$0xFFFFFDC0] =	vst v2  }
0x2ed: {  	v2 =	vmul.f32 $1.131370830e+01, v6;
	[tilespmem:s30+$0xFFFFFE80] =	vst v1;
	v1 =	vld [tilespmem:s30+$0xFFFFFE70]  }
0x2ee: {  	v55 =	vmul.f32 $1.131370830e+01, v12;
	[tilespmem:s30+$0xFFFFFE30] =	vst v53;
	v5 =	vld [tilespmem:s30+$0xFFFFFE90]  }
0x2ef: {  	v6 =	vld [tilespmem:s30+$0xFFFFFEA0];
	[tilespmem:s30+$0xFFFFFDE0] =	vst v2;
	v2 =	vmul.f32 $1.131370830e+01, v8  }
0x2f0: {  	[tilespmem:s30+$0xFFFFFE40] =	vst v55;
	v7 =	vld [tilespmem:s30+$0xFFFFFEB0];
	v0 =	vmul.f32 $1.131370830e+01, v0  }
0x2f1: {  	v8 =	vld [tilespmem:s30+$0xFFFFFEC0];
	v3 =	vmul.f32 $1.131370830e+01, v3;
	[tilespmem:s30+$0xFFFFFE00] =	vst v2  }
0x2f2: {  	v2 =	vld [tilespmem:s30+$0xFFFFFEE0];
	[tilespmem:s30+$0xFFFFFE50] =	vst v0;
	v0 =	vmul.f32 $1.131370830e+01, v1  }
0x2f3: {  	v4 =	vld [tilespmem:s30+$0xFFFFFED0];
	[tilespmem:s30+$0xFFFFFE60] =	vst v3;
	v3 =	vmul.f32 $1.131370830e+01, v5  }
0x2f4: {  	v57 =	vld [tilespmem:s30+$0xFFFFFF10];
	[tilespmem:s30+$0xFFFFFE70] =	vst v0;
	v0 =	vmul.f32 $1.131370830e+01, v56  }
0x2f5: {  	v6 =	vmul.f32 $1.131370830e+01, v6;
	[tilespmem:s30+$0xFFFFFE90] =	vst v3;
	v1 =	vld [tilespmem:s30+$0xFFFFFF30]  }
0x2f6: {  	v54 =	vld [tilespmem:s30+$0xFFFFFEF0];
	[tilespmem:s30+$0xFFFFFF00] =	vst v0;
	v0 =	vmul.f32 $1.131370830e+01, v7  }
0x2f7: {  	v59 =	vld [tilespmem:s30+$0xFFFFFF50];
	[tilespmem:s30+$0xFFFFFEA0] =	vst v6;
	v2 =	vmul.f32 $1.131370830e+01, v2  }
0x2f8: {  	v6 =	vmul.f32 $1.131370830e+01, v8;
	[tilespmem:s30+$0xFFFFFEB0] =	vst v0;
	v0 =	vmul.f32 $1.131370830e+01, v4;
	v4 =	vld [tilespmem:s30+$0xFFFFFF80]  }
0x2f9: {  	v58 =	vld [tilespmem:s30+$0xFFFFFF20];
	[tilespmem:s30+$0xFFFFFEE0] =	vst v2;
	v2 =	vmul.f32 $1.131370830e+01, v57  }
0x2fa: {  	v5 =	vld [tilespmem:s30+$0xFFFFFF40];
	[tilespmem:s30+$0xFFFFFEC0] =	vst v6;
	v1 =	vmul.f32 $1.131370830e+01, v1  }
0x2fb: {  	v61 =	vld [tilespmem:s30+$0xFFFFFFC0];
	[tilespmem:s30+$0xFFFFFF10] =	vst v2  }
0x2fc: {  	v3 =	vld [tilespmem:s30+$0xFFFFFF60];
	[tilespmem:s30+$0xFFFFFF30] =	vst v1;
	v1 =	vmul.f32 $1.131370830e+01, v59  }
0x2fd: {  	v7 =	vld [tilespmem:s30+$0xFFFFFF70];
	[tilespmem:s30+$0xFFFFFED0] =	vst v0;
	v2 =	vmul.f32 $1.131370830e+01, v4  }
0x2fe: {  	v60 =	vld [tilespmem:s30+$0xFFFFFFB0];
	v0 =	vmul.f32 $1.131370830e+01, v54;
	[tilespmem:s30+$0xFFFFFF50] =	vst v1  }
0x2ff: {  	v8 =	vld [tilespmem:s30+$0xFFFFFFA0];
	[tilespmem:s30+$0xFFFFFF80] =	vst v2;
	v2 =	vmul.f32 $1.131370830e+01, v5  }
0x300: {  	v6 =	vld [tilespmem:s30+$0xFFFFFF90];
	[tilespmem:s30+$0xFFFFFEF0] =	vst v0;
	v0 =	vmul.f32 $1.131370830e+01, v58  }
0x301: {  	v10 =	vmul.f32 $1.131370830e+01, v61;
	[tilespmem:s30+$0xFFFFFF40] =	vst v2;
	v2 =	vmul.f32 $1.131370830e+01, v3;
	v3 =	vld [tilespmem:s30+$0x0]  }
0x302: {  	v1 =	vmul.f32 $1.131370830e+01, v7;
	[tilespmem:s30+$0xFFFFFF20] =	vst v0;
	v0 =	vld [tilespmem:s30+$0xFFFFFFE0]  }
0x303: {  	[tilespmem:s30+$0xFFFFFFC0] =	vst v10;
	v4 =	vld [tilespmem:s30+$0xFFFFFFD0]  }
0x304: {  	v7 =	vld [tilespmem:s30+$0x10];
	[tilespmem:s30+$0xFFFFFF70] =	vst v1;
	v1 =	vmul.f32 $1.131370830e+01, v8  }
0x305: {  	v5 =	vld [tilespmem:s30+$0xFFFFFFF0];
	[tilespmem:s30+$0xFFFFFF60] =	vst v2;
	v2 =	vmul.f32 $1.131370830e+01, v6  }
0x306: {  	v8 =	vld [tilespmem:s30+$0x30];
	[tilespmem:s30+$0xFFFFFFA0] =	vst v1;
	v1 =	vmul.f32 $1.131370830e+01, v3  }
0x307: {  	v0 =	vmul.f32 $1.131370830e+01, v0;
	[tilespmem:s30+$0xFFFFFF90] =	vst v2  }
0x308: {  	v3 =	vld [tilespmem:s30+$0x50];
	[tilespmem:s30+$0x0] =	vst v1;
	v1 =	vmul.f32 $1.131370830e+01, v4  }
0x309: {  	v6 =	vld [tilespmem:s30+$0x20];
	[tilespmem:s30+$0xFFFFFFE0] =	vst v0;
	v0 =	vmul.f32 $1.131370830e+01, v7  }
0x30a: {  	v2 =	vmul.f32 $1.131370830e+01, v60;
	[tilespmem:s30+$0xFFFFFFD0] =	vst v1;
	v1 =	vmul.f32 $1.131370830e+01, v5;
	v5 =	vld [tilespmem:s30+$0x80]  }
0x30b: {  	v62 =	vld [tilespmem:s30+$0x40];
	[tilespmem:s30+$0x10] =	vst v0;
	v0 =	vmul.f32 $1.131370830e+01, v8  }
0x30c: {  	[tilespmem:s30+$0xFFFFFFB0] =	vst v2;
	v2 =	vld [tilespmem:s30+$0x60]  }
0x30d: {  	v4 =	vld [tilespmem:s30+$0x70];
	[tilespmem:s30+$0x30] =	vst v0;
	v3 =	vmul.f32 $1.131370830e+01, v3  }
0x30e: {  	v7 =	vld [tilespmem:s30+$0x90];
	[tilespmem:s30+$0xFFFFFFF0] =	vst v1;
	v1 =	vmul.f32 $1.131370830e+01, v6  }
0x30f: {  	v6 =	vld [tilespmem:s30+$0xA0];
	[tilespmem:s30+$0x50] =	vst v3;
	v0 =	vmul.f32 $1.131370830e+01, v5  }
0x310: {  	v8 =	vld [tilespmem:s30+$0xB0];
	[tilespmem:s30+$0x20] =	vst v1;
	v1 =	vmul.f32 $1.131370830e+01, v62  }
0x311: {  	v63 =	vld [tilespmem:s30+$0xC0];
	[tilespmem:s30+$0x80] =	vst v0;
	v0 =	vmul.f32 $1.131370830e+01, v2  }
0x312: {  	[tilespmem:s30+$0x40] =	vst v1;
	v1 =	vld [tilespmem:s30+$0xE0];
	v2 =	vmul.f32 $1.131370830e+01, v4  }
0x313: {  	v5 =	vld [tilespmem:s30+$0xD0];
	[tilespmem:s30+$0x60] =	vst v0;
	v0 =	vmul.f32 $1.131370830e+01, v7  }
0x314: {  	v4 =	vld [tilespmem:s30+$0x100];
	[tilespmem:s30+$0x70] =	vst v2;
	v2 =	vmul.f32 $1.131370830e+01, v6  }
0x315: {  	v6 =	vld [tilespmem:s30+$0x110];
	[tilespmem:s30+$0x90] =	vst v0;
	v0 =	vmul.f32 $1.131370830e+01, v8  }
0x316: {  	v3 =	vld [tilespmem:s30+$0xF0];
	[tilespmem:s30+$0xA0] =	vst v2;
	v2 =	vmul.f32 $1.131370830e+01, v63  }
0x317: {  	v8 =	vld [tilespmem:s30+$0x130];
	v1 =	vmul.f32 $1.131370830e+01, v1;
	[tilespmem:s30+$0xB0] =	vst v0  }
0x318: {  	v7 =	vld [tilespmem:s30+$0x120];
	v0 =	vmul.f32 $1.131370830e+01, v5;
	[tilespmem:s30+$0xC0] =	vst v2  }
0x319: {  	v2 =	vmul.f32 $1.131370830e+01, v4;
	v4 =	vld [tilespmem:s30+$0x150];
	[tilespmem:s30+$0xE0] =	vst v1  }
0x31a: {  	v5 =	vld [tilespmem:s30+$0x140];
	v1 =	vmul.f32 $1.131370830e+01, v6;
	[tilespmem:s30+$0xD0] =	vst v0  }
0x31b: {  	v0 =	vld [tilespmem:s30+$0x160];
	[tilespmem:s30+$0x100] =	vst v2;
	v2 =	vmul.f32 $1.131370830e+01, v3  }
0x31c: {  	v6 =	vld [tilespmem:s30+$0x180];
	[tilespmem:s30+$0x110] =	vst v1;
	v1 =	vmul.f32 $1.131370830e+01, v8  }
0x31d: {  	v3 =	vld [tilespmem:s30+$0x170];
	[tilespmem:s30+$0xF0] =	vst v2;
	v2 =	vmul.f32 $1.131370830e+01, v7  }
0x31e: {  	v7 =	vld [tilespmem:s30+$0x190];
	[tilespmem:s30+$0x130] =	vst v1;
	v1 =	vmul.f32 $1.131370830e+01, v4  }
0x31f: {  	[tilespmem:s30+$0x120] =	vst v2;
	v2 =	vmul.f32 $1.131370830e+01, v5;
	v5 =	vld [tilespmem:s30+$0x1A0]  }
0x320: {  	v4 =	vld [tilespmem:s30+$0x1B0];
	v0 =	vmul.f32 $1.131370830e+01, v0;
	[tilespmem:s30+$0x150] =	vst v1  }
0x321: {  	v1 =	vmul.f32 $1.131370830e+01, v6;
	[tilespmem:s30+$0x140] =	vst v2;
	v2 =	vld [tilespmem:s30+$0x1C0]  }
0x322: {  	v6 =	vld [tilespmem:s30+$0x1D0];
	v3 =	vmul.f32 $1.131370830e+01, v3;
	[tilespmem:s30+$0x160] =	vst v0  }
0x323: {  	v0 =	vld [tilespmem:s30+$0x1E0];
	v7 =	vmul.f32 $1.131370830e+01, v7;
	[tilespmem:s30+$0x180] =	vst v1  }
0x324: {  	[tilespmem:s30+$0x170] =	vst v3;
	v3 =	vld [tilespmem:s30+$0x1F0];
	v1 =	vmul.f32 $1.131370830e+01, v5  }
0x325: {  	v4 =	vmul.f32 $1.131370830e+01, v4;
	[tilespmem:s30+$0x190] =	vst v7;
	v5 =	vld [tilespmem:s30+$0x200]  }
0x326: {  	v7 =	vld [tilespmem:s30+$0x210];
	[tilespmem:s30+$0x1A0] =	vst v1;
	v1 =	vmul.f32 $1.131370830e+01, v2  }
0x327: {  	[tilespmem:s30+$0x1B0] =	vst v4;
	v2 =	vmul.f32 $1.131370830e+01, v6;
	v6 =	vld [tilespmem:s30+$0x220]  }
0x328: {  	v4 =	vmul.f32 $1.131370830e+01, v0;
	v0 =	vld [tilespmem:s30+$0x230];
	[tilespmem:s30+$0x1C0] =	vst v1  }
0x329: {  	v3 =	vmul.f32 $1.131370830e+01, v3;
	[tilespmem:s30+$0x1D0] =	vst v2;
	v1 =	vld [tilespmem:s30+$0x240]  }
0x32a: {  	v2 =	vld [tilespmem:s30+$0x250];
	[tilespmem:s30+$0x1E0] =	vst v4;
	v8 =	vmul.f32 $1.131370830e+01, v5  }
0x32b: {  	[tilespmem:s30+$0x1F0] =	vst v3;
	v3 =	vld [tilespmem:s30+$0x260];
	v5 =	vmul.f32 $1.131370830e+01, v7  }
0x32c: {  	s31 =	simm.s32 $0x0;
	s29 =	simm.s32 $0xD0F0;
	s0 =	simm.s32 $0xB780;
	v4 =	vld [tilespmem:s30+$0xFFFFFD80];
	[tilespmem:s30+$0x200] =	vst v8;
	v6 =	vmul.f32 $1.131370830e+01, v6  }
.LBB2_11:
0x32d: {  	v7 =	vld [tilespmem:s0+$0x270];
	s31 =	sadd.s32 $0xA, s31;
	[tilespmem:s30+$0x210] =	vst v5;
	v0 =	vmul.f32 $1.131370830e+01, v0  }
0x32e: {  	v5 =	vld [tilespmem:s0+$0xFFFFFD90];
	p0 =	slt.u32 s31, $0x28;
	[tilespmem:s30+$0x220] =	vst v6;
	v1 =	vmul.f32 $1.131370830e+01, v1  }
0x32f: {  	v6 =	vld [tilespmem:s0+$0xFFFFFDA0];
	[tilespmem:s30+$0x230] =	vst v0;
	v0 =	vmul.f32 $1.131370830e+01, v2  }
0x330: {  	v2 =	vld [tilespmem:s0+$0xFFFFFDB0];
	[tilespmem:s30+$0x240] =	vst v1;
	v1 =	vmul.f32 $1.131370830e+01, v3  }
0x331: {  	v3 =	vld [tilespmem:s0+$0xFFFFFDC0];
	v4 =	vmul.f32 $1.131370830e+01, v4;
	[tilespmem:s30+$0x250] =	vst v0  }
0x332: {  	v0 =	vld [tilespmem:s0+$0xFFFFFDD0];
	v7 =	vmul.f32 $1.131370830e+01, v7;
	[tilespmem:s30+$0x260] =	vst v1  }
0x333: {  	v1 =	vmul.f32 $1.131370830e+01, v5;
	v5 =	vld [tilespmem:s0+$0xFFFFFDE0];
	[tilespmem:s30+$0xFFFFFD80] =	vst v4;
	s30 =	smov.u32 s0  }
0x334: {  	v4 =	vmul.f32 $1.131370830e+01, v6;
	v6 =	vld [tilespmem:s0+$0xFFFFFDF0];
	[tilespmem:s0+$0x270] =	vst v7  }
0x335: {  	[tilespmem:s0+$0xFFFFFD90] =	vst v1;
	v1 =	vmul.f32 $1.131370830e+01, v2;
	v2 =	vld [tilespmem:s0+$0xFFFFFE00]  }
0x336: {  	[tilespmem:s0+$0xFFFFFDA0] =	vst v4;
	v3 =	vmul.f32 $1.131370830e+01, v3;
	v4 =	vld [tilespmem:s0+$0xFFFFFE10]  }
0x337: {  	[tilespmem:s0+$0xFFFFFDB0] =	vst v1;
	v0 =	vmul.f32 $1.131370830e+01, v0;
	v1 =	vld [tilespmem:s0+$0xFFFFFE20]  }
0x338: {  	[tilespmem:s0+$0xFFFFFDC0] =	vst v3;
	v3 =	vmul.f32 $1.131370830e+01, v5;
	v5 =	vld [tilespmem:s0+$0xFFFFFE30]  }
0x339: {  	[tilespmem:s0+$0xFFFFFDD0] =	vst v0;
	v0 =	vmul.f32 $1.131370830e+01, v6;
	v6 =	vld [tilespmem:s0+$0xFFFFFE40]  }
0x33a: {  	[tilespmem:s0+$0xFFFFFDE0] =	vst v3;
	v2 =	vmul.f32 $1.131370830e+01, v2;
	v3 =	vld [tilespmem:s0+$0xFFFFFE50]  }
0x33b: {  	[tilespmem:s0+$0xFFFFFDF0] =	vst v0;
	v0 =	vmul.f32 $1.131370830e+01, v4;
	v4 =	vld [tilespmem:s0+$0xFFFFFE60]  }
0x33c: {  	[tilespmem:s0+$0xFFFFFE00] =	vst v2;
	v1 =	vmul.f32 $1.131370830e+01, v1;
	v2 =	vld [tilespmem:s0+$0xFFFFFE70]  }
0x33d: {  	[tilespmem:s0+$0xFFFFFE10] =	vst v0;
	v0 =	vmul.f32 $1.131370830e+01, v5;
	v5 =	vld [tilespmem:s0+$0xFFFFFE80]  }
0x33e: {  	[tilespmem:s0+$0xFFFFFE20] =	vst v1;
	v1 =	vmul.f32 $1.131370830e+01, v6;
	v6 =	vld [tilespmem:s0+$0xFFFFFE90]  }
0x33f: {  	[tilespmem:s0+$0xFFFFFE30] =	vst v0;
	v0 =	vmul.f32 $1.131370830e+01, v3;
	v3 =	vld [tilespmem:s0+$0xFFFFFEA0]  }
0x340: {  	[tilespmem:s0+$0xFFFFFE40] =	vst v1;
	v1 =	vmul.f32 $1.131370830e+01, v4;
	v4 =	vld [tilespmem:s0+$0xFFFFFEB0]  }
0x341: {  	[tilespmem:s0+$0xFFFFFE50] =	vst v0;
	v0 =	vmul.f32 $1.131370830e+01, v2;
	v2 =	vld [tilespmem:s0+$0xFFFFFEC0]  }
0x342: {  	[tilespmem:s0+$0xFFFFFE60] =	vst v1;
	v1 =	vmul.f32 $1.131370830e+01, v5;
	v5 =	vld [tilespmem:s0+$0xFFFFFED0]  }
0x343: {  	[tilespmem:s0+$0xFFFFFE70] =	vst v0;
	v0 =	vmul.f32 $1.131370830e+01, v6;
	v6 =	vld [tilespmem:s0+$0xFFFFFEE0]  }
0x344: {  	[tilespmem:s0+$0xFFFFFE80] =	vst v1;
	v1 =	vmul.f32 $1.131370830e+01, v3;
	v3 =	vld [tilespmem:s0+$0xFFFFFEF0]  }
0x345: {  	[tilespmem:s0+$0xFFFFFE90] =	vst v0;
	v0 =	vmul.f32 $1.131370830e+01, v4;
	v4 =	vld [tilespmem:s0+$0xFFFFFF00]  }
0x346: {  	[tilespmem:s0+$0xFFFFFEA0] =	vst v1;
	v1 =	vmul.f32 $1.131370830e+01, v2;
	v2 =	vld [tilespmem:s0+$0xFFFFFF10]  }
0x347: {  	[tilespmem:s0+$0xFFFFFEB0] =	vst v0;
	v0 =	vmul.f32 $1.131370830e+01, v5;
	v5 =	vld [tilespmem:s0+$0xFFFFFF20]  }
0x348: {  	[tilespmem:s0+$0xFFFFFEC0] =	vst v1;
	v1 =	vmul.f32 $1.131370830e+01, v6;
	v6 =	vld [tilespmem:s0+$0xFFFFFF30]  }
0x349: {  	[tilespmem:s0+$0xFFFFFED0] =	vst v0;
	v0 =	vmul.f32 $1.131370830e+01, v3;
	v3 =	vld [tilespmem:s0+$0xFFFFFF40]  }
0x34a: {  	[tilespmem:s0+$0xFFFFFEE0] =	vst v1;
	v1 =	vmul.f32 $1.131370830e+01, v4;
	v4 =	vld [tilespmem:s0+$0xFFFFFF50]  }
0x34b: {  	[tilespmem:s0+$0xFFFFFEF0] =	vst v0;
	v0 =	vmul.f32 $1.131370830e+01, v2;
	v2 =	vld [tilespmem:s0+$0xFFFFFF60]  }
0x34c: {  	[tilespmem:s0+$0xFFFFFF00] =	vst v1;
	v1 =	vmul.f32 $1.131370830e+01, v5;
	v5 =	vld [tilespmem:s0+$0xFFFFFF70]  }
0x34d: {  	[tilespmem:s0+$0xFFFFFF10] =	vst v0;
	v0 =	vmul.f32 $1.131370830e+01, v6;
	v6 =	vld [tilespmem:s0+$0xFFFFFF80]  }
0x34e: {  	[tilespmem:s0+$0xFFFFFF20] =	vst v1;
	v1 =	vmul.f32 $1.131370830e+01, v3;
	v3 =	vld [tilespmem:s0+$0xFFFFFF90]  }
0x34f: {  	[tilespmem:s0+$0xFFFFFF30] =	vst v0;
	v0 =	vmul.f32 $1.131370830e+01, v4;
	v4 =	vld [tilespmem:s0+$0xFFFFFFA0]  }
0x350: {  	[tilespmem:s0+$0xFFFFFF40] =	vst v1;
	v1 =	vmul.f32 $1.131370830e+01, v2;
	v2 =	vld [tilespmem:s0+$0xFFFFFFB0]  }
0x351: {  	[tilespmem:s0+$0xFFFFFF50] =	vst v0;
	v0 =	vmul.f32 $1.131370830e+01, v5;
	v5 =	vld [tilespmem:s0+$0xFFFFFFC0]  }
0x352: {  	[tilespmem:s0+$0xFFFFFF60] =	vst v1;
	v1 =	vmul.f32 $1.131370830e+01, v6;
	v6 =	vld [tilespmem:s0+$0xFFFFFFD0]  }
0x353: {  	[tilespmem:s0+$0xFFFFFF70] =	vst v0;
	v0 =	vmul.f32 $1.131370830e+01, v3;
	v3 =	vld [tilespmem:s0+$0xFFFFFFE0]  }
0x354: {  	[tilespmem:s0+$0xFFFFFF80] =	vst v1;
	v1 =	vmul.f32 $1.131370830e+01, v4;
	v4 =	vld [tilespmem:s0+$0xFFFFFFF0]  }
0x355: {  	[tilespmem:s0+$0xFFFFFF90] =	vst v0;
	v0 =	vmul.f32 $1.131370830e+01, v2;
	v2 =	vld [tilespmem:s0+$0x0]  }
0x356: {  	[tilespmem:s0+$0xFFFFFFA0] =	vst v1;
	v1 =	vmul.f32 $1.131370830e+01, v5;
	v5 =	vld [tilespmem:s0+$0x10]  }
0x357: {  	[tilespmem:s0+$0xFFFFFFB0] =	vst v0;
	v0 =	vmul.f32 $1.131370830e+01, v6;
	v6 =	vld [tilespmem:s0+$0x20]  }
0x358: {  	[tilespmem:s0+$0xFFFFFFC0] =	vst v1;
	v1 =	vmul.f32 $1.131370830e+01, v3;
	v3 =	vld [tilespmem:s0+$0x30]  }
0x359: {  	[tilespmem:s0+$0xFFFFFFD0] =	vst v0;
	v0 =	vmul.f32 $1.131370830e+01, v4;
	v4 =	vld [tilespmem:s0+$0x40]  }
0x35a: {  	[tilespmem:s0+$0xFFFFFFE0] =	vst v1;
	v1 =	vmul.f32 $1.131370830e+01, v2;
	v2 =	vld [tilespmem:s0+$0x50]  }
0x35b: {  	[tilespmem:s0+$0xFFFFFFF0] =	vst v0;
	v0 =	vmul.f32 $1.131370830e+01, v5;
	v5 =	vld [tilespmem:s0+$0x60]  }
0x35c: {  	[tilespmem:s0+$0x0] =	vst v1;
	v1 =	vmul.f32 $1.131370830e+01, v6;
	v6 =	vld [tilespmem:s0+$0x70]  }
0x35d: {  	[tilespmem:s0+$0x10] =	vst v0;
	v0 =	vmul.f32 $1.131370830e+01, v3;
	v3 =	vld [tilespmem:s0+$0x80]  }
0x35e: {  	[tilespmem:s0+$0x20] =	vst v1;
	v1 =	vmul.f32 $1.131370830e+01, v4;
	v4 =	vld [tilespmem:s0+$0x90]  }
0x35f: {  	[tilespmem:s0+$0x30] =	vst v0;
	v0 =	vmul.f32 $1.131370830e+01, v2;
	v2 =	vld [tilespmem:s0+$0xA0]  }
0x360: {  	[tilespmem:s0+$0x40] =	vst v1;
	v1 =	vmul.f32 $1.131370830e+01, v5;
	v5 =	vld [tilespmem:s0+$0xB0]  }
0x361: {  	[tilespmem:s0+$0x50] =	vst v0;
	v0 =	vmul.f32 $1.131370830e+01, v6;
	v6 =	vld [tilespmem:s0+$0xC0]  }
0x362: {  	[tilespmem:s0+$0x60] =	vst v1;
	v1 =	vmul.f32 $1.131370830e+01, v3;
	v3 =	vld [tilespmem:s0+$0xD0]  }
0x363: {  	[tilespmem:s0+$0x70] =	vst v0;
	v0 =	vmul.f32 $1.131370830e+01, v4;
	v4 =	vld [tilespmem:s0+$0xE0]  }
0x364: {  	[tilespmem:s0+$0x80] =	vst v1;
	v1 =	vmul.f32 $1.131370830e+01, v2;
	v2 =	vld [tilespmem:s0+$0xF0]  }
0x365: {  	[tilespmem:s0+$0x90] =	vst v0;
	v0 =	vmul.f32 $1.131370830e+01, v5;
	v5 =	vld [tilespmem:s0+$0x100]  }
0x366: {  	[tilespmem:s0+$0xA0] =	vst v1;
	v1 =	vmul.f32 $1.131370830e+01, v6;
	v6 =	vld [tilespmem:s0+$0x110]  }
0x367: {  	[tilespmem:s0+$0xB0] =	vst v0;
	v0 =	vmul.f32 $1.131370830e+01, v3;
	v3 =	vld [tilespmem:s0+$0x120]  }
0x368: {  	[tilespmem:s0+$0xC0] =	vst v1;
	v1 =	vmul.f32 $1.131370830e+01, v4;
	v4 =	vld [tilespmem:s0+$0x130]  }
0x369: {  	[tilespmem:s0+$0xD0] =	vst v0;
	v0 =	vmul.f32 $1.131370830e+01, v2;
	v2 =	vld [tilespmem:s0+$0x140]  }
0x36a: {  	[tilespmem:s0+$0xE0] =	vst v1;
	v1 =	vmul.f32 $1.131370830e+01, v5;
	v5 =	vld [tilespmem:s0+$0x150]  }
0x36b: {  	[tilespmem:s0+$0xF0] =	vst v0;
	v0 =	vmul.f32 $1.131370830e+01, v6;
	v6 =	vld [tilespmem:s0+$0x160]  }
0x36c: {  	[tilespmem:s0+$0x100] =	vst v1;
	v1 =	vmul.f32 $1.131370830e+01, v3;
	v3 =	vld [tilespmem:s0+$0x170]  }
0x36d: {  	[tilespmem:s0+$0x110] =	vst v0;
	v0 =	vmul.f32 $1.131370830e+01, v4;
	v4 =	vld [tilespmem:s0+$0x180]  }
0x36e: {  	[tilespmem:s0+$0x120] =	vst v1;
	v1 =	vmul.f32 $1.131370830e+01, v2;
	v2 =	vld [tilespmem:s0+$0x190]  }
0x36f: {  	[tilespmem:s0+$0x130] =	vst v0;
	v0 =	vmul.f32 $1.131370830e+01, v5;
	v5 =	vld [tilespmem:s0+$0x1A0]  }
0x370: {  	[tilespmem:s0+$0x140] =	vst v1;
	v1 =	vmul.f32 $1.131370830e+01, v6;
	v6 =	vld [tilespmem:s0+$0x1B0]  }
0x371: {  	[tilespmem:s0+$0x150] =	vst v0;
	v0 =	vmul.f32 $1.131370830e+01, v3;
	v3 =	vld [tilespmem:s0+$0x1C0]  }
0x372: {  	[tilespmem:s0+$0x160] =	vst v1;
	v1 =	vmul.f32 $1.131370830e+01, v4;
	v4 =	vld [tilespmem:s0+$0x1D0]  }
0x373: {  	[tilespmem:s0+$0x170] =	vst v0;
	v0 =	vmul.f32 $1.131370830e+01, v2;
	v2 =	vld [tilespmem:s0+$0x1E0]  }
0x374: {  	[tilespmem:s0+$0x180] =	vst v1;
	v1 =	vmul.f32 $1.131370830e+01, v5;
	v5 =	vld [tilespmem:s0+$0x1F0]  }
0x375: {  	[tilespmem:s0+$0x190] =	vst v0;
	v0 =	vmul.f32 $1.131370830e+01, v6;
	v6 =	vld [tilespmem:s0+$0x200]  }
0x376: {  	[tilespmem:s0+$0x1A0] =	vst v1;
	v1 =	vmul.f32 $1.131370830e+01, v3;
	v3 =	vld [tilespmem:s0+$0x210]  }
0x377: {  	[tilespmem:s0+$0x1B0] =	vst v0;
	v4 =	vmul.f32 $1.131370830e+01, v4;
	v7 =	vld [tilespmem:s0+$0x220]  }
.Ltmp4:
0x378: {  	[tilespmem:s0+$0x1C0] =	vst v1;
	v2 =	vmul.f32 $1.131370830e+01, v2;
	v0 =	vld [tilespmem:s0+$0x230];
	(pc) =	sbr.rel @p0 .LBB2_11-.Ltmp4, $4  }
0x379: {  	[tilespmem:s0+$0x1D0] =	vst v4;
	v4 =	vmul.f32 $1.131370830e+01, v5;
	v1 =	vld [tilespmem:s0+$0x240]  }
0x37a: {  	[tilespmem:s0+$0x1E0] =	vst v2;
	v6 =	vmul.f32 $1.131370830e+01, v6;
	v2 =	vld [tilespmem:s0+$0x250]  }
0x37b: {  	[tilespmem:s0+$0x1F0] =	vst v4;
	v5 =	vmul.f32 $1.131370830e+01, v3;
	v3 =	vld [tilespmem:s0+$0x260]  }
0x37c: {  	s0 =	sadd.s32 $0x500, s0;
	v4 =	vld [tilespmem:s30+$0xFFFFFD80];
	[tilespmem:s30+$0x200] =	vst v6;
	v6 =	vmul.f32 $1.131370830e+01, v7  }
0x37d: {  	[tilespmem:s30+$0x210] =	vst v5;
	v0 =	vmul.f32 $1.131370830e+01, v0  }
0x37e: {  	[tilespmem:s30+$0x220] =	vst v6;
	v1 =	vmul.f32 $1.131370830e+01, v1  }
0x37f: {  	[tilespmem:s30+$0x230] =	vst v0;
	v0 =	vmul.f32 $1.131370830e+01, v2  }
0x380: {  	[tilespmem:s30+$0x240] =	vst v1;
	v1 =	vmul.f32 $1.131370830e+01, v3  }
0x381: {  	v2 =	vmul.f32 $1.131370830e+01, v4;
	[tilespmem:s30+$0x250] =	vst v0  }
0x382: {  	[tilespmem:s30+$0x260] =	vst v1  }
0x383: {  	[tilespmem:s30+$0xFFFFFD80] =	vst v2  }
0x384: {  	v0 =	vld [tilespmem:s29+$0x0]  }
0x385: {  	v1 =	vld [tilespmem:s29+$0xFFFFFB20]  }
0x386: {  	v2 =	vld [tilespmem:s29+$0xFFFFFB30]  }
0x387: {  	v3 =	vld [tilespmem:s29+$0xFFFFFB40]  }
0x388: {  	v4 =	vld [tilespmem:s29+$0xFFFFFB50]  }
0x389: {  	v9 =	vld [tilespmem:s29+$0xFFFFFBA0]  }
0x38a: {  	v5 =	vld [tilespmem:s29+$0xFFFFFB60];
	v0 =	vmul.f32 $1.131370830e+01, v0  }
0x38b: {  	v10 =	vld [tilespmem:s29+$0xFFFFFBB0];
	v1 =	vmul.f32 $1.131370830e+01, v1  }
0x38c: {  	v7 =	vld [tilespmem:s29+$0xFFFFFB80];
	v2 =	vmul.f32 $1.131370830e+01, v2;
	[tilespmem:s29+$0x0] =	vst v0  }
0x38d: {  	v6 =	vld [tilespmem:s29+$0xFFFFFB70];
	[tilespmem:s29+$0xFFFFFB20] =	vst v1;
	v1 =	vmul.f32 $1.131370830e+01, v3  }
0x38e: {  	v9 =	vmul.f32 $1.131370830e+01, v9;
	[tilespmem:s29+$0xFFFFFB30] =	vst v2;
	v2 =	vmul.f32 $1.131370830e+01, v4;
	v4 =	vld [tilespmem:s29+$0xFFFFFC10]  }
0x38f: {  	v11 =	vld [tilespmem:s29+$0xFFFFFBC0];
	[tilespmem:s29+$0xFFFFFB40] =	vst v1;
	v1 =	vmul.f32 $1.131370830e+01, v5  }
0x390: {  	v8 =	vld [tilespmem:s29+$0xFFFFFB90];
	v10 =	vmul.f32 $1.131370830e+01, v10;
	[tilespmem:s29+$0xFFFFFBA0] =	vst v9  }
0x391: {  	v12 =	vld [tilespmem:s29+$0xFFFFFBD0];
	[tilespmem:s29+$0xFFFFFB60] =	vst v1;
	v1 =	vmul.f32 $1.131370830e+01, v7  }
0x392: {  	v56 =	vld [tilespmem:s29+$0xFFFFFC90];
	[tilespmem:s29+$0xFFFFFBB0] =	vst v10  }
0x393: {  	v0 =	vld [tilespmem:s29+$0xFFFFFBE0];
	[tilespmem:s29+$0xFFFFFB80] =	vst v1;
	v1 =	vmul.f32 $1.131370830e+01, v4  }
0x394: {  	v53 =	vmul.f32 $1.131370830e+01, v11;
	v3 =	vld [tilespmem:s29+$0xFFFFFBF0];
	[tilespmem:s29+$0xFFFFFB50] =	vst v2  }
0x395: {  	v2 =	vmul.f32 $1.131370830e+01, v6;
	[tilespmem:s29+$0xFFFFFC10] =	vst v1;
	v1 =	vld [tilespmem:s29+$0xFFFFFC00]  }
0x396: {  	v55 =	vmul.f32 $1.131370830e+01, v12;
	[tilespmem:s29+$0xFFFFFBC0] =	vst v53;
	v5 =	vld [tilespmem:s29+$0xFFFFFC20]  }
0x397: {  	v6 =	vld [tilespmem:s29+$0xFFFFFC30];
	[tilespmem:s29+$0xFFFFFB70] =	vst v2;
	v2 =	vmul.f32 $1.131370830e+01, v8  }
0x398: {  	[tilespmem:s29+$0xFFFFFBD0] =	vst v55;
	v7 =	vld [tilespmem:s29+$0xFFFFFC40];
	v0 =	vmul.f32 $1.131370830e+01, v0  }
0x399: {  	v8 =	vld [tilespmem:s29+$0xFFFFFC50];
	v3 =	vmul.f32 $1.131370830e+01, v3;
	[tilespmem:s29+$0xFFFFFB90] =	vst v2  }
0x39a: {  	v2 =	vld [tilespmem:s29+$0xFFFFFC70];
	[tilespmem:s29+$0xFFFFFBE0] =	vst v0;
	v0 =	vmul.f32 $1.131370830e+01, v1  }
0x39b: {  	v4 =	vld [tilespmem:s29+$0xFFFFFC60];
	[tilespmem:s29+$0xFFFFFBF0] =	vst v3;
	v3 =	vmul.f32 $1.131370830e+01, v5  }
0x39c: {  	v57 =	vld [tilespmem:s29+$0xFFFFFCA0];
	[tilespmem:s29+$0xFFFFFC00] =	vst v0;
	v0 =	vmul.f32 $1.131370830e+01, v56  }
0x39d: {  	v6 =	vmul.f32 $1.131370830e+01, v6;
	[tilespmem:s29+$0xFFFFFC20] =	vst v3;
	v1 =	vld [tilespmem:s29+$0xFFFFFCC0]  }
0x39e: {  	v54 =	vld [tilespmem:s29+$0xFFFFFC80];
	[tilespmem:s29+$0xFFFFFC90] =	vst v0;
	v0 =	vmul.f32 $1.131370830e+01, v7  }
0x39f: {  	v59 =	vld [tilespmem:s29+$0xFFFFFCE0];
	[tilespmem:s29+$0xFFFFFC30] =	vst v6;
	v2 =	vmul.f32 $1.131370830e+01, v2  }
0x3a0: {  	v6 =	vmul.f32 $1.131370830e+01, v8;
	[tilespmem:s29+$0xFFFFFC40] =	vst v0;
	v0 =	vmul.f32 $1.131370830e+01, v4;
	v4 =	vld [tilespmem:s29+$0xFFFFFD10]  }
0x3a1: {  	v58 =	vld [tilespmem:s29+$0xFFFFFCB0];
	[tilespmem:s29+$0xFFFFFC70] =	vst v2;
	v2 =	vmul.f32 $1.131370830e+01, v57  }
0x3a2: {  	v5 =	vld [tilespmem:s29+$0xFFFFFCD0];
	[tilespmem:s29+$0xFFFFFC50] =	vst v6;
	v1 =	vmul.f32 $1.131370830e+01, v1  }
0x3a3: {  	v61 =	vld [tilespmem:s29+$0xFFFFFD50];
	[tilespmem:s29+$0xFFFFFCA0] =	vst v2  }
0x3a4: {  	v3 =	vld [tilespmem:s29+$0xFFFFFCF0];
	[tilespmem:s29+$0xFFFFFCC0] =	vst v1;
	v1 =	vmul.f32 $1.131370830e+01, v59  }
0x3a5: {  	v7 =	vld [tilespmem:s29+$0xFFFFFD00];
	[tilespmem:s29+$0xFFFFFC60] =	vst v0;
	v2 =	vmul.f32 $1.131370830e+01, v4  }
0x3a6: {  	v60 =	vld [tilespmem:s29+$0xFFFFFD40];
	v0 =	vmul.f32 $1.131370830e+01, v54;
	[tilespmem:s29+$0xFFFFFCE0] =	vst v1  }
0x3a7: {  	v8 =	vld [tilespmem:s29+$0xFFFFFD30];
	[tilespmem:s29+$0xFFFFFD10] =	vst v2;
	v2 =	vmul.f32 $1.131370830e+01, v5  }
0x3a8: {  	v6 =	vld [tilespmem:s29+$0xFFFFFD20];
	[tilespmem:s29+$0xFFFFFC80] =	vst v0;
	v0 =	vmul.f32 $1.131370830e+01, v58  }
0x3a9: {  	v10 =	vmul.f32 $1.131370830e+01, v61;
	[tilespmem:s29+$0xFFFFFCD0] =	vst v2;
	v2 =	vmul.f32 $1.131370830e+01, v3;
	v3 =	vld [tilespmem:s29+$0xFFFFFD90]  }
0x3aa: {  	v1 =	vmul.f32 $1.131370830e+01, v7;
	[tilespmem:s29+$0xFFFFFCB0] =	vst v0;
	v0 =	vld [tilespmem:s29+$0xFFFFFD70]  }
0x3ab: {  	[tilespmem:s29+$0xFFFFFD50] =	vst v10;
	v4 =	vld [tilespmem:s29+$0xFFFFFD60]  }
0x3ac: {  	v7 =	vld [tilespmem:s29+$0xFFFFFDA0];
	[tilespmem:s29+$0xFFFFFD00] =	vst v1;
	v1 =	vmul.f32 $1.131370830e+01, v8  }
0x3ad: {  	v5 =	vld [tilespmem:s29+$0xFFFFFD80];
	[tilespmem:s29+$0xFFFFFCF0] =	vst v2;
	v2 =	vmul.f32 $1.131370830e+01, v6  }
0x3ae: {  	v8 =	vld [tilespmem:s29+$0xFFFFFDC0];
	[tilespmem:s29+$0xFFFFFD30] =	vst v1;
	v1 =	vmul.f32 $1.131370830e+01, v3  }
0x3af: {  	v0 =	vmul.f32 $1.131370830e+01, v0;
	[tilespmem:s29+$0xFFFFFD20] =	vst v2  }
0x3b0: {  	v3 =	vld [tilespmem:s29+$0xFFFFFDE0];
	[tilespmem:s29+$0xFFFFFD90] =	vst v1;
	v1 =	vmul.f32 $1.131370830e+01, v4  }
0x3b1: {  	v6 =	vld [tilespmem:s29+$0xFFFFFDB0];
	[tilespmem:s29+$0xFFFFFD70] =	vst v0;
	v0 =	vmul.f32 $1.131370830e+01, v7  }
0x3b2: {  	v2 =	vmul.f32 $1.131370830e+01, v60;
	[tilespmem:s29+$0xFFFFFD60] =	vst v1;
	v1 =	vmul.f32 $1.131370830e+01, v5;
	v5 =	vld [tilespmem:s29+$0xFFFFFE10]  }
0x3b3: {  	v62 =	vld [tilespmem:s29+$0xFFFFFDD0];
	[tilespmem:s29+$0xFFFFFDA0] =	vst v0;
	v0 =	vmul.f32 $1.131370830e+01, v8  }
0x3b4: {  	[tilespmem:s29+$0xFFFFFD40] =	vst v2;
	v2 =	vld [tilespmem:s29+$0xFFFFFDF0]  }
0x3b5: {  	v4 =	vld [tilespmem:s29+$0xFFFFFE00];
	[tilespmem:s29+$0xFFFFFDC0] =	vst v0;
	v3 =	vmul.f32 $1.131370830e+01, v3  }
0x3b6: {  	v7 =	vld [tilespmem:s29+$0xFFFFFE20];
	[tilespmem:s29+$0xFFFFFD80] =	vst v1;
	v1 =	vmul.f32 $1.131370830e+01, v6  }
0x3b7: {  	v6 =	vld [tilespmem:s29+$0xFFFFFE30];
	[tilespmem:s29+$0xFFFFFDE0] =	vst v3;
	v0 =	vmul.f32 $1.131370830e+01, v5  }
0x3b8: {  	v8 =	vld [tilespmem:s29+$0xFFFFFE40];
	[tilespmem:s29+$0xFFFFFDB0] =	vst v1;
	v1 =	vmul.f32 $1.131370830e+01, v62  }
0x3b9: {  	v63 =	vld [tilespmem:s29+$0xFFFFFE50];
	[tilespmem:s29+$0xFFFFFE10] =	vst v0;
	v0 =	vmul.f32 $1.131370830e+01, v2  }
0x3ba: {  	[tilespmem:s29+$0xFFFFFDD0] =	vst v1;
	v1 =	vld [tilespmem:s29+$0xFFFFFE70];
	v2 =	vmul.f32 $1.131370830e+01, v4  }
0x3bb: {  	v5 =	vld [tilespmem:s29+$0xFFFFFE60];
	[tilespmem:s29+$0xFFFFFDF0] =	vst v0;
	v0 =	vmul.f32 $1.131370830e+01, v7  }
0x3bc: {  	v4 =	vld [tilespmem:s29+$0xFFFFFE90];
	[tilespmem:s29+$0xFFFFFE00] =	vst v2;
	v2 =	vmul.f32 $1.131370830e+01, v6  }
0x3bd: {  	v6 =	vld [tilespmem:s29+$0xFFFFFEA0];
	[tilespmem:s29+$0xFFFFFE20] =	vst v0;
	v0 =	vmul.f32 $1.131370830e+01, v8  }
0x3be: {  	v3 =	vld [tilespmem:s29+$0xFFFFFE80];
	[tilespmem:s29+$0xFFFFFE30] =	vst v2;
	v2 =	vmul.f32 $1.131370830e+01, v63  }
0x3bf: {  	v8 =	vld [tilespmem:s29+$0xFFFFFEC0];
	v1 =	vmul.f32 $1.131370830e+01, v1;
	[tilespmem:s29+$0xFFFFFE40] =	vst v0  }
0x3c0: {  	v7 =	vld [tilespmem:s29+$0xFFFFFEB0];
	v0 =	vmul.f32 $1.131370830e+01, v5;
	[tilespmem:s29+$0xFFFFFE50] =	vst v2  }
0x3c1: {  	v2 =	vmul.f32 $1.131370830e+01, v4;
	v4 =	vld [tilespmem:s29+$0xFFFFFEE0];
	[tilespmem:s29+$0xFFFFFE70] =	vst v1  }
0x3c2: {  	v5 =	vld [tilespmem:s29+$0xFFFFFED0];
	v1 =	vmul.f32 $1.131370830e+01, v6;
	[tilespmem:s29+$0xFFFFFE60] =	vst v0  }
0x3c3: {  	v0 =	vld [tilespmem:s29+$0xFFFFFEF0];
	[tilespmem:s29+$0xFFFFFE90] =	vst v2;
	v2 =	vmul.f32 $1.131370830e+01, v3  }
0x3c4: {  	v6 =	vld [tilespmem:s29+$0xFFFFFF10];
	[tilespmem:s29+$0xFFFFFEA0] =	vst v1;
	v1 =	vmul.f32 $1.131370830e+01, v8  }
0x3c5: {  	v3 =	vld [tilespmem:s29+$0xFFFFFF00];
	[tilespmem:s29+$0xFFFFFE80] =	vst v2;
	v2 =	vmul.f32 $1.131370830e+01, v7  }
0x3c6: {  	v7 =	vld [tilespmem:s29+$0xFFFFFF20];
	[tilespmem:s29+$0xFFFFFEC0] =	vst v1;
	v1 =	vmul.f32 $1.131370830e+01, v4  }
0x3c7: {  	[tilespmem:s29+$0xFFFFFEB0] =	vst v2;
	v2 =	vmul.f32 $1.131370830e+01, v5;
	v5 =	vld [tilespmem:s29+$0xFFFFFF30]  }
0x3c8: {  	v4 =	vld [tilespmem:s29+$0xFFFFFF40];
	v0 =	vmul.f32 $1.131370830e+01, v0;
	[tilespmem:s29+$0xFFFFFEE0] =	vst v1  }
0x3c9: {  	v1 =	vmul.f32 $1.131370830e+01, v6;
	[tilespmem:s29+$0xFFFFFED0] =	vst v2;
	v2 =	vld [tilespmem:s29+$0xFFFFFF50]  }
0x3ca: {  	v6 =	vld [tilespmem:s29+$0xFFFFFF60];
	v3 =	vmul.f32 $1.131370830e+01, v3;
	[tilespmem:s29+$0xFFFFFEF0] =	vst v0  }
0x3cb: {  	v0 =	vld [tilespmem:s29+$0xFFFFFF70];
	v7 =	vmul.f32 $1.131370830e+01, v7;
	[tilespmem:s29+$0xFFFFFF10] =	vst v1  }
0x3cc: {  	[tilespmem:s29+$0xFFFFFF00] =	vst v3;
	v3 =	vld [tilespmem:s29+$0xFFFFFF80];
	v1 =	vmul.f32 $1.131370830e+01, v5  }
0x3cd: {  	v4 =	vmul.f32 $1.131370830e+01, v4;
	[tilespmem:s29+$0xFFFFFF20] =	vst v7;
	v5 =	vld [tilespmem:s29+$0xFFFFFF90]  }
0x3ce: {  	v7 =	vld [tilespmem:s29+$0xFFFFFFA0];
	[tilespmem:s29+$0xFFFFFF30] =	vst v1;
	v1 =	vmul.f32 $1.131370830e+01, v2  }
0x3cf: {  	[tilespmem:s29+$0xFFFFFF40] =	vst v4;
	v2 =	vmul.f32 $1.131370830e+01, v6;
	v6 =	vld [tilespmem:s29+$0xFFFFFFB0]  }
0x3d0: {  	v4 =	vmul.f32 $1.131370830e+01, v0;
	v0 =	vld [tilespmem:s29+$0xFFFFFFC0];
	[tilespmem:s29+$0xFFFFFF50] =	vst v1  }
0x3d1: {  	v3 =	vmul.f32 $1.131370830e+01, v3;
	[tilespmem:s29+$0xFFFFFF60] =	vst v2;
	v1 =	vld [tilespmem:s29+$0xFFFFFFD0]  }
0x3d2: {  	v2 =	vld [tilespmem:s29+$0xFFFFFFE0];
	[tilespmem:s29+$0xFFFFFF70] =	vst v4;
	v8 =	vmul.f32 $1.131370830e+01, v5  }
0x3d3: {  	[tilespmem:s29+$0xFFFFFF80] =	vst v3;
	v3 =	vld [tilespmem:s29+$0xFFFFFFF0];
	v5 =	vmul.f32 $1.131370830e+01, v7  }
0x3d4: {  	s31 =	simm.s32 $0x0;
	s0 =	simm.s32 $0xD5F0;
	s30 =	simm.s32 $0xECF0;
	v4 =	vld [tilespmem:s29+$0xFFFFFB10];
	[tilespmem:s29+$0xFFFFFF90] =	vst v8;
	v6 =	vmul.f32 $1.131370830e+01, v6  }
.LBB2_13:
0x3d5: {  	v7 =	vld [tilespmem:s0+$0x0];
	s31 =	sadd.s32 $0xA, s31;
	[tilespmem:s29+$0xFFFFFFA0] =	vst v5;
	v0 =	vmul.f32 $1.131370830e+01, v0  }
0x3d6: {  	v5 =	vld [tilespmem:s0+$0xFFFFFB20];
	p0 =	slt.u32 s31, $0x28;
	[tilespmem:s29+$0xFFFFFFB0] =	vst v6;
	v1 =	vmul.f32 $1.131370830e+01, v1  }
0x3d7: {  	v6 =	vld [tilespmem:s0+$0xFFFFFB30];
	[tilespmem:s29+$0xFFFFFFC0] =	vst v0;
	v0 =	vmul.f32 $1.131370830e+01, v2  }
0x3d8: {  	v2 =	vld [tilespmem:s0+$0xFFFFFB40];
	[tilespmem:s29+$0xFFFFFFD0] =	vst v1;
	v1 =	vmul.f32 $1.131370830e+01, v3  }
0x3d9: {  	v3 =	vld [tilespmem:s0+$0xFFFFFB50];
	v4 =	vmul.f32 $1.131370830e+01, v4;
	[tilespmem:s29+$0xFFFFFFE0] =	vst v0  }
0x3da: {  	v0 =	vld [tilespmem:s0+$0xFFFFFB60];
	v7 =	vmul.f32 $1.131370830e+01, v7;
	[tilespmem:s29+$0xFFFFFFF0] =	vst v1  }
0x3db: {  	v1 =	vmul.f32 $1.131370830e+01, v5;
	v5 =	vld [tilespmem:s0+$0xFFFFFB70];
	[tilespmem:s29+$0xFFFFFB10] =	vst v4;
	s29 =	smov.u32 s0  }
0x3dc: {  	v4 =	vmul.f32 $1.131370830e+01, v6;
	v6 =	vld [tilespmem:s0+$0xFFFFFB80];
	[tilespmem:s0+$0x0] =	vst v7  }
0x3dd: {  	[tilespmem:s0+$0xFFFFFB20] =	vst v1;
	v1 =	vmul.f32 $1.131370830e+01, v2;
	v2 =	vld [tilespmem:s0+$0xFFFFFB90]  }
0x3de: {  	[tilespmem:s0+$0xFFFFFB30] =	vst v4;
	v3 =	vmul.f32 $1.131370830e+01, v3;
	v4 =	vld [tilespmem:s0+$0xFFFFFBA0]  }
0x3df: {  	[tilespmem:s0+$0xFFFFFB40] =	vst v1;
	v0 =	vmul.f32 $1.131370830e+01, v0;
	v1 =	vld [tilespmem:s0+$0xFFFFFBB0]  }
0x3e0: {  	[tilespmem:s0+$0xFFFFFB50] =	vst v3;
	v3 =	vmul.f32 $1.131370830e+01, v5;
	v5 =	vld [tilespmem:s0+$0xFFFFFBC0]  }
0x3e1: {  	[tilespmem:s0+$0xFFFFFB60] =	vst v0;
	v0 =	vmul.f32 $1.131370830e+01, v6;
	v6 =	vld [tilespmem:s0+$0xFFFFFBD0]  }
0x3e2: {  	[tilespmem:s0+$0xFFFFFB70] =	vst v3;
	v2 =	vmul.f32 $1.131370830e+01, v2;
	v3 =	vld [tilespmem:s0+$0xFFFFFBE0]  }
0x3e3: {  	[tilespmem:s0+$0xFFFFFB80] =	vst v0;
	v0 =	vmul.f32 $1.131370830e+01, v4;
	v4 =	vld [tilespmem:s0+$0xFFFFFBF0]  }
0x3e4: {  	[tilespmem:s0+$0xFFFFFB90] =	vst v2;
	v1 =	vmul.f32 $1.131370830e+01, v1;
	v2 =	vld [tilespmem:s0+$0xFFFFFC00]  }
0x3e5: {  	[tilespmem:s0+$0xFFFFFBA0] =	vst v0;
	v0 =	vmul.f32 $1.131370830e+01, v5;
	v5 =	vld [tilespmem:s0+$0xFFFFFC10]  }
0x3e6: {  	[tilespmem:s0+$0xFFFFFBB0] =	vst v1;
	v1 =	vmul.f32 $1.131370830e+01, v6;
	v6 =	vld [tilespmem:s0+$0xFFFFFC20]  }
0x3e7: {  	[tilespmem:s0+$0xFFFFFBC0] =	vst v0;
	v0 =	vmul.f32 $1.131370830e+01, v3;
	v3 =	vld [tilespmem:s0+$0xFFFFFC30]  }
0x3e8: {  	[tilespmem:s0+$0xFFFFFBD0] =	vst v1;
	v1 =	vmul.f32 $1.131370830e+01, v4;
	v4 =	vld [tilespmem:s0+$0xFFFFFC40]  }
0x3e9: {  	[tilespmem:s0+$0xFFFFFBE0] =	vst v0;
	v0 =	vmul.f32 $1.131370830e+01, v2;
	v2 =	vld [tilespmem:s0+$0xFFFFFC50]  }
0x3ea: {  	[tilespmem:s0+$0xFFFFFBF0] =	vst v1;
	v1 =	vmul.f32 $1.131370830e+01, v5;
	v5 =	vld [tilespmem:s0+$0xFFFFFC60]  }
0x3eb: {  	[tilespmem:s0+$0xFFFFFC00] =	vst v0;
	v0 =	vmul.f32 $1.131370830e+01, v6;
	v6 =	vld [tilespmem:s0+$0xFFFFFC70]  }
0x3ec: {  	[tilespmem:s0+$0xFFFFFC10] =	vst v1;
	v1 =	vmul.f32 $1.131370830e+01, v3;
	v3 =	vld [tilespmem:s0+$0xFFFFFC80]  }
0x3ed: {  	[tilespmem:s0+$0xFFFFFC20] =	vst v0;
	v0 =	vmul.f32 $1.131370830e+01, v4;
	v4 =	vld [tilespmem:s0+$0xFFFFFC90]  }
0x3ee: {  	[tilespmem:s0+$0xFFFFFC30] =	vst v1;
	v1 =	vmul.f32 $1.131370830e+01, v2;
	v2 =	vld [tilespmem:s0+$0xFFFFFCA0]  }
0x3ef: {  	[tilespmem:s0+$0xFFFFFC40] =	vst v0;
	v0 =	vmul.f32 $1.131370830e+01, v5;
	v5 =	vld [tilespmem:s0+$0xFFFFFCB0]  }
0x3f0: {  	[tilespmem:s0+$0xFFFFFC50] =	vst v1;
	v1 =	vmul.f32 $1.131370830e+01, v6;
	v6 =	vld [tilespmem:s0+$0xFFFFFCC0]  }
0x3f1: {  	[tilespmem:s0+$0xFFFFFC60] =	vst v0;
	v0 =	vmul.f32 $1.131370830e+01, v3;
	v3 =	vld [tilespmem:s0+$0xFFFFFCD0]  }
0x3f2: {  	[tilespmem:s0+$0xFFFFFC70] =	vst v1;
	v1 =	vmul.f32 $1.131370830e+01, v4;
	v4 =	vld [tilespmem:s0+$0xFFFFFCE0]  }
0x3f3: {  	[tilespmem:s0+$0xFFFFFC80] =	vst v0;
	v0 =	vmul.f32 $1.131370830e+01, v2;
	v2 =	vld [tilespmem:s0+$0xFFFFFCF0]  }
0x3f4: {  	[tilespmem:s0+$0xFFFFFC90] =	vst v1;
	v1 =	vmul.f32 $1.131370830e+01, v5;
	v5 =	vld [tilespmem:s0+$0xFFFFFD00]  }
0x3f5: {  	[tilespmem:s0+$0xFFFFFCA0] =	vst v0;
	v0 =	vmul.f32 $1.131370830e+01, v6;
	v6 =	vld [tilespmem:s0+$0xFFFFFD10]  }
0x3f6: {  	[tilespmem:s0+$0xFFFFFCB0] =	vst v1;
	v1 =	vmul.f32 $1.131370830e+01, v3;
	v3 =	vld [tilespmem:s0+$0xFFFFFD20]  }
0x3f7: {  	[tilespmem:s0+$0xFFFFFCC0] =	vst v0;
	v0 =	vmul.f32 $1.131370830e+01, v4;
	v4 =	vld [tilespmem:s0+$0xFFFFFD30]  }
0x3f8: {  	[tilespmem:s0+$0xFFFFFCD0] =	vst v1;
	v1 =	vmul.f32 $1.131370830e+01, v2;
	v2 =	vld [tilespmem:s0+$0xFFFFFD40]  }
0x3f9: {  	[tilespmem:s0+$0xFFFFFCE0] =	vst v0;
	v0 =	vmul.f32 $1.131370830e+01, v5;
	v5 =	vld [tilespmem:s0+$0xFFFFFD50]  }
0x3fa: {  	[tilespmem:s0+$0xFFFFFCF0] =	vst v1;
	v1 =	vmul.f32 $1.131370830e+01, v6;
	v6 =	vld [tilespmem:s0+$0xFFFFFD60]  }
0x3fb: {  	[tilespmem:s0+$0xFFFFFD00] =	vst v0;
	v0 =	vmul.f32 $1.131370830e+01, v3;
	v3 =	vld [tilespmem:s0+$0xFFFFFD70]  }
0x3fc: {  	[tilespmem:s0+$0xFFFFFD10] =	vst v1;
	v1 =	vmul.f32 $1.131370830e+01, v4;
	v4 =	vld [tilespmem:s0+$0xFFFFFD80]  }
0x3fd: {  	[tilespmem:s0+$0xFFFFFD20] =	vst v0;
	v0 =	vmul.f32 $1.131370830e+01, v2;
	v2 =	vld [tilespmem:s0+$0xFFFFFD90]  }
0x3fe: {  	[tilespmem:s0+$0xFFFFFD30] =	vst v1;
	v1 =	vmul.f32 $1.131370830e+01, v5;
	v5 =	vld [tilespmem:s0+$0xFFFFFDA0]  }
0x3ff: {  	[tilespmem:s0+$0xFFFFFD40] =	vst v0;
	v0 =	vmul.f32 $1.131370830e+01, v6;
	v6 =	vld [tilespmem:s0+$0xFFFFFDB0]  }
0x400: {  	[tilespmem:s0+$0xFFFFFD50] =	vst v1;
	v1 =	vmul.f32 $1.131370830e+01, v3;
	v3 =	vld [tilespmem:s0+$0xFFFFFDC0]  }
0x401: {  	[tilespmem:s0+$0xFFFFFD60] =	vst v0;
	v0 =	vmul.f32 $1.131370830e+01, v4;
	v4 =	vld [tilespmem:s0+$0xFFFFFDD0]  }
0x402: {  	[tilespmem:s0+$0xFFFFFD70] =	vst v1;
	v1 =	vmul.f32 $1.131370830e+01, v2;
	v2 =	vld [tilespmem:s0+$0xFFFFFDE0]  }
0x403: {  	[tilespmem:s0+$0xFFFFFD80] =	vst v0;
	v0 =	vmul.f32 $1.131370830e+01, v5;
	v5 =	vld [tilespmem:s0+$0xFFFFFDF0]  }
0x404: {  	[tilespmem:s0+$0xFFFFFD90] =	vst v1;
	v1 =	vmul.f32 $1.131370830e+01, v6;
	v6 =	vld [tilespmem:s0+$0xFFFFFE00]  }
0x405: {  	[tilespmem:s0+$0xFFFFFDA0] =	vst v0;
	v0 =	vmul.f32 $1.131370830e+01, v3;
	v3 =	vld [tilespmem:s0+$0xFFFFFE10]  }
0x406: {  	[tilespmem:s0+$0xFFFFFDB0] =	vst v1;
	v1 =	vmul.f32 $1.131370830e+01, v4;
	v4 =	vld [tilespmem:s0+$0xFFFFFE20]  }
0x407: {  	[tilespmem:s0+$0xFFFFFDC0] =	vst v0;
	v0 =	vmul.f32 $1.131370830e+01, v2;
	v2 =	vld [tilespmem:s0+$0xFFFFFE30]  }
0x408: {  	[tilespmem:s0+$0xFFFFFDD0] =	vst v1;
	v1 =	vmul.f32 $1.131370830e+01, v5;
	v5 =	vld [tilespmem:s0+$0xFFFFFE40]  }
0x409: {  	[tilespmem:s0+$0xFFFFFDE0] =	vst v0;
	v0 =	vmul.f32 $1.131370830e+01, v6;
	v6 =	vld [tilespmem:s0+$0xFFFFFE50]  }
0x40a: {  	[tilespmem:s0+$0xFFFFFDF0] =	vst v1;
	v1 =	vmul.f32 $1.131370830e+01, v3;
	v3 =	vld [tilespmem:s0+$0xFFFFFE60]  }
0x40b: {  	[tilespmem:s0+$0xFFFFFE00] =	vst v0;
	v0 =	vmul.f32 $1.131370830e+01, v4;
	v4 =	vld [tilespmem:s0+$0xFFFFFE70]  }
0x40c: {  	[tilespmem:s0+$0xFFFFFE10] =	vst v1;
	v1 =	vmul.f32 $1.131370830e+01, v2;
	v2 =	vld [tilespmem:s0+$0xFFFFFE80]  }
0x40d: {  	[tilespmem:s0+$0xFFFFFE20] =	vst v0;
	v0 =	vmul.f32 $1.131370830e+01, v5;
	v5 =	vld [tilespmem:s0+$0xFFFFFE90]  }
0x40e: {  	[tilespmem:s0+$0xFFFFFE30] =	vst v1;
	v1 =	vmul.f32 $1.131370830e+01, v6;
	v6 =	vld [tilespmem:s0+$0xFFFFFEA0]  }
0x40f: {  	[tilespmem:s0+$0xFFFFFE40] =	vst v0;
	v0 =	vmul.f32 $1.131370830e+01, v3;
	v3 =	vld [tilespmem:s0+$0xFFFFFEB0]  }
0x410: {  	[tilespmem:s0+$0xFFFFFE50] =	vst v1;
	v1 =	vmul.f32 $1.131370830e+01, v4;
	v4 =	vld [tilespmem:s0+$0xFFFFFEC0]  }
0x411: {  	[tilespmem:s0+$0xFFFFFE60] =	vst v0;
	v0 =	vmul.f32 $1.131370830e+01, v2;
	v2 =	vld [tilespmem:s0+$0xFFFFFED0]  }
0x412: {  	[tilespmem:s0+$0xFFFFFE70] =	vst v1;
	v1 =	vmul.f32 $1.131370830e+01, v5;
	v5 =	vld [tilespmem:s0+$0xFFFFFEE0]  }
0x413: {  	[tilespmem:s0+$0xFFFFFE80] =	vst v0;
	v0 =	vmul.f32 $1.131370830e+01, v6;
	v6 =	vld [tilespmem:s0+$0xFFFFFEF0]  }
0x414: {  	[tilespmem:s0+$0xFFFFFE90] =	vst v1;
	v1 =	vmul.f32 $1.131370830e+01, v3;
	v3 =	vld [tilespmem:s0+$0xFFFFFF00]  }
0x415: {  	[tilespmem:s0+$0xFFFFFEA0] =	vst v0;
	v0 =	vmul.f32 $1.131370830e+01, v4;
	v4 =	vld [tilespmem:s0+$0xFFFFFF10]  }
0x416: {  	[tilespmem:s0+$0xFFFFFEB0] =	vst v1;
	v1 =	vmul.f32 $1.131370830e+01, v2;
	v2 =	vld [tilespmem:s0+$0xFFFFFF20]  }
0x417: {  	[tilespmem:s0+$0xFFFFFEC0] =	vst v0;
	v0 =	vmul.f32 $1.131370830e+01, v5;
	v5 =	vld [tilespmem:s0+$0xFFFFFF30]  }
0x418: {  	[tilespmem:s0+$0xFFFFFED0] =	vst v1;
	v1 =	vmul.f32 $1.131370830e+01, v6;
	v6 =	vld [tilespmem:s0+$0xFFFFFF40]  }
0x419: {  	[tilespmem:s0+$0xFFFFFEE0] =	vst v0;
	v0 =	vmul.f32 $1.131370830e+01, v3;
	v3 =	vld [tilespmem:s0+$0xFFFFFF50]  }
0x41a: {  	[tilespmem:s0+$0xFFFFFEF0] =	vst v1;
	v1 =	vmul.f32 $1.131370830e+01, v4;
	v4 =	vld [tilespmem:s0+$0xFFFFFF60]  }
0x41b: {  	[tilespmem:s0+$0xFFFFFF00] =	vst v0;
	v0 =	vmul.f32 $1.131370830e+01, v2;
	v2 =	vld [tilespmem:s0+$0xFFFFFF70]  }
0x41c: {  	[tilespmem:s0+$0xFFFFFF10] =	vst v1;
	v1 =	vmul.f32 $1.131370830e+01, v5;
	v5 =	vld [tilespmem:s0+$0xFFFFFF80]  }
0x41d: {  	[tilespmem:s0+$0xFFFFFF20] =	vst v0;
	v0 =	vmul.f32 $1.131370830e+01, v6;
	v6 =	vld [tilespmem:s0+$0xFFFFFF90]  }
0x41e: {  	[tilespmem:s0+$0xFFFFFF30] =	vst v1;
	v1 =	vmul.f32 $1.131370830e+01, v3;
	v3 =	vld [tilespmem:s0+$0xFFFFFFA0]  }
0x41f: {  	[tilespmem:s0+$0xFFFFFF40] =	vst v0;
	v4 =	vmul.f32 $1.131370830e+01, v4;
	v7 =	vld [tilespmem:s0+$0xFFFFFFB0]  }
.Ltmp5:
0x420: {  	[tilespmem:s0+$0xFFFFFF50] =	vst v1;
	v2 =	vmul.f32 $1.131370830e+01, v2;
	v0 =	vld [tilespmem:s0+$0xFFFFFFC0];
	(pc) =	sbr.rel @p0 .LBB2_13-.Ltmp5, $4  }
0x421: {  	[tilespmem:s0+$0xFFFFFF60] =	vst v4;
	v4 =	vmul.f32 $1.131370830e+01, v5;
	v1 =	vld [tilespmem:s0+$0xFFFFFFD0]  }
0x422: {  	[tilespmem:s0+$0xFFFFFF70] =	vst v2;
	v6 =	vmul.f32 $1.131370830e+01, v6;
	v2 =	vld [tilespmem:s0+$0xFFFFFFE0]  }
0x423: {  	[tilespmem:s0+$0xFFFFFF80] =	vst v4;
	v5 =	vmul.f32 $1.131370830e+01, v3;
	v3 =	vld [tilespmem:s0+$0xFFFFFFF0]  }
0x424: {  	s0 =	sadd.s32 $0x500, s0;
	v4 =	vld [tilespmem:s29+$0xFFFFFB10];
	[tilespmem:s29+$0xFFFFFF90] =	vst v6;
	v6 =	vmul.f32 $1.131370830e+01, v7  }
0x425: {  	[tilespmem:s29+$0xFFFFFFA0] =	vst v5;
	v0 =	vmul.f32 $1.131370830e+01, v0  }
0x426: {  	[tilespmem:s29+$0xFFFFFFB0] =	vst v6;
	v1 =	vmul.f32 $1.131370830e+01, v1  }
0x427: {  	[tilespmem:s29+$0xFFFFFFC0] =	vst v0;
	v0 =	vmul.f32 $1.131370830e+01, v2  }
0x428: {  	[tilespmem:s29+$0xFFFFFFD0] =	vst v1;
	v1 =	vmul.f32 $1.131370830e+01, v3  }
0x429: {  	v2 =	vmul.f32 $1.131370830e+01, v4;
	[tilespmem:s29+$0xFFFFFFE0] =	vst v0  }
0x42a: {  	[tilespmem:s29+$0xFFFFFFF0] =	vst v1  }
0x42b: {  	[tilespmem:s29+$0xFFFFFB10] =	vst v2  }
0x42c: {  	v0 =	vld [tilespmem:s30+$0x0]  }
0x42d: {  	v1 =	vld [tilespmem:s30+$0xFFFFFB20]  }
0x42e: {  	v2 =	vld [tilespmem:s30+$0xFFFFFB30]  }
0x42f: {  	v3 =	vld [tilespmem:s30+$0xFFFFFB40]  }
0x430: {  	v4 =	vld [tilespmem:s30+$0xFFFFFB50]  }
0x431: {  	v9 =	vld [tilespmem:s30+$0xFFFFFBA0]  }
0x432: {  	v5 =	vld [tilespmem:s30+$0xFFFFFB60];
	v0 =	vmul.f32 $1.131370830e+01, v0  }
0x433: {  	v10 =	vld [tilespmem:s30+$0xFFFFFBB0];
	v1 =	vmul.f32 $1.131370830e+01, v1  }
0x434: {  	v7 =	vld [tilespmem:s30+$0xFFFFFB80];
	v2 =	vmul.f32 $1.131370830e+01, v2;
	[tilespmem:s30+$0x0] =	vst v0  }
0x435: {  	v6 =	vld [tilespmem:s30+$0xFFFFFB70];
	[tilespmem:s30+$0xFFFFFB20] =	vst v1;
	v1 =	vmul.f32 $1.131370830e+01, v3  }
0x436: {  	v9 =	vmul.f32 $1.131370830e+01, v9;
	[tilespmem:s30+$0xFFFFFB30] =	vst v2;
	v2 =	vmul.f32 $1.131370830e+01, v4;
	v4 =	vld [tilespmem:s30+$0xFFFFFC10]  }
0x437: {  	v11 =	vld [tilespmem:s30+$0xFFFFFBC0];
	[tilespmem:s30+$0xFFFFFB40] =	vst v1;
	v1 =	vmul.f32 $1.131370830e+01, v5  }
0x438: {  	v8 =	vld [tilespmem:s30+$0xFFFFFB90];
	v10 =	vmul.f32 $1.131370830e+01, v10;
	[tilespmem:s30+$0xFFFFFBA0] =	vst v9  }
0x439: {  	v12 =	vld [tilespmem:s30+$0xFFFFFBD0];
	[tilespmem:s30+$0xFFFFFB60] =	vst v1;
	v1 =	vmul.f32 $1.131370830e+01, v7  }
0x43a: {  	v56 =	vld [tilespmem:s30+$0xFFFFFC90];
	[tilespmem:s30+$0xFFFFFBB0] =	vst v10  }
0x43b: {  	v0 =	vld [tilespmem:s30+$0xFFFFFBE0];
	[tilespmem:s30+$0xFFFFFB80] =	vst v1;
	v1 =	vmul.f32 $1.131370830e+01, v4  }
0x43c: {  	v53 =	vmul.f32 $1.131370830e+01, v11;
	v3 =	vld [tilespmem:s30+$0xFFFFFBF0];
	[tilespmem:s30+$0xFFFFFB50] =	vst v2  }
0x43d: {  	v2 =	vmul.f32 $1.131370830e+01, v6;
	[tilespmem:s30+$0xFFFFFC10] =	vst v1;
	v1 =	vld [tilespmem:s30+$0xFFFFFC00]  }
0x43e: {  	v55 =	vmul.f32 $1.131370830e+01, v12;
	[tilespmem:s30+$0xFFFFFBC0] =	vst v53;
	v5 =	vld [tilespmem:s30+$0xFFFFFC20]  }
0x43f: {  	v6 =	vld [tilespmem:s30+$0xFFFFFC30];
	[tilespmem:s30+$0xFFFFFB70] =	vst v2;
	v2 =	vmul.f32 $1.131370830e+01, v8  }
0x440: {  	[tilespmem:s30+$0xFFFFFBD0] =	vst v55;
	v7 =	vld [tilespmem:s30+$0xFFFFFC40];
	v0 =	vmul.f32 $1.131370830e+01, v0  }
0x441: {  	v8 =	vld [tilespmem:s30+$0xFFFFFC50];
	v3 =	vmul.f32 $1.131370830e+01, v3;
	[tilespmem:s30+$0xFFFFFB90] =	vst v2  }
0x442: {  	v2 =	vld [tilespmem:s30+$0xFFFFFC70];
	[tilespmem:s30+$0xFFFFFBE0] =	vst v0;
	v0 =	vmul.f32 $1.131370830e+01, v1  }
0x443: {  	v4 =	vld [tilespmem:s30+$0xFFFFFC60];
	[tilespmem:s30+$0xFFFFFBF0] =	vst v3;
	v3 =	vmul.f32 $1.131370830e+01, v5  }
0x444: {  	v57 =	vld [tilespmem:s30+$0xFFFFFCA0];
	[tilespmem:s30+$0xFFFFFC00] =	vst v0;
	v0 =	vmul.f32 $1.131370830e+01, v56  }
0x445: {  	v6 =	vmul.f32 $1.131370830e+01, v6;
	[tilespmem:s30+$0xFFFFFC20] =	vst v3;
	v1 =	vld [tilespmem:s30+$0xFFFFFCC0]  }
0x446: {  	v54 =	vld [tilespmem:s30+$0xFFFFFC80];
	[tilespmem:s30+$0xFFFFFC90] =	vst v0;
	v0 =	vmul.f32 $1.131370830e+01, v7  }
0x447: {  	v59 =	vld [tilespmem:s30+$0xFFFFFCE0];
	[tilespmem:s30+$0xFFFFFC30] =	vst v6;
	v2 =	vmul.f32 $1.131370830e+01, v2  }
0x448: {  	v6 =	vmul.f32 $1.131370830e+01, v8;
	[tilespmem:s30+$0xFFFFFC40] =	vst v0;
	v0 =	vmul.f32 $1.131370830e+01, v4;
	v4 =	vld [tilespmem:s30+$0xFFFFFD10]  }
0x449: {  	v58 =	vld [tilespmem:s30+$0xFFFFFCB0];
	[tilespmem:s30+$0xFFFFFC70] =	vst v2;
	v2 =	vmul.f32 $1.131370830e+01, v57  }
0x44a: {  	v5 =	vld [tilespmem:s30+$0xFFFFFCD0];
	[tilespmem:s30+$0xFFFFFC50] =	vst v6;
	v1 =	vmul.f32 $1.131370830e+01, v1  }
0x44b: {  	v61 =	vld [tilespmem:s30+$0xFFFFFD50];
	[tilespmem:s30+$0xFFFFFCA0] =	vst v2  }
0x44c: {  	v3 =	vld [tilespmem:s30+$0xFFFFFCF0];
	[tilespmem:s30+$0xFFFFFCC0] =	vst v1;
	v1 =	vmul.f32 $1.131370830e+01, v59  }
0x44d: {  	v7 =	vld [tilespmem:s30+$0xFFFFFD00];
	[tilespmem:s30+$0xFFFFFC60] =	vst v0;
	v2 =	vmul.f32 $1.131370830e+01, v4  }
0x44e: {  	v60 =	vld [tilespmem:s30+$0xFFFFFD40];
	v0 =	vmul.f32 $1.131370830e+01, v54;
	[tilespmem:s30+$0xFFFFFCE0] =	vst v1  }
0x44f: {  	v8 =	vld [tilespmem:s30+$0xFFFFFD30];
	[tilespmem:s30+$0xFFFFFD10] =	vst v2;
	v2 =	vmul.f32 $1.131370830e+01, v5  }
0x450: {  	v6 =	vld [tilespmem:s30+$0xFFFFFD20];
	[tilespmem:s30+$0xFFFFFC80] =	vst v0;
	v0 =	vmul.f32 $1.131370830e+01, v58  }
0x451: {  	v10 =	vmul.f32 $1.131370830e+01, v61;
	[tilespmem:s30+$0xFFFFFCD0] =	vst v2;
	v2 =	vmul.f32 $1.131370830e+01, v3;
	v3 =	vld [tilespmem:s30+$0xFFFFFD90]  }
0x452: {  	v1 =	vmul.f32 $1.131370830e+01, v7;
	[tilespmem:s30+$0xFFFFFCB0] =	vst v0;
	v0 =	vld [tilespmem:s30+$0xFFFFFD70]  }
0x453: {  	[tilespmem:s30+$0xFFFFFD50] =	vst v10;
	v4 =	vld [tilespmem:s30+$0xFFFFFD60]  }
0x454: {  	v7 =	vld [tilespmem:s30+$0xFFFFFDA0];
	[tilespmem:s30+$0xFFFFFD00] =	vst v1;
	v1 =	vmul.f32 $1.131370830e+01, v8  }
0x455: {  	v5 =	vld [tilespmem:s30+$0xFFFFFD80];
	[tilespmem:s30+$0xFFFFFCF0] =	vst v2;
	v2 =	vmul.f32 $1.131370830e+01, v6  }
0x456: {  	v8 =	vld [tilespmem:s30+$0xFFFFFDC0];
	[tilespmem:s30+$0xFFFFFD30] =	vst v1;
	v1 =	vmul.f32 $1.131370830e+01, v3  }
0x457: {  	v0 =	vmul.f32 $1.131370830e+01, v0;
	[tilespmem:s30+$0xFFFFFD20] =	vst v2  }
0x458: {  	v3 =	vld [tilespmem:s30+$0xFFFFFDE0];
	[tilespmem:s30+$0xFFFFFD90] =	vst v1;
	v1 =	vmul.f32 $1.131370830e+01, v4  }
0x459: {  	v6 =	vld [tilespmem:s30+$0xFFFFFDB0];
	[tilespmem:s30+$0xFFFFFD70] =	vst v0;
	v0 =	vmul.f32 $1.131370830e+01, v7  }
0x45a: {  	v2 =	vmul.f32 $1.131370830e+01, v60;
	[tilespmem:s30+$0xFFFFFD60] =	vst v1;
	v1 =	vmul.f32 $1.131370830e+01, v5;
	v5 =	vld [tilespmem:s30+$0xFFFFFE10]  }
0x45b: {  	v62 =	vld [tilespmem:s30+$0xFFFFFDD0];
	[tilespmem:s30+$0xFFFFFDA0] =	vst v0;
	v0 =	vmul.f32 $1.131370830e+01, v8  }
0x45c: {  	[tilespmem:s30+$0xFFFFFD40] =	vst v2;
	v2 =	vld [tilespmem:s30+$0xFFFFFDF0]  }
0x45d: {  	v4 =	vld [tilespmem:s30+$0xFFFFFE00];
	[tilespmem:s30+$0xFFFFFDC0] =	vst v0;
	v3 =	vmul.f32 $1.131370830e+01, v3  }
0x45e: {  	v7 =	vld [tilespmem:s30+$0xFFFFFE20];
	[tilespmem:s30+$0xFFFFFD80] =	vst v1;
	v1 =	vmul.f32 $1.131370830e+01, v6  }
0x45f: {  	v6 =	vld [tilespmem:s30+$0xFFFFFE30];
	[tilespmem:s30+$0xFFFFFDE0] =	vst v3;
	v0 =	vmul.f32 $1.131370830e+01, v5  }
0x460: {  	v8 =	vld [tilespmem:s30+$0xFFFFFE40];
	[tilespmem:s30+$0xFFFFFDB0] =	vst v1;
	v1 =	vmul.f32 $1.131370830e+01, v62  }
0x461: {  	v63 =	vld [tilespmem:s30+$0xFFFFFE50];
	[tilespmem:s30+$0xFFFFFE10] =	vst v0;
	v0 =	vmul.f32 $1.131370830e+01, v2  }
0x462: {  	[tilespmem:s30+$0xFFFFFDD0] =	vst v1;
	v1 =	vld [tilespmem:s30+$0xFFFFFE70];
	v2 =	vmul.f32 $1.131370830e+01, v4  }
0x463: {  	v5 =	vld [tilespmem:s30+$0xFFFFFE60];
	[tilespmem:s30+$0xFFFFFDF0] =	vst v0;
	v0 =	vmul.f32 $1.131370830e+01, v7  }
0x464: {  	v4 =	vld [tilespmem:s30+$0xFFFFFE90];
	[tilespmem:s30+$0xFFFFFE00] =	vst v2;
	v2 =	vmul.f32 $1.131370830e+01, v6  }
0x465: {  	v6 =	vld [tilespmem:s30+$0xFFFFFEA0];
	[tilespmem:s30+$0xFFFFFE20] =	vst v0;
	v0 =	vmul.f32 $1.131370830e+01, v8  }
0x466: {  	v3 =	vld [tilespmem:s30+$0xFFFFFE80];
	[tilespmem:s30+$0xFFFFFE30] =	vst v2;
	v2 =	vmul.f32 $1.131370830e+01, v63  }
0x467: {  	v8 =	vld [tilespmem:s30+$0xFFFFFEC0];
	v1 =	vmul.f32 $1.131370830e+01, v1;
	[tilespmem:s30+$0xFFFFFE40] =	vst v0  }
0x468: {  	v7 =	vld [tilespmem:s30+$0xFFFFFEB0];
	v0 =	vmul.f32 $1.131370830e+01, v5;
	[tilespmem:s30+$0xFFFFFE50] =	vst v2  }
0x469: {  	v2 =	vmul.f32 $1.131370830e+01, v4;
	v4 =	vld [tilespmem:s30+$0xFFFFFEE0];
	[tilespmem:s30+$0xFFFFFE70] =	vst v1  }
0x46a: {  	v5 =	vld [tilespmem:s30+$0xFFFFFED0];
	v1 =	vmul.f32 $1.131370830e+01, v6;
	[tilespmem:s30+$0xFFFFFE60] =	vst v0  }
0x46b: {  	v0 =	vld [tilespmem:s30+$0xFFFFFEF0];
	[tilespmem:s30+$0xFFFFFE90] =	vst v2;
	v2 =	vmul.f32 $1.131370830e+01, v3  }
0x46c: {  	v6 =	vld [tilespmem:s30+$0xFFFFFF10];
	[tilespmem:s30+$0xFFFFFEA0] =	vst v1;
	v1 =	vmul.f32 $1.131370830e+01, v8  }
0x46d: {  	v3 =	vld [tilespmem:s30+$0xFFFFFF00];
	[tilespmem:s30+$0xFFFFFE80] =	vst v2;
	v2 =	vmul.f32 $1.131370830e+01, v7  }
0x46e: {  	v7 =	vld [tilespmem:s30+$0xFFFFFF20];
	[tilespmem:s30+$0xFFFFFEC0] =	vst v1;
	v1 =	vmul.f32 $1.131370830e+01, v4  }
0x46f: {  	[tilespmem:s30+$0xFFFFFEB0] =	vst v2;
	v2 =	vmul.f32 $1.131370830e+01, v5;
	v5 =	vld [tilespmem:s30+$0xFFFFFF30]  }
0x470: {  	v4 =	vld [tilespmem:s30+$0xFFFFFF40];
	v0 =	vmul.f32 $1.131370830e+01, v0;
	[tilespmem:s30+$0xFFFFFEE0] =	vst v1  }
0x471: {  	v1 =	vmul.f32 $1.131370830e+01, v6;
	[tilespmem:s30+$0xFFFFFED0] =	vst v2;
	v2 =	vld [tilespmem:s30+$0xFFFFFF50]  }
0x472: {  	v6 =	vld [tilespmem:s30+$0xFFFFFF60];
	v3 =	vmul.f32 $1.131370830e+01, v3;
	[tilespmem:s30+$0xFFFFFEF0] =	vst v0  }
0x473: {  	v0 =	vld [tilespmem:s30+$0xFFFFFF70];
	v7 =	vmul.f32 $1.131370830e+01, v7;
	[tilespmem:s30+$0xFFFFFF10] =	vst v1  }
0x474: {  	[tilespmem:s30+$0xFFFFFF00] =	vst v3;
	v3 =	vld [tilespmem:s30+$0xFFFFFF80];
	v1 =	vmul.f32 $1.131370830e+01, v5  }
0x475: {  	v4 =	vmul.f32 $1.131370830e+01, v4;
	[tilespmem:s30+$0xFFFFFF20] =	vst v7;
	v5 =	vld [tilespmem:s30+$0xFFFFFF90]  }
0x476: {  	v7 =	vld [tilespmem:s30+$0xFFFFFFA0];
	[tilespmem:s30+$0xFFFFFF30] =	vst v1;
	v1 =	vmul.f32 $1.131370830e+01, v2  }
0x477: {  	[tilespmem:s30+$0xFFFFFF40] =	vst v4;
	v2 =	vmul.f32 $1.131370830e+01, v6;
	v6 =	vld [tilespmem:s30+$0xFFFFFFB0]  }
0x478: {  	v4 =	vmul.f32 $1.131370830e+01, v0;
	v0 =	vld [tilespmem:s30+$0xFFFFFFC0];
	[tilespmem:s30+$0xFFFFFF50] =	vst v1  }
0x479: {  	v3 =	vmul.f32 $1.131370830e+01, v3;
	[tilespmem:s30+$0xFFFFFF60] =	vst v2;
	v1 =	vld [tilespmem:s30+$0xFFFFFFD0]  }
0x47a: {  	v2 =	vld [tilespmem:s30+$0xFFFFFFE0];
	[tilespmem:s30+$0xFFFFFF70] =	vst v4;
	v8 =	vmul.f32 $1.131370830e+01, v5  }
0x47b: {  	[tilespmem:s30+$0xFFFFFF80] =	vst v3;
	v3 =	vld [tilespmem:s30+$0xFFFFFFF0];
	v5 =	vmul.f32 $1.131370830e+01, v7  }
0x47c: {  	s31 =	simm.s32 $0x0;
	s0 =	simm.s32 $0xF1F0;
	v4 =	vld [tilespmem:s30+$0xFFFFFB10];
	[tilespmem:s30+$0xFFFFFF90] =	vst v8;
	v6 =	vmul.f32 $1.131370830e+01, v6  }
.LBB2_15:
0x47d: {  	v7 =	vld [tilespmem:s0+$0x0];
	s31 =	sadd.s32 $0xA, s31;
	[tilespmem:s30+$0xFFFFFFA0] =	vst v5;
	v0 =	vmul.f32 $1.131370830e+01, v0  }
0x47e: {  	v5 =	vld [tilespmem:s0+$0xFFFFFB20];
	p0 =	slt.u32 s31, $0x28;
	[tilespmem:s30+$0xFFFFFFB0] =	vst v6;
	v1 =	vmul.f32 $1.131370830e+01, v1  }
0x47f: {  	v6 =	vld [tilespmem:s0+$0xFFFFFB30];
	[tilespmem:s30+$0xFFFFFFC0] =	vst v0;
	v0 =	vmul.f32 $1.131370830e+01, v2  }
0x480: {  	v2 =	vld [tilespmem:s0+$0xFFFFFB40];
	[tilespmem:s30+$0xFFFFFFD0] =	vst v1;
	v1 =	vmul.f32 $1.131370830e+01, v3  }
0x481: {  	v3 =	vld [tilespmem:s0+$0xFFFFFB50];
	v4 =	vmul.f32 $1.131370830e+01, v4;
	[tilespmem:s30+$0xFFFFFFE0] =	vst v0  }
0x482: {  	v0 =	vld [tilespmem:s0+$0xFFFFFB60];
	v7 =	vmul.f32 $1.131370830e+01, v7;
	[tilespmem:s30+$0xFFFFFFF0] =	vst v1  }
0x483: {  	v1 =	vmul.f32 $1.131370830e+01, v5;
	v5 =	vld [tilespmem:s0+$0xFFFFFB70];
	[tilespmem:s30+$0xFFFFFB10] =	vst v4;
	s30 =	smov.u32 s0  }
0x484: {  	s29 =	simm.s32 $0x10400;
	v4 =	vmul.f32 $1.131370830e+01, v6;
	v6 =	vld [tilespmem:s0+$0xFFFFFB80];
	[tilespmem:s0+$0x0] =	vst v7  }
0x485: {  	[tilespmem:s0+$0xFFFFFB20] =	vst v1;
	v1 =	vmul.f32 $1.131370830e+01, v2;
	v2 =	vld [tilespmem:s0+$0xFFFFFB90]  }
0x486: {  	[tilespmem:s0+$0xFFFFFB30] =	vst v4;
	v3 =	vmul.f32 $1.131370830e+01, v3;
	v4 =	vld [tilespmem:s0+$0xFFFFFBA0]  }
0x487: {  	[tilespmem:s0+$0xFFFFFB40] =	vst v1;
	v0 =	vmul.f32 $1.131370830e+01, v0;
	v1 =	vld [tilespmem:s0+$0xFFFFFBB0]  }
0x488: {  	[tilespmem:s0+$0xFFFFFB50] =	vst v3;
	v3 =	vmul.f32 $1.131370830e+01, v5;
	v5 =	vld [tilespmem:s0+$0xFFFFFBC0]  }
0x489: {  	[tilespmem:s0+$0xFFFFFB60] =	vst v0;
	v0 =	vmul.f32 $1.131370830e+01, v6;
	v6 =	vld [tilespmem:s0+$0xFFFFFBD0]  }
0x48a: {  	[tilespmem:s0+$0xFFFFFB70] =	vst v3;
	v2 =	vmul.f32 $1.131370830e+01, v2;
	v3 =	vld [tilespmem:s0+$0xFFFFFBE0]  }
0x48b: {  	[tilespmem:s0+$0xFFFFFB80] =	vst v0;
	v0 =	vmul.f32 $1.131370830e+01, v4;
	v4 =	vld [tilespmem:s0+$0xFFFFFBF0]  }
0x48c: {  	[tilespmem:s0+$0xFFFFFB90] =	vst v2;
	v1 =	vmul.f32 $1.131370830e+01, v1;
	v2 =	vld [tilespmem:s0+$0xFFFFFC00]  }
0x48d: {  	[tilespmem:s0+$0xFFFFFBA0] =	vst v0;
	v0 =	vmul.f32 $1.131370830e+01, v5;
	v5 =	vld [tilespmem:s0+$0xFFFFFC10]  }
0x48e: {  	[tilespmem:s0+$0xFFFFFBB0] =	vst v1;
	v1 =	vmul.f32 $1.131370830e+01, v6;
	v6 =	vld [tilespmem:s0+$0xFFFFFC20]  }
0x48f: {  	[tilespmem:s0+$0xFFFFFBC0] =	vst v0;
	v0 =	vmul.f32 $1.131370830e+01, v3;
	v3 =	vld [tilespmem:s0+$0xFFFFFC30]  }
0x490: {  	[tilespmem:s0+$0xFFFFFBD0] =	vst v1;
	v1 =	vmul.f32 $1.131370830e+01, v4;
	v4 =	vld [tilespmem:s0+$0xFFFFFC40]  }
0x491: {  	[tilespmem:s0+$0xFFFFFBE0] =	vst v0;
	v0 =	vmul.f32 $1.131370830e+01, v2;
	v2 =	vld [tilespmem:s0+$0xFFFFFC50]  }
0x492: {  	[tilespmem:s0+$0xFFFFFBF0] =	vst v1;
	v1 =	vmul.f32 $1.131370830e+01, v5;
	v5 =	vld [tilespmem:s0+$0xFFFFFC60]  }
0x493: {  	[tilespmem:s0+$0xFFFFFC00] =	vst v0;
	v0 =	vmul.f32 $1.131370830e+01, v6;
	v6 =	vld [tilespmem:s0+$0xFFFFFC70]  }
0x494: {  	[tilespmem:s0+$0xFFFFFC10] =	vst v1;
	v1 =	vmul.f32 $1.131370830e+01, v3;
	v3 =	vld [tilespmem:s0+$0xFFFFFC80]  }
0x495: {  	[tilespmem:s0+$0xFFFFFC20] =	vst v0;
	v0 =	vmul.f32 $1.131370830e+01, v4;
	v4 =	vld [tilespmem:s0+$0xFFFFFC90]  }
0x496: {  	[tilespmem:s0+$0xFFFFFC30] =	vst v1;
	v1 =	vmul.f32 $1.131370830e+01, v2;
	v2 =	vld [tilespmem:s0+$0xFFFFFCA0]  }
0x497: {  	[tilespmem:s0+$0xFFFFFC40] =	vst v0;
	v0 =	vmul.f32 $1.131370830e+01, v5;
	v5 =	vld [tilespmem:s0+$0xFFFFFCB0]  }
0x498: {  	[tilespmem:s0+$0xFFFFFC50] =	vst v1;
	v1 =	vmul.f32 $1.131370830e+01, v6;
	v6 =	vld [tilespmem:s0+$0xFFFFFCC0]  }
0x499: {  	[tilespmem:s0+$0xFFFFFC60] =	vst v0;
	v0 =	vmul.f32 $1.131370830e+01, v3;
	v3 =	vld [tilespmem:s0+$0xFFFFFCD0]  }
0x49a: {  	[tilespmem:s0+$0xFFFFFC70] =	vst v1;
	v1 =	vmul.f32 $1.131370830e+01, v4;
	v4 =	vld [tilespmem:s0+$0xFFFFFCE0]  }
0x49b: {  	[tilespmem:s0+$0xFFFFFC80] =	vst v0;
	v0 =	vmul.f32 $1.131370830e+01, v2;
	v2 =	vld [tilespmem:s0+$0xFFFFFCF0]  }
0x49c: {  	[tilespmem:s0+$0xFFFFFC90] =	vst v1;
	v1 =	vmul.f32 $1.131370830e+01, v5;
	v5 =	vld [tilespmem:s0+$0xFFFFFD00]  }
0x49d: {  	[tilespmem:s0+$0xFFFFFCA0] =	vst v0;
	v0 =	vmul.f32 $1.131370830e+01, v6;
	v6 =	vld [tilespmem:s0+$0xFFFFFD10]  }
0x49e: {  	[tilespmem:s0+$0xFFFFFCB0] =	vst v1;
	v1 =	vmul.f32 $1.131370830e+01, v3;
	v3 =	vld [tilespmem:s0+$0xFFFFFD20]  }
0x49f: {  	[tilespmem:s0+$0xFFFFFCC0] =	vst v0;
	v0 =	vmul.f32 $1.131370830e+01, v4;
	v4 =	vld [tilespmem:s0+$0xFFFFFD30]  }
0x4a0: {  	[tilespmem:s0+$0xFFFFFCD0] =	vst v1;
	v1 =	vmul.f32 $1.131370830e+01, v2;
	v2 =	vld [tilespmem:s0+$0xFFFFFD40]  }
0x4a1: {  	[tilespmem:s0+$0xFFFFFCE0] =	vst v0;
	v0 =	vmul.f32 $1.131370830e+01, v5;
	v5 =	vld [tilespmem:s0+$0xFFFFFD50]  }
0x4a2: {  	[tilespmem:s0+$0xFFFFFCF0] =	vst v1;
	v1 =	vmul.f32 $1.131370830e+01, v6;
	v6 =	vld [tilespmem:s0+$0xFFFFFD60]  }
0x4a3: {  	[tilespmem:s0+$0xFFFFFD00] =	vst v0;
	v0 =	vmul.f32 $1.131370830e+01, v3;
	v3 =	vld [tilespmem:s0+$0xFFFFFD70]  }
0x4a4: {  	[tilespmem:s0+$0xFFFFFD10] =	vst v1;
	v1 =	vmul.f32 $1.131370830e+01, v4;
	v4 =	vld [tilespmem:s0+$0xFFFFFD80]  }
0x4a5: {  	[tilespmem:s0+$0xFFFFFD20] =	vst v0;
	v0 =	vmul.f32 $1.131370830e+01, v2;
	v2 =	vld [tilespmem:s0+$0xFFFFFD90]  }
0x4a6: {  	[tilespmem:s0+$0xFFFFFD30] =	vst v1;
	v1 =	vmul.f32 $1.131370830e+01, v5;
	v5 =	vld [tilespmem:s0+$0xFFFFFDA0]  }
0x4a7: {  	[tilespmem:s0+$0xFFFFFD40] =	vst v0;
	v0 =	vmul.f32 $1.131370830e+01, v6;
	v6 =	vld [tilespmem:s0+$0xFFFFFDB0]  }
0x4a8: {  	[tilespmem:s0+$0xFFFFFD50] =	vst v1;
	v1 =	vmul.f32 $1.131370830e+01, v3;
	v3 =	vld [tilespmem:s0+$0xFFFFFDC0]  }
0x4a9: {  	[tilespmem:s0+$0xFFFFFD60] =	vst v0;
	v0 =	vmul.f32 $1.131370830e+01, v4;
	v4 =	vld [tilespmem:s0+$0xFFFFFDD0]  }
0x4aa: {  	[tilespmem:s0+$0xFFFFFD70] =	vst v1;
	v1 =	vmul.f32 $1.131370830e+01, v2;
	v2 =	vld [tilespmem:s0+$0xFFFFFDE0]  }
0x4ab: {  	[tilespmem:s0+$0xFFFFFD80] =	vst v0;
	v0 =	vmul.f32 $1.131370830e+01, v5;
	v5 =	vld [tilespmem:s0+$0xFFFFFDF0]  }
0x4ac: {  	[tilespmem:s0+$0xFFFFFD90] =	vst v1;
	v1 =	vmul.f32 $1.131370830e+01, v6;
	v6 =	vld [tilespmem:s0+$0xFFFFFE00]  }
0x4ad: {  	[tilespmem:s0+$0xFFFFFDA0] =	vst v0;
	v0 =	vmul.f32 $1.131370830e+01, v3;
	v3 =	vld [tilespmem:s0+$0xFFFFFE10]  }
0x4ae: {  	[tilespmem:s0+$0xFFFFFDB0] =	vst v1;
	v1 =	vmul.f32 $1.131370830e+01, v4;
	v4 =	vld [tilespmem:s0+$0xFFFFFE20]  }
0x4af: {  	[tilespmem:s0+$0xFFFFFDC0] =	vst v0;
	v0 =	vmul.f32 $1.131370830e+01, v2;
	v2 =	vld [tilespmem:s0+$0xFFFFFE30]  }
0x4b0: {  	[tilespmem:s0+$0xFFFFFDD0] =	vst v1;
	v1 =	vmul.f32 $1.131370830e+01, v5;
	v5 =	vld [tilespmem:s0+$0xFFFFFE40]  }
0x4b1: {  	[tilespmem:s0+$0xFFFFFDE0] =	vst v0;
	v0 =	vmul.f32 $1.131370830e+01, v6;
	v6 =	vld [tilespmem:s0+$0xFFFFFE50]  }
0x4b2: {  	[tilespmem:s0+$0xFFFFFDF0] =	vst v1;
	v1 =	vmul.f32 $1.131370830e+01, v3;
	v3 =	vld [tilespmem:s0+$0xFFFFFE60]  }
0x4b3: {  	[tilespmem:s0+$0xFFFFFE00] =	vst v0;
	v0 =	vmul.f32 $1.131370830e+01, v4;
	v4 =	vld [tilespmem:s0+$0xFFFFFE70]  }
0x4b4: {  	[tilespmem:s0+$0xFFFFFE10] =	vst v1;
	v1 =	vmul.f32 $1.131370830e+01, v2;
	v2 =	vld [tilespmem:s0+$0xFFFFFE80]  }
0x4b5: {  	[tilespmem:s0+$0xFFFFFE20] =	vst v0;
	v0 =	vmul.f32 $1.131370830e+01, v5;
	v5 =	vld [tilespmem:s0+$0xFFFFFE90]  }
0x4b6: {  	[tilespmem:s0+$0xFFFFFE30] =	vst v1;
	v1 =	vmul.f32 $1.131370830e+01, v6;
	v6 =	vld [tilespmem:s0+$0xFFFFFEA0]  }
0x4b7: {  	[tilespmem:s0+$0xFFFFFE40] =	vst v0;
	v0 =	vmul.f32 $1.131370830e+01, v3;
	v3 =	vld [tilespmem:s0+$0xFFFFFEB0]  }
0x4b8: {  	[tilespmem:s0+$0xFFFFFE50] =	vst v1;
	v1 =	vmul.f32 $1.131370830e+01, v4;
	v4 =	vld [tilespmem:s0+$0xFFFFFEC0]  }
0x4b9: {  	[tilespmem:s0+$0xFFFFFE60] =	vst v0;
	v0 =	vmul.f32 $1.131370830e+01, v2;
	v2 =	vld [tilespmem:s0+$0xFFFFFED0]  }
0x4ba: {  	[tilespmem:s0+$0xFFFFFE70] =	vst v1;
	v1 =	vmul.f32 $1.131370830e+01, v5;
	v5 =	vld [tilespmem:s0+$0xFFFFFEE0]  }
0x4bb: {  	[tilespmem:s0+$0xFFFFFE80] =	vst v0;
	v0 =	vmul.f32 $1.131370830e+01, v6;
	v6 =	vld [tilespmem:s0+$0xFFFFFEF0]  }
0x4bc: {  	[tilespmem:s0+$0xFFFFFE90] =	vst v1;
	v1 =	vmul.f32 $1.131370830e+01, v3;
	v3 =	vld [tilespmem:s0+$0xFFFFFF00]  }
0x4bd: {  	[tilespmem:s0+$0xFFFFFEA0] =	vst v0;
	v0 =	vmul.f32 $1.131370830e+01, v4;
	v4 =	vld [tilespmem:s0+$0xFFFFFF10]  }
0x4be: {  	[tilespmem:s0+$0xFFFFFEB0] =	vst v1;
	v1 =	vmul.f32 $1.131370830e+01, v2;
	v2 =	vld [tilespmem:s0+$0xFFFFFF20]  }
0x4bf: {  	[tilespmem:s0+$0xFFFFFEC0] =	vst v0;
	v0 =	vmul.f32 $1.131370830e+01, v5;
	v5 =	vld [tilespmem:s0+$0xFFFFFF30]  }
0x4c0: {  	[tilespmem:s0+$0xFFFFFED0] =	vst v1;
	v1 =	vmul.f32 $1.131370830e+01, v6;
	v6 =	vld [tilespmem:s0+$0xFFFFFF40]  }
0x4c1: {  	[tilespmem:s0+$0xFFFFFEE0] =	vst v0;
	v0 =	vmul.f32 $1.131370830e+01, v3;
	v3 =	vld [tilespmem:s0+$0xFFFFFF50]  }
0x4c2: {  	[tilespmem:s0+$0xFFFFFEF0] =	vst v1;
	v1 =	vmul.f32 $1.131370830e+01, v4;
	v4 =	vld [tilespmem:s0+$0xFFFFFF60]  }
0x4c3: {  	[tilespmem:s0+$0xFFFFFF00] =	vst v0;
	v0 =	vmul.f32 $1.131370830e+01, v2;
	v2 =	vld [tilespmem:s0+$0xFFFFFF70]  }
0x4c4: {  	[tilespmem:s0+$0xFFFFFF10] =	vst v1;
	v1 =	vmul.f32 $1.131370830e+01, v5;
	v5 =	vld [tilespmem:s0+$0xFFFFFF80]  }
0x4c5: {  	[tilespmem:s0+$0xFFFFFF20] =	vst v0;
	v0 =	vmul.f32 $1.131370830e+01, v6;
	v6 =	vld [tilespmem:s0+$0xFFFFFF90]  }
0x4c6: {  	[tilespmem:s0+$0xFFFFFF30] =	vst v1;
	v1 =	vmul.f32 $1.131370830e+01, v3;
	v3 =	vld [tilespmem:s0+$0xFFFFFFA0]  }
0x4c7: {  	[tilespmem:s0+$0xFFFFFF40] =	vst v0;
	v4 =	vmul.f32 $1.131370830e+01, v4;
	v7 =	vld [tilespmem:s0+$0xFFFFFFB0]  }
.Ltmp6:
0x4c8: {  	[tilespmem:s0+$0xFFFFFF50] =	vst v1;
	v2 =	vmul.f32 $1.131370830e+01, v2;
	v0 =	vld [tilespmem:s0+$0xFFFFFFC0];
	(pc) =	sbr.rel @p0 .LBB2_15-.Ltmp6, $4  }
0x4c9: {  	[tilespmem:s0+$0xFFFFFF60] =	vst v4;
	v4 =	vmul.f32 $1.131370830e+01, v5;
	v1 =	vld [tilespmem:s0+$0xFFFFFFD0]  }
0x4ca: {  	[tilespmem:s0+$0xFFFFFF70] =	vst v2;
	v6 =	vmul.f32 $1.131370830e+01, v6;
	v2 =	vld [tilespmem:s0+$0xFFFFFFE0]  }
0x4cb: {  	[tilespmem:s0+$0xFFFFFF80] =	vst v4;
	v5 =	vmul.f32 $1.131370830e+01, v3;
	v3 =	vld [tilespmem:s0+$0xFFFFFFF0]  }
0x4cc: {  	s0 =	sadd.s32 $0x500, s0;
	v4 =	vld [tilespmem:s30+$0xFFFFFB10];
	[tilespmem:s30+$0xFFFFFF90] =	vst v6;
	v6 =	vmul.f32 $1.131370830e+01, v7  }
0x4cd: {  	[tilespmem:s30+$0xFFFFFFA0] =	vst v5;
	v0 =	vmul.f32 $1.131370830e+01, v0  }
0x4ce: {  	[tilespmem:s30+$0xFFFFFFB0] =	vst v6;
	v1 =	vmul.f32 $1.131370830e+01, v1  }
0x4cf: {  	[tilespmem:s30+$0xFFFFFFC0] =	vst v0;
	v0 =	vmul.f32 $1.131370830e+01, v2  }
0x4d0: {  	[tilespmem:s30+$0xFFFFFFD0] =	vst v1;
	v1 =	vmul.f32 $1.131370830e+01, v3  }
0x4d1: {  	v2 =	vmul.f32 $1.131370830e+01, v4;
	[tilespmem:s30+$0xFFFFFFE0] =	vst v0  }
0x4d2: {  	[tilespmem:s30+$0xFFFFFFF0] =	vst v1  }
0x4d3: {  	[tilespmem:s30+$0xFFFFFB10] =	vst v2  }
0x4d4: {  	v0 =	vld [tilespmem:s29+$0x4F0]  }
0x4d5: {  	v1 =	vld [tilespmem:s29+$0x10]  }
0x4d6: {  	v2 =	vld [tilespmem:s29+$0x20]  }
0x4d7: {  	v3 =	vld [tilespmem:s29+$0x30]  }
0x4d8: {  	v4 =	vld [tilespmem:s29+$0x40]  }
0x4d9: {  	v9 =	vld [tilespmem:s29+$0x90]  }
0x4da: {  	v5 =	vld [tilespmem:s29+$0x50];
	v0 =	vmul.f32 $1.131370830e+01, v0  }
0x4db: {  	v10 =	vld [tilespmem:s29+$0xA0];
	v1 =	vmul.f32 $1.131370830e+01, v1  }
0x4dc: {  	v7 =	vld [tilespmem:s29+$0x70];
	v2 =	vmul.f32 $1.131370830e+01, v2;
	[tilespmem:s29+$0x4F0] =	vst v0  }
0x4dd: {  	v6 =	vld [tilespmem:s29+$0x60];
	[tilespmem:s29+$0x10] =	vst v1;
	v1 =	vmul.f32 $1.131370830e+01, v3  }
0x4de: {  	v9 =	vmul.f32 $1.131370830e+01, v9;
	[tilespmem:s29+$0x20] =	vst v2;
	v2 =	vmul.f32 $1.131370830e+01, v4;
	v4 =	vld [tilespmem:s29+$0x100]  }
0x4df: {  	v11 =	vld [tilespmem:s29+$0xB0];
	[tilespmem:s29+$0x30] =	vst v1;
	v1 =	vmul.f32 $1.131370830e+01, v5  }
0x4e0: {  	v8 =	vld [tilespmem:s29+$0x80];
	v10 =	vmul.f32 $1.131370830e+01, v10;
	[tilespmem:s29+$0x90] =	vst v9  }
0x4e1: {  	v12 =	vld [tilespmem:s29+$0xC0];
	[tilespmem:s29+$0x50] =	vst v1;
	v1 =	vmul.f32 $1.131370830e+01, v7  }
0x4e2: {  	v56 =	vld [tilespmem:s29+$0x180];
	[tilespmem:s29+$0xA0] =	vst v10  }
0x4e3: {  	v0 =	vld [tilespmem:s29+$0xD0];
	[tilespmem:s29+$0x70] =	vst v1;
	v1 =	vmul.f32 $1.131370830e+01, v4  }
0x4e4: {  	v53 =	vmul.f32 $1.131370830e+01, v11;
	v3 =	vld [tilespmem:s29+$0xE0];
	[tilespmem:s29+$0x40] =	vst v2  }
0x4e5: {  	v2 =	vmul.f32 $1.131370830e+01, v6;
	[tilespmem:s29+$0x100] =	vst v1;
	v1 =	vld [tilespmem:s29+$0xF0]  }
0x4e6: {  	v55 =	vmul.f32 $1.131370830e+01, v12;
	[tilespmem:s29+$0xB0] =	vst v53;
	v5 =	vld [tilespmem:s29+$0x110]  }
0x4e7: {  	v6 =	vld [tilespmem:s29+$0x120];
	[tilespmem:s29+$0x60] =	vst v2;
	v2 =	vmul.f32 $1.131370830e+01, v8  }
0x4e8: {  	[tilespmem:s29+$0xC0] =	vst v55;
	v7 =	vld [tilespmem:s29+$0x130];
	v0 =	vmul.f32 $1.131370830e+01, v0  }
0x4e9: {  	v8 =	vld [tilespmem:s29+$0x140];
	v3 =	vmul.f32 $1.131370830e+01, v3;
	[tilespmem:s29+$0x80] =	vst v2  }
0x4ea: {  	v2 =	vld [tilespmem:s29+$0x160];
	[tilespmem:s29+$0xD0] =	vst v0;
	v0 =	vmul.f32 $1.131370830e+01, v1  }
0x4eb: {  	v4 =	vld [tilespmem:s29+$0x150];
	[tilespmem:s29+$0xE0] =	vst v3;
	v3 =	vmul.f32 $1.131370830e+01, v5  }
0x4ec: {  	v57 =	vld [tilespmem:s29+$0x190];
	[tilespmem:s29+$0xF0] =	vst v0;
	v0 =	vmul.f32 $1.131370830e+01, v56  }
0x4ed: {  	v6 =	vmul.f32 $1.131370830e+01, v6;
	[tilespmem:s29+$0x110] =	vst v3;
	v1 =	vld [tilespmem:s29+$0x1B0]  }
0x4ee: {  	v54 =	vld [tilespmem:s29+$0x170];
	[tilespmem:s29+$0x180] =	vst v0;
	v0 =	vmul.f32 $1.131370830e+01, v7  }
0x4ef: {  	v59 =	vld [tilespmem:s29+$0x1D0];
	[tilespmem:s29+$0x120] =	vst v6;
	v2 =	vmul.f32 $1.131370830e+01, v2  }
0x4f0: {  	v6 =	vmul.f32 $1.131370830e+01, v8;
	[tilespmem:s29+$0x130] =	vst v0;
	v0 =	vmul.f32 $1.131370830e+01, v4;
	v4 =	vld [tilespmem:s29+$0x200]  }
0x4f1: {  	v58 =	vld [tilespmem:s29+$0x1A0];
	[tilespmem:s29+$0x160] =	vst v2;
	v2 =	vmul.f32 $1.131370830e+01, v57  }
0x4f2: {  	v5 =	vld [tilespmem:s29+$0x1C0];
	[tilespmem:s29+$0x140] =	vst v6;
	v1 =	vmul.f32 $1.131370830e+01, v1  }
0x4f3: {  	v61 =	vld [tilespmem:s29+$0x240];
	[tilespmem:s29+$0x190] =	vst v2  }
0x4f4: {  	v3 =	vld [tilespmem:s29+$0x1E0];
	[tilespmem:s29+$0x1B0] =	vst v1;
	v1 =	vmul.f32 $1.131370830e+01, v59  }
0x4f5: {  	v7 =	vld [tilespmem:s29+$0x1F0];
	[tilespmem:s29+$0x150] =	vst v0;
	v2 =	vmul.f32 $1.131370830e+01, v4  }
0x4f6: {  	v60 =	vld [tilespmem:s29+$0x230];
	v0 =	vmul.f32 $1.131370830e+01, v54;
	[tilespmem:s29+$0x1D0] =	vst v1  }
0x4f7: {  	v8 =	vld [tilespmem:s29+$0x220];
	[tilespmem:s29+$0x200] =	vst v2;
	v2 =	vmul.f32 $1.131370830e+01, v5  }
0x4f8: {  	v6 =	vld [tilespmem:s29+$0x210];
	[tilespmem:s29+$0x170] =	vst v0;
	v0 =	vmul.f32 $1.131370830e+01, v58  }
0x4f9: {  	v10 =	vmul.f32 $1.131370830e+01, v61;
	[tilespmem:s29+$0x1C0] =	vst v2;
	v2 =	vmul.f32 $1.131370830e+01, v3;
	v3 =	vld [tilespmem:s29+$0x280]  }
0x4fa: {  	v1 =	vmul.f32 $1.131370830e+01, v7;
	[tilespmem:s29+$0x1A0] =	vst v0;
	v0 =	vld [tilespmem:s29+$0x260]  }
0x4fb: {  	[tilespmem:s29+$0x240] =	vst v10;
	v4 =	vld [tilespmem:s29+$0x250]  }
0x4fc: {  	v7 =	vld [tilespmem:s29+$0x290];
	[tilespmem:s29+$0x1F0] =	vst v1;
	v1 =	vmul.f32 $1.131370830e+01, v8  }
0x4fd: {  	v5 =	vld [tilespmem:s29+$0x270];
	[tilespmem:s29+$0x1E0] =	vst v2;
	v2 =	vmul.f32 $1.131370830e+01, v6  }
0x4fe: {  	v8 =	vld [tilespmem:s29+$0x2B0];
	[tilespmem:s29+$0x220] =	vst v1;
	v1 =	vmul.f32 $1.131370830e+01, v3  }
0x4ff: {  	v0 =	vmul.f32 $1.131370830e+01, v0;
	[tilespmem:s29+$0x210] =	vst v2  }
0x500: {  	v3 =	vld [tilespmem:s29+$0x2D0];
	[tilespmem:s29+$0x280] =	vst v1;
	v1 =	vmul.f32 $1.131370830e+01, v4  }
0x501: {  	v6 =	vld [tilespmem:s29+$0x2A0];
	[tilespmem:s29+$0x260] =	vst v0;
	v0 =	vmul.f32 $1.131370830e+01, v7  }
0x502: {  	v2 =	vmul.f32 $1.131370830e+01, v60;
	[tilespmem:s29+$0x250] =	vst v1;
	v1 =	vmul.f32 $1.131370830e+01, v5;
	v5 =	vld [tilespmem:s29+$0x300]  }
0x503: {  	v62 =	vld [tilespmem:s29+$0x2C0];
	[tilespmem:s29+$0x290] =	vst v0;
	v0 =	vmul.f32 $1.131370830e+01, v8  }
0x504: {  	[tilespmem:s29+$0x230] =	vst v2;
	v2 =	vld [tilespmem:s29+$0x2E0]  }
0x505: {  	v4 =	vld [tilespmem:s29+$0x2F0];
	[tilespmem:s29+$0x2B0] =	vst v0;
	v3 =	vmul.f32 $1.131370830e+01, v3  }
0x506: {  	v7 =	vld [tilespmem:s29+$0x310];
	[tilespmem:s29+$0x270] =	vst v1;
	v1 =	vmul.f32 $1.131370830e+01, v6  }
0x507: {  	v6 =	vld [tilespmem:s29+$0x320];
	[tilespmem:s29+$0x2D0] =	vst v3;
	v0 =	vmul.f32 $1.131370830e+01, v5  }
0x508: {  	v8 =	vld [tilespmem:s29+$0x330];
	[tilespmem:s29+$0x2A0] =	vst v1;
	v1 =	vmul.f32 $1.131370830e+01, v62  }
0x509: {  	v63 =	vld [tilespmem:s29+$0x340];
	[tilespmem:s29+$0x300] =	vst v0;
	v0 =	vmul.f32 $1.131370830e+01, v2  }
0x50a: {  	[tilespmem:s29+$0x2C0] =	vst v1;
	v1 =	vld [tilespmem:s29+$0x360];
	v2 =	vmul.f32 $1.131370830e+01, v4  }
0x50b: {  	v5 =	vld [tilespmem:s29+$0x350];
	[tilespmem:s29+$0x2E0] =	vst v0;
	v0 =	vmul.f32 $1.131370830e+01, v7  }
0x50c: {  	v4 =	vld [tilespmem:s29+$0x380];
	[tilespmem:s29+$0x2F0] =	vst v2;
	v2 =	vmul.f32 $1.131370830e+01, v6  }
0x50d: {  	v6 =	vld [tilespmem:s29+$0x390];
	[tilespmem:s29+$0x310] =	vst v0;
	v0 =	vmul.f32 $1.131370830e+01, v8  }
0x50e: {  	v3 =	vld [tilespmem:s29+$0x370];
	[tilespmem:s29+$0x320] =	vst v2;
	v2 =	vmul.f32 $1.131370830e+01, v63  }
0x50f: {  	v8 =	vld [tilespmem:s29+$0x3B0];
	v1 =	vmul.f32 $1.131370830e+01, v1;
	[tilespmem:s29+$0x330] =	vst v0  }
0x510: {  	v7 =	vld [tilespmem:s29+$0x3A0];
	v0 =	vmul.f32 $1.131370830e+01, v5;
	[tilespmem:s29+$0x340] =	vst v2  }
0x511: {  	v2 =	vmul.f32 $1.131370830e+01, v4;
	v4 =	vld [tilespmem:s29+$0x3D0];
	[tilespmem:s29+$0x360] =	vst v1  }
0x512: {  	v5 =	vld [tilespmem:s29+$0x3C0];
	v1 =	vmul.f32 $1.131370830e+01, v6;
	[tilespmem:s29+$0x350] =	vst v0  }
0x513: {  	v0 =	vld [tilespmem:s29+$0x3E0];
	[tilespmem:s29+$0x380] =	vst v2;
	v2 =	vmul.f32 $1.131370830e+01, v3  }
0x514: {  	v6 =	vld [tilespmem:s29+$0x400];
	[tilespmem:s29+$0x390] =	vst v1;
	v1 =	vmul.f32 $1.131370830e+01, v8  }
0x515: {  	v3 =	vld [tilespmem:s29+$0x3F0];
	[tilespmem:s29+$0x370] =	vst v2;
	v2 =	vmul.f32 $1.131370830e+01, v7  }
0x516: {  	v7 =	vld [tilespmem:s29+$0x410];
	[tilespmem:s29+$0x3B0] =	vst v1;
	v1 =	vmul.f32 $1.131370830e+01, v4  }
0x517: {  	[tilespmem:s29+$0x3A0] =	vst v2;
	v2 =	vmul.f32 $1.131370830e+01, v5;
	v5 =	vld [tilespmem:s29+$0x420]  }
0x518: {  	v4 =	vld [tilespmem:s29+$0x430];
	v0 =	vmul.f32 $1.131370830e+01, v0;
	[tilespmem:s29+$0x3D0] =	vst v1  }
0x519: {  	v1 =	vmul.f32 $1.131370830e+01, v6;
	[tilespmem:s29+$0x3C0] =	vst v2;
	v2 =	vld [tilespmem:s29+$0x440]  }
0x51a: {  	v6 =	vld [tilespmem:s29+$0x450];
	v3 =	vmul.f32 $1.131370830e+01, v3;
	[tilespmem:s29+$0x3E0] =	vst v0  }
0x51b: {  	v0 =	vld [tilespmem:s29+$0x460];
	v7 =	vmul.f32 $1.131370830e+01, v7;
	[tilespmem:s29+$0x400] =	vst v1  }
0x51c: {  	[tilespmem:s29+$0x3F0] =	vst v3;
	v3 =	vld [tilespmem:s29+$0x470];
	v1 =	vmul.f32 $1.131370830e+01, v5  }
0x51d: {  	v4 =	vmul.f32 $1.131370830e+01, v4;
	[tilespmem:s29+$0x410] =	vst v7;
	v5 =	vld [tilespmem:s29+$0x480]  }
0x51e: {  	v7 =	vld [tilespmem:s29+$0x490];
	[tilespmem:s29+$0x420] =	vst v1;
	v1 =	vmul.f32 $1.131370830e+01, v2  }
0x51f: {  	[tilespmem:s29+$0x430] =	vst v4;
	v2 =	vmul.f32 $1.131370830e+01, v6;
	v6 =	vld [tilespmem:s29+$0x4A0]  }
0x520: {  	v4 =	vmul.f32 $1.131370830e+01, v0;
	v0 =	vld [tilespmem:s29+$0x4B0];
	[tilespmem:s29+$0x440] =	vst v1  }
0x521: {  	[tilespmem:s29+$0x450] =	vst v2;
	v2 =	vmul.f32 $1.131370830e+01, v3;
	v1 =	vld [tilespmem:s29+$0x4C0]  }
0x522: {  	[tilespmem:s29+$0x460] =	vst v4;
	v8 =	vmul.f32 $1.131370830e+01, v5;
	v4 =	vld [tilespmem:s29+$0x4D0]  }
0x523: {  	v5 =	vmul.f32 $1.131370830e+01, v7;
	[tilespmem:s29+$0x470] =	vst v2;
	v2 =	vld [tilespmem:s29+$0x4E0]  }
0x524: {  	s0 =	simm.s32 $0x10900;
	s30 =	simm.s32 $0x0;
	v3 =	vld [tilespmem:s29+$0x0];
	[tilespmem:s29+$0x480] =	vst v8;
	v6 =	vmul.f32 $1.131370830e+01, v6  }
.LBB2_17:
0x525: {  	v7 =	vld [tilespmem:s0+$0x4F0];
	s30 =	sadd.s32 $0xA, s30;
	[tilespmem:s29+$0x490] =	vst v5;
	v0 =	vmul.f32 $1.131370830e+01, v0  }
0x526: {  	v5 =	vld [tilespmem:s0+$0x10];
	p0 =	slt.u32 s30, $0x28;
	[tilespmem:s29+$0x4A0] =	vst v6;
	v1 =	vmul.f32 $1.131370830e+01, v1  }
0x527: {  	v6 =	vld [tilespmem:s0+$0x20];
	[tilespmem:s29+$0x4B0] =	vst v0;
	v0 =	vmul.f32 $1.131370830e+01, v4  }
0x528: {  	v4 =	vld [tilespmem:s0+$0x30];
	[tilespmem:s29+$0x4C0] =	vst v1;
	v1 =	vmul.f32 $1.131370830e+01, v2  }
0x529: {  	v2 =	vld [tilespmem:s0+$0x40];
	v3 =	vmul.f32 $1.131370830e+01, v3;
	[tilespmem:s29+$0x4D0] =	vst v0  }
0x52a: {  	v0 =	vld [tilespmem:s0+$0x50];
	v7 =	vmul.f32 $1.131370830e+01, v7;
	[tilespmem:s29+$0x4E0] =	vst v1  }
0x52b: {  	v1 =	vmul.f32 $1.131370830e+01, v5;
	v5 =	vld [tilespmem:s0+$0x60];
	[tilespmem:s29+$0x0] =	vst v3;
	s29 =	smov.u32 s0  }
0x52c: {  	v3 =	vmul.f32 $1.131370830e+01, v6;
	v6 =	vld [tilespmem:s0+$0x70];
	[tilespmem:s0+$0x4F0] =	vst v7  }
0x52d: {  	[tilespmem:s0+$0x10] =	vst v1;
	v1 =	vmul.f32 $1.131370830e+01, v4;
	v4 =	vld [tilespmem:s0+$0x80]  }
0x52e: {  	[tilespmem:s0+$0x20] =	vst v3;
	v2 =	vmul.f32 $1.131370830e+01, v2;
	v3 =	vld [tilespmem:s0+$0x90]  }
0x52f: {  	[tilespmem:s0+$0x30] =	vst v1;
	v0 =	vmul.f32 $1.131370830e+01, v0;
	v1 =	vld [tilespmem:s0+$0xA0]  }
0x530: {  	[tilespmem:s0+$0x40] =	vst v2;
	v2 =	vmul.f32 $1.131370830e+01, v5;
	v5 =	vld [tilespmem:s0+$0xB0]  }
0x531: {  	[tilespmem:s0+$0x50] =	vst v0;
	v0 =	vmul.f32 $1.131370830e+01, v6;
	v6 =	vld [tilespmem:s0+$0xC0]  }
0x532: {  	[tilespmem:s0+$0x60] =	vst v2;
	v2 =	vmul.f32 $1.131370830e+01, v4;
	v4 =	vld [tilespmem:s0+$0xD0]  }
0x533: {  	[tilespmem:s0+$0x70] =	vst v0;
	v0 =	vmul.f32 $1.131370830e+01, v3;
	v3 =	vld [tilespmem:s0+$0xE0]  }
0x534: {  	[tilespmem:s0+$0x80] =	vst v2;
	v1 =	vmul.f32 $1.131370830e+01, v1;
	v2 =	vld [tilespmem:s0+$0xF0]  }
0x535: {  	[tilespmem:s0+$0x90] =	vst v0;
	v0 =	vmul.f32 $1.131370830e+01, v5;
	v5 =	vld [tilespmem:s0+$0x100]  }
0x536: {  	[tilespmem:s0+$0xA0] =	vst v1;
	v1 =	vmul.f32 $1.131370830e+01, v6;
	v6 =	vld [tilespmem:s0+$0x110]  }
0x537: {  	[tilespmem:s0+$0xB0] =	vst v0;
	v0 =	vmul.f32 $1.131370830e+01, v4;
	v4 =	vld [tilespmem:s0+$0x120]  }
0x538: {  	[tilespmem:s0+$0xC0] =	vst v1;
	v1 =	vmul.f32 $1.131370830e+01, v3;
	v3 =	vld [tilespmem:s0+$0x130]  }
0x539: {  	[tilespmem:s0+$0xD0] =	vst v0;
	v0 =	vmul.f32 $1.131370830e+01, v2;
	v2 =	vld [tilespmem:s0+$0x140]  }
0x53a: {  	[tilespmem:s0+$0xE0] =	vst v1;
	v1 =	vmul.f32 $1.131370830e+01, v5;
	v5 =	vld [tilespmem:s0+$0x150]  }
0x53b: {  	[tilespmem:s0+$0xF0] =	vst v0;
	v0 =	vmul.f32 $1.131370830e+01, v6;
	v6 =	vld [tilespmem:s0+$0x160]  }
0x53c: {  	[tilespmem:s0+$0x100] =	vst v1;
	v1 =	vmul.f32 $1.131370830e+01, v4;
	v4 =	vld [tilespmem:s0+$0x170]  }
0x53d: {  	[tilespmem:s0+$0x110] =	vst v0;
	v0 =	vmul.f32 $1.131370830e+01, v3;
	v3 =	vld [tilespmem:s0+$0x180]  }
0x53e: {  	[tilespmem:s0+$0x120] =	vst v1;
	v1 =	vmul.f32 $1.131370830e+01, v2;
	v2 =	vld [tilespmem:s0+$0x190]  }
0x53f: {  	[tilespmem:s0+$0x130] =	vst v0;
	v0 =	vmul.f32 $1.131370830e+01, v5;
	v5 =	vld [tilespmem:s0+$0x1A0]  }
0x540: {  	[tilespmem:s0+$0x140] =	vst v1;
	v1 =	vmul.f32 $1.131370830e+01, v6;
	v6 =	vld [tilespmem:s0+$0x1B0]  }
0x541: {  	[tilespmem:s0+$0x150] =	vst v0;
	v0 =	vmul.f32 $1.131370830e+01, v4;
	v4 =	vld [tilespmem:s0+$0x1C0]  }
0x542: {  	[tilespmem:s0+$0x160] =	vst v1;
	v1 =	vmul.f32 $1.131370830e+01, v3;
	v3 =	vld [tilespmem:s0+$0x1D0]  }
0x543: {  	[tilespmem:s0+$0x170] =	vst v0;
	v0 =	vmul.f32 $1.131370830e+01, v2;
	v2 =	vld [tilespmem:s0+$0x1E0]  }
0x544: {  	[tilespmem:s0+$0x180] =	vst v1;
	v1 =	vmul.f32 $1.131370830e+01, v5;
	v5 =	vld [tilespmem:s0+$0x1F0]  }
0x545: {  	[tilespmem:s0+$0x190] =	vst v0;
	v0 =	vmul.f32 $1.131370830e+01, v6;
	v6 =	vld [tilespmem:s0+$0x200]  }
0x546: {  	[tilespmem:s0+$0x1A0] =	vst v1;
	v1 =	vmul.f32 $1.131370830e+01, v4;
	v4 =	vld [tilespmem:s0+$0x210]  }
0x547: {  	[tilespmem:s0+$0x1B0] =	vst v0;
	v0 =	vmul.f32 $1.131370830e+01, v3;
	v3 =	vld [tilespmem:s0+$0x220]  }
0x548: {  	[tilespmem:s0+$0x1C0] =	vst v1;
	v1 =	vmul.f32 $1.131370830e+01, v2;
	v2 =	vld [tilespmem:s0+$0x230]  }
0x549: {  	[tilespmem:s0+$0x1D0] =	vst v0;
	v0 =	vmul.f32 $1.131370830e+01, v5;
	v5 =	vld [tilespmem:s0+$0x240]  }
0x54a: {  	[tilespmem:s0+$0x1E0] =	vst v1;
	v1 =	vmul.f32 $1.131370830e+01, v6;
	v6 =	vld [tilespmem:s0+$0x250]  }
0x54b: {  	[tilespmem:s0+$0x1F0] =	vst v0;
	v0 =	vmul.f32 $1.131370830e+01, v4;
	v4 =	vld [tilespmem:s0+$0x260]  }
0x54c: {  	[tilespmem:s0+$0x200] =	vst v1;
	v1 =	vmul.f32 $1.131370830e+01, v3;
	v3 =	vld [tilespmem:s0+$0x270]  }
0x54d: {  	[tilespmem:s0+$0x210] =	vst v0;
	v0 =	vmul.f32 $1.131370830e+01, v2;
	v2 =	vld [tilespmem:s0+$0x280]  }
0x54e: {  	[tilespmem:s0+$0x220] =	vst v1;
	v1 =	vmul.f32 $1.131370830e+01, v5;
	v5 =	vld [tilespmem:s0+$0x290]  }
0x54f: {  	[tilespmem:s0+$0x230] =	vst v0;
	v0 =	vmul.f32 $1.131370830e+01, v6;
	v6 =	vld [tilespmem:s0+$0x2A0]  }
0x550: {  	[tilespmem:s0+$0x240] =	vst v1;
	v1 =	vmul.f32 $1.131370830e+01, v4;
	v4 =	vld [tilespmem:s0+$0x2B0]  }
0x551: {  	[tilespmem:s0+$0x250] =	vst v0;
	v0 =	vmul.f32 $1.131370830e+01, v3;
	v3 =	vld [tilespmem:s0+$0x2C0]  }
0x552: {  	[tilespmem:s0+$0x260] =	vst v1;
	v1 =	vmul.f32 $1.131370830e+01, v2;
	v2 =	vld [tilespmem:s0+$0x2D0]  }
0x553: {  	[tilespmem:s0+$0x270] =	vst v0;
	v0 =	vmul.f32 $1.131370830e+01, v5;
	v5 =	vld [tilespmem:s0+$0x2E0]  }
0x554: {  	[tilespmem:s0+$0x280] =	vst v1;
	v1 =	vmul.f32 $1.131370830e+01, v6;
	v6 =	vld [tilespmem:s0+$0x2F0]  }
0x555: {  	[tilespmem:s0+$0x290] =	vst v0;
	v0 =	vmul.f32 $1.131370830e+01, v4;
	v4 =	vld [tilespmem:s0+$0x300]  }
0x556: {  	[tilespmem:s0+$0x2A0] =	vst v1;
	v1 =	vmul.f32 $1.131370830e+01, v3;
	v3 =	vld [tilespmem:s0+$0x310]  }
0x557: {  	[tilespmem:s0+$0x2B0] =	vst v0;
	v0 =	vmul.f32 $1.131370830e+01, v2;
	v2 =	vld [tilespmem:s0+$0x320]  }
0x558: {  	[tilespmem:s0+$0x2C0] =	vst v1;
	v1 =	vmul.f32 $1.131370830e+01, v5;
	v5 =	vld [tilespmem:s0+$0x330]  }
0x559: {  	[tilespmem:s0+$0x2D0] =	vst v0;
	v0 =	vmul.f32 $1.131370830e+01, v6;
	v6 =	vld [tilespmem:s0+$0x340]  }
0x55a: {  	[tilespmem:s0+$0x2E0] =	vst v1;
	v1 =	vmul.f32 $1.131370830e+01, v4;
	v4 =	vld [tilespmem:s0+$0x350]  }
0x55b: {  	[tilespmem:s0+$0x2F0] =	vst v0;
	v0 =	vmul.f32 $1.131370830e+01, v3;
	v3 =	vld [tilespmem:s0+$0x360]  }
0x55c: {  	[tilespmem:s0+$0x300] =	vst v1;
	v1 =	vmul.f32 $1.131370830e+01, v2;
	v2 =	vld [tilespmem:s0+$0x370]  }
0x55d: {  	[tilespmem:s0+$0x310] =	vst v0;
	v0 =	vmul.f32 $1.131370830e+01, v5;
	v5 =	vld [tilespmem:s0+$0x380]  }
0x55e: {  	[tilespmem:s0+$0x320] =	vst v1;
	v1 =	vmul.f32 $1.131370830e+01, v6;
	v6 =	vld [tilespmem:s0+$0x390]  }
0x55f: {  	[tilespmem:s0+$0x330] =	vst v0;
	v0 =	vmul.f32 $1.131370830e+01, v4;
	v4 =	vld [tilespmem:s0+$0x3A0]  }
0x560: {  	[tilespmem:s0+$0x340] =	vst v1;
	v1 =	vmul.f32 $1.131370830e+01, v3;
	v3 =	vld [tilespmem:s0+$0x3B0]  }
0x561: {  	[tilespmem:s0+$0x350] =	vst v0;
	v0 =	vmul.f32 $1.131370830e+01, v2;
	v2 =	vld [tilespmem:s0+$0x3C0]  }
0x562: {  	[tilespmem:s0+$0x360] =	vst v1;
	v1 =	vmul.f32 $1.131370830e+01, v5;
	v5 =	vld [tilespmem:s0+$0x3D0]  }
0x563: {  	[tilespmem:s0+$0x370] =	vst v0;
	v0 =	vmul.f32 $1.131370830e+01, v6;
	v6 =	vld [tilespmem:s0+$0x3E0]  }
0x564: {  	[tilespmem:s0+$0x380] =	vst v1;
	v1 =	vmul.f32 $1.131370830e+01, v4;
	v4 =	vld [tilespmem:s0+$0x3F0]  }
0x565: {  	[tilespmem:s0+$0x390] =	vst v0;
	v0 =	vmul.f32 $1.131370830e+01, v3;
	v3 =	vld [tilespmem:s0+$0x400]  }
0x566: {  	[tilespmem:s0+$0x3A0] =	vst v1;
	v1 =	vmul.f32 $1.131370830e+01, v2;
	v2 =	vld [tilespmem:s0+$0x410]  }
0x567: {  	[tilespmem:s0+$0x3B0] =	vst v0;
	v0 =	vmul.f32 $1.131370830e+01, v5;
	v5 =	vld [tilespmem:s0+$0x420]  }
0x568: {  	[tilespmem:s0+$0x3C0] =	vst v1;
	v1 =	vmul.f32 $1.131370830e+01, v6;
	v6 =	vld [tilespmem:s0+$0x430]  }
0x569: {  	[tilespmem:s0+$0x3D0] =	vst v0;
	v0 =	vmul.f32 $1.131370830e+01, v4;
	v4 =	vld [tilespmem:s0+$0x440]  }
0x56a: {  	[tilespmem:s0+$0x3E0] =	vst v1;
	v1 =	vmul.f32 $1.131370830e+01, v3;
	v3 =	vld [tilespmem:s0+$0x450]  }
0x56b: {  	[tilespmem:s0+$0x3F0] =	vst v0;
	v0 =	vmul.f32 $1.131370830e+01, v2;
	v2 =	vld [tilespmem:s0+$0x460]  }
0x56c: {  	[tilespmem:s0+$0x400] =	vst v1;
	v1 =	vmul.f32 $1.131370830e+01, v5;
	v5 =	vld [tilespmem:s0+$0x470]  }
0x56d: {  	[tilespmem:s0+$0x410] =	vst v0;
	v0 =	vmul.f32 $1.131370830e+01, v6;
	v6 =	vld [tilespmem:s0+$0x480]  }
0x56e: {  	[tilespmem:s0+$0x420] =	vst v1;
	v1 =	vmul.f32 $1.131370830e+01, v4;
	v7 =	vld [tilespmem:s0+$0x490]  }
0x56f: {  	[tilespmem:s0+$0x430] =	vst v0;
	v3 =	vmul.f32 $1.131370830e+01, v3;
	v8 =	vld [tilespmem:s0+$0x4A0]  }
.Ltmp7:
0x570: {  	[tilespmem:s0+$0x440] =	vst v1;
	v2 =	vmul.f32 $1.131370830e+01, v2;
	v0 =	vld [tilespmem:s0+$0x4B0];
	(pc) =	sbr.rel @p0 .LBB2_17-.Ltmp7, $4  }
0x571: {  	[tilespmem:s0+$0x450] =	vst v3;
	v3 =	vmul.f32 $1.131370830e+01, v5;
	v1 =	vld [tilespmem:s0+$0x4C0]  }
0x572: {  	[tilespmem:s0+$0x460] =	vst v2;
	v6 =	vmul.f32 $1.131370830e+01, v6;
	v4 =	vld [tilespmem:s0+$0x4D0]  }
0x573: {  	[tilespmem:s0+$0x470] =	vst v3;
	v5 =	vmul.f32 $1.131370830e+01, v7;
	v2 =	vld [tilespmem:s0+$0x4E0]  }
0x574: {  	s0 =	sadd.s32 $0x500, s0;
	v3 =	vld [tilespmem:s29+$0x0];
	[tilespmem:s29+$0x480] =	vst v6;
	v6 =	vmul.f32 $1.131370830e+01, v8  }
0x575: {  	[tilespmem:s29+$0x490] =	vst v5;
	v0 =	vmul.f32 $1.131370830e+01, v0  }
0x576: {  	[tilespmem:s29+$0x4A0] =	vst v6;
	v1 =	vmul.f32 $1.131370830e+01, v1  }
0x577: {  	s0 =	sshll.u32 s28, $0x2;
	[tilespmem:s29+$0x4B0] =	vst v0;
	v61 =	vmul.f32 $1.131370830e+01, v4  }
0x578: {  	s0 =	sadd.s32 s4, s0;
	[tilespmem:s29+$0x4C0] =	vst v1;
	v62 =	vmul.f32 $1.131370830e+01, v2  }
0x579: {  	s0 =	smul.u32 $0x380, s0;
	v63 =	vmul.f32 $1.131370830e+01, v3;
	[tilespmem:s29+$0x4D0] =	vst v61  }
0x57a: {  	[tilespmem:s29+$0x4E0] =	vst v62  }
0x57b: {  	s26 =	sadd.s32 $0x1, s26;
	s0 =	sadd.s32 s5, s0;
	[tilespmem:s29+$0x0] =	vst v63  }
0x57c: {  	[hbm4b:s0+s3] =	stream.linear.scatter [tilespmem:s18], [sflag:$0x4], $0x1900, $0x38;
	[tilespmem:$0x12000] =	vst v63  }
0x57d: {  	p0 =	sne.s32 s26, $0x10;
	s30 =	sadd.s32 $0x380, s0  }
0x57e: {  	[hbm4b:s30+s3] =	stream.linear.scatter [tilespmem:s19], [sflag:$0x4], $0x1900, $0x38;
	[tilespmem:$0x12000] =	vst v63  }
.Ltmp8:
0x57f: {  	_ = 	snop;
	(pc) =	sbr.rel @p0 .LBB2_2-.Ltmp8, $4  }
0x580: {  	s31 =	sadd.s32 $0x700, s0  }
0x581: {  	[hbm4b:s31+s3] =	stream.linear.scatter [tilespmem:s20], [sflag:$0x4], $0x1900, $0x38;
	[tilespmem:$0x12000] =	vst v63  }
0x582: {  	s0 =	sadd.s32 $0xA80, s0  }
0x583: {  	[hbm4b:s0+s3] =	stream.linear.scatter [tilespmem:s21], [sflag:$0x4], $0x1900, $0x38;
	[tilespmem:$0x12000] =	vst v63  }
0x584: {  	s25 =	sadd.s32 $0x1, s25  }
0x585: {  	p0 =	sne.s32 s25, s7  }
.Ltmp9:
0x586: {  	_ = 	snop;
	(pc) =	sbr.rel @p0 .LBB2_1-.Ltmp9, $4  }
0x587: {  	_ = 	snop  }
0x588: {  	_ =	swait.ge [sflag:s24], $0x6400  }
0x589: {  	[sflag:s24] =	ssyncset.done $0x0  }
0x58a: {  	[sflag:s24] =	ssyncadd.s32 $0xFFFF9C00  }
0x58b: {  	_ =	sfence.sel $0x180000  }
0x58c: {  	[bflag:$0x0] =	sbarrier.arrive $0xFFFF  }
0x58d: {  	_ =	strace $0x90000047  }
0x58e: {  	[bflag:$0x2] =	sbarrier.arrive $0xFFFF  }
0x58f: {  	p0 =	sne.s32 s2, $0x0;
	s0 =	rddreg [dreg:$0x3]  }
0x590: {  	s0 =	sadd.s32 @!p0 $0x100000, s0  }
0x591: {  	[sflag:s0] =	ssyncadd.tile.s32 @!p0 $0x1;
	_ =	shalt  }
.Lfunc_end2:
_tile_overlayer_lowered:
.L_overlay_start_2:
0x592: {  	(tag) =	ssettag $0x2  }
0x593: {  	s0 =	rddreg [dreg:$0x0];
	s2 =	stileid.u32  }
0x594: {  	s1 =	rddreg [dreg:$0x1];
	p0 =	sne.s32 s2, $0x0  }
0x595: {  	s3 =	rddreg [dreg:$0x2];
	[bflag:$0x3] =	sbarrier.arrive $0xFFFF;
	s2 =	simm.s32 @!p0 $0x1C05  }
0x596: {  	[timem:s3], [sflag:s2] =	dma.local @!p0 [hbm:s0], s1  }
0x597: {  	s0 =	simm.s32 @!p0 $0x5  }
0x598: {  	_ =	swait.ge @!p0 [sflag:s0], s1  }
0x599: {  	s1 =	ssub.s32 @!p0 $0x0, s1;
	[sflag:s0] =	ssyncset.done @!p0 $0x0  }
0x59a: {  	[sflag:s0] =	ssyncadd.s32 @!p0 s1  }
0x59b: {  	[bflag:$0x3] =	sbarrier.arrive $0xFFFF  }
0x59c: {  	_ =	shalt  }

</sc_bundles>
